<compile_context>
chip_gen: v7x
topology: tpu7x:2x2x1
jax: 0.10.2.dev20260603
libtpu: 0.0.44.dev20260713+nightly
codegen_flags: <defaults>
</compile_context>

<pallas_src>
import functools

import jax
import jax.numpy as jnp
from jax import lax
from jax.experimental import pallas as pl
from jax.experimental.pallas import tpu as pltpu
from jax.experimental.pallas import tpu_sc as plsc

_EMB = 128
_NB_REL = 100
_NB_ENT = 1000
_BATCH = 4096
_NB_NEG = 64

_NC = 2
_NS = 16
_NW = _NC * _NS
_C = 32
_POS_PER_W = _BATCH // _NW
_NEG_ROWS_PER_W = _NB_NEG // _NW
_NEG_CHUNKS = _NEG_ROWS_PER_W * _BATCH // _C


def _tables_body(rhb, rhw, rhs, rtb, rtw, rts, eb, ebp,
                 box_ref, t1_ref, t2_ref):
    def corners(base_ref, width_ref, scale_ref):
        w = width_ref[...]
        denom = jnp.maximum(jnp.sum(jnp.abs(w), axis=-1, keepdims=True), 1e-12)
        s = scale_ref[...]
        elu1 = jnp.where(s > 0, s, jnp.exp(jnp.minimum(s, 0.0)) - 1.0) + 1.0
        delta = jnp.abs((w / denom) * elu1)
        b = base_ref[...]
        return b + delta, b - delta

    hu, hl = corners(rhb, rhw, rhs)
    tu, tl = corners(rtb, rtw, rts)
    box_ref[...] = jnp.stack(
        [jnp.stack([hu, hl], axis=1), jnp.stack([tu, tl], axis=1)], axis=1)
    bases = eb[...]
    bumps = ebp[...]
    t1_ref[...] = jnp.stack([bases, bumps], axis=1)
    t2_ref[...] = jnp.stack([bumps, bases], axis=1)


def _make_tables(rhb, rhw, rhs, rtb, rtw, rts, eb, ebp):
    return pl.pallas_call(
        _tables_body,
        out_shape=(
            jax.ShapeDtypeStruct((_NB_REL, 2, 2, _EMB), jnp.float32),
            jax.ShapeDtypeStruct((_NB_ENT, 2, _EMB), jnp.float32),
            jax.ShapeDtypeStruct((_NB_ENT, 2, _EMB), jnp.float32),
        ),
    )(rhb, rhw, rhs, rtb, rtw, rts, eb, ebp)


def _sc_body(pos, neg, box_t, t1, t2,
             pos_ent, pos_box, neg_ent, neg_box,
             pih, pir, pit, nih, nir, nit,
             bb0, bb1, bb2, ea0, ea1, ea2, eb0, eb1, eb2,
             bsem0, bsem1, bsem2, esem0, esem1, esem2,
             wsem0, wsem1, wsem2):
    bb = (bb0, bb1, bb2)
    ea = (ea0, ea1, ea2)
    ebuf = (eb0, eb1, eb2)
    bsem = (bsem0, bsem1, bsem2)
    esem = (esem0, esem1, esem2)
    wsem = (wsem0, wsem1, wsem2)

    wid = lax.axis_index("s") * _NC + lax.axis_index("c")
    n0 = wid * _NEG_ROWS_PER_W

    p0 = wid * _POS_PER_W
    pltpu.sync_copy(pos.at[pl.ds(0 * _BATCH + p0, _POS_PER_W)], pih)
    pltpu.sync_copy(pos.at[pl.ds(1 * _BATCH + p0, _POS_PER_W)], pir)
    pltpu.sync_copy(pos.at[pl.ds(2 * _BATCH + p0, _POS_PER_W)], pit)
    for rr in range(_NEG_ROWS_PER_W):
        dst = pl.ds(rr * _BATCH, _BATCH)
        src0 = (n0 + rr) * 3 * _BATCH
        pltpu.sync_copy(neg.at[pl.ds(src0 + 0 * _BATCH, _BATCH)], nih.at[dst])
        pltpu.sync_copy(neg.at[pl.ds(src0 + 1 * _BATCH, _BATCH)], nir.at[dst])
        pltpu.sync_copy(neg.at[pl.ds(src0 + 2 * _BATCH, _BATCH)], nit.at[dst])

    def issue(slot, ih, ir, itr, off, first):
        if not first:
            pltpu.make_async_copy(bb[slot], neg_box.at[0, pl.ds(0, _C)],
                                  wsem[slot]).wait()
            pltpu.make_async_copy(ea[slot], neg_ent.at[0, pl.ds(0, _C)],
                                  wsem[slot]).wait()
        pltpu.async_copy(box_t.at[ir.at[pl.ds(off, _C)]], bb[slot],
                         bsem[slot])
        pltpu.async_copy(t1.at[ih.at[pl.ds(off, _C)]], ea[slot], esem[slot])
        pltpu.async_copy(t2.at[itr.at[pl.ds(off, _C)]], ebuf[slot],
                         esem[slot])

    def finish(slot, ent_out, box_out, n, col):
        pltpu.make_async_copy(box_t.at[pl.ds(0, _C)], bb[slot],
                              bsem[slot]).wait()
        pltpu.async_copy(bb[slot], box_out.at[n, pl.ds(col, _C)], wsem[slot])
        pltpu.make_async_copy(t1.at[pl.ds(0, _C)], ea[slot], esem[slot]).wait()
        pltpu.make_async_copy(t2.at[pl.ds(0, _C)], ebuf[slot],
                              esem[slot]).wait()

        def add_row(i, carry):
            for j in range(2):
                for k in range(_EMB // 16):
                    plsc.addupdate(ea[slot].at[i, j, pl.ds(16 * k, 16)],
                                   ebuf[slot][i, j, pl.ds(16 * k, 16)])
            return carry

        lax.fori_loop(0, _C, add_row, 0)
        pltpu.async_copy(ea[slot], ent_out.at[n, pl.ds(col, _C)], wsem[slot])

    _NPOS = _POS_PER_W // _C

    def neg_coords(j):
        flat = j * _C
        n_off = flat // _BATCH
        return n0 + n_off, flat - n_off * _BATCH

    def issue_g(g, first=False):
        if g < _NPOS:
            issue(g % 3, pih, pir, pit, g * _C, first)
        else:
            issue(g % 3, nih, nir, nit, (g - _NPOS) * _C, first)

    def finish_g(g):
        if g < _NPOS:
            finish(g % 3, pos_ent, pos_box, 0, p0 + g * _C)
        else:
            n, col = neg_coords(g - _NPOS)
            finish(g % 3, neg_ent, neg_box, n, col)

    issue_g(0, True)
    issue_g(1, True)
    for g in range(6):
        finish_g(g)
        issue_g(g + 2, first=(g + 2 == 2))

    def step(gg, carry):
        for b in range(3):
            g = 6 + 3 * gg + b
            j = g - _NPOS
            n, col = neg_coords(j)
            finish(b, neg_ent, neg_box, n, col)
            issue((b + 2) % 3, nih, nir, nit, (j + 2) * _C, False)
        return carry

    total = _NPOS + _NEG_CHUNKS
    k = (total - 8) // 3
    lax.fori_loop(0, k, step, 0)
    for g in range(6 + 3 * k, total):
        finish_g(g)
        if 8 + 3 * k <= g + 2 < total:
            issue_g(g + 2)
    for slot in (0, 1, 2):
        pltpu.make_async_copy(bb[slot], neg_box.at[0, pl.ds(0, _C)],
                              wsem[slot]).wait()
        pltpu.make_async_copy(ea[slot], neg_ent.at[0, pl.ds(0, _C)],
                              wsem[slot]).wait()


@functools.cache
def _sc_run():
  return functools.partial(
    pl.kernel,
    mesh=plsc.VectorSubcoreMesh(core_axis_name="c", subcore_axis_name="s"),
    out_type=[
        jax.ShapeDtypeStruct((1, _BATCH, 2, _EMB), jnp.float32),
        jax.ShapeDtypeStruct((1, _BATCH, 2, 2, _EMB), jnp.float32),
        jax.ShapeDtypeStruct((_NB_NEG, _BATCH, 2, _EMB), jnp.float32),
        jax.ShapeDtypeStruct((_NB_NEG, _BATCH, 2, 2, _EMB), jnp.float32),
    ],
    scratch_types=(
        [pltpu.VMEM((_POS_PER_W,), jnp.int32)] * 3
        + [pltpu.VMEM((_NEG_ROWS_PER_W * _BATCH,), jnp.int32)] * 3
        + [pltpu.VMEM((_C, 2, 2, _EMB), jnp.float32)] * 3
        + [pltpu.VMEM((_C, 2, _EMB), jnp.float32)] * 6
        + [pltpu.SemaphoreType.DMA] * 9
    ),
  )(_sc_body)


def kernel(positives, negatives, r_head_base_points, r_head_widths,
           r_head_size_scales, r_tail_base_points, r_tail_widths,
           r_tail_size_scales, entity_bases, entity_bumps):
    box_t, t1, t2 = _make_tables(
        r_head_base_points, r_head_widths, r_head_size_scales,
        r_tail_base_points, r_tail_widths, r_tail_size_scales,
        entity_bases, entity_bumps)
    pos_ent, pos_box, neg_ent, neg_box = _sc_run()(
        positives.reshape(-1), negatives.reshape(-1), box_t, t1, t2)
    return (pos_ent, pos_box, neg_ent, neg_box)

# --- scband reference (transcript-rebuilt; emitter-appended) ---
"""Pipeline reference for scband-base-box-e-27547920236946 (READ-ONLY COPY).

The authoritative reference and input builder live on the scoring server;
editing this copy changes nothing except your own understanding.
"""

import jax, jax.numpy as jnp
import numpy as np

EMB_DIM = 128
NB_REL = 100
NB_ENT = 1000
REL_OFFSET = 0
BATCH = 4096
NB_NEG = 64


def _l1_normalize(x, eps=1e-12):
    denom = jnp.maximum(jnp.sum(jnp.abs(x), axis=-1, keepdims=True), eps)
    return x / denom


def _compute_embeddings(tuples, p):
    e_h_idx = tuples[:, 0]
    rel_idx = tuples[:, 1] - REL_OFFSET
    e_t_idx = tuples[:, 2]
    r_head_bases = jnp.take(p['r_head_base_points'], rel_idx, axis=0)
    r_tail_bases = jnp.take(p['r_tail_base_points'], rel_idx, axis=0)
    r_head_widths = _l1_normalize(jnp.take(p['r_head_widths'], rel_idx, axis=0))
    r_tail_widths = _l1_normalize(jnp.take(p['r_tail_widths'], rel_idx, axis=0))
    r_head_scales = jax.nn.elu(jnp.take(p['r_head_size_scales'], rel_idx, axis=0)) + 1.0
    r_tail_scales = jax.nn.elu(jnp.take(p['r_tail_size_scales'], rel_idx, axis=0)) + 1.0
    head_deltas = r_head_widths * r_head_scales
    tail_deltas = r_tail_widths * r_tail_scales
    head_corner_1 = r_head_bases + head_deltas
    head_corner_2 = r_head_bases - head_deltas
    tail_corner_1 = r_tail_bases + tail_deltas
    tail_corner_2 = r_tail_bases - tail_deltas
    head_upper = jnp.maximum(head_corner_1, head_corner_2)
    head_lower = jnp.minimum(head_corner_1, head_corner_2)
    tail_upper = jnp.maximum(tail_corner_1, tail_corner_2)
    tail_lower = jnp.minimum(tail_corner_1, tail_corner_2)
    r_head_boxes = jnp.stack((head_upper, head_lower), axis=2)
    r_tail_boxes = jnp.stack((tail_upper, tail_lower), axis=2)
    head_bases = jnp.take(p['entity_bases'], e_h_idx, axis=0)
    head_bumps = jnp.take(p['entity_bumps'], e_h_idx, axis=0)
    tail_bases = jnp.take(p['entity_bases'], e_t_idx, axis=0)
    tail_bumps = jnp.take(p['entity_bumps'], e_t_idx, axis=0)
    entities = jnp.stack((head_bases + tail_bumps, tail_bases + head_bumps), axis=2)
    boxes = jnp.stack((r_head_boxes, r_tail_boxes), axis=2)
    return entities, boxes


def setup_inputs(seed: int = 0):
    key = jax.random.key(seed)
    ks = jax.random.split(key, 12)
    positives = jax.random.randint(ks[0], (1, 3, BATCH), 0, NB_REL, dtype=jnp.int32)
    negatives = jax.random.randint(ks[1], (NB_NEG, 3, BATCH), 0, NB_REL, dtype=jnp.int32)
    return {
        'positives': positives,
        'negatives': negatives,
        'r_head_base_points': jax.random.uniform(ks[2], (NB_REL, EMB_DIM), dtype=jnp.float32),
        'r_head_widths': jax.random.uniform(ks[3], (NB_REL, EMB_DIM), dtype=jnp.float32),
        'r_head_size_scales': jax.random.uniform(ks[4], (NB_REL, 1), dtype=jnp.float32),
        'r_tail_base_points': jax.random.uniform(ks[5], (NB_REL, EMB_DIM), dtype=jnp.float32),
        'r_tail_widths': jax.random.uniform(ks[6], (NB_REL, EMB_DIM), dtype=jnp.float32),
        'r_tail_size_scales': jax.random.uniform(ks[7], (NB_REL, 1), dtype=jnp.float32),
        'entity_bases': jax.random.uniform(ks[8], (NB_ENT, EMB_DIM), dtype=jnp.float32),
        'entity_bumps': jax.random.uniform(ks[9], (NB_ENT, EMB_DIM), dtype=jnp.float32),
    }


def reference(positives, negatives, r_head_base_points, r_head_widths, r_head_size_scales, r_tail_base_points, r_tail_widths, r_tail_size_scales, entity_bases, entity_bumps):
    p = {
        'r_head_base_points': r_head_base_points,
        'r_head_widths': r_head_widths,
        'r_head_size_scales': r_head_size_scales,
        'r_tail_base_points': r_tail_base_points,
        'r_tail_widths': r_tail_widths,
        'r_tail_size_scales': r_tail_size_scales,
        'entity_bases': entity_bases,
        'entity_bumps': entity_bumps,
    }
    pos_entities, pos_boxes = _compute_embeddings(positives, p)
    neg_entities, neg_boxes = _compute_embeddings(negatives, p)
    # norm_embeddings=False -> embedding_norm_fn is identity
    return (pos_entities, pos_boxes, neg_entities, neg_boxes)

if __name__ == "__main__":
    import jax
    _d = setup_inputs()
    print(jax.jit(kernel)(*tuple(_d.values())))

</pallas_src>

<mosaic_0001>
#map = affine_map<(d0, d1) -> (0)>
#map1 = affine_map<(d0, d1) -> (0, 0, 0, 0)>
#map2 = affine_map<(d0, d1) -> (0, 0, 0)>
#map3 = affine_map<(d0, d1) -> (0, 0, 0, 0, 0)>
module attributes {stable_mosaic.version = 14 : i64} {
  func.func @_sc_body(%arg0: i32, %arg1: i32, %arg2: memref<12288xi32, #tpu.memory_space<hbm>>, %arg3: memref<786432xi32, #tpu.memory_space<hbm>>, %arg4: memref<100x2x2x128xf32, #tpu.memory_space<hbm>>, %arg5: memref<1000x2x128xf32, #tpu.memory_space<hbm>>, %arg6: memref<1000x2x128xf32, #tpu.memory_space<hbm>>, %arg7: memref<1x4096x2x128xf32, #tpu.memory_space<hbm>>, %arg8: memref<1x4096x2x2x128xf32, #tpu.memory_space<hbm>>, %arg9: memref<64x4096x2x128xf32, #tpu.memory_space<hbm>>, %arg10: memref<64x4096x2x2x128xf32, #tpu.memory_space<hbm>>, %arg11: memref<128xi32, #tpu.memory_space<vmem>>, %arg12: memref<128xi32, #tpu.memory_space<vmem>>, %arg13: memref<128xi32, #tpu.memory_space<vmem>>, %arg14: memref<8192xi32, #tpu.memory_space<vmem>>, %arg15: memref<8192xi32, #tpu.memory_space<vmem>>, %arg16: memref<8192xi32, #tpu.memory_space<vmem>>, %arg17: memref<32x2x2x128xf32, #tpu.memory_space<vmem>>, %arg18: memref<32x2x2x128xf32, #tpu.memory_space<vmem>>, %arg19: memref<32x2x2x128xf32, #tpu.memory_space<vmem>>, %arg20: memref<32x2x128xf32, #tpu.memory_space<vmem>>, %arg21: memref<32x2x128xf32, #tpu.memory_space<vmem>>, %arg22: memref<32x2x128xf32, #tpu.memory_space<vmem>>, %arg23: memref<32x2x128xf32, #tpu.memory_space<vmem>>, %arg24: memref<32x2x128xf32, #tpu.memory_space<vmem>>, %arg25: memref<32x2x128xf32, #tpu.memory_space<vmem>>, %arg26: memref<!tpu.dma_semaphore, #tpu.memory_space<semaphore_mem>>, %arg27: memref<!tpu.dma_semaphore, #tpu.memory_space<semaphore_mem>>, %arg28: memref<!tpu.dma_semaphore, #tpu.memory_space<semaphore_mem>>, %arg29: memref<!tpu.dma_semaphore, #tpu.memory_space<semaphore_mem>>, %arg30: memref<!tpu.dma_semaphore, #tpu.memory_space<semaphore_mem>>, %arg31: memref<!tpu.dma_semaphore, #tpu.memory_space<semaphore_mem>>, %arg32: memref<!tpu.dma_semaphore, #tpu.memory_space<semaphore_mem>>, %arg33: memref<!tpu.dma_semaphore, #tpu.memory_space<semaphore_mem>>, %arg34: memref<!tpu.dma_semaphore, #tpu.memory_space<semaphore_mem>>) attributes {dimension_semantics = [#tpu.dimension_semantics<core_parallel>, #tpu.dimension_semantics<subcore_parallel>], iteration_bounds = array<i64: 2, 16>, scalar_prefetch = 0 : i64, scratch_operands = 24 : i64, tpu.core_type = #tpu.core_type<sc_vector_subcore>, window_params = [{transform_indices = #map}, {transform_indices = #map}, {transform_indices = #map1}, {transform_indices = #map2}, {transform_indices = #map2}, {transform_indices = #map1}, {transform_indices = #map3}, {transform_indices = #map1}, {transform_indices = #map3}]} {
    %mul3A = arith.constant 2 : i32
    %mul3A_0 = arith.muli %arg1, %mul3A : i32
    %add3A = arith.addi %mul3A_0, %arg0 : i32
    %mul3A_1 = arith.constant 2 : i32
    %mul3A_2 = arith.muli %add3A, %mul3A_1 : i32
    %mul3A_3 = arith.constant 128 : i32
    %mul3A_4 = arith.muli %add3A, %mul3A_3 : i32
    %add3A_5 = arith.constant 0 : i32
    %add3A_6 = arith.addi %add3A_5, %mul3A_4 : i32
    "tpu.region"() ({
      %run_scoped3A = tpu.sem_alloc : memref<!tpu.dma_semaphore, #tpu.memory_space<semaphore_mem>>
      %dma_start3A_822 = tpu.memref_slice %arg2[%add3A_6] : memref<12288xi32, #tpu.memory_space<hbm>> -> memref<128xi32, #tpu.memory_space<hbm>>
      %dma_start3A_823 = tpu.memref_slice %arg2[%add3A_6] : memref<12288xi32, #tpu.memory_space<hbm>> -> memref<128xi32, #tpu.memory_space<hbm>>
      tpu.enqueue_dma source(%dma_start3A_823 : memref<128xi32, #tpu.memory_space<hbm>>) target(%arg11 : memref<128xi32, #tpu.memory_space<vmem>>) target_semaphore(%run_scoped3A : memref<!tpu.dma_semaphore, #tpu.memory_space<semaphore_mem>>)
      %dma_wait3A_824 = tpu.memref_slice %arg2[%add3A_6] : memref<12288xi32, #tpu.memory_space<hbm>> -> memref<128xi32, #tpu.memory_space<hbm>>
      %dma_wait3A_825 = tpu.memref_slice %arg2[%add3A_6] : memref<12288xi32, #tpu.memory_space<hbm>> -> memref<128xi32, #tpu.memory_space<hbm>>
      tpu.wait_dma2 semaphore(%run_scoped3A : memref<!tpu.dma_semaphore, #tpu.memory_space<semaphore_mem>>) src(%dma_wait3A_825 : memref<128xi32, #tpu.memory_space<hbm>>) dst(%arg11 : memref<128xi32, #tpu.memory_space<vmem>>)
      tpu.yield
    }) : () -> ()
    %add3A_7 = arith.constant 4096 : i32
    %add3A_8 = arith.addi %add3A_7, %mul3A_4 : i32
    "tpu.region"() ({
      %run_scoped3A = tpu.sem_alloc : memref<!tpu.dma_semaphore, #tpu.memory_space<semaphore_mem>>
      %dma_start3A_822 = tpu.memref_slice %arg2[%add3A_8] : memref<12288xi32, #tpu.memory_space<hbm>> -> memref<128xi32, #tpu.memory_space<hbm>>
      %dma_start3A_823 = tpu.memref_slice %arg2[%add3A_8] : memref<12288xi32, #tpu.memory_space<hbm>> -> memref<128xi32, #tpu.memory_space<hbm>>
      tpu.enqueue_dma source(%dma_start3A_823 : memref<128xi32, #tpu.memory_space<hbm>>) target(%arg12 : memref<128xi32, #tpu.memory_space<vmem>>) target_semaphore(%run_scoped3A : memref<!tpu.dma_semaphore, #tpu.memory_space<semaphore_mem>>)
      %dma_wait3A_824 = tpu.memref_slice %arg2[%add3A_8] : memref<12288xi32, #tpu.memory_space<hbm>> -> memref<128xi32, #tpu.memory_space<hbm>>
      %dma_wait3A_825 = tpu.memref_slice %arg2[%add3A_8] : memref<12288xi32, #tpu.memory_space<hbm>> -> memref<128xi32, #tpu.memory_space<hbm>>
      tpu.wait_dma2 semaphore(%run_scoped3A : memref<!tpu.dma_semaphore, #tpu.memory_space<semaphore_mem>>) src(%dma_wait3A_825 : memref<128xi32, #tpu.memory_space<hbm>>) dst(%arg12 : memref<128xi32, #tpu.memory_space<vmem>>)
      tpu.yield
    }) : () -> ()
    %add3A_9 = arith.constant 8192 : i32
    %add3A_10 = arith.addi %add3A_9, %mul3A_4 : i32
    "tpu.region"() ({
      %run_scoped3A = tpu.sem_alloc : memref<!tpu.dma_semaphore, #tpu.memory_space<semaphore_mem>>
      %dma_start3A_822 = tpu.memref_slice %arg2[%add3A_10] : memref<12288xi32, #tpu.memory_space<hbm>> -> memref<128xi32, #tpu.memory_space<hbm>>
      %dma_start3A_823 = tpu.memref_slice %arg2[%add3A_10] : memref<12288xi32, #tpu.memory_space<hbm>> -> memref<128xi32, #tpu.memory_space<hbm>>
      tpu.enqueue_dma source(%dma_start3A_823 : memref<128xi32, #tpu.memory_space<hbm>>) target(%arg13 : memref<128xi32, #tpu.memory_space<vmem>>) target_semaphore(%run_scoped3A : memref<!tpu.dma_semaphore, #tpu.memory_space<semaphore_mem>>)
      %dma_wait3A_824 = tpu.memref_slice %arg2[%add3A_10] : memref<12288xi32, #tpu.memory_space<hbm>> -> memref<128xi32, #tpu.memory_space<hbm>>
      %dma_wait3A_825 = tpu.memref_slice %arg2[%add3A_10] : memref<12288xi32, #tpu.memory_space<hbm>> -> memref<128xi32, #tpu.memory_space<hbm>>
      tpu.wait_dma2 semaphore(%run_scoped3A : memref<!tpu.dma_semaphore, #tpu.memory_space<semaphore_mem>>) src(%dma_wait3A_825 : memref<128xi32, #tpu.memory_space<hbm>>) dst(%arg13 : memref<128xi32, #tpu.memory_space<vmem>>)
      tpu.yield
    }) : () -> ()
    %add3A_11 = arith.constant 0 : i32
    %add3A_12 = arith.addi %mul3A_2, %add3A_11 : i32
    %mul3A_13 = arith.constant 3 : i32
    %mul3A_14 = arith.muli %add3A_12, %mul3A_13 : i32
    %mul3A_15 = arith.constant 4096 : i32
    %mul3A_16 = arith.muli %mul3A_14, %mul3A_15 : i32
    %add3A_17 = arith.constant 0 : i32
    %add3A_18 = arith.addi %mul3A_16, %add3A_17 : i32
    "tpu.region"() ({
      %run_scoped3A = tpu.sem_alloc : memref<!tpu.dma_semaphore, #tpu.memory_space<semaphore_mem>>
      %dma_start3A_822 = arith.constant 0 : i32
      %dma_start3A_823 = tpu.memref_slice %arg14[%dma_start3A_822] : memref<8192xi32, #tpu.memory_space<vmem>> -> memref<4096xi32, #tpu.memory_space<vmem>>
      %dma_start3A_824 = tpu.memref_slice %arg3[%add3A_18] : memref<786432xi32, #tpu.memory_space<hbm>> -> memref<4096xi32, #tpu.memory_space<hbm>>
      %dma_start3A_825 = arith.constant 0 : i32
      %dma_start3A_826 = tpu.memref_slice %arg14[%dma_start3A_825] : memref<8192xi32, #tpu.memory_space<vmem>> -> memref<4096xi32, #tpu.memory_space<vmem>>
      %dma_start3A_827 = tpu.memref_slice %arg3[%add3A_18] : memref<786432xi32, #tpu.memory_space<hbm>> -> memref<4096xi32, #tpu.memory_space<hbm>>
      tpu.enqueue_dma source(%dma_start3A_827 : memref<4096xi32, #tpu.memory_space<hbm>>) target(%dma_start3A_826 : memref<4096xi32, #tpu.memory_space<vmem>>) target_semaphore(%run_scoped3A : memref<!tpu.dma_semaphore, #tpu.memory_space<semaphore_mem>>)
      %dma_wait3A_828 = arith.constant 0 : i32
      %dma_wait3A_829 = tpu.memref_slice %arg14[%dma_wait3A_828] : memref<8192xi32, #tpu.memory_space<vmem>> -> memref<4096xi32, #tpu.memory_space<vmem>>
      %dma_wait3A_830 = tpu.memref_slice %arg3[%add3A_18] : memref<786432xi32, #tpu.memory_space<hbm>> -> memref<4096xi32, #tpu.memory_space<hbm>>
      %dma_wait3A_831 = arith.constant 0 : i32
      %dma_wait3A_832 = tpu.memref_slice %arg14[%dma_wait3A_831] : memref<8192xi32, #tpu.memory_space<vmem>> -> memref<4096xi32, #tpu.memory_space<vmem>>
      %dma_wait3A_833 = tpu.memref_slice %arg3[%add3A_18] : memref<786432xi32, #tpu.memory_space<hbm>> -> memref<4096xi32, #tpu.memory_space<hbm>>
      tpu.wait_dma2 semaphore(%run_scoped3A : memref<!tpu.dma_semaphore, #tpu.memory_space<semaphore_mem>>) src(%dma_wait3A_833 : memref<4096xi32, #tpu.memory_space<hbm>>) dst(%dma_wait3A_832 : memref<4096xi32, #tpu.memory_space<vmem>>)
      tpu.yield
    }) : () -> ()
    %add3A_19 = arith.constant 4096 : i32
    %add3A_20 = arith.addi %mul3A_16, %add3A_19 : i32
    "tpu.region"() ({
      %run_scoped3A = tpu.sem_alloc : memref<!tpu.dma_semaphore, #tpu.memory_space<semaphore_mem>>
      %dma_start3A_822 = arith.constant 0 : i32
      %dma_start3A_823 = tpu.memref_slice %arg15[%dma_start3A_822] : memref<8192xi32, #tpu.memory_space<vmem>> -> memref<4096xi32, #tpu.memory_space<vmem>>
      %dma_start3A_824 = tpu.memref_slice %arg3[%add3A_20] : memref<786432xi32, #tpu.memory_space<hbm>> -> memref<4096xi32, #tpu.memory_space<hbm>>
      %dma_start3A_825 = arith.constant 0 : i32
      %dma_start3A_826 = tpu.memref_slice %arg15[%dma_start3A_825] : memref<8192xi32, #tpu.memory_space<vmem>> -> memref<4096xi32, #tpu.memory_space<vmem>>
      %dma_start3A_827 = tpu.memref_slice %arg3[%add3A_20] : memref<786432xi32, #tpu.memory_space<hbm>> -> memref<4096xi32, #tpu.memory_space<hbm>>
      tpu.enqueue_dma source(%dma_start3A_827 : memref<4096xi32, #tpu.memory_space<hbm>>) target(%dma_start3A_826 : memref<4096xi32, #tpu.memory_space<vmem>>) target_semaphore(%run_scoped3A : memref<!tpu.dma_semaphore, #tpu.memory_space<semaphore_mem>>)
      %dma_wait3A_828 = arith.constant 0 : i32
      %dma_wait3A_829 = tpu.memref_slice %arg15[%dma_wait3A_828] : memref<8192xi32, #tpu.memory_space<vmem>> -> memref<4096xi32, #tpu.memory_space<vmem>>
      %dma_wait3A_830 = tpu.memref_slice %arg3[%add3A_20] : memref<786432xi32, #tpu.memory_space<hbm>> -> memref<4096xi32, #tpu.memory_space<hbm>>
      %dma_wait3A_831 = arith.constant 0 : i32
      %dma_wait3A_832 = tpu.memref_slice %arg15[%dma_wait3A_831] : memref<8192xi32, #tpu.memory_space<vmem>> -> memref<4096xi32, #tpu.memory_space<vmem>>
      %dma_wait3A_833 = tpu.memref_slice %arg3[%add3A_20] : memref<786432xi32, #tpu.memory_space<hbm>> -> memref<4096xi32, #tpu.memory_space<hbm>>
      tpu.wait_dma2 semaphore(%run_scoped3A : memref<!tpu.dma_semaphore, #tpu.memory_space<semaphore_mem>>) src(%dma_wait3A_833 : memref<4096xi32, #tpu.memory_space<hbm>>) dst(%dma_wait3A_832 : memref<4096xi32, #tpu.memory_space<vmem>>)
      tpu.yield
    }) : () -> ()
    %add3A_21 = arith.constant 8192 : i32
    %add3A_22 = arith.addi %mul3A_16, %add3A_21 : i32
    "tpu.region"() ({
      %run_scoped3A = tpu.sem_alloc : memref<!tpu.dma_semaphore, #tpu.memory_space<semaphore_mem>>
      %dma_start3A_822 = arith.constant 0 : i32
      %dma_start3A_823 = tpu.memref_slice %arg16[%dma_start3A_822] : memref<8192xi32, #tpu.memory_space<vmem>> -> memref<4096xi32, #tpu.memory_space<vmem>>
      %dma_start3A_824 = tpu.memref_slice %arg3[%add3A_22] : memref<786432xi32, #tpu.memory_space<hbm>> -> memref<4096xi32, #tpu.memory_space<hbm>>
      %dma_start3A_825 = arith.constant 0 : i32
      %dma_start3A_826 = tpu.memref_slice %arg16[%dma_start3A_825] : memref<8192xi32, #tpu.memory_space<vmem>> -> memref<4096xi32, #tpu.memory_space<vmem>>
      %dma_start3A_827 = tpu.memref_slice %arg3[%add3A_22] : memref<786432xi32, #tpu.memory_space<hbm>> -> memref<4096xi32, #tpu.memory_space<hbm>>
      tpu.enqueue_dma source(%dma_start3A_827 : memref<4096xi32, #tpu.memory_space<hbm>>) target(%dma_start3A_826 : memref<4096xi32, #tpu.memory_space<vmem>>) target_semaphore(%run_scoped3A : memref<!tpu.dma_semaphore, #tpu.memory_space<semaphore_mem>>)
      %dma_wait3A_828 = arith.constant 0 : i32
      %dma_wait3A_829 = tpu.memref_slice %arg16[%dma_wait3A_828] : memref<8192xi32, #tpu.memory_space<vmem>> -> memref<4096xi32, #tpu.memory_space<vmem>>
      %dma_wait3A_830 = tpu.memref_slice %arg3[%add3A_22] : memref<786432xi32, #tpu.memory_space<hbm>> -> memref<4096xi32, #tpu.memory_space<hbm>>
      %dma_wait3A_831 = arith.constant 0 : i32
      %dma_wait3A_832 = tpu.memref_slice %arg16[%dma_wait3A_831] : memref<8192xi32, #tpu.memory_space<vmem>> -> memref<4096xi32, #tpu.memory_space<vmem>>
      %dma_wait3A_833 = tpu.memref_slice %arg3[%add3A_22] : memref<786432xi32, #tpu.memory_space<hbm>> -> memref<4096xi32, #tpu.memory_space<hbm>>
      tpu.wait_dma2 semaphore(%run_scoped3A : memref<!tpu.dma_semaphore, #tpu.memory_space<semaphore_mem>>) src(%dma_wait3A_833 : memref<4096xi32, #tpu.memory_space<hbm>>) dst(%dma_wait3A_832 : memref<4096xi32, #tpu.memory_space<vmem>>)
      tpu.yield
    }) : () -> ()
    %add3A_23 = arith.constant 1 : i32
    %add3A_24 = arith.addi %mul3A_2, %add3A_23 : i32
    %mul3A_25 = arith.constant 3 : i32
    %mul3A_26 = arith.muli %add3A_24, %mul3A_25 : i32
    %mul3A_27 = arith.constant 4096 : i32
    %mul3A_28 = arith.muli %mul3A_26, %mul3A_27 : i32
    %add3A_29 = arith.constant 0 : i32
    %add3A_30 = arith.addi %mul3A_28, %add3A_29 : i32
    "tpu.region"() ({
      %run_scoped3A = tpu.sem_alloc : memref<!tpu.dma_semaphore, #tpu.memory_space<semaphore_mem>>
      %dma_start3A_822 = arith.constant 4096 : i32
      %dma_start3A_823 = tpu.memref_slice %arg14[%dma_start3A_822] : memref<8192xi32, #tpu.memory_space<vmem>> -> memref<4096xi32, #tpu.memory_space<vmem>>
      %dma_start3A_824 = tpu.memref_slice %arg3[%add3A_30] : memref<786432xi32, #tpu.memory_space<hbm>> -> memref<4096xi32, #tpu.memory_space<hbm>>
      %dma_start3A_825 = arith.constant 4096 : i32
      %dma_start3A_826 = tpu.memref_slice %arg14[%dma_start3A_825] : memref<8192xi32, #tpu.memory_space<vmem>> -> memref<4096xi32, #tpu.memory_space<vmem>>
      %dma_start3A_827 = tpu.memref_slice %arg3[%add3A_30] : memref<786432xi32, #tpu.memory_space<hbm>> -> memref<4096xi32, #tpu.memory_space<hbm>>
      tpu.enqueue_dma source(%dma_start3A_827 : memref<4096xi32, #tpu.memory_space<hbm>>) target(%dma_start3A_826 : memref<4096xi32, #tpu.memory_space<vmem>>) target_semaphore(%run_scoped3A : memref<!tpu.dma_semaphore, #tpu.memory_space<semaphore_mem>>)
      %dma_wait3A_828 = arith.constant 4096 : i32
      %dma_wait3A_829 = tpu.memref_slice %arg14[%dma_wait3A_828] : memref<8192xi32, #tpu.memory_space<vmem>> -> memref<4096xi32, #tpu.memory_space<vmem>>
      %dma_wait3A_830 = tpu.memref_slice %arg3[%add3A_30] : memref<786432xi32, #tpu.memory_space<hbm>> -> memref<4096xi32, #tpu.memory_space<hbm>>
      %dma_wait3A_831 = arith.constant 4096 : i32
      %dma_wait3A_832 = tpu.memref_slice %arg14[%dma_wait3A_831] : memref<8192xi32, #tpu.memory_space<vmem>> -> memref<4096xi32, #tpu.memory_space<vmem>>
      %dma_wait3A_833 = tpu.memref_slice %arg3[%add3A_30] : memref<786432xi32, #tpu.memory_space<hbm>> -> memref<4096xi32, #tpu.memory_space<hbm>>
      tpu.wait_dma2 semaphore(%run_scoped3A : memref<!tpu.dma_semaphore, #tpu.memory_space<semaphore_mem>>) src(%dma_wait3A_833 : memref<4096xi32, #tpu.memory_space<hbm>>) dst(%dma_wait3A_832 : memref<4096xi32, #tpu.memory_space<vmem>>)
      tpu.yield
    }) : () -> ()
    %add3A_31 = arith.constant 4096 : i32
    %add3A_32 = arith.addi %mul3A_28, %add3A_31 : i32
    "tpu.region"() ({
      %run_scoped3A = tpu.sem_alloc : memref<!tpu.dma_semaphore, #tpu.memory_space<semaphore_mem>>
      %dma_start3A_822 = arith.constant 4096 : i32
      %dma_start3A_823 = tpu.memref_slice %arg15[%dma_start3A_822] : memref<8192xi32, #tpu.memory_space<vmem>> -> memref<4096xi32, #tpu.memory_space<vmem>>
      %dma_start3A_824 = tpu.memref_slice %arg3[%add3A_32] : memref<786432xi32, #tpu.memory_space<hbm>> -> memref<4096xi32, #tpu.memory_space<hbm>>
      %dma_start3A_825 = arith.constant 4096 : i32
      %dma_start3A_826 = tpu.memref_slice %arg15[%dma_start3A_825] : memref<8192xi32, #tpu.memory_space<vmem>> -> memref<4096xi32, #tpu.memory_space<vmem>>
      %dma_start3A_827 = tpu.memref_slice %arg3[%add3A_32] : memref<786432xi32, #tpu.memory_space<hbm>> -> memref<4096xi32, #tpu.memory_space<hbm>>
      tpu.enqueue_dma source(%dma_start3A_827 : memref<4096xi32, #tpu.memory_space<hbm>>) target(%dma_start3A_826 : memref<4096xi32, #tpu.memory_space<vmem>>) target_semaphore(%run_scoped3A : memref<!tpu.dma_semaphore, #tpu.memory_space<semaphore_mem>>)
      %dma_wait3A_828 = arith.constant 4096 : i32
      %dma_wait3A_829 = tpu.memref_slice %arg15[%dma_wait3A_828] : memref<8192xi32, #tpu.memory_space<vmem>> -> memref<4096xi32, #tpu.memory_space<vmem>>
      %dma_wait3A_830 = tpu.memref_slice %arg3[%add3A_32] : memref<786432xi32, #tpu.memory_space<hbm>> -> memref<4096xi32, #tpu.memory_space<hbm>>
      %dma_wait3A_831 = arith.constant 4096 : i32
      %dma_wait3A_832 = tpu.memref_slice %arg15[%dma_wait3A_831] : memref<8192xi32, #tpu.memory_space<vmem>> -> memref<4096xi32, #tpu.memory_space<vmem>>
      %dma_wait3A_833 = tpu.memref_slice %arg3[%add3A_32] : memref<786432xi32, #tpu.memory_space<hbm>> -> memref<4096xi32, #tpu.memory_space<hbm>>
      tpu.wait_dma2 semaphore(%run_scoped3A : memref<!tpu.dma_semaphore, #tpu.memory_space<semaphore_mem>>) src(%dma_wait3A_833 : memref<4096xi32, #tpu.memory_space<hbm>>) dst(%dma_wait3A_832 : memref<4096xi32, #tpu.memory_space<vmem>>)
      tpu.yield
    }) : () -> ()
    %add3A_33 = arith.constant 8192 : i32
    %add3A_34 = arith.addi %mul3A_28, %add3A_33 : i32
    "tpu.region"() ({
      %run_scoped3A = tpu.sem_alloc : memref<!tpu.dma_semaphore, #tpu.memory_space<semaphore_mem>>
      %dma_start3A_822 = arith.constant 4096 : i32
      %dma_start3A_823 = tpu.memref_slice %arg16[%dma_start3A_822] : memref<8192xi32, #tpu.memory_space<vmem>> -> memref<4096xi32, #tpu.memory_space<vmem>>
      %dma_start3A_824 = tpu.memref_slice %arg3[%add3A_34] : memref<786432xi32, #tpu.memory_space<hbm>> -> memref<4096xi32, #tpu.memory_space<hbm>>
      %dma_start3A_825 = arith.constant 4096 : i32
      %dma_start3A_826 = tpu.memref_slice %arg16[%dma_start3A_825] : memref<8192xi32, #tpu.memory_space<vmem>> -> memref<4096xi32, #tpu.memory_space<vmem>>
      %dma_start3A_827 = tpu.memref_slice %arg3[%add3A_34] : memref<786432xi32, #tpu.memory_space<hbm>> -> memref<4096xi32, #tpu.memory_space<hbm>>
      tpu.enqueue_dma source(%dma_start3A_827 : memref<4096xi32, #tpu.memory_space<hbm>>) target(%dma_start3A_826 : memref<4096xi32, #tpu.memory_space<vmem>>) target_semaphore(%run_scoped3A : memref<!tpu.dma_semaphore, #tpu.memory_space<semaphore_mem>>)
      %dma_wait3A_828 = arith.constant 4096 : i32
      %dma_wait3A_829 = tpu.memref_slice %arg16[%dma_wait3A_828] : memref<8192xi32, #tpu.memory_space<vmem>> -> memref<4096xi32, #tpu.memory_space<vmem>>
      %dma_wait3A_830 = tpu.memref_slice %arg3[%add3A_34] : memref<786432xi32, #tpu.memory_space<hbm>> -> memref<4096xi32, #tpu.memory_space<hbm>>
      %dma_wait3A_831 = arith.constant 4096 : i32
      %dma_wait3A_832 = tpu.memref_slice %arg16[%dma_wait3A_831] : memref<8192xi32, #tpu.memory_space<vmem>> -> memref<4096xi32, #tpu.memory_space<vmem>>
      %dma_wait3A_833 = tpu.memref_slice %arg3[%add3A_34] : memref<786432xi32, #tpu.memory_space<hbm>> -> memref<4096xi32, #tpu.memory_space<hbm>>
      tpu.wait_dma2 semaphore(%run_scoped3A : memref<!tpu.dma_semaphore, #tpu.memory_space<semaphore_mem>>) src(%dma_wait3A_833 : memref<4096xi32, #tpu.memory_space<hbm>>) dst(%dma_wait3A_832 : memref<4096xi32, #tpu.memory_space<vmem>>)
      tpu.yield
    }) : () -> ()
    %dma_start3A = arith.constant 0 : i32
    %dma_start3A_35 = tpu.memref_slice %arg12[%dma_start3A] : memref<128xi32, #tpu.memory_space<vmem>> -> memref<32xi32, #tpu.memory_space<vmem>>
    %dma_start3A_36 = arith.constant 0 : i32
    %dma_start3A_37 = arith.constant 0 : i32
    %dma_start3A_38 = arith.constant 0 : i32
    %dma_start3A_39 = arith.constant 0 : i32
    %dma_start3A_40 = tpu.memref_slice %arg4[%dma_start3A_36, %dma_start3A_37, %dma_start3A_38, %dma_start3A_39] : memref<100x2x2x128xf32, #tpu.memory_space<hbm>> -> memref<100x2x2x128xf32, #tpu.memory_space<hbm>>
    tpu.enqueue_indirect_dma source(%dma_start3A_40 : memref<100x2x2x128xf32, #tpu.memory_space<hbm>>) target(%arg17 : memref<32x2x2x128xf32, #tpu.memory_space<vmem>>) offsets(%dma_start3A_35 : memref<32xi32, #tpu.memory_space<vmem>>) semaphore(%arg26 : memref<!tpu.dma_semaphore, #tpu.memory_space<semaphore_mem>>)
    %dma_start3A_41 = arith.constant 0 : i32
    %dma_start3A_42 = tpu.memref_slice %arg11[%dma_start3A_41] : memref<128xi32, #tpu.memory_space<vmem>> -> memref<32xi32, #tpu.memory_space<vmem>>
    %dma_start3A_43 = arith.constant 0 : i32
    %dma_start3A_44 = arith.constant 0 : i32
    %dma_start3A_45 = arith.constant 0 : i32
    %dma_start3A_46 = tpu.memref_slice %arg5[%dma_start3A_43, %dma_start3A_44, %dma_start3A_45] : memref<1000x2x128xf32, #tpu.memory_space<hbm>> -> memref<1000x2x128xf32, #tpu.memory_space<hbm>>
    tpu.enqueue_indirect_dma source(%dma_start3A_46 : memref<1000x2x128xf32, #tpu.memory_space<hbm>>) target(%arg20 : memref<32x2x128xf32, #tpu.memory_space<vmem>>) offsets(%dma_start3A_42 : memref<32xi32, #tpu.memory_space<vmem>>) semaphore(%arg29 : memref<!tpu.dma_semaphore, #tpu.memory_space<semaphore_mem>>)
    %dma_start3A_47 = arith.constant 0 : i32
    %dma_start3A_48 = tpu.memref_slice %arg13[%dma_start3A_47] : memref<128xi32, #tpu.memory_space<vmem>> -> memref<32xi32, #tpu.memory_space<vmem>>
    %dma_start3A_49 = arith.constant 0 : i32
    %dma_start3A_50 = arith.constant 0 : i32
    %dma_start3A_51 = arith.constant 0 : i32
    %dma_start3A_52 = tpu.memref_slice %arg6[%dma_start3A_49, %dma_start3A_50, %dma_start3A_51] : memref<1000x2x128xf32, #tpu.memory_space<hbm>> -> memref<1000x2x128xf32, #tpu.memory_space<hbm>>
    tpu.enqueue_indirect_dma source(%dma_start3A_52 : memref<1000x2x128xf32, #tpu.memory_space<hbm>>) target(%arg23 : memref<32x2x128xf32, #tpu.memory_space<vmem>>) offsets(%dma_start3A_48 : memref<32xi32, #tpu.memory_space<vmem>>) semaphore(%arg29 : memref<!tpu.dma_semaphore, #tpu.memory_space<semaphore_mem>>)
    %dma_start3A_53 = arith.constant 32 : i32
    %dma_start3A_54 = tpu.memref_slice %arg12[%dma_start3A_53] : memref<128xi32, #tpu.memory_space<vmem>> -> memref<32xi32, #tpu.memory_space<vmem>>
    %dma_start3A_55 = arith.constant 0 : i32
    %dma_start3A_56 = arith.constant 0 : i32
    %dma_start3A_57 = arith.constant 0 : i32
    %dma_start3A_58 = arith.constant 0 : i32
    %dma_start3A_59 = tpu.memref_slice %arg4[%dma_start3A_55, %dma_start3A_56, %dma_start3A_57, %dma_start3A_58] : memref<100x2x2x128xf32, #tpu.memory_space<hbm>> -> memref<100x2x2x128xf32, #tpu.memory_space<hbm>>
    tpu.enqueue_indirect_dma source(%dma_start3A_59 : memref<100x2x2x128xf32, #tpu.memory_space<hbm>>) target(%arg18 : memref<32x2x2x128xf32, #tpu.memory_space<vmem>>) offsets(%dma_start3A_54 : memref<32xi32, #tpu.memory_space<vmem>>) semaphore(%arg27 : memref<!tpu.dma_semaphore, #tpu.memory_space<semaphore_mem>>)
    %dma_start3A_60 = arith.constant 32 : i32
    %dma_start3A_61 = tpu.memref_slice %arg11[%dma_start3A_60] : memref<128xi32, #tpu.memory_space<vmem>> -> memref<32xi32, #tpu.memory_space<vmem>>
    %dma_start3A_62 = arith.constant 0 : i32
    %dma_start3A_63 = arith.constant 0 : i32
    %dma_start3A_64 = arith.constant 0 : i32
    %dma_start3A_65 = tpu.memref_slice %arg5[%dma_start3A_62, %dma_start3A_63, %dma_start3A_64] : memref<1000x2x128xf32, #tpu.memory_space<hbm>> -> memref<1000x2x128xf32, #tpu.memory_space<hbm>>
    tpu.enqueue_indirect_dma source(%dma_start3A_65 : memref<1000x2x128xf32, #tpu.memory_space<hbm>>) target(%arg21 : memref<32x2x128xf32, #tpu.memory_space<vmem>>) offsets(%dma_start3A_61 : memref<32xi32, #tpu.memory_space<vmem>>) semaphore(%arg30 : memref<!tpu.dma_semaphore, #tpu.memory_space<semaphore_mem>>)
    %dma_start3A_66 = arith.constant 32 : i32
    %dma_start3A_67 = tpu.memref_slice %arg13[%dma_start3A_66] : memref<128xi32, #tpu.memory_space<vmem>> -> memref<32xi32, #tpu.memory_space<vmem>>
    %dma_start3A_68 = arith.constant 0 : i32
    %dma_start3A_69 = arith.constant 0 : i32
    %dma_start3A_70 = arith.constant 0 : i32
    %dma_start3A_71 = tpu.memref_slice %arg6[%dma_start3A_68, %dma_start3A_69, %dma_start3A_70] : memref<1000x2x128xf32, #tpu.memory_space<hbm>> -> memref<1000x2x128xf32, #tpu.memory_space<hbm>>
    tpu.enqueue_indirect_dma source(%dma_start3A_71 : memref<1000x2x128xf32, #tpu.memory_space<hbm>>) target(%arg24 : memref<32x2x128xf32, #tpu.memory_space<vmem>>) offsets(%dma_start3A_67 : memref<32xi32, #tpu.memory_space<vmem>>) semaphore(%arg30 : memref<!tpu.dma_semaphore, #tpu.memory_space<semaphore_mem>>)
    %add3A_72 = arith.constant 0 : i32
    %add3A_73 = arith.addi %mul3A_4, %add3A_72 : i32
    %dma_wait3A = arith.constant 0 : i32
    %dma_wait3A_74 = arith.constant 0 : i32
    %dma_wait3A_75 = arith.constant 0 : i32
    %dma_wait3A_76 = arith.constant 0 : i32
    %dma_wait3A_77 = tpu.memref_slice %arg4[%dma_wait3A, %dma_wait3A_74, %dma_wait3A_75, %dma_wait3A_76] : memref<100x2x2x128xf32, #tpu.memory_space<hbm>> -> memref<32x2x2x128xf32, #tpu.memory_space<hbm>>
    %dma_wait3A_78 = arith.constant 0 : i32
    %dma_wait3A_79 = arith.constant 0 : i32
    %dma_wait3A_80 = arith.constant 0 : i32
    %dma_wait3A_81 = arith.constant 0 : i32
    %dma_wait3A_82 = tpu.memref_slice %arg4[%dma_wait3A_78, %dma_wait3A_79, %dma_wait3A_80, %dma_wait3A_81] : memref<100x2x2x128xf32, #tpu.memory_space<hbm>> -> memref<32x2x2x128xf32, #tpu.memory_space<hbm>>
    tpu.wait_dma2 semaphore(%arg26 : memref<!tpu.dma_semaphore, #tpu.memory_space<semaphore_mem>>) src(%dma_wait3A_82 : memref<32x2x2x128xf32, #tpu.memory_space<hbm>>) dst(%arg17 : memref<32x2x2x128xf32, #tpu.memory_space<vmem>>)
    %dma_start3A_83 = arith.constant 0 : i32
    %dma_start3A_84 = arith.constant 0 : i32
    %dma_start3A_85 = arith.constant 0 : i32
    %dma_start3A_86 = arith.constant 0 : i32
    %dma_start3A_87 = tpu.memref_slice %arg8[%dma_start3A_83, %add3A_73, %dma_start3A_84, %dma_start3A_85, %dma_start3A_86] : memref<1x4096x2x2x128xf32, #tpu.memory_space<hbm>> -> memref<1x32x2x2x128xf32, #tpu.memory_space<hbm>>
    %dma_start3A_88 = tpu.memref_squeeze %dma_start3A_87 : memref<1x32x2x2x128xf32, #tpu.memory_space<hbm>> -> memref<32x2x2x128xf32, #tpu.memory_space<hbm>>
    %dma_start3A_89 = arith.constant 0 : i32
    %dma_start3A_90 = arith.constant 0 : i32
    %dma_start3A_91 = arith.constant 0 : i32
    %dma_start3A_92 = tpu.memref_slice %arg8[%dma_start3A_83, %add3A_73, %dma_start3A_89, %dma_start3A_90, %dma_start3A_91] : memref<1x4096x2x2x128xf32, #tpu.memory_space<hbm>> -> memref<1x32x2x2x128xf32, #tpu.memory_space<hbm>>
    %dma_start3A_93 = tpu.memref_squeeze %dma_start3A_92 : memref<1x32x2x2x128xf32, #tpu.memory_space<hbm>> -> memref<32x2x2x128xf32, #tpu.memory_space<hbm>>
    tpu.enqueue_dma source(%arg17 : memref<32x2x2x128xf32, #tpu.memory_space<vmem>>) target(%dma_start3A_93 : memref<32x2x2x128xf32, #tpu.memory_space<hbm>>) target_semaphore(%arg32 : memref<!tpu.dma_semaphore, #tpu.memory_space<semaphore_mem>>)
    %dma_wait3A_94 = arith.constant 0 : i32
    %dma_wait3A_95 = arith.constant 0 : i32
    %dma_wait3A_96 = arith.constant 0 : i32
    %dma_wait3A_97 = tpu.memref_slice %arg5[%dma_wait3A_94, %dma_wait3A_95, %dma_wait3A_96] : memref<1000x2x128xf32, #tpu.memory_space<hbm>> -> memref<32x2x128xf32, #tpu.memory_space<hbm>>
    %dma_wait3A_98 = arith.constant 0 : i32
    %dma_wait3A_99 = arith.constant 0 : i32
    %dma_wait3A_100 = arith.constant 0 : i32
    %dma_wait3A_101 = tpu.memref_slice %arg5[%dma_wait3A_98, %dma_wait3A_99, %dma_wait3A_100] : memref<1000x2x128xf32, #tpu.memory_space<hbm>> -> memref<32x2x128xf32, #tpu.memory_space<hbm>>
    tpu.wait_dma2 semaphore(%arg29 : memref<!tpu.dma_semaphore, #tpu.memory_space<semaphore_mem>>) src(%dma_wait3A_101 : memref<32x2x128xf32, #tpu.memory_space<hbm>>) dst(%arg20 : memref<32x2x128xf32, #tpu.memory_space<vmem>>)
    %dma_wait3A_102 = arith.constant 0 : i32
    %dma_wait3A_103 = arith.constant 0 : i32
    %dma_wait3A_104 = arith.constant 0 : i32
    %dma_wait3A_105 = tpu.memref_slice %arg6[%dma_wait3A_102, %dma_wait3A_103, %dma_wait3A_104] : memref<1000x2x128xf32, #tpu.memory_space<hbm>> -> memref<32x2x128xf32, #tpu.memory_space<hbm>>
    %dma_wait3A_106 = arith.constant 0 : i32
    %dma_wait3A_107 = arith.constant 0 : i32
    %dma_wait3A_108 = arith.constant 0 : i32
    %dma_wait3A_109 = tpu.memref_slice %arg6[%dma_wait3A_106, %dma_wait3A_107, %dma_wait3A_108] : memref<1000x2x128xf32, #tpu.memory_space<hbm>> -> memref<32x2x128xf32, #tpu.memory_space<hbm>>
    tpu.wait_dma2 semaphore(%arg29 : memref<!tpu.dma_semaphore, #tpu.memory_space<semaphore_mem>>) src(%dma_wait3A_109 : memref<32x2x128xf32, #tpu.memory_space<hbm>>) dst(%arg23 : memref<32x2x128xf32, #tpu.memory_space<vmem>>)
    %scan3A = arith.constant 0 : i32
    %scan3A_110 = arith.constant 0 : i32
    %scan3A_111 = arith.constant 32 : i32
    %scan3A_112 = arith.addi %scan3A_110, %scan3A_111 : i32
    %scan3A_113 = arith.constant 1 : i32
    scf.for %scan3A_822 = %scan3A_110 to %scan3A_112 step %scan3A_113  : i32 {
      %get3A = arith.constant 0 : i32
      %get3A_823 = arith.index_cast %scan3A_822 : i32 to index
      %get3A_824 = arith.index_cast %get3A : i32 to index
      %get3A_825 = arith.constant 0 : index
      %get3A_826 = tpu.vector_load %arg23[%get3A_823, %get3A_824, %get3A_825] {strides = array<i32>} : memref<32x2x128xf32, #tpu.memory_space<vmem>>, vector<1x1x16xf32>,
      %get3A_827 = vector.shape_cast %get3A_826 : vector<1x1x16xf32> to vector<16xf32>
      %swap3A = arith.constant 0 : i32
      %swap3A_828 = arith.index_cast %scan3A_822 : i32 to index
      %swap3A_829 = arith.index_cast %swap3A : i32 to index
      %swap3A_830 = arith.constant 0 : index
      %swap3A_831 = tpu.vector_load %arg20[%swap3A_828, %swap3A_829, %swap3A_830] {strides = array<i32>} : memref<32x2x128xf32, #tpu.memory_space<vmem>>, vector<1x1x16xf32>,
      %swap3A_832 = vector.shape_cast %swap3A_831 : vector<1x1x16xf32> to vector<16xf32>
      %swap3A_833 = vector.shape_cast %get3A_827 : vector<16xf32> to vector<1x1x16xf32>
      tpu.vector_store %arg20[%swap3A_828, %swap3A_829, %swap3A_830], %swap3A_833 {add = true, strides = array<i32>} : memref<32x2x128xf32, #tpu.memory_space<vmem>>, vector<1x1x16xf32>,
      %get3A_834 = arith.constant 0 : i32
      %get3A_835 = arith.index_cast %scan3A_822 : i32 to index
      %get3A_836 = arith.index_cast %get3A_834 : i32 to index
      %get3A_837 = arith.constant 16 : index
      %get3A_838 = tpu.vector_load %arg23[%get3A_835, %get3A_836, %get3A_837] {strides = array<i32>} : memref<32x2x128xf32, #tpu.memory_space<vmem>>, vector<1x1x16xf32>,
      %get3A_839 = vector.shape_cast %get3A_838 : vector<1x1x16xf32> to vector<16xf32>
      %swap3A_840 = arith.constant 0 : i32
      %swap3A_841 = arith.index_cast %scan3A_822 : i32 to index
      %swap3A_842 = arith.index_cast %swap3A_840 : i32 to index
      %swap3A_843 = arith.constant 16 : index
      %swap3A_844 = tpu.vector_load %arg20[%swap3A_841, %swap3A_842, %swap3A_843] {strides = array<i32>} : memref<32x2x128xf32, #tpu.memory_space<vmem>>, vector<1x1x16xf32>,
      %swap3A_845 = vector.shape_cast %swap3A_844 : vector<1x1x16xf32> to vector<16xf32>
      %swap3A_846 = vector.shape_cast %get3A_839 : vector<16xf32> to vector<1x1x16xf32>
      tpu.vector_store %arg20[%swap3A_841, %swap3A_842, %swap3A_843], %swap3A_846 {add = true, strides = array<i32>} : memref<32x2x128xf32, #tpu.memory_space<vmem>>, vector<1x1x16xf32>,
      %get3A_847 = arith.constant 0 : i32
      %get3A_848 = arith.index_cast %scan3A_822 : i32 to index
      %get3A_849 = arith.index_cast %get3A_847 : i32 to index
      %get3A_850 = arith.constant 32 : index
      %get3A_851 = tpu.vector_load %arg23[%get3A_848, %get3A_849, %get3A_850] {strides = array<i32>} : memref<32x2x128xf32, #tpu.memory_space<vmem>>, vector<1x1x16xf32>,
      %get3A_852 = vector.shape_cast %get3A_851 : vector<1x1x16xf32> to vector<16xf32>
      %swap3A_853 = arith.constant 0 : i32
      %swap3A_854 = arith.index_cast %scan3A_822 : i32 to index
      %swap3A_855 = arith.index_cast %swap3A_853 : i32 to index
      %swap3A_856 = arith.constant 32 : index
      %swap3A_857 = tpu.vector_load %arg20[%swap3A_854, %swap3A_855, %swap3A_856] {strides = array<i32>} : memref<32x2x128xf32, #tpu.memory_space<vmem>>, vector<1x1x16xf32>,
      %swap3A_858 = vector.shape_cast %swap3A_857 : vector<1x1x16xf32> to vector<16xf32>
      %swap3A_859 = vector.shape_cast %get3A_852 : vector<16xf32> to vector<1x1x16xf32>
      tpu.vector_store %arg20[%swap3A_854, %swap3A_855, %swap3A_856], %swap3A_859 {add = true, strides = array<i32>} : memref<32x2x128xf32, #tpu.memory_space<vmem>>, vector<1x1x16xf32>,
      %get3A_860 = arith.constant 0 : i32
      %get3A_861 = arith.index_cast %scan3A_822 : i32 to index
      %get3A_862 = arith.index_cast %get3A_860 : i32 to index
      %get3A_863 = arith.constant 48 : index
      %get3A_864 = tpu.vector_load %arg23[%get3A_861, %get3A_862, %get3A_863] {strides = array<i32>} : memref<32x2x128xf32, #tpu.memory_space<vmem>>, vector<1x1x16xf32>,
      %get3A_865 = vector.shape_cast %get3A_864 : vector<1x1x16xf32> to vector<16xf32>
      %swap3A_866 = arith.constant 0 : i32
      %swap3A_867 = arith.index_cast %scan3A_822 : i32 to index
      %swap3A_868 = arith.index_cast %swap3A_866 : i32 to index
      %swap3A_869 = arith.constant 48 : index
      %swap3A_870 = tpu.vector_load %arg20[%swap3A_867, %swap3A_868, %swap3A_869] {strides = array<i32>} : memref<32x2x128xf32, #tpu.memory_space<vmem>>, vector<1x1x16xf32>,
      %swap3A_871 = vector.shape_cast %swap3A_870 : vector<1x1x16xf32> to vector<16xf32>
      %swap3A_872 = vector.shape_cast %get3A_865 : vector<16xf32> to vector<1x1x16xf32>
      tpu.vector_store %arg20[%swap3A_867, %swap3A_868, %swap3A_869], %swap3A_872 {add = true, strides = array<i32>} : memref<32x2x128xf32, #tpu.memory_space<vmem>>, vector<1x1x16xf32>,
      %get3A_873 = arith.constant 0 : i32
      %get3A_874 = arith.index_cast %scan3A_822 : i32 to index
      %get3A_875 = arith.index_cast %get3A_873 : i32 to index
      %get3A_876 = arith.constant 64 : index
      %get3A_877 = tpu.vector_load %arg23[%get3A_874, %get3A_875, %get3A_876] {strides = array<i32>} : memref<32x2x128xf32, #tpu.memory_space<vmem>>, vector<1x1x16xf32>,
      %get3A_878 = vector.shape_cast %get3A_877 : vector<1x1x16xf32> to vector<16xf32>
      %swap3A_879 = arith.constant 0 : i32
      %swap3A_880 = arith.index_cast %scan3A_822 : i32 to index
      %swap3A_881 = arith.index_cast %swap3A_879 : i32 to index
      %swap3A_882 = arith.constant 64 : index
      %swap3A_883 = tpu.vector_load %arg20[%swap3A_880, %swap3A_881, %swap3A_882] {strides = array<i32>} : memref<32x2x128xf32, #tpu.memory_space<vmem>>, vector<1x1x16xf32>,
      %swap3A_884 = vector.shape_cast %swap3A_883 : vector<1x1x16xf32> to vector<16xf32>
      %swap3A_885 = vector.shape_cast %get3A_878 : vector<16xf32> to vector<1x1x16xf32>
      tpu.vector_store %arg20[%swap3A_880, %swap3A_881, %swap3A_882], %swap3A_885 {add = true, strides = array<i32>} : memref<32x2x128xf32, #tpu.memory_space<vmem>>, vector<1x1x16xf32>,
      %get3A_886 = arith.constant 0 : i32
      %get3A_887 = arith.index_cast %scan3A_822 : i32 to index
      %get3A_888 = arith.index_cast %get3A_886 : i32 to index
      %get3A_889 = arith.constant 80 : index
      %get3A_890 = tpu.vector_load %arg23[%get3A_887, %get3A_888, %get3A_889] {strides = array<i32>} : memref<32x2x128xf32, #tpu.memory_space<vmem>>, vector<1x1x16xf32>,
      %get3A_891 = vector.shape_cast %get3A_890 : vector<1x1x16xf32> to vector<16xf32>
      %swap3A_892 = arith.constant 0 : i32
      %swap3A_893 = arith.index_cast %scan3A_822 : i32 to index
      %swap3A_894 = arith.index_cast %swap3A_892 : i32 to index
      %swap3A_895 = arith.constant 80 : index
      %swap3A_896 = tpu.vector_load %arg20[%swap3A_893, %swap3A_894, %swap3A_895] {strides = array<i32>} : memref<32x2x128xf32, #tpu.memory_space<vmem>>, vector<1x1x16xf32>,
      %swap3A_897 = vector.shape_cast %swap3A_896 : vector<1x1x16xf32> to vector<16xf32>
      %swap3A_898 = vector.shape_cast %get3A_891 : vector<16xf32> to vector<1x1x16xf32>
      tpu.vector_store %arg20[%swap3A_893, %swap3A_894, %swap3A_895], %swap3A_898 {add = true, strides = array<i32>} : memref<32x2x128xf32, #tpu.memory_space<vmem>>, vector<1x1x16xf32>,
      %get3A_899 = arith.constant 0 : i32
      %get3A_900 = arith.index_cast %scan3A_822 : i32 to index
      %get3A_901 = arith.index_cast %get3A_899 : i32 to index
      %get3A_902 = arith.constant 96 : index
      %get3A_903 = tpu.vector_load %arg23[%get3A_900, %get3A_901, %get3A_902] {strides = array<i32>} : memref<32x2x128xf32, #tpu.memory_space<vmem>>, vector<1x1x16xf32>,
      %get3A_904 = vector.shape_cast %get3A_903 : vector<1x1x16xf32> to vector<16xf32>
      %swap3A_905 = arith.constant 0 : i32
      %swap3A_906 = arith.index_cast %scan3A_822 : i32 to index
      %swap3A_907 = arith.index_cast %swap3A_905 : i32 to index
      %swap3A_908 = arith.constant 96 : index
      %swap3A_909 = tpu.vector_load %arg20[%swap3A_906, %swap3A_907, %swap3A_908] {strides = array<i32>} : memref<32x2x128xf32, #tpu.memory_space<vmem>>, vector<1x1x16xf32>,
      %swap3A_910 = vector.shape_cast %swap3A_909 : vector<1x1x16xf32> to vector<16xf32>
      %swap3A_911 = vector.shape_cast %get3A_904 : vector<16xf32> to vector<1x1x16xf32>
      tpu.vector_store %arg20[%swap3A_906, %swap3A_907, %swap3A_908], %swap3A_911 {add = true, strides = array<i32>} : memref<32x2x128xf32, #tpu.memory_space<vmem>>, vector<1x1x16xf32>,
      %get3A_912 = arith.constant 0 : i32
      %get3A_913 = arith.index_cast %scan3A_822 : i32 to index
      %get3A_914 = arith.index_cast %get3A_912 : i32 to index
      %get3A_915 = arith.constant 112 : index
      %get3A_916 = tpu.vector_load %arg23[%get3A_913, %get3A_914, %get3A_915] {strides = array<i32>} : memref<32x2x128xf32, #tpu.memory_space<vmem>>, vector<1x1x16xf32>,
      %get3A_917 = vector.shape_cast %get3A_916 : vector<1x1x16xf32> to vector<16xf32>
      %swap3A_918 = arith.constant 0 : i32
      %swap3A_919 = arith.index_cast %scan3A_822 : i32 to index
      %swap3A_920 = arith.index_cast %swap3A_918 : i32 to index
      %swap3A_921 = arith.constant 112 : index
      %swap3A_922 = tpu.vector_load %arg20[%swap3A_919, %swap3A_920, %swap3A_921] {strides = array<i32>} : memref<32x2x128xf32, #tpu.memory_space<vmem>>, vector<1x1x16xf32>,
      %swap3A_923 = vector.shape_cast %swap3A_922 : vector<1x1x16xf32> to vector<16xf32>
      %swap3A_924 = vector.shape_cast %get3A_917 : vector<16xf32> to vector<1x1x16xf32>
      tpu.vector_store %arg20[%swap3A_919, %swap3A_920, %swap3A_921], %swap3A_924 {add = true, strides = array<i32>} : memref<32x2x128xf32, #tpu.memory_space<vmem>>, vector<1x1x16xf32>,
      %get3A_925 = arith.constant 1 : i32
      %get3A_926 = arith.index_cast %scan3A_822 : i32 to index
      %get3A_927 = arith.index_cast %get3A_925 : i32 to index
      %get3A_928 = arith.constant 0 : index
      %get3A_929 = tpu.vector_load %arg23[%get3A_926, %get3A_927, %get3A_928] {strides = array<i32>} : memref<32x2x128xf32, #tpu.memory_space<vmem>>, vector<1x1x16xf32>,
      %get3A_930 = vector.shape_cast %get3A_929 : vector<1x1x16xf32> to vector<16xf32>
      %swap3A_931 = arith.constant 1 : i32
      %swap3A_932 = arith.index_cast %scan3A_822 : i32 to index
      %swap3A_933 = arith.index_cast %swap3A_931 : i32 to index
      %swap3A_934 = arith.constant 0 : index
      %swap3A_935 = tpu.vector_load %arg20[%swap3A_932, %swap3A_933, %swap3A_934] {strides = array<i32>} : memref<32x2x128xf32, #tpu.memory_space<vmem>>, vector<1x1x16xf32>,
      %swap3A_936 = vector.shape_cast %swap3A_935 : vector<1x1x16xf32> to vector<16xf32>
      %swap3A_937 = vector.shape_cast %get3A_930 : vector<16xf32> to vector<1x1x16xf32>
      tpu.vector_store %arg20[%swap3A_932, %swap3A_933, %swap3A_934], %swap3A_937 {add = true, strides = array<i32>} : memref<32x2x128xf32, #tpu.memory_space<vmem>>, vector<1x1x16xf32>,
      %get3A_938 = arith.constant 1 : i32
      %get3A_939 = arith.index_cast %scan3A_822 : i32 to index
      %get3A_940 = arith.index_cast %get3A_938 : i32 to index
      %get3A_941 = arith.constant 16 : index
      %get3A_942 = tpu.vector_load %arg23[%get3A_939, %get3A_940, %get3A_941] {strides = array<i32>} : memref<32x2x128xf32, #tpu.memory_space<vmem>>, vector<1x1x16xf32>,
      %get3A_943 = vector.shape_cast %get3A_942 : vector<1x1x16xf32> to vector<16xf32>
      %swap3A_944 = arith.constant 1 : i32
      %swap3A_945 = arith.index_cast %scan3A_822 : i32 to index
      %swap3A_946 = arith.index_cast %swap3A_944 : i32 to index
      %swap3A_947 = arith.constant 16 : index
      %swap3A_948 = tpu.vector_load %arg20[%swap3A_945, %swap3A_946, %swap3A_947] {strides = array<i32>} : memref<32x2x128xf32, #tpu.memory_space<vmem>>, vector<1x1x16xf32>,
      %swap3A_949 = vector.shape_cast %swap3A_948 : vector<1x1x16xf32> to vector<16xf32>
      %swap3A_950 = vector.shape_cast %get3A_943 : vector<16xf32> to vector<1x1x16xf32>
      tpu.vector_store %arg20[%swap3A_945, %swap3A_946, %swap3A_947], %swap3A_950 {add = true, strides = array<i32>} : memref<32x2x128xf32, #tpu.memory_space<vmem>>, vector<1x1x16xf32>,
      %get3A_951 = arith.constant 1 : i32
      %get3A_952 = arith.index_cast %scan3A_822 : i32 to index
      %get3A_953 = arith.index_cast %get3A_951 : i32 to index
      %get3A_954 = arith.constant 32 : index
      %get3A_955 = tpu.vector_load %arg23[%get3A_952, %get3A_953, %get3A_954] {strides = array<i32>} : memref<32x2x128xf32, #tpu.memory_space<vmem>>, vector<1x1x16xf32>,
      %get3A_956 = vector.shape_cast %get3A_955 : vector<1x1x16xf32> to vector<16xf32>
      %swap3A_957 = arith.constant 1 : i32
      %swap3A_958 = arith.index_cast %scan3A_822 : i32 to index
      %swap3A_959 = arith.index_cast %swap3A_957 : i32 to index
      %swap3A_960 = arith.constant 32 : index
      %swap3A_961 = tpu.vector_load %arg20[%swap3A_958, %swap3A_959, %swap3A_960] {strides = array<i32>} : memref<32x2x128xf32, #tpu.memory_space<vmem>>, vector<1x1x16xf32>,
      %swap3A_962 = vector.shape_cast %swap3A_961 : vector<1x1x16xf32> to vector<16xf32>
      %swap3A_963 = vector.shape_cast %get3A_956 : vector<16xf32> to vector<1x1x16xf32>
      tpu.vector_store %arg20[%swap3A_958, %swap3A_959, %swap3A_960], %swap3A_963 {add = true, strides = array<i32>} : memref<32x2x128xf32, #tpu.memory_space<vmem>>, vector<1x1x16xf32>,
      %get3A_964 = arith.constant 1 : i32
      %get3A_965 = arith.index_cast %scan3A_822 : i32 to index
      %get3A_966 = arith.index_cast %get3A_964 : i32 to index
      %get3A_967 = arith.constant 48 : index
      %get3A_968 = tpu.vector_load %arg23[%get3A_965, %get3A_966, %get3A_967] {strides = array<i32>} : memref<32x2x128xf32, #tpu.memory_space<vmem>>, vector<1x1x16xf32>,
      %get3A_969 = vector.shape_cast %get3A_968 : vector<1x1x16xf32> to vector<16xf32>
      %swap3A_970 = arith.constant 1 : i32
      %swap3A_971 = arith.index_cast %scan3A_822 : i32 to index
      %swap3A_972 = arith.index_cast %swap3A_970 : i32 to index
      %swap3A_973 = arith.constant 48 : index
      %swap3A_974 = tpu.vector_load %arg20[%swap3A_971, %swap3A_972, %swap3A_973] {strides = array<i32>} : memref<32x2x128xf32, #tpu.memory_space<vmem>>, vector<1x1x16xf32>,
      %swap3A_975 = vector.shape_cast %swap3A_974 : vector<1x1x16xf32> to vector<16xf32>
      %swap3A_976 = vector.shape_cast %get3A_969 : vector<16xf32> to vector<1x1x16xf32>
      tpu.vector_store %arg20[%swap3A_971, %swap3A_972, %swap3A_973], %swap3A_976 {add = true, strides = array<i32>} : memref<32x2x128xf32, #tpu.memory_space<vmem>>, vector<1x1x16xf32>,
      %get3A_977 = arith.constant 1 : i32
      %get3A_978 = arith.index_cast %scan3A_822 : i32 to index
      %get3A_979 = arith.index_cast %get3A_977 : i32 to index
      %get3A_980 = arith.constant 64 : index
      %get3A_981 = tpu.vector_load %arg23[%get3A_978, %get3A_979, %get3A_980] {strides = array<i32>} : memref<32x2x128xf32, #tpu.memory_space<vmem>>, vector<1x1x16xf32>,
      %get3A_982 = vector.shape_cast %get3A_981 : vector<1x1x16xf32> to vector<16xf32>
      %swap3A_983 = arith.constant 1 : i32
      %swap3A_984 = arith.index_cast %scan3A_822 : i32 to index
      %swap3A_985 = arith.index_cast %swap3A_983 : i32 to index
      %swap3A_986 = arith.constant 64 : index
      %swap3A_987 = tpu.vector_load %arg20[%swap3A_984, %swap3A_985, %swap3A_986] {strides = array<i32>} : memref<32x2x128xf32, #tpu.memory_space<vmem>>, vector<1x1x16xf32>,
      %swap3A_988 = vector.shape_cast %swap3A_987 : vector<1x1x16xf32> to vector<16xf32>
      %swap3A_989 = vector.shape_cast %get3A_982 : vector<16xf32> to vector<1x1x16xf32>
      tpu.vector_store %arg20[%swap3A_984, %swap3A_985, %swap3A_986], %swap3A_989 {add = true, strides = array<i32>} : memref<32x2x128xf32, #tpu.memory_space<vmem>>, vector<1x1x16xf32>,
      %get3A_990 = arith.constant 1 : i32
      %get3A_991 = arith.index_cast %scan3A_822 : i32 to index
      %get3A_992 = arith.index_cast %get3A_990 : i32 to index
      %get3A_993 = arith.constant 80 : index
      %get3A_994 = tpu.vector_load %arg23[%get3A_991, %get3A_992, %get3A_993] {strides = array<i32>} : memref<32x2x128xf32, #tpu.memory_space<vmem>>, vector<1x1x16xf32>,
      %get3A_995 = vector.shape_cast %get3A_994 : vector<1x1x16xf32> to vector<16xf32>
      %swap3A_996 = arith.constant 1 : i32
      %swap3A_997 = arith.index_cast %scan3A_822 : i32 to index
      %swap3A_998 = arith.index_cast %swap3A_996 : i32 to index
      %swap3A_999 = arith.constant 80 : index
      %swap3A_1000 = tpu.vector_load %arg20[%swap3A_997, %swap3A_998, %swap3A_999] {strides = array<i32>} : memref<32x2x128xf32, #tpu.memory_space<vmem>>, vector<1x1x16xf32>,
      %swap3A_1001 = vector.shape_cast %swap3A_1000 : vector<1x1x16xf32> to vector<16xf32>
      %swap3A_1002 = vector.shape_cast %get3A_995 : vector<16xf32> to vector<1x1x16xf32>
      tpu.vector_store %arg20[%swap3A_997, %swap3A_998, %swap3A_999], %swap3A_1002 {add = true, strides = array<i32>} : memref<32x2x128xf32, #tpu.memory_space<vmem>>, vector<1x1x16xf32>,
      %get3A_1003 = arith.constant 1 : i32
      %get3A_1004 = arith.index_cast %scan3A_822 : i32 to index
      %get3A_1005 = arith.index_cast %get3A_1003 : i32 to index
      %get3A_1006 = arith.constant 96 : index
      %get3A_1007 = tpu.vector_load %arg23[%get3A_1004, %get3A_1005, %get3A_1006] {strides = array<i32>} : memref<32x2x128xf32, #tpu.memory_space<vmem>>, vector<1x1x16xf32>,
      %get3A_1008 = vector.shape_cast %get3A_1007 : vector<1x1x16xf32> to vector<16xf32>
      %swap3A_1009 = arith.constant 1 : i32
      %swap3A_1010 = arith.index_cast %scan3A_822 : i32 to index
      %swap3A_1011 = arith.index_cast %swap3A_1009 : i32 to index
      %swap3A_1012 = arith.constant 96 : index
      %swap3A_1013 = tpu.vector_load %arg20[%swap3A_1010, %swap3A_1011, %swap3A_1012] {strides = array<i32>} : memref<32x2x128xf32, #tpu.memory_space<vmem>>, vector<1x1x16xf32>,
      %swap3A_1014 = vector.shape_cast %swap3A_1013 : vector<1x1x16xf32> to vector<16xf32>
      %swap3A_1015 = vector.shape_cast %get3A_1008 : vector<16xf32> to vector<1x1x16xf32>
      tpu.vector_store %arg20[%swap3A_1010, %swap3A_1011, %swap3A_1012], %swap3A_1015 {add = true, strides = array<i32>} : memref<32x2x128xf32, #tpu.memory_space<vmem>>, vector<1x1x16xf32>,
      %get3A_1016 = arith.constant 1 : i32
      %get3A_1017 = arith.index_cast %scan3A_822 : i32 to index
      %get3A_1018 = arith.index_cast %get3A_1016 : i32 to index
      %get3A_1019 = arith.constant 112 : index
      %get3A_1020 = tpu.vector_load %arg23[%get3A_1017, %get3A_1018, %get3A_1019] {strides = array<i32>} : memref<32x2x128xf32, #tpu.memory_space<vmem>>, vector<1x1x16xf32>,
      %get3A_1021 = vector.shape_cast %get3A_1020 : vector<1x1x16xf32> to vector<16xf32>
      %swap3A_1022 = arith.constant 1 : i32
      %swap3A_1023 = arith.index_cast %scan3A_822 : i32 to index
      %swap3A_1024 = arith.index_cast %swap3A_1022 : i32 to index
      %swap3A_1025 = arith.constant 112 : index
      %swap3A_1026 = tpu.vector_load %arg20[%swap3A_1023, %swap3A_1024, %swap3A_1025] {strides = array<i32>} : memref<32x2x128xf32, #tpu.memory_space<vmem>>, vector<1x1x16xf32>,
      %swap3A_1027 = vector.shape_cast %swap3A_1026 : vector<1x1x16xf32> to vector<16xf32>
      %swap3A_1028 = vector.shape_cast %get3A_1021 : vector<16xf32> to vector<1x1x16xf32>
      tpu.vector_store %arg20[%swap3A_1023, %swap3A_1024, %swap3A_1025], %swap3A_1028 {add = true, strides = array<i32>} : memref<32x2x128xf32, #tpu.memory_space<vmem>>, vector<1x1x16xf32>,
    }
    %scan3A_114 = arith.constant 32 : i32
    %dma_start3A_115 = arith.constant 0 : i32
    %dma_start3A_116 = arith.constant 0 : i32
    %dma_start3A_117 = arith.constant 0 : i32
    %dma_start3A_118 = tpu.memref_slice %arg7[%dma_start3A_115, %add3A_73, %dma_start3A_116, %dma_start3A_117] : memref<1x4096x2x128xf32, #tpu.memory_space<hbm>> -> memref<1x32x2x128xf32, #tpu.memory_space<hbm>>
    %dma_start3A_119 = tpu.memref_squeeze %dma_start3A_118 : memref<1x32x2x128xf32, #tpu.memory_space<hbm>> -> memref<32x2x128xf32, #tpu.memory_space<hbm>>
    %dma_start3A_120 = arith.constant 0 : i32
    %dma_start3A_121 = arith.constant 0 : i32
    %dma_start3A_122 = tpu.memref_slice %arg7[%dma_start3A_115, %add3A_73, %dma_start3A_120, %dma_start3A_121] : memref<1x4096x2x128xf32, #tpu.memory_space<hbm>> -> memref<1x32x2x128xf32, #tpu.memory_space<hbm>>
    %dma_start3A_123 = tpu.memref_squeeze %dma_start3A_122 : memref<1x32x2x128xf32, #tpu.memory_space<hbm>> -> memref<32x2x128xf32, #tpu.memory_space<hbm>>
    tpu.enqueue_dma source(%arg20 : memref<32x2x128xf32, #tpu.memory_space<vmem>>) target(%dma_start3A_123 : memref<32x2x128xf32, #tpu.memory_space<hbm>>) target_semaphore(%arg32 : memref<!tpu.dma_semaphore, #tpu.memory_space<semaphore_mem>>)
    %dma_start3A_124 = arith.constant 64 : i32
    %dma_start3A_125 = tpu.memref_slice %arg12[%dma_start3A_124] : memref<128xi32, #tpu.memory_space<vmem>> -> memref<32xi32, #tpu.memory_space<vmem>>
    %dma_start3A_126 = arith.constant 0 : i32
    %dma_start3A_127 = arith.constant 0 : i32
    %dma_start3A_128 = arith.constant 0 : i32
    %dma_start3A_129 = arith.constant 0 : i32
    %dma_start3A_130 = tpu.memref_slice %arg4[%dma_start3A_126, %dma_start3A_127, %dma_start3A_128, %dma_start3A_129] : memref<100x2x2x128xf32, #tpu.memory_space<hbm>> -> memref<100x2x2x128xf32, #tpu.memory_space<hbm>>
    tpu.enqueue_indirect_dma source(%dma_start3A_130 : memref<100x2x2x128xf32, #tpu.memory_space<hbm>>) target(%arg19 : memref<32x2x2x128xf32, #tpu.memory_space<vmem>>) offsets(%dma_start3A_125 : memref<32xi32, #tpu.memory_space<vmem>>) semaphore(%arg28 : memref<!tpu.dma_semaphore, #tpu.memory_space<semaphore_mem>>)
    %dma_start3A_131 = arith.constant 64 : i32
    %dma_start3A_132 = tpu.memref_slice %arg11[%dma_start3A_131] : memref<128xi32, #tpu.memory_space<vmem>> -> memref<32xi32, #tpu.memory_space<vmem>>
    %dma_start3A_133 = arith.constant 0 : i32
    %dma_start3A_134 = arith.constant 0 : i32
    %dma_start3A_135 = arith.constant 0 : i32
    %dma_start3A_136 = tpu.memref_slice %arg5[%dma_start3A_133, %dma_start3A_134, %dma_start3A_135] : memref<1000x2x128xf32, #tpu.memory_space<hbm>> -> memref<1000x2x128xf32, #tpu.memory_space<hbm>>
    tpu.enqueue_indirect_dma source(%dma_start3A_136 : memref<1000x2x128xf32, #tpu.memory_space<hbm>>) target(%arg22 : memref<32x2x128xf32, #tpu.memory_space<vmem>>) offsets(%dma_start3A_132 : memref<32xi32, #tpu.memory_space<vmem>>) semaphore(%arg31 : memref<!tpu.dma_semaphore, #tpu.memory_space<semaphore_mem>>)
    %dma_start3A_137 = arith.constant 64 : i32
    %dma_start3A_138 = tpu.memref_slice %arg13[%dma_start3A_137] : memref<128xi32, #tpu.memory_space<vmem>> -> memref<32xi32, #tpu.memory_space<vmem>>
    %dma_start3A_139 = arith.constant 0 : i32
    %dma_start3A_140 = arith.constant 0 : i32
    %dma_start3A_141 = arith.constant 0 : i32
    %dma_start3A_142 = tpu.memref_slice %arg6[%dma_start3A_139, %dma_start3A_140, %dma_start3A_141] : memref<1000x2x128xf32, #tpu.memory_space<hbm>> -> memref<1000x2x128xf32, #tpu.memory_space<hbm>>
    tpu.enqueue_indirect_dma source(%dma_start3A_142 : memref<1000x2x128xf32, #tpu.memory_space<hbm>>) target(%arg25 : memref<32x2x128xf32, #tpu.memory_space<vmem>>) offsets(%dma_start3A_138 : memref<32xi32, #tpu.memory_space<vmem>>) semaphore(%arg31 : memref<!tpu.dma_semaphore, #tpu.memory_space<semaphore_mem>>)
    %add3A_143 = arith.constant 32 : i32
    %add3A_144 = arith.addi %mul3A_4, %add3A_143 : i32
    %dma_wait3A_145 = arith.constant 0 : i32
    %dma_wait3A_146 = arith.constant 0 : i32
    %dma_wait3A_147 = arith.constant 0 : i32
    %dma_wait3A_148 = arith.constant 0 : i32
    %dma_wait3A_149 = tpu.memref_slice %arg4[%dma_wait3A_145, %dma_wait3A_146, %dma_wait3A_147, %dma_wait3A_148] : memref<100x2x2x128xf32, #tpu.memory_space<hbm>> -> memref<32x2x2x128xf32, #tpu.memory_space<hbm>>
    %dma_wait3A_150 = arith.constant 0 : i32
    %dma_wait3A_151 = arith.constant 0 : i32
    %dma_wait3A_152 = arith.constant 0 : i32
    %dma_wait3A_153 = arith.constant 0 : i32
    %dma_wait3A_154 = tpu.memref_slice %arg4[%dma_wait3A_150, %dma_wait3A_151, %dma_wait3A_152, %dma_wait3A_153] : memref<100x2x2x128xf32, #tpu.memory_space<hbm>> -> memref<32x2x2x128xf32, #tpu.memory_space<hbm>>
    tpu.wait_dma2 semaphore(%arg27 : memref<!tpu.dma_semaphore, #tpu.memory_space<semaphore_mem>>) src(%dma_wait3A_154 : memref<32x2x2x128xf32, #tpu.memory_space<hbm>>) dst(%arg18 : memref<32x2x2x128xf32, #tpu.memory_space<vmem>>)
    %dma_start3A_155 = arith.constant 0 : i32
    %dma_start3A_156 = arith.constant 0 : i32
    %dma_start3A_157 = arith.constant 0 : i32
    %dma_start3A_158 = arith.constant 0 : i32
    %dma_start3A_159 = tpu.memref_slice %arg8[%dma_start3A_155, %add3A_144, %dma_start3A_156, %dma_start3A_157, %dma_start3A_158] : memref<1x4096x2x2x128xf32, #tpu.memory_space<hbm>> -> memref<1x32x2x2x128xf32, #tpu.memory_space<hbm>>
    %dma_start3A_160 = tpu.memref_squeeze %dma_start3A_159 : memref<1x32x2x2x128xf32, #tpu.memory_space<hbm>> -> memref<32x2x2x128xf32, #tpu.memory_space<hbm>>
    %dma_start3A_161 = arith.constant 0 : i32
    %dma_start3A_162 = arith.constant 0 : i32
    %dma_start3A_163 = arith.constant 0 : i32
    %dma_start3A_164 = tpu.memref_slice %arg8[%dma_start3A_155, %add3A_144, %dma_start3A_161, %dma_start3A_162, %dma_start3A_163] : memref<1x4096x2x2x128xf32, #tpu.memory_space<hbm>> -> memref<1x32x2x2x128xf32, #tpu.memory_space<hbm>>
    %dma_start3A_165 = tpu.memref_squeeze %dma_start3A_164 : memref<1x32x2x2x128xf32, #tpu.memory_space<hbm>> -> memref<32x2x2x128xf32, #tpu.memory_space<hbm>>
    tpu.enqueue_dma source(%arg18 : memref<32x2x2x128xf32, #tpu.memory_space<vmem>>) target(%dma_start3A_165 : memref<32x2x2x128xf32, #tpu.memory_space<hbm>>) target_semaphore(%arg33 : memref<!tpu.dma_semaphore, #tpu.memory_space<semaphore_mem>>)
    %dma_wait3A_166 = arith.constant 0 : i32
    %dma_wait3A_167 = arith.constant 0 : i32
    %dma_wait3A_168 = arith.constant 0 : i32
    %dma_wait3A_169 = tpu.memref_slice %arg5[%dma_wait3A_166, %dma_wait3A_167, %dma_wait3A_168] : memref<1000x2x128xf32, #tpu.memory_space<hbm>> -> memref<32x2x128xf32, #tpu.memory_space<hbm>>
    %dma_wait3A_170 = arith.constant 0 : i32
    %dma_wait3A_171 = arith.constant 0 : i32
    %dma_wait3A_172 = arith.constant 0 : i32
    %dma_wait3A_173 = tpu.memref_slice %arg5[%dma_wait3A_170, %dma_wait3A_171, %dma_wait3A_172] : memref<1000x2x128xf32, #tpu.memory_space<hbm>> -> memref<32x2x128xf32, #tpu.memory_space<hbm>>
    tpu.wait_dma2 semaphore(%arg30 : memref<!tpu.dma_semaphore, #tpu.memory_space<semaphore_mem>>) src(%dma_wait3A_173 : memref<32x2x128xf32, #tpu.memory_space<hbm>>) dst(%arg21 : memref<32x2x128xf32, #tpu.memory_space<vmem>>)
    %dma_wait3A_174 = arith.constant 0 : i32
    %dma_wait3A_175 = arith.constant 0 : i32
    %dma_wait3A_176 = arith.constant 0 : i32
    %dma_wait3A_177 = tpu.memref_slice %arg6[%dma_wait3A_174, %dma_wait3A_175, %dma_wait3A_176] : memref<1000x2x128xf32, #tpu.memory_space<hbm>> -> memref<32x2x128xf32, #tpu.memory_space<hbm>>
    %dma_wait3A_178 = arith.constant 0 : i32
    %dma_wait3A_179 = arith.constant 0 : i32
    %dma_wait3A_180 = arith.constant 0 : i32
    %dma_wait3A_181 = tpu.memref_slice %arg6[%dma_wait3A_178, %dma_wait3A_179, %dma_wait3A_180] : memref<1000x2x128xf32, #tpu.memory_space<hbm>> -> memref<32x2x128xf32, #tpu.memory_space<hbm>>
    tpu.wait_dma2 semaphore(%arg30 : memref<!tpu.dma_semaphore, #tpu.memory_space<semaphore_mem>>) src(%dma_wait3A_181 : memref<32x2x128xf32, #tpu.memory_space<hbm>>) dst(%arg24 : memref<32x2x128xf32, #tpu.memory_space<vmem>>)
    %scan3A_182 = arith.constant 0 : i32
    %scan3A_183 = arith.constant 0 : i32
    %scan3A_184 = arith.constant 32 : i32
    %scan3A_185 = arith.addi %scan3A_183, %scan3A_184 : i32
    %scan3A_186 = arith.constant 1 : i32
    scf.for %scan3A_822 = %scan3A_183 to %scan3A_185 step %scan3A_186  : i32 {
      %get3A = arith.constant 0 : i32
      %get3A_823 = arith.index_cast %scan3A_822 : i32 to index
      %get3A_824 = arith.index_cast %get3A : i32 to index
      %get3A_825 = arith.constant 0 : index
      %get3A_826 = tpu.vector_load %arg24[%get3A_823, %get3A_824, %get3A_825] {strides = array<i32>} : memref<32x2x128xf32, #tpu.memory_space<vmem>>, vector<1x1x16xf32>,
      %get3A_827 = vector.shape_cast %get3A_826 : vector<1x1x16xf32> to vector<16xf32>
      %swap3A = arith.constant 0 : i32
      %swap3A_828 = arith.index_cast %scan3A_822 : i32 to index
      %swap3A_829 = arith.index_cast %swap3A : i32 to index
      %swap3A_830 = arith.constant 0 : index
      %swap3A_831 = tpu.vector_load %arg21[%swap3A_828, %swap3A_829, %swap3A_830] {strides = array<i32>} : memref<32x2x128xf32, #tpu.memory_space<vmem>>, vector<1x1x16xf32>,
      %swap3A_832 = vector.shape_cast %swap3A_831 : vector<1x1x16xf32> to vector<16xf32>
      %swap3A_833 = vector.shape_cast %get3A_827 : vector<16xf32> to vector<1x1x16xf32>
      tpu.vector_store %arg21[%swap3A_828, %swap3A_829, %swap3A_830], %swap3A_833 {add = true, strides = array<i32>} : memref<32x2x128xf32, #tpu.memory_space<vmem>>, vector<1x1x16xf32>,
      %get3A_834 = arith.constant 0 : i32
      %get3A_835 = arith.index_cast %scan3A_822 : i32 to index
      %get3A_836 = arith.index_cast %get3A_834 : i32 to index
      %get3A_837 = arith.constant 16 : index
      %get3A_838 = tpu.vector_load %arg24[%get3A_835, %get3A_836, %get3A_837] {strides = array<i32>} : memref<32x2x128xf32, #tpu.memory_space<vmem>>, vector<1x1x16xf32>,
      %get3A_839 = vector.shape_cast %get3A_838 : vector<1x1x16xf32> to vector<16xf32>
      %swap3A_840 = arith.constant 0 : i32
      %swap3A_841 = arith.index_cast %scan3A_822 : i32 to index
      %swap3A_842 = arith.index_cast %swap3A_840 : i32 to index
      %swap3A_843 = arith.constant 16 : index
      %swap3A_844 = tpu.vector_load %arg21[%swap3A_841, %swap3A_842, %swap3A_843] {strides = array<i32>} : memref<32x2x128xf32, #tpu.memory_space<vmem>>, vector<1x1x16xf32>,
      %swap3A_845 = vector.shape_cast %swap3A_844 : vector<1x1x16xf32> to vector<16xf32>
      %swap3A_846 = vector.shape_cast %get3A_839 : vector<16xf32> to vector<1x1x16xf32>
      tpu.vector_store %arg21[%swap3A_841, %swap3A_842, %swap3A_843], %swap3A_846 {add = true, strides = array<i32>} : memref<32x2x128xf32, #tpu.memory_space<vmem>>, vector<1x1x16xf32>,
      %get3A_847 = arith.constant 0 : i32
      %get3A_848 = arith.index_cast %scan3A_822 : i32 to index
      %get3A_849 = arith.index_cast %get3A_847 : i32 to index
      %get3A_850 = arith.constant 32 : index
      %get3A_851 = tpu.vector_load %arg24[%get3A_848, %get3A_849, %get3A_850] {strides = array<i32>} : memref<32x2x128xf32, #tpu.memory_space<vmem>>, vector<1x1x16xf32>,
      %get3A_852 = vector.shape_cast %get3A_851 : vector<1x1x16xf32> to vector<16xf32>
      %swap3A_853 = arith.constant 0 : i32
      %swap3A_854 = arith.index_cast %scan3A_822 : i32 to index
      %swap3A_855 = arith.index_cast %swap3A_853 : i32 to index
      %swap3A_856 = arith.constant 32 : index
      %swap3A_857 = tpu.vector_load %arg21[%swap3A_854, %swap3A_855, %swap3A_856] {strides = array<i32>} : memref<32x2x128xf32, #tpu.memory_space<vmem>>, vector<1x1x16xf32>,
      %swap3A_858 = vector.shape_cast %swap3A_857 : vector<1x1x16xf32> to vector<16xf32>
      %swap3A_859 = vector.shape_cast %get3A_852 : vector<16xf32> to vector<1x1x16xf32>
      tpu.vector_store %arg21[%swap3A_854, %swap3A_855, %swap3A_856], %swap3A_859 {add = true, strides = array<i32>} : memref<32x2x128xf32, #tpu.memory_space<vmem>>, vector<1x1x16xf32>,
      %get3A_860 = arith.constant 0 : i32
      %get3A_861 = arith.index_cast %scan3A_822 : i32 to index
      %get3A_862 = arith.index_cast %get3A_860 : i32 to index
      %get3A_863 = arith.constant 48 : index
      %get3A_864 = tpu.vector_load %arg24[%get3A_861, %get3A_862, %get3A_863] {strides = array<i32>} : memref<32x2x128xf32, #tpu.memory_space<vmem>>, vector<1x1x16xf32>,
      %get3A_865 = vector.shape_cast %get3A_864 : vector<1x1x16xf32> to vector<16xf32>
      %swap3A_866 = arith.constant 0 : i32
      %swap3A_867 = arith.index_cast %scan3A_822 : i32 to index
      %swap3A_868 = arith.index_cast %swap3A_866 : i32 to index
      %swap3A_869 = arith.constant 48 : index
      %swap3A_870 = tpu.vector_load %arg21[%swap3A_867, %swap3A_868, %swap3A_869] {strides = array<i32>} : memref<32x2x128xf32, #tpu.memory_space<vmem>>, vector<1x1x16xf32>,
      %swap3A_871 = vector.shape_cast %swap3A_870 : vector<1x1x16xf32> to vector<16xf32>
      %swap3A_872 = vector.shape_cast %get3A_865 : vector<16xf32> to vector<1x1x16xf32>
      tpu.vector_store %arg21[%swap3A_867, %swap3A_868, %swap3A_869], %swap3A_872 {add = true, strides = array<i32>} : memref<32x2x128xf32, #tpu.memory_space<vmem>>, vector<1x1x16xf32>,
      %get3A_873 = arith.constant 0 : i32
      %get3A_874 = arith.index_cast %scan3A_822 : i32 to index
      %get3A_875 = arith.index_cast %get3A_873 : i32 to index
      %get3A_876 = arith.constant 64 : index
      %get3A_877 = tpu.vector_load %arg24[%get3A_874, %get3A_875, %get3A_876] {strides = array<i32>} : memref<32x2x128xf32, #tpu.memory_space<vmem>>, vector<1x1x16xf32>,
      %get3A_878 = vector.shape_cast %get3A_877 : vector<1x1x16xf32> to vector<16xf32>
      %swap3A_879 = arith.constant 0 : i32
      %swap3A_880 = arith.index_cast %scan3A_822 : i32 to index
      %swap3A_881 = arith.index_cast %swap3A_879 : i32 to index
      %swap3A_882 = arith.constant 64 : index
      %swap3A_883 = tpu.vector_load %arg21[%swap3A_880, %swap3A_881, %swap3A_882] {strides = array<i32>} : memref<32x2x128xf32, #tpu.memory_space<vmem>>, vector<1x1x16xf32>,
      %swap3A_884 = vector.shape_cast %swap3A_883 : vector<1x1x16xf32> to vector<16xf32>
      %swap3A_885 = vector.shape_cast %get3A_878 : vector<16xf32> to vector<1x1x16xf32>
      tpu.vector_store %arg21[%swap3A_880, %swap3A_881, %swap3A_882], %swap3A_885 {add = true, strides = array<i32>} : memref<32x2x128xf32, #tpu.memory_space<vmem>>, vector<1x1x16xf32>,
      %get3A_886 = arith.constant 0 : i32
      %get3A_887 = arith.index_cast %scan3A_822 : i32 to index
      %get3A_888 = arith.index_cast %get3A_886 : i32 to index
      %get3A_889 = arith.constant 80 : index
      %get3A_890 = tpu.vector_load %arg24[%get3A_887, %get3A_888, %get3A_889] {strides = array<i32>} : memref<32x2x128xf32, #tpu.memory_space<vmem>>, vector<1x1x16xf32>,
      %get3A_891 = vector.shape_cast %get3A_890 : vector<1x1x16xf32> to vector<16xf32>
      %swap3A_892 = arith.constant 0 : i32
      %swap3A_893 = arith.index_cast %scan3A_822 : i32 to index
      %swap3A_894 = arith.index_cast %swap3A_892 : i32 to index
      %swap3A_895 = arith.constant 80 : index
      %swap3A_896 = tpu.vector_load %arg21[%swap3A_893, %swap3A_894, %swap3A_895] {strides = array<i32>} : memref<32x2x128xf32, #tpu.memory_space<vmem>>, vector<1x1x16xf32>,
      %swap3A_897 = vector.shape_cast %swap3A_896 : vector<1x1x16xf32> to vector<16xf32>
      %swap3A_898 = vector.shape_cast %get3A_891 : vector<16xf32> to vector<1x1x16xf32>
      tpu.vector_store %arg21[%swap3A_893, %swap3A_894, %swap3A_895], %swap3A_898 {add = true, strides = array<i32>} : memref<32x2x128xf32, #tpu.memory_space<vmem>>, vector<1x1x16xf32>,
      %get3A_899 = arith.constant 0 : i32
      %get3A_900 = arith.index_cast %scan3A_822 : i32 to index
      %get3A_901 = arith.index_cast %get3A_899 : i32 to index
      %get3A_902 = arith.constant 96 : index
      %get3A_903 = tpu.vector_load %arg24[%get3A_900, %get3A_901, %get3A_902] {strides = array<i32>} : memref<32x2x128xf32, #tpu.memory_space<vmem>>, vector<1x1x16xf32>,
      %get3A_904 = vector.shape_cast %get3A_903 : vector<1x1x16xf32> to vector<16xf32>
      %swap3A_905 = arith.constant 0 : i32
      %swap3A_906 = arith.index_cast %scan3A_822 : i32 to index
      %swap3A_907 = arith.index_cast %swap3A_905 : i32 to index
      %swap3A_908 = arith.constant 96 : index
      %swap3A_909 = tpu.vector_load %arg21[%swap3A_906, %swap3A_907, %swap3A_908] {strides = array<i32>} : memref<32x2x128xf32, #tpu.memory_space<vmem>>, vector<1x1x16xf32>,
      %swap3A_910 = vector.shape_cast %swap3A_909 : vector<1x1x16xf32> to vector<16xf32>
      %swap3A_911 = vector.shape_cast %get3A_904 : vector<16xf32> to vector<1x1x16xf32>
      tpu.vector_store %arg21[%swap3A_906, %swap3A_907, %swap3A_908], %swap3A_911 {add = true, strides = array<i32>} : memref<32x2x128xf32, #tpu.memory_space<vmem>>, vector<1x1x16xf32>,
      %get3A_912 = arith.constant 0 : i32
      %get3A_913 = arith.index_cast %scan3A_822 : i32 to index
      %get3A_914 = arith.index_cast %get3A_912 : i32 to index
      %get3A_915 = arith.constant 112 : index
      %get3A_916 = tpu.vector_load %arg24[%get3A_913, %get3A_914, %get3A_915] {strides = array<i32>} : memref<32x2x128xf32, #tpu.memory_space<vmem>>, vector<1x1x16xf32>,
      %get3A_917 = vector.shape_cast %get3A_916 : vector<1x1x16xf32> to vector<16xf32>
      %swap3A_918 = arith.constant 0 : i32
      %swap3A_919 = arith.index_cast %scan3A_822 : i32 to index
      %swap3A_920 = arith.index_cast %swap3A_918 : i32 to index
      %swap3A_921 = arith.constant 112 : index
      %swap3A_922 = tpu.vector_load %arg21[%swap3A_919, %swap3A_920, %swap3A_921] {strides = array<i32>} : memref<32x2x128xf32, #tpu.memory_space<vmem>>, vector<1x1x16xf32>,
      %swap3A_923 = vector.shape_cast %swap3A_922 : vector<1x1x16xf32> to vector<16xf32>
      %swap3A_924 = vector.shape_cast %get3A_917 : vector<16xf32> to vector<1x1x16xf32>
      tpu.vector_store %arg21[%swap3A_919, %swap3A_920, %swap3A_921], %swap3A_924 {add = true, strides = array<i32>} : memref<32x2x128xf32, #tpu.memory_space<vmem>>, vector<1x1x16xf32>,
      %get3A_925 = arith.constant 1 : i32
      %get3A_926 = arith.index_cast %scan3A_822 : i32 to index
      %get3A_927 = arith.index_cast %get3A_925 : i32 to index
      %get3A_928 = arith.constant 0 : index
      %get3A_929 = tpu.vector_load %arg24[%get3A_926, %get3A_927, %get3A_928] {strides = array<i32>} : memref<32x2x128xf32, #tpu.memory_space<vmem>>, vector<1x1x16xf32>,
      %get3A_930 = vector.shape_cast %get3A_929 : vector<1x1x16xf32> to vector<16xf32>
      %swap3A_931 = arith.constant 1 : i32
      %swap3A_932 = arith.index_cast %scan3A_822 : i32 to index
      %swap3A_933 = arith.index_cast %swap3A_931 : i32 to index
      %swap3A_934 = arith.constant 0 : index
      %swap3A_935 = tpu.vector_load %arg21[%swap3A_932, %swap3A_933, %swap3A_934] {strides = array<i32>} : memref<32x2x128xf32, #tpu.memory_space<vmem>>, vector<1x1x16xf32>,
      %swap3A_936 = vector.shape_cast %swap3A_935 : vector<1x1x16xf32> to vector<16xf32>
      %swap3A_937 = vector.shape_cast %get3A_930 : vector<16xf32> to vector<1x1x16xf32>
      tpu.vector_store %arg21[%swap3A_932, %swap3A_933, %swap3A_934], %swap3A_937 {add = true, strides = array<i32>} : memref<32x2x128xf32, #tpu.memory_space<vmem>>, vector<1x1x16xf32>,
      %get3A_938 = arith.constant 1 : i32
      %get3A_939 = arith.index_cast %scan3A_822 : i32 to index
      %get3A_940 = arith.index_cast %get3A_938 : i32 to index
      %get3A_941 = arith.constant 16 : index
      %get3A_942 = tpu.vector_load %arg24[%get3A_939, %get3A_940, %get3A_941] {strides = array<i32>} : memref<32x2x128xf32, #tpu.memory_space<vmem>>, vector<1x1x16xf32>,
      %get3A_943 = vector.shape_cast %get3A_942 : vector<1x1x16xf32> to vector<16xf32>
      %swap3A_944 = arith.constant 1 : i32
      %swap3A_945 = arith.index_cast %scan3A_822 : i32 to index
      %swap3A_946 = arith.index_cast %swap3A_944 : i32 to index
      %swap3A_947 = arith.constant 16 : index
      %swap3A_948 = tpu.vector_load %arg21[%swap3A_945, %swap3A_946, %swap3A_947] {strides = array<i32>} : memref<32x2x128xf32, #tpu.memory_space<vmem>>, vector<1x1x16xf32>,
      %swap3A_949 = vector.shape_cast %swap3A_948 : vector<1x1x16xf32> to vector<16xf32>
      %swap3A_950 = vector.shape_cast %get3A_943 : vector<16xf32> to vector<1x1x16xf32>
      tpu.vector_store %arg21[%swap3A_945, %swap3A_946, %swap3A_947], %swap3A_950 {add = true, strides = array<i32>} : memref<32x2x128xf32, #tpu.memory_space<vmem>>, vector<1x1x16xf32>,
      %get3A_951 = arith.constant 1 : i32
      %get3A_952 = arith.index_cast %scan3A_822 : i32 to index
      %get3A_953 = arith.index_cast %get3A_951 : i32 to index
      %get3A_954 = arith.constant 32 : index
      %get3A_955 = tpu.vector_load %arg24[%get3A_952, %get3A_953, %get3A_954] {strides = array<i32>} : memref<32x2x128xf32, #tpu.memory_space<vmem>>, vector<1x1x16xf32>,
      %get3A_956 = vector.shape_cast %get3A_955 : vector<1x1x16xf32> to vector<16xf32>
      %swap3A_957 = arith.constant 1 : i32
      %swap3A_958 = arith.index_cast %scan3A_822 : i32 to index
      %swap3A_959 = arith.index_cast %swap3A_957 : i32 to index
      %swap3A_960 = arith.constant 32 : index
      %swap3A_961 = tpu.vector_load %arg21[%swap3A_958, %swap3A_959, %swap3A_960] {strides = array<i32>} : memref<32x2x128xf32, #tpu.memory_space<vmem>>, vector<1x1x16xf32>,
      %swap3A_962 = vector.shape_cast %swap3A_961 : vector<1x1x16xf32> to vector<16xf32>
      %swap3A_963 = vector.shape_cast %get3A_956 : vector<16xf32> to vector<1x1x16xf32>
      tpu.vector_store %arg21[%swap3A_958, %swap3A_959, %swap3A_960], %swap3A_963 {add = true, strides = array<i32>} : memref<32x2x128xf32, #tpu.memory_space<vmem>>, vector<1x1x16xf32>,
      %get3A_964 = arith.constant 1 : i32
      %get3A_965 = arith.index_cast %scan3A_822 : i32 to index
      %get3A_966 = arith.index_cast %get3A_964 : i32 to index
      %get3A_967 = arith.constant 48 : index
      %get3A_968 = tpu.vector_load %arg24[%get3A_965, %get3A_966, %get3A_967] {strides = array<i32>} : memref<32x2x128xf32, #tpu.memory_space<vmem>>, vector<1x1x16xf32>,
      %get3A_969 = vector.shape_cast %get3A_968 : vector<1x1x16xf32> to vector<16xf32>
      %swap3A_970 = arith.constant 1 : i32
      %swap3A_971 = arith.index_cast %scan3A_822 : i32 to index
      %swap3A_972 = arith.index_cast %swap3A_970 : i32 to index
      %swap3A_973 = arith.constant 48 : index
      %swap3A_974 = tpu.vector_load %arg21[%swap3A_971, %swap3A_972, %swap3A_973] {strides = array<i32>} : memref<32x2x128xf32, #tpu.memory_space<vmem>>, vector<1x1x16xf32>,
      %swap3A_975 = vector.shape_cast %swap3A_974 : vector<1x1x16xf32> to vector<16xf32>
      %swap3A_976 = vector.shape_cast %get3A_969 : vector<16xf32> to vector<1x1x16xf32>
      tpu.vector_store %arg21[%swap3A_971, %swap3A_972, %swap3A_973], %swap3A_976 {add = true, strides = array<i32>} : memref<32x2x128xf32, #tpu.memory_space<vmem>>, vector<1x1x16xf32>,
      %get3A_977 = arith.constant 1 : i32
      %get3A_978 = arith.index_cast %scan3A_822 : i32 to index
      %get3A_979 = arith.index_cast %get3A_977 : i32 to index
      %get3A_980 = arith.constant 64 : index
      %get3A_981 = tpu.vector_load %arg24[%get3A_978, %get3A_979, %get3A_980] {strides = array<i32>} : memref<32x2x128xf32, #tpu.memory_space<vmem>>, vector<1x1x16xf32>,
      %get3A_982 = vector.shape_cast %get3A_981 : vector<1x1x16xf32> to vector<16xf32>
      %swap3A_983 = arith.constant 1 : i32
      %swap3A_984 = arith.index_cast %scan3A_822 : i32 to index
      %swap3A_985 = arith.index_cast %swap3A_983 : i32 to index
      %swap3A_986 = arith.constant 64 : index
      %swap3A_987 = tpu.vector_load %arg21[%swap3A_984, %swap3A_985, %swap3A_986] {strides = array<i32>} : memref<32x2x128xf32, #tpu.memory_space<vmem>>, vector<1x1x16xf32>,
      %swap3A_988 = vector.shape_cast %swap3A_987 : vector<1x1x16xf32> to vector<16xf32>
      %swap3A_989 = vector.shape_cast %get3A_982 : vector<16xf32> to vector<1x1x16xf32>
      tpu.vector_store %arg21[%swap3A_984, %swap3A_985, %swap3A_986], %swap3A_989 {add = true, strides = array<i32>} : memref<32x2x128xf32, #tpu.memory_space<vmem>>, vector<1x1x16xf32>,
      %get3A_990 = arith.constant 1 : i32
      %get3A_991 = arith.index_cast %scan3A_822 : i32 to index
      %get3A_992 = arith.index_cast %get3A_990 : i32 to index
      %get3A_993 = arith.constant 80 : index
      %get3A_994 = tpu.vector_load %arg24[%get3A_991, %get3A_992, %get3A_993] {strides = array<i32>} : memref<32x2x128xf32, #tpu.memory_space<vmem>>, vector<1x1x16xf32>,
      %get3A_995 = vector.shape_cast %get3A_994 : vector<1x1x16xf32> to vector<16xf32>
      %swap3A_996 = arith.constant 1 : i32
      %swap3A_997 = arith.index_cast %scan3A_822 : i32 to index
      %swap3A_998 = arith.index_cast %swap3A_996 : i32 to index
      %swap3A_999 = arith.constant 80 : index
      %swap3A_1000 = tpu.vector_load %arg21[%swap3A_997, %swap3A_998, %swap3A_999] {strides = array<i32>} : memref<32x2x128xf32, #tpu.memory_space<vmem>>, vector<1x1x16xf32>,
      %swap3A_1001 = vector.shape_cast %swap3A_1000 : vector<1x1x16xf32> to vector<16xf32>
      %swap3A_1002 = vector.shape_cast %get3A_995 : vector<16xf32> to vector<1x1x16xf32>
      tpu.vector_store %arg21[%swap3A_997, %swap3A_998, %swap3A_999], %swap3A_1002 {add = true, strides = array<i32>} : memref<32x2x128xf32, #tpu.memory_space<vmem>>, vector<1x1x16xf32>,
      %get3A_1003 = arith.constant 1 : i32
      %get3A_1004 = arith.index_cast %scan3A_822 : i32 to index
      %get3A_1005 = arith.index_cast %get3A_1003 : i32 to index
      %get3A_1006 = arith.constant 96 : index
      %get3A_1007 = tpu.vector_load %arg24[%get3A_1004, %get3A_1005, %get3A_1006] {strides = array<i32>} : memref<32x2x128xf32, #tpu.memory_space<vmem>>, vector<1x1x16xf32>,
      %get3A_1008 = vector.shape_cast %get3A_1007 : vector<1x1x16xf32> to vector<16xf32>
      %swap3A_1009 = arith.constant 1 : i32
      %swap3A_1010 = arith.index_cast %scan3A_822 : i32 to index
      %swap3A_1011 = arith.index_cast %swap3A_1009 : i32 to index
      %swap3A_1012 = arith.constant 96 : index
      %swap3A_1013 = tpu.vector_load %arg21[%swap3A_1010, %swap3A_1011, %swap3A_1012] {strides = array<i32>} : memref<32x2x128xf32, #tpu.memory_space<vmem>>, vector<1x1x16xf32>,
      %swap3A_1014 = vector.shape_cast %swap3A_1013 : vector<1x1x16xf32> to vector<16xf32>
      %swap3A_1015 = vector.shape_cast %get3A_1008 : vector<16xf32> to vector<1x1x16xf32>
      tpu.vector_store %arg21[%swap3A_1010, %swap3A_1011, %swap3A_1012], %swap3A_1015 {add = true, strides = array<i32>} : memref<32x2x128xf32, #tpu.memory_space<vmem>>, vector<1x1x16xf32>,
      %get3A_1016 = arith.constant 1 : i32
      %get3A_1017 = arith.index_cast %scan3A_822 : i32 to index
      %get3A_1018 = arith.index_cast %get3A_1016 : i32 to index
      %get3A_1019 = arith.constant 112 : index
      %get3A_1020 = tpu.vector_load %arg24[%get3A_1017, %get3A_1018, %get3A_1019] {strides = array<i32>} : memref<32x2x128xf32, #tpu.memory_space<vmem>>, vector<1x1x16xf32>,
      %get3A_1021 = vector.shape_cast %get3A_1020 : vector<1x1x16xf32> to vector<16xf32>
      %swap3A_1022 = arith.constant 1 : i32
      %swap3A_1023 = arith.index_cast %scan3A_822 : i32 to index
      %swap3A_1024 = arith.index_cast %swap3A_1022 : i32 to index
      %swap3A_1025 = arith.constant 112 : index
      %swap3A_1026 = tpu.vector_load %arg21[%swap3A_1023, %swap3A_1024, %swap3A_1025] {strides = array<i32>} : memref<32x2x128xf32, #tpu.memory_space<vmem>>, vector<1x1x16xf32>,
      %swap3A_1027 = vector.shape_cast %swap3A_1026 : vector<1x1x16xf32> to vector<16xf32>
      %swap3A_1028 = vector.shape_cast %get3A_1021 : vector<16xf32> to vector<1x1x16xf32>
      tpu.vector_store %arg21[%swap3A_1023, %swap3A_1024, %swap3A_1025], %swap3A_1028 {add = true, strides = array<i32>} : memref<32x2x128xf32, #tpu.memory_space<vmem>>, vector<1x1x16xf32>,
    }
    %scan3A_187 = arith.constant 32 : i32
    %dma_start3A_188 = arith.constant 0 : i32
    %dma_start3A_189 = arith.constant 0 : i32
    %dma_start3A_190 = arith.constant 0 : i32
    %dma_start3A_191 = tpu.memref_slice %arg7[%dma_start3A_188, %add3A_144, %dma_start3A_189, %dma_start3A_190] : memref<1x4096x2x128xf32, #tpu.memory_space<hbm>> -> memref<1x32x2x128xf32, #tpu.memory_space<hbm>>
    %dma_start3A_192 = tpu.memref_squeeze %dma_start3A_191 : memref<1x32x2x128xf32, #tpu.memory_space<hbm>> -> memref<32x2x128xf32, #tpu.memory_space<hbm>>
    %dma_start3A_193 = arith.constant 0 : i32
    %dma_start3A_194 = arith.constant 0 : i32
    %dma_start3A_195 = tpu.memref_slice %arg7[%dma_start3A_188, %add3A_144, %dma_start3A_193, %dma_start3A_194] : memref<1x4096x2x128xf32, #tpu.memory_space<hbm>> -> memref<1x32x2x128xf32, #tpu.memory_space<hbm>>
    %dma_start3A_196 = tpu.memref_squeeze %dma_start3A_195 : memref<1x32x2x128xf32, #tpu.memory_space<hbm>> -> memref<32x2x128xf32, #tpu.memory_space<hbm>>
    tpu.enqueue_dma source(%arg21 : memref<32x2x128xf32, #tpu.memory_space<vmem>>) target(%dma_start3A_196 : memref<32x2x128xf32, #tpu.memory_space<hbm>>) target_semaphore(%arg33 : memref<!tpu.dma_semaphore, #tpu.memory_space<semaphore_mem>>)
    %dma_wait3A_197 = arith.constant 0 : i32
    %dma_wait3A_198 = arith.constant 0 : i32
    %dma_wait3A_199 = arith.constant 0 : i32
    %dma_wait3A_200 = arith.constant 0 : i32
    %dma_wait3A_201 = arith.constant 0 : i32
    %dma_wait3A_202 = tpu.memref_slice %arg10[%dma_wait3A_197, %dma_wait3A_198, %dma_wait3A_199, %dma_wait3A_200, %dma_wait3A_201] : memref<64x4096x2x2x128xf32, #tpu.memory_space<hbm>> -> memref<1x32x2x2x128xf32, #tpu.memory_space<hbm>>
    %dma_wait3A_203 = tpu.memref_squeeze %dma_wait3A_202 : memref<1x32x2x2x128xf32, #tpu.memory_space<hbm>> -> memref<32x2x2x128xf32, #tpu.memory_space<hbm>>
    %dma_wait3A_204 = arith.constant 0 : i32
    %dma_wait3A_205 = arith.constant 0 : i32
    %dma_wait3A_206 = arith.constant 0 : i32
    %dma_wait3A_207 = arith.constant 0 : i32
    %dma_wait3A_208 = tpu.memref_slice %arg10[%dma_wait3A_197, %dma_wait3A_204, %dma_wait3A_205, %dma_wait3A_206, %dma_wait3A_207] : memref<64x4096x2x2x128xf32, #tpu.memory_space<hbm>> -> memref<1x32x2x2x128xf32, #tpu.memory_space<hbm>>
    %dma_wait3A_209 = tpu.memref_squeeze %dma_wait3A_208 : memref<1x32x2x2x128xf32, #tpu.memory_space<hbm>> -> memref<32x2x2x128xf32, #tpu.memory_space<hbm>>
    tpu.wait_dma2 semaphore(%arg32 : memref<!tpu.dma_semaphore, #tpu.memory_space<semaphore_mem>>) src(%arg17 : memref<32x2x2x128xf32, #tpu.memory_space<vmem>>) dst(%dma_wait3A_209 : memref<32x2x2x128xf32, #tpu.memory_space<hbm>>)
    %dma_wait3A_210 = arith.constant 0 : i32
    %dma_wait3A_211 = arith.constant 0 : i32
    %dma_wait3A_212 = arith.constant 0 : i32
    %dma_wait3A_213 = arith.constant 0 : i32
    %dma_wait3A_214 = tpu.memref_slice %arg9[%dma_wait3A_210, %dma_wait3A_211, %dma_wait3A_212, %dma_wait3A_213] : memref<64x4096x2x128xf32, #tpu.memory_space<hbm>> -> memref<1x32x2x128xf32, #tpu.memory_space<hbm>>
    %dma_wait3A_215 = tpu.memref_squeeze %dma_wait3A_214 : memref<1x32x2x128xf32, #tpu.memory_space<hbm>> -> memref<32x2x128xf32, #tpu.memory_space<hbm>>
    %dma_wait3A_216 = arith.constant 0 : i32
    %dma_wait3A_217 = arith.constant 0 : i32
    %dma_wait3A_218 = arith.constant 0 : i32
    %dma_wait3A_219 = tpu.memref_slice %arg9[%dma_wait3A_210, %dma_wait3A_216, %dma_wait3A_217, %dma_wait3A_218] : memref<64x4096x2x128xf32, #tpu.memory_space<hbm>> -> memref<1x32x2x128xf32, #tpu.memory_space<hbm>>
    %dma_wait3A_220 = tpu.memref_squeeze %dma_wait3A_219 : memref<1x32x2x128xf32, #tpu.memory_space<hbm>> -> memref<32x2x128xf32, #tpu.memory_space<hbm>>
    tpu.wait_dma2 semaphore(%arg32 : memref<!tpu.dma_semaphore, #tpu.memory_space<semaphore_mem>>) src(%arg20 : memref<32x2x128xf32, #tpu.memory_space<vmem>>) dst(%dma_wait3A_220 : memref<32x2x128xf32, #tpu.memory_space<hbm>>)
    %dma_start3A_221 = arith.constant 96 : i32
    %dma_start3A_222 = tpu.memref_slice %arg12[%dma_start3A_221] : memref<128xi32, #tpu.memory_space<vmem>> -> memref<32xi32, #tpu.memory_space<vmem>>
    %dma_start3A_223 = arith.constant 0 : i32
    %dma_start3A_224 = arith.constant 0 : i32
    %dma_start3A_225 = arith.constant 0 : i32
    %dma_start3A_226 = arith.constant 0 : i32
    %dma_start3A_227 = tpu.memref_slice %arg4[%dma_start3A_223, %dma_start3A_224, %dma_start3A_225, %dma_start3A_226] : memref<100x2x2x128xf32, #tpu.memory_space<hbm>> -> memref<100x2x2x128xf32, #tpu.memory_space<hbm>>
    tpu.enqueue_indirect_dma source(%dma_start3A_227 : memref<100x2x2x128xf32, #tpu.memory_space<hbm>>) target(%arg17 : memref<32x2x2x128xf32, #tpu.memory_space<vmem>>) offsets(%dma_start3A_222 : memref<32xi32, #tpu.memory_space<vmem>>) semaphore(%arg26 : memref<!tpu.dma_semaphore, #tpu.memory_space<semaphore_mem>>)
    %dma_start3A_228 = arith.constant 96 : i32
    %dma_start3A_229 = tpu.memref_slice %arg11[%dma_start3A_228] : memref<128xi32, #tpu.memory_space<vmem>> -> memref<32xi32, #tpu.memory_space<vmem>>
    %dma_start3A_230 = arith.constant 0 : i32
    %dma_start3A_231 = arith.constant 0 : i32
    %dma_start3A_232 = arith.constant 0 : i32
    %dma_start3A_233 = tpu.memref_slice %arg5[%dma_start3A_230, %dma_start3A_231, %dma_start3A_232] : memref<1000x2x128xf32, #tpu.memory_space<hbm>> -> memref<1000x2x128xf32, #tpu.memory_space<hbm>>
    tpu.enqueue_indirect_dma source(%dma_start3A_233 : memref<1000x2x128xf32, #tpu.memory_space<hbm>>) target(%arg20 : memref<32x2x128xf32, #tpu.memory_space<vmem>>) offsets(%dma_start3A_229 : memref<32xi32, #tpu.memory_space<vmem>>) semaphore(%arg29 : memref<!tpu.dma_semaphore, #tpu.memory_space<semaphore_mem>>)
    %dma_start3A_234 = arith.constant 96 : i32
    %dma_start3A_235 = tpu.memref_slice %arg13[%dma_start3A_234] : memref<128xi32, #tpu.memory_space<vmem>> -> memref<32xi32, #tpu.memory_space<vmem>>
    %dma_start3A_236 = arith.constant 0 : i32
    %dma_start3A_237 = arith.constant 0 : i32
    %dma_start3A_238 = arith.constant 0 : i32
    %dma_start3A_239 = tpu.memref_slice %arg6[%dma_start3A_236, %dma_start3A_237, %dma_start3A_238] : memref<1000x2x128xf32, #tpu.memory_space<hbm>> -> memref<1000x2x128xf32, #tpu.memory_space<hbm>>
    tpu.enqueue_indirect_dma source(%dma_start3A_239 : memref<1000x2x128xf32, #tpu.memory_space<hbm>>) target(%arg23 : memref<32x2x128xf32, #tpu.memory_space<vmem>>) offsets(%dma_start3A_235 : memref<32xi32, #tpu.memory_space<vmem>>) semaphore(%arg29 : memref<!tpu.dma_semaphore, #tpu.memory_space<semaphore_mem>>)
    %add3A_240 = arith.constant 64 : i32
    %add3A_241 = arith.addi %mul3A_4, %add3A_240 : i32
    %dma_wait3A_242 = arith.constant 0 : i32
    %dma_wait3A_243 = arith.constant 0 : i32
    %dma_wait3A_244 = arith.constant 0 : i32
    %dma_wait3A_245 = arith.constant 0 : i32
    %dma_wait3A_246 = tpu.memref_slice %arg4[%dma_wait3A_242, %dma_wait3A_243, %dma_wait3A_244, %dma_wait3A_245] : memref<100x2x2x128xf32, #tpu.memory_space<hbm>> -> memref<32x2x2x128xf32, #tpu.memory_space<hbm>>
    %dma_wait3A_247 = arith.constant 0 : i32
    %dma_wait3A_248 = arith.constant 0 : i32
    %dma_wait3A_249 = arith.constant 0 : i32
    %dma_wait3A_250 = arith.constant 0 : i32
    %dma_wait3A_251 = tpu.memref_slice %arg4[%dma_wait3A_247, %dma_wait3A_248, %dma_wait3A_249, %dma_wait3A_250] : memref<100x2x2x128xf32, #tpu.memory_space<hbm>> -> memref<32x2x2x128xf32, #tpu.memory_space<hbm>>
    tpu.wait_dma2 semaphore(%arg28 : memref<!tpu.dma_semaphore, #tpu.memory_space<semaphore_mem>>) src(%dma_wait3A_251 : memref<32x2x2x128xf32, #tpu.memory_space<hbm>>) dst(%arg19 : memref<32x2x2x128xf32, #tpu.memory_space<vmem>>)
    %dma_start3A_252 = arith.constant 0 : i32
    %dma_start3A_253 = arith.constant 0 : i32
    %dma_start3A_254 = arith.constant 0 : i32
    %dma_start3A_255 = arith.constant 0 : i32
    %dma_start3A_256 = tpu.memref_slice %arg8[%dma_start3A_252, %add3A_241, %dma_start3A_253, %dma_start3A_254, %dma_start3A_255] : memref<1x4096x2x2x128xf32, #tpu.memory_space<hbm>> -> memref<1x32x2x2x128xf32, #tpu.memory_space<hbm>>
    %dma_start3A_257 = tpu.memref_squeeze %dma_start3A_256 : memref<1x32x2x2x128xf32, #tpu.memory_space<hbm>> -> memref<32x2x2x128xf32, #tpu.memory_space<hbm>>
    %dma_start3A_258 = arith.constant 0 : i32
    %dma_start3A_259 = arith.constant 0 : i32
    %dma_start3A_260 = arith.constant 0 : i32
    %dma_start3A_261 = tpu.memref_slice %arg8[%dma_start3A_252, %add3A_241, %dma_start3A_258, %dma_start3A_259, %dma_start3A_260] : memref<1x4096x2x2x128xf32, #tpu.memory_space<hbm>> -> memref<1x32x2x2x128xf32, #tpu.memory_space<hbm>>
    %dma_start3A_262 = tpu.memref_squeeze %dma_start3A_261 : memref<1x32x2x2x128xf32, #tpu.memory_space<hbm>> -> memref<32x2x2x128xf32, #tpu.memory_space<hbm>>
    tpu.enqueue_dma source(%arg19 : memref<32x2x2x128xf32, #tpu.memory_space<vmem>>) target(%dma_start3A_262 : memref<32x2x2x128xf32, #tpu.memory_space<hbm>>) target_semaphore(%arg34 : memref<!tpu.dma_semaphore, #tpu.memory_space<semaphore_mem>>)
    %dma_wait3A_263 = arith.constant 0 : i32
    %dma_wait3A_264 = arith.constant 0 : i32
    %dma_wait3A_265 = arith.constant 0 : i32
    %dma_wait3A_266 = tpu.memref_slice %arg5[%dma_wait3A_263, %dma_wait3A_264, %dma_wait3A_265] : memref<1000x2x128xf32, #tpu.memory_space<hbm>> -> memref<32x2x128xf32, #tpu.memory_space<hbm>>
    %dma_wait3A_267 = arith.constant 0 : i32
    %dma_wait3A_268 = arith.constant 0 : i32
    %dma_wait3A_269 = arith.constant 0 : i32
    %dma_wait3A_270 = tpu.memref_slice %arg5[%dma_wait3A_267, %dma_wait3A_268, %dma_wait3A_269] : memref<1000x2x128xf32, #tpu.memory_space<hbm>> -> memref<32x2x128xf32, #tpu.memory_space<hbm>>
    tpu.wait_dma2 semaphore(%arg31 : memref<!tpu.dma_semaphore, #tpu.memory_space<semaphore_mem>>) src(%dma_wait3A_270 : memref<32x2x128xf32, #tpu.memory_space<hbm>>) dst(%arg22 : memref<32x2x128xf32, #tpu.memory_space<vmem>>)
    %dma_wait3A_271 = arith.constant 0 : i32
    %dma_wait3A_272 = arith.constant 0 : i32
    %dma_wait3A_273 = arith.constant 0 : i32
    %dma_wait3A_274 = tpu.memref_slice %arg6[%dma_wait3A_271, %dma_wait3A_272, %dma_wait3A_273] : memref<1000x2x128xf32, #tpu.memory_space<hbm>> -> memref<32x2x128xf32, #tpu.memory_space<hbm>>
    %dma_wait3A_275 = arith.constant 0 : i32
    %dma_wait3A_276 = arith.constant 0 : i32
    %dma_wait3A_277 = arith.constant 0 : i32
    %dma_wait3A_278 = tpu.memref_slice %arg6[%dma_wait3A_275, %dma_wait3A_276, %dma_wait3A_277] : memref<1000x2x128xf32, #tpu.memory_space<hbm>> -> memref<32x2x128xf32, #tpu.memory_space<hbm>>
    tpu.wait_dma2 semaphore(%arg31 : memref<!tpu.dma_semaphore, #tpu.memory_space<semaphore_mem>>) src(%dma_wait3A_278 : memref<32x2x128xf32, #tpu.memory_space<hbm>>) dst(%arg25 : memref<32x2x128xf32, #tpu.memory_space<vmem>>)
    %scan3A_279 = arith.constant 0 : i32
    %scan3A_280 = arith.constant 0 : i32
    %scan3A_281 = arith.constant 32 : i32
    %scan3A_282 = arith.addi %scan3A_280, %scan3A_281 : i32
    %scan3A_283 = arith.constant 1 : i32
    scf.for %scan3A_822 = %scan3A_280 to %scan3A_282 step %scan3A_283  : i32 {
      %get3A = arith.constant 0 : i32
      %get3A_823 = arith.index_cast %scan3A_822 : i32 to index
      %get3A_824 = arith.index_cast %get3A : i32 to index
      %get3A_825 = arith.constant 0 : index
      %get3A_826 = tpu.vector_load %arg25[%get3A_823, %get3A_824, %get3A_825] {strides = array<i32>} : memref<32x2x128xf32, #tpu.memory_space<vmem>>, vector<1x1x16xf32>,
      %get3A_827 = vector.shape_cast %get3A_826 : vector<1x1x16xf32> to vector<16xf32>
      %swap3A = arith.constant 0 : i32
      %swap3A_828 = arith.index_cast %scan3A_822 : i32 to index
      %swap3A_829 = arith.index_cast %swap3A : i32 to index
      %swap3A_830 = arith.constant 0 : index
      %swap3A_831 = tpu.vector_load %arg22[%swap3A_828, %swap3A_829, %swap3A_830] {strides = array<i32>} : memref<32x2x128xf32, #tpu.memory_space<vmem>>, vector<1x1x16xf32>,
      %swap3A_832 = vector.shape_cast %swap3A_831 : vector<1x1x16xf32> to vector<16xf32>
      %swap3A_833 = vector.shape_cast %get3A_827 : vector<16xf32> to vector<1x1x16xf32>
      tpu.vector_store %arg22[%swap3A_828, %swap3A_829, %swap3A_830], %swap3A_833 {add = true, strides = array<i32>} : memref<32x2x128xf32, #tpu.memory_space<vmem>>, vector<1x1x16xf32>,
      %get3A_834 = arith.constant 0 : i32
      %get3A_835 = arith.index_cast %scan3A_822 : i32 to index
      %get3A_836 = arith.index_cast %get3A_834 : i32 to index
      %get3A_837 = arith.constant 16 : index
      %get3A_838 = tpu.vector_load %arg25[%get3A_835, %get3A_836, %get3A_837] {strides = array<i32>} : memref<32x2x128xf32, #tpu.memory_space<vmem>>, vector<1x1x16xf32>,
      %get3A_839 = vector.shape_cast %get3A_838 : vector<1x1x16xf32> to vector<16xf32>
      %swap3A_840 = arith.constant 0 : i32
      %swap3A_841 = arith.index_cast %scan3A_822 : i32 to index
      %swap3A_842 = arith.index_cast %swap3A_840 : i32 to index
      %swap3A_843 = arith.constant 16 : index
      %swap3A_844 = tpu.vector_load %arg22[%swap3A_841, %swap3A_842, %swap3A_843] {strides = array<i32>} : memref<32x2x128xf32, #tpu.memory_space<vmem>>, vector<1x1x16xf32>,
      %swap3A_845 = vector.shape_cast %swap3A_844 : vector<1x1x16xf32> to vector<16xf32>
      %swap3A_846 = vector.shape_cast %get3A_839 : vector<16xf32> to vector<1x1x16xf32>
      tpu.vector_store %arg22[%swap3A_841, %swap3A_842, %swap3A_843], %swap3A_846 {add = true, strides = array<i32>} : memref<32x2x128xf32, #tpu.memory_space<vmem>>, vector<1x1x16xf32>,
      %get3A_847 = arith.constant 0 : i32
      %get3A_848 = arith.index_cast %scan3A_822 : i32 to index
      %get3A_849 = arith.index_cast %get3A_847 : i32 to index
      %get3A_850 = arith.constant 32 : index
      %get3A_851 = tpu.vector_load %arg25[%get3A_848, %get3A_849, %get3A_850] {strides = array<i32>} : memref<32x2x128xf32, #tpu.memory_space<vmem>>, vector<1x1x16xf32>,
      %get3A_852 = vector.shape_cast %get3A_851 : vector<1x1x16xf32> to vector<16xf32>
      %swap3A_853 = arith.constant 0 : i32
      %swap3A_854 = arith.index_cast %scan3A_822 : i32 to index
      %swap3A_855 = arith.index_cast %swap3A_853 : i32 to index
      %swap3A_856 = arith.constant 32 : index
      %swap3A_857 = tpu.vector_load %arg22[%swap3A_854, %swap3A_855, %swap3A_856] {strides = array<i32>} : memref<32x2x128xf32, #tpu.memory_space<vmem>>, vector<1x1x16xf32>,
      %swap3A_858 = vector.shape_cast %swap3A_857 : vector<1x1x16xf32> to vector<16xf32>
      %swap3A_859 = vector.shape_cast %get3A_852 : vector<16xf32> to vector<1x1x16xf32>
      tpu.vector_store %arg22[%swap3A_854, %swap3A_855, %swap3A_856], %swap3A_859 {add = true, strides = array<i32>} : memref<32x2x128xf32, #tpu.memory_space<vmem>>, vector<1x1x16xf32>,
      %get3A_860 = arith.constant 0 : i32
      %get3A_861 = arith.index_cast %scan3A_822 : i32 to index
      %get3A_862 = arith.index_cast %get3A_860 : i32 to index
      %get3A_863 = arith.constant 48 : index
      %get3A_864 = tpu.vector_load %arg25[%get3A_861, %get3A_862, %get3A_863] {strides = array<i32>} : memref<32x2x128xf32, #tpu.memory_space<vmem>>, vector<1x1x16xf32>,
      %get3A_865 = vector.shape_cast %get3A_864 : vector<1x1x16xf32> to vector<16xf32>
      %swap3A_866 = arith.constant 0 : i32
      %swap3A_867 = arith.index_cast %scan3A_822 : i32 to index
      %swap3A_868 = arith.index_cast %swap3A_866 : i32 to index
      %swap3A_869 = arith.constant 48 : index
      %swap3A_870 = tpu.vector_load %arg22[%swap3A_867, %swap3A_868, %swap3A_869] {strides = array<i32>} : memref<32x2x128xf32, #tpu.memory_space<vmem>>, vector<1x1x16xf32>,
      %swap3A_871 = vector.shape_cast %swap3A_870 : vector<1x1x16xf32> to vector<16xf32>
      %swap3A_872 = vector.shape_cast %get3A_865 : vector<16xf32> to vector<1x1x16xf32>
      tpu.vector_store %arg22[%swap3A_867, %swap3A_868, %swap3A_869], %swap3A_872 {add = true, strides = array<i32>} : memref<32x2x128xf32, #tpu.memory_space<vmem>>, vector<1x1x16xf32>,
      %get3A_873 = arith.constant 0 : i32
      %get3A_874 = arith.index_cast %scan3A_822 : i32 to index
      %get3A_875 = arith.index_cast %get3A_873 : i32 to index
      %get3A_876 = arith.constant 64 : index
      %get3A_877 = tpu.vector_load %arg25[%get3A_874, %get3A_875, %get3A_876] {strides = array<i32>} : memref<32x2x128xf32, #tpu.memory_space<vmem>>, vector<1x1x16xf32>,
      %get3A_878 = vector.shape_cast %get3A_877 : vector<1x1x16xf32> to vector<16xf32>
      %swap3A_879 = arith.constant 0 : i32
      %swap3A_880 = arith.index_cast %scan3A_822 : i32 to index
      %swap3A_881 = arith.index_cast %swap3A_879 : i32 to index
      %swap3A_882 = arith.constant 64 : index
      %swap3A_883 = tpu.vector_load %arg22[%swap3A_880, %swap3A_881, %swap3A_882] {strides = array<i32>} : memref<32x2x128xf32, #tpu.memory_space<vmem>>, vector<1x1x16xf32>,
      %swap3A_884 = vector.shape_cast %swap3A_883 : vector<1x1x16xf32> to vector<16xf32>
      %swap3A_885 = vector.shape_cast %get3A_878 : vector<16xf32> to vector<1x1x16xf32>
      tpu.vector_store %arg22[%swap3A_880, %swap3A_881, %swap3A_882], %swap3A_885 {add = true, strides = array<i32>} : memref<32x2x128xf32, #tpu.memory_space<vmem>>, vector<1x1x16xf32>,
      %get3A_886 = arith.constant 0 : i32
      %get3A_887 = arith.index_cast %scan3A_822 : i32 to index
      %get3A_888 = arith.index_cast %get3A_886 : i32 to index
      %get3A_889 = arith.constant 80 : index
      %get3A_890 = tpu.vector_load %arg25[%get3A_887, %get3A_888, %get3A_889] {strides = array<i32>} : memref<32x2x128xf32, #tpu.memory_space<vmem>>, vector<1x1x16xf32>,
      %get3A_891 = vector.shape_cast %get3A_890 : vector<1x1x16xf32> to vector<16xf32>
      %swap3A_892 = arith.constant 0 : i32
      %swap3A_893 = arith.index_cast %scan3A_822 : i32 to index
      %swap3A_894 = arith.index_cast %swap3A_892 : i32 to index
      %swap3A_895 = arith.constant 80 : index
      %swap3A_896 = tpu.vector_load %arg22[%swap3A_893, %swap3A_894, %swap3A_895] {strides = array<i32>} : memref<32x2x128xf32, #tpu.memory_space<vmem>>, vector<1x1x16xf32>,
      %swap3A_897 = vector.shape_cast %swap3A_896 : vector<1x1x16xf32> to vector<16xf32>
      %swap3A_898 = vector.shape_cast %get3A_891 : vector<16xf32> to vector<1x1x16xf32>
      tpu.vector_store %arg22[%swap3A_893, %swap3A_894, %swap3A_895], %swap3A_898 {add = true, strides = array<i32>} : memref<32x2x128xf32, #tpu.memory_space<vmem>>, vector<1x1x16xf32>,
      %get3A_899 = arith.constant 0 : i32
      %get3A_900 = arith.index_cast %scan3A_822 : i32 to index
      %get3A_901 = arith.index_cast %get3A_899 : i32 to index
      %get3A_902 = arith.constant 96 : index
      %get3A_903 = tpu.vector_load %arg25[%get3A_900, %get3A_901, %get3A_902] {strides = array<i32>} : memref<32x2x128xf32, #tpu.memory_space<vmem>>, vector<1x1x16xf32>,
      %get3A_904 = vector.shape_cast %get3A_903 : vector<1x1x16xf32> to vector<16xf32>
      %swap3A_905 = arith.constant 0 : i32
      %swap3A_906 = arith.index_cast %scan3A_822 : i32 to index
      %swap3A_907 = arith.index_cast %swap3A_905 : i32 to index
      %swap3A_908 = arith.constant 96 : index
      %swap3A_909 = tpu.vector_load %arg22[%swap3A_906, %swap3A_907, %swap3A_908] {strides = array<i32>} : memref<32x2x128xf32, #tpu.memory_space<vmem>>, vector<1x1x16xf32>,
      %swap3A_910 = vector.shape_cast %swap3A_909 : vector<1x1x16xf32> to vector<16xf32>
      %swap3A_911 = vector.shape_cast %get3A_904 : vector<16xf32> to vector<1x1x16xf32>
      tpu.vector_store %arg22[%swap3A_906, %swap3A_907, %swap3A_908], %swap3A_911 {add = true, strides = array<i32>} : memref<32x2x128xf32, #tpu.memory_space<vmem>>, vector<1x1x16xf32>,
      %get3A_912 = arith.constant 0 : i32
      %get3A_913 = arith.index_cast %scan3A_822 : i32 to index
      %get3A_914 = arith.index_cast %get3A_912 : i32 to index
      %get3A_915 = arith.constant 112 : index
      %get3A_916 = tpu.vector_load %arg25[%get3A_913, %get3A_914, %get3A_915] {strides = array<i32>} : memref<32x2x128xf32, #tpu.memory_space<vmem>>, vector<1x1x16xf32>,
      %get3A_917 = vector.shape_cast %get3A_916 : vector<1x1x16xf32> to vector<16xf32>
      %swap3A_918 = arith.constant 0 : i32
      %swap3A_919 = arith.index_cast %scan3A_822 : i32 to index
      %swap3A_920 = arith.index_cast %swap3A_918 : i32 to index
      %swap3A_921 = arith.constant 112 : index
      %swap3A_922 = tpu.vector_load %arg22[%swap3A_919, %swap3A_920, %swap3A_921] {strides = array<i32>} : memref<32x2x128xf32, #tpu.memory_space<vmem>>, vector<1x1x16xf32>,
      %swap3A_923 = vector.shape_cast %swap3A_922 : vector<1x1x16xf32> to vector<16xf32>
      %swap3A_924 = vector.shape_cast %get3A_917 : vector<16xf32> to vector<1x1x16xf32>
      tpu.vector_store %arg22[%swap3A_919, %swap3A_920, %swap3A_921], %swap3A_924 {add = true, strides = array<i32>} : memref<32x2x128xf32, #tpu.memory_space<vmem>>, vector<1x1x16xf32>,
      %get3A_925 = arith.constant 1 : i32
      %get3A_926 = arith.index_cast %scan3A_822 : i32 to index
      %get3A_927 = arith.index_cast %get3A_925 : i32 to index
      %get3A_928 = arith.constant 0 : index
      %get3A_929 = tpu.vector_load %arg25[%get3A_926, %get3A_927, %get3A_928] {strides = array<i32>} : memref<32x2x128xf32, #tpu.memory_space<vmem>>, vector<1x1x16xf32>,
      %get3A_930 = vector.shape_cast %get3A_929 : vector<1x1x16xf32> to vector<16xf32>
      %swap3A_931 = arith.constant 1 : i32
      %swap3A_932 = arith.index_cast %scan3A_822 : i32 to index
      %swap3A_933 = arith.index_cast %swap3A_931 : i32 to index
      %swap3A_934 = arith.constant 0 : index
      %swap3A_935 = tpu.vector_load %arg22[%swap3A_932, %swap3A_933, %swap3A_934] {strides = array<i32>} : memref<32x2x128xf32, #tpu.memory_space<vmem>>, vector<1x1x16xf32>,
      %swap3A_936 = vector.shape_cast %swap3A_935 : vector<1x1x16xf32> to vector<16xf32>
      %swap3A_937 = vector.shape_cast %get3A_930 : vector<16xf32> to vector<1x1x16xf32>
      tpu.vector_store %arg22[%swap3A_932, %swap3A_933, %swap3A_934], %swap3A_937 {add = true, strides = array<i32>} : memref<32x2x128xf32, #tpu.memory_space<vmem>>, vector<1x1x16xf32>,
      %get3A_938 = arith.constant 1 : i32
      %get3A_939 = arith.index_cast %scan3A_822 : i32 to index
      %get3A_940 = arith.index_cast %get3A_938 : i32 to index
      %get3A_941 = arith.constant 16 : index
      %get3A_942 = tpu.vector_load %arg25[%get3A_939, %get3A_940, %get3A_941] {strides = array<i32>} : memref<32x2x128xf32, #tpu.memory_space<vmem>>, vector<1x1x16xf32>,
      %get3A_943 = vector.shape_cast %get3A_942 : vector<1x1x16xf32> to vector<16xf32>
      %swap3A_944 = arith.constant 1 : i32
      %swap3A_945 = arith.index_cast %scan3A_822 : i32 to index
      %swap3A_946 = arith.index_cast %swap3A_944 : i32 to index
      %swap3A_947 = arith.constant 16 : index
      %swap3A_948 = tpu.vector_load %arg22[%swap3A_945, %swap3A_946, %swap3A_947] {strides = array<i32>} : memref<32x2x128xf32, #tpu.memory_space<vmem>>, vector<1x1x16xf32>,
      %swap3A_949 = vector.shape_cast %swap3A_948 : vector<1x1x16xf32> to vector<16xf32>
      %swap3A_950 = vector.shape_cast %get3A_943 : vector<16xf32> to vector<1x1x16xf32>
      tpu.vector_store %arg22[%swap3A_945, %swap3A_946, %swap3A_947], %swap3A_950 {add = true, strides = array<i32>} : memref<32x2x128xf32, #tpu.memory_space<vmem>>, vector<1x1x16xf32>,
      %get3A_951 = arith.constant 1 : i32
      %get3A_952 = arith.index_cast %scan3A_822 : i32 to index
      %get3A_953 = arith.index_cast %get3A_951 : i32 to index
      %get3A_954 = arith.constant 32 : index
      %get3A_955 = tpu.vector_load %arg25[%get3A_952, %get3A_953, %get3A_954] {strides = array<i32>} : memref<32x2x128xf32, #tpu.memory_space<vmem>>, vector<1x1x16xf32>,
      %get3A_956 = vector.shape_cast %get3A_955 : vector<1x1x16xf32> to vector<16xf32>
      %swap3A_957 = arith.constant 1 : i32
      %swap3A_958 = arith.index_cast %scan3A_822 : i32 to index
      %swap3A_959 = arith.index_cast %swap3A_957 : i32 to index
      %swap3A_960 = arith.constant 32 : index
      %swap3A_961 = tpu.vector_load %arg22[%swap3A_958, %swap3A_959, %swap3A_960] {strides = array<i32>} : memref<32x2x128xf32, #tpu.memory_space<vmem>>, vector<1x1x16xf32>,
      %swap3A_962 = vector.shape_cast %swap3A_961 : vector<1x1x16xf32> to vector<16xf32>
      %swap3A_963 = vector.shape_cast %get3A_956 : vector<16xf32> to vector<1x1x16xf32>
      tpu.vector_store %arg22[%swap3A_958, %swap3A_959, %swap3A_960], %swap3A_963 {add = true, strides = array<i32>} : memref<32x2x128xf32, #tpu.memory_space<vmem>>, vector<1x1x16xf32>,
      %get3A_964 = arith.constant 1 : i32
      %get3A_965 = arith.index_cast %scan3A_822 : i32 to index
      %get3A_966 = arith.index_cast %get3A_964 : i32 to index
      %get3A_967 = arith.constant 48 : index
      %get3A_968 = tpu.vector_load %arg25[%get3A_965, %get3A_966, %get3A_967] {strides = array<i32>} : memref<32x2x128xf32, #tpu.memory_space<vmem>>, vector<1x1x16xf32>,
      %get3A_969 = vector.shape_cast %get3A_968 : vector<1x1x16xf32> to vector<16xf32>
      %swap3A_970 = arith.constant 1 : i32
      %swap3A_971 = arith.index_cast %scan3A_822 : i32 to index
      %swap3A_972 = arith.index_cast %swap3A_970 : i32 to index
      %swap3A_973 = arith.constant 48 : index
      %swap3A_974 = tpu.vector_load %arg22[%swap3A_971, %swap3A_972, %swap3A_973] {strides = array<i32>} : memref<32x2x128xf32, #tpu.memory_space<vmem>>, vector<1x1x16xf32>,
      %swap3A_975 = vector.shape_cast %swap3A_974 : vector<1x1x16xf32> to vector<16xf32>
      %swap3A_976 = vector.shape_cast %get3A_969 : vector<16xf32> to vector<1x1x16xf32>
      tpu.vector_store %arg22[%swap3A_971, %swap3A_972, %swap3A_973], %swap3A_976 {add = true, strides = array<i32>} : memref<32x2x128xf32, #tpu.memory_space<vmem>>, vector<1x1x16xf32>,
      %get3A_977 = arith.constant 1 : i32
      %get3A_978 = arith.index_cast %scan3A_822 : i32 to index
      %get3A_979 = arith.index_cast %get3A_977 : i32 to index
      %get3A_980 = arith.constant 64 : index
      %get3A_981 = tpu.vector_load %arg25[%get3A_978, %get3A_979, %get3A_980] {strides = array<i32>} : memref<32x2x128xf32, #tpu.memory_space<vmem>>, vector<1x1x16xf32>,
      %get3A_982 = vector.shape_cast %get3A_981 : vector<1x1x16xf32> to vector<16xf32>
      %swap3A_983 = arith.constant 1 : i32
      %swap3A_984 = arith.index_cast %scan3A_822 : i32 to index
      %swap3A_985 = arith.index_cast %swap3A_983 : i32 to index
      %swap3A_986 = arith.constant 64 : index
      %swap3A_987 = tpu.vector_load %arg22[%swap3A_984, %swap3A_985, %swap3A_986] {strides = array<i32>} : memref<32x2x128xf32, #tpu.memory_space<vmem>>, vector<1x1x16xf32>,
      %swap3A_988 = vector.shape_cast %swap3A_987 : vector<1x1x16xf32> to vector<16xf32>
      %swap3A_989 = vector.shape_cast %get3A_982 : vector<16xf32> to vector<1x1x16xf32>
      tpu.vector_store %arg22[%swap3A_984, %swap3A_985, %swap3A_986], %swap3A_989 {add = true, strides = array<i32>} : memref<32x2x128xf32, #tpu.memory_space<vmem>>, vector<1x1x16xf32>,
      %get3A_990 = arith.constant 1 : i32
      %get3A_991 = arith.index_cast %scan3A_822 : i32 to index
      %get3A_992 = arith.index_cast %get3A_990 : i32 to index
      %get3A_993 = arith.constant 80 : index
      %get3A_994 = tpu.vector_load %arg25[%get3A_991, %get3A_992, %get3A_993] {strides = array<i32>} : memref<32x2x128xf32, #tpu.memory_space<vmem>>, vector<1x1x16xf32>,
      %get3A_995 = vector.shape_cast %get3A_994 : vector<1x1x16xf32> to vector<16xf32>
      %swap3A_996 = arith.constant 1 : i32
      %swap3A_997 = arith.index_cast %scan3A_822 : i32 to index
      %swap3A_998 = arith.index_cast %swap3A_996 : i32 to index
      %swap3A_999 = arith.constant 80 : index
      %swap3A_1000 = tpu.vector_load %arg22[%swap3A_997, %swap3A_998, %swap3A_999] {strides = array<i32>} : memref<32x2x128xf32, #tpu.memory_space<vmem>>, vector<1x1x16xf32>,
      %swap3A_1001 = vector.shape_cast %swap3A_1000 : vector<1x1x16xf32> to vector<16xf32>
      %swap3A_1002 = vector.shape_cast %get3A_995 : vector<16xf32> to vector<1x1x16xf32>
      tpu.vector_store %arg22[%swap3A_997, %swap3A_998, %swap3A_999], %swap3A_1002 {add = true, strides = array<i32>} : memref<32x2x128xf32, #tpu.memory_space<vmem>>, vector<1x1x16xf32>,
      %get3A_1003 = arith.constant 1 : i32
      %get3A_1004 = arith.index_cast %scan3A_822 : i32 to index
      %get3A_1005 = arith.index_cast %get3A_1003 : i32 to index
      %get3A_1006 = arith.constant 96 : index
      %get3A_1007 = tpu.vector_load %arg25[%get3A_1004, %get3A_1005, %get3A_1006] {strides = array<i32>} : memref<32x2x128xf32, #tpu.memory_space<vmem>>, vector<1x1x16xf32>,
      %get3A_1008 = vector.shape_cast %get3A_1007 : vector<1x1x16xf32> to vector<16xf32>
      %swap3A_1009 = arith.constant 1 : i32
      %swap3A_1010 = arith.index_cast %scan3A_822 : i32 to index
      %swap3A_1011 = arith.index_cast %swap3A_1009 : i32 to index
      %swap3A_1012 = arith.constant 96 : index
      %swap3A_1013 = tpu.vector_load %arg22[%swap3A_1010, %swap3A_1011, %swap3A_1012] {strides = array<i32>} : memref<32x2x128xf32, #tpu.memory_space<vmem>>, vector<1x1x16xf32>,
      %swap3A_1014 = vector.shape_cast %swap3A_1013 : vector<1x1x16xf32> to vector<16xf32>
      %swap3A_1015 = vector.shape_cast %get3A_1008 : vector<16xf32> to vector<1x1x16xf32>
      tpu.vector_store %arg22[%swap3A_1010, %swap3A_1011, %swap3A_1012], %swap3A_1015 {add = true, strides = array<i32>} : memref<32x2x128xf32, #tpu.memory_space<vmem>>, vector<1x1x16xf32>,
      %get3A_1016 = arith.constant 1 : i32
      %get3A_1017 = arith.index_cast %scan3A_822 : i32 to index
      %get3A_1018 = arith.index_cast %get3A_1016 : i32 to index
      %get3A_1019 = arith.constant 112 : index
      %get3A_1020 = tpu.vector_load %arg25[%get3A_1017, %get3A_1018, %get3A_1019] {strides = array<i32>} : memref<32x2x128xf32, #tpu.memory_space<vmem>>, vector<1x1x16xf32>,
      %get3A_1021 = vector.shape_cast %get3A_1020 : vector<1x1x16xf32> to vector<16xf32>
      %swap3A_1022 = arith.constant 1 : i32
      %swap3A_1023 = arith.index_cast %scan3A_822 : i32 to index
      %swap3A_1024 = arith.index_cast %swap3A_1022 : i32 to index
      %swap3A_1025 = arith.constant 112 : index
      %swap3A_1026 = tpu.vector_load %arg22[%swap3A_1023, %swap3A_1024, %swap3A_1025] {strides = array<i32>} : memref<32x2x128xf32, #tpu.memory_space<vmem>>, vector<1x1x16xf32>,
      %swap3A_1027 = vector.shape_cast %swap3A_1026 : vector<1x1x16xf32> to vector<16xf32>
      %swap3A_1028 = vector.shape_cast %get3A_1021 : vector<16xf32> to vector<1x1x16xf32>
      tpu.vector_store %arg22[%swap3A_1023, %swap3A_1024, %swap3A_1025], %swap3A_1028 {add = true, strides = array<i32>} : memref<32x2x128xf32, #tpu.memory_space<vmem>>, vector<1x1x16xf32>,
    }
    %scan3A_284 = arith.constant 32 : i32
    %dma_start3A_285 = arith.constant 0 : i32
    %dma_start3A_286 = arith.constant 0 : i32
    %dma_start3A_287 = arith.constant 0 : i32
    %dma_start3A_288 = tpu.memref_slice %arg7[%dma_start3A_285, %add3A_241, %dma_start3A_286, %dma_start3A_287] : memref<1x4096x2x128xf32, #tpu.memory_space<hbm>> -> memref<1x32x2x128xf32, #tpu.memory_space<hbm>>
    %dma_start3A_289 = tpu.memref_squeeze %dma_start3A_288 : memref<1x32x2x128xf32, #tpu.memory_space<hbm>> -> memref<32x2x128xf32, #tpu.memory_space<hbm>>
    %dma_start3A_290 = arith.constant 0 : i32
    %dma_start3A_291 = arith.constant 0 : i32
    %dma_start3A_292 = tpu.memref_slice %arg7[%dma_start3A_285, %add3A_241, %dma_start3A_290, %dma_start3A_291] : memref<1x4096x2x128xf32, #tpu.memory_space<hbm>> -> memref<1x32x2x128xf32, #tpu.memory_space<hbm>>
    %dma_start3A_293 = tpu.memref_squeeze %dma_start3A_292 : memref<1x32x2x128xf32, #tpu.memory_space<hbm>> -> memref<32x2x128xf32, #tpu.memory_space<hbm>>
    tpu.enqueue_dma source(%arg22 : memref<32x2x128xf32, #tpu.memory_space<vmem>>) target(%dma_start3A_293 : memref<32x2x128xf32, #tpu.memory_space<hbm>>) target_semaphore(%arg34 : memref<!tpu.dma_semaphore, #tpu.memory_space<semaphore_mem>>)
    %dma_wait3A_294 = arith.constant 0 : i32
    %dma_wait3A_295 = arith.constant 0 : i32
    %dma_wait3A_296 = arith.constant 0 : i32
    %dma_wait3A_297 = arith.constant 0 : i32
    %dma_wait3A_298 = arith.constant 0 : i32
    %dma_wait3A_299 = tpu.memref_slice %arg10[%dma_wait3A_294, %dma_wait3A_295, %dma_wait3A_296, %dma_wait3A_297, %dma_wait3A_298] : memref<64x4096x2x2x128xf32, #tpu.memory_space<hbm>> -> memref<1x32x2x2x128xf32, #tpu.memory_space<hbm>>
    %dma_wait3A_300 = tpu.memref_squeeze %dma_wait3A_299 : memref<1x32x2x2x128xf32, #tpu.memory_space<hbm>> -> memref<32x2x2x128xf32, #tpu.memory_space<hbm>>
    %dma_wait3A_301 = arith.constant 0 : i32
    %dma_wait3A_302 = arith.constant 0 : i32
    %dma_wait3A_303 = arith.constant 0 : i32
    %dma_wait3A_304 = arith.constant 0 : i32
    %dma_wait3A_305 = tpu.memref_slice %arg10[%dma_wait3A_294, %dma_wait3A_301, %dma_wait3A_302, %dma_wait3A_303, %dma_wait3A_304] : memref<64x4096x2x2x128xf32, #tpu.memory_space<hbm>> -> memref<1x32x2x2x128xf32, #tpu.memory_space<hbm>>
    %dma_wait3A_306 = tpu.memref_squeeze %dma_wait3A_305 : memref<1x32x2x2x128xf32, #tpu.memory_space<hbm>> -> memref<32x2x2x128xf32, #tpu.memory_space<hbm>>
    tpu.wait_dma2 semaphore(%arg33 : memref<!tpu.dma_semaphore, #tpu.memory_space<semaphore_mem>>) src(%arg18 : memref<32x2x2x128xf32, #tpu.memory_space<vmem>>) dst(%dma_wait3A_306 : memref<32x2x2x128xf32, #tpu.memory_space<hbm>>)
    %dma_wait3A_307 = arith.constant 0 : i32
    %dma_wait3A_308 = arith.constant 0 : i32
    %dma_wait3A_309 = arith.constant 0 : i32
    %dma_wait3A_310 = arith.constant 0 : i32
    %dma_wait3A_311 = tpu.memref_slice %arg9[%dma_wait3A_307, %dma_wait3A_308, %dma_wait3A_309, %dma_wait3A_310] : memref<64x4096x2x128xf32, #tpu.memory_space<hbm>> -> memref<1x32x2x128xf32, #tpu.memory_space<hbm>>
    %dma_wait3A_312 = tpu.memref_squeeze %dma_wait3A_311 : memref<1x32x2x128xf32, #tpu.memory_space<hbm>> -> memref<32x2x128xf32, #tpu.memory_space<hbm>>
    %dma_wait3A_313 = arith.constant 0 : i32
    %dma_wait3A_314 = arith.constant 0 : i32
    %dma_wait3A_315 = arith.constant 0 : i32
    %dma_wait3A_316 = tpu.memref_slice %arg9[%dma_wait3A_307, %dma_wait3A_313, %dma_wait3A_314, %dma_wait3A_315] : memref<64x4096x2x128xf32, #tpu.memory_space<hbm>> -> memref<1x32x2x128xf32, #tpu.memory_space<hbm>>
    %dma_wait3A_317 = tpu.memref_squeeze %dma_wait3A_316 : memref<1x32x2x128xf32, #tpu.memory_space<hbm>> -> memref<32x2x128xf32, #tpu.memory_space<hbm>>
    tpu.wait_dma2 semaphore(%arg33 : memref<!tpu.dma_semaphore, #tpu.memory_space<semaphore_mem>>) src(%arg21 : memref<32x2x128xf32, #tpu.memory_space<vmem>>) dst(%dma_wait3A_317 : memref<32x2x128xf32, #tpu.memory_space<hbm>>)
    %dma_start3A_318 = arith.constant 0 : i32
    %dma_start3A_319 = tpu.memref_slice %arg15[%dma_start3A_318] : memref<8192xi32, #tpu.memory_space<vmem>> -> memref<32xi32, #tpu.memory_space<vmem>>
    %dma_start3A_320 = arith.constant 0 : i32
    %dma_start3A_321 = arith.constant 0 : i32
    %dma_start3A_322 = arith.constant 0 : i32
    %dma_start3A_323 = arith.constant 0 : i32
    %dma_start3A_324 = tpu.memref_slice %arg4[%dma_start3A_320, %dma_start3A_321, %dma_start3A_322, %dma_start3A_323] : memref<100x2x2x128xf32, #tpu.memory_space<hbm>> -> memref<100x2x2x128xf32, #tpu.memory_space<hbm>>
    tpu.enqueue_indirect_dma source(%dma_start3A_324 : memref<100x2x2x128xf32, #tpu.memory_space<hbm>>) target(%arg18 : memref<32x2x2x128xf32, #tpu.memory_space<vmem>>) offsets(%dma_start3A_319 : memref<32xi32, #tpu.memory_space<vmem>>) semaphore(%arg27 : memref<!tpu.dma_semaphore, #tpu.memory_space<semaphore_mem>>)
    %dma_start3A_325 = arith.constant 0 : i32
    %dma_start3A_326 = tpu.memref_slice %arg14[%dma_start3A_325] : memref<8192xi32, #tpu.memory_space<vmem>> -> memref<32xi32, #tpu.memory_space<vmem>>
    %dma_start3A_327 = arith.constant 0 : i32
    %dma_start3A_328 = arith.constant 0 : i32
    %dma_start3A_329 = arith.constant 0 : i32
    %dma_start3A_330 = tpu.memref_slice %arg5[%dma_start3A_327, %dma_start3A_328, %dma_start3A_329] : memref<1000x2x128xf32, #tpu.memory_space<hbm>> -> memref<1000x2x128xf32, #tpu.memory_space<hbm>>
    tpu.enqueue_indirect_dma source(%dma_start3A_330 : memref<1000x2x128xf32, #tpu.memory_space<hbm>>) target(%arg21 : memref<32x2x128xf32, #tpu.memory_space<vmem>>) offsets(%dma_start3A_326 : memref<32xi32, #tpu.memory_space<vmem>>) semaphore(%arg30 : memref<!tpu.dma_semaphore, #tpu.memory_space<semaphore_mem>>)
    %dma_start3A_331 = arith.constant 0 : i32
    %dma_start3A_332 = tpu.memref_slice %arg16[%dma_start3A_331] : memref<8192xi32, #tpu.memory_space<vmem>> -> memref<32xi32, #tpu.memory_space<vmem>>
    %dma_start3A_333 = arith.constant 0 : i32
    %dma_start3A_334 = arith.constant 0 : i32
    %dma_start3A_335 = arith.constant 0 : i32
    %dma_start3A_336 = tpu.memref_slice %arg6[%dma_start3A_333, %dma_start3A_334, %dma_start3A_335] : memref<1000x2x128xf32, #tpu.memory_space<hbm>> -> memref<1000x2x128xf32, #tpu.memory_space<hbm>>
    tpu.enqueue_indirect_dma source(%dma_start3A_336 : memref<1000x2x128xf32, #tpu.memory_space<hbm>>) target(%arg24 : memref<32x2x128xf32, #tpu.memory_space<vmem>>) offsets(%dma_start3A_332 : memref<32xi32, #tpu.memory_space<vmem>>) semaphore(%arg30 : memref<!tpu.dma_semaphore, #tpu.memory_space<semaphore_mem>>)
    %add3A_337 = arith.constant 96 : i32
    %add3A_338 = arith.addi %mul3A_4, %add3A_337 : i32
    %dma_wait3A_339 = arith.constant 0 : i32
    %dma_wait3A_340 = arith.constant 0 : i32
    %dma_wait3A_341 = arith.constant 0 : i32
    %dma_wait3A_342 = arith.constant 0 : i32
    %dma_wait3A_343 = tpu.memref_slice %arg4[%dma_wait3A_339, %dma_wait3A_340, %dma_wait3A_341, %dma_wait3A_342] : memref<100x2x2x128xf32, #tpu.memory_space<hbm>> -> memref<32x2x2x128xf32, #tpu.memory_space<hbm>>
    %dma_wait3A_344 = arith.constant 0 : i32
    %dma_wait3A_345 = arith.constant 0 : i32
    %dma_wait3A_346 = arith.constant 0 : i32
    %dma_wait3A_347 = arith.constant 0 : i32
    %dma_wait3A_348 = tpu.memref_slice %arg4[%dma_wait3A_344, %dma_wait3A_345, %dma_wait3A_346, %dma_wait3A_347] : memref<100x2x2x128xf32, #tpu.memory_space<hbm>> -> memref<32x2x2x128xf32, #tpu.memory_space<hbm>>
    tpu.wait_dma2 semaphore(%arg26 : memref<!tpu.dma_semaphore, #tpu.memory_space<semaphore_mem>>) src(%dma_wait3A_348 : memref<32x2x2x128xf32, #tpu.memory_space<hbm>>) dst(%arg17 : memref<32x2x2x128xf32, #tpu.memory_space<vmem>>)
    %dma_start3A_349 = arith.constant 0 : i32
    %dma_start3A_350 = arith.constant 0 : i32
    %dma_start3A_351 = arith.constant 0 : i32
    %dma_start3A_352 = arith.constant 0 : i32
    %dma_start3A_353 = tpu.memref_slice %arg8[%dma_start3A_349, %add3A_338, %dma_start3A_350, %dma_start3A_351, %dma_start3A_352] : memref<1x4096x2x2x128xf32, #tpu.memory_space<hbm>> -> memref<1x32x2x2x128xf32, #tpu.memory_space<hbm>>
    %dma_start3A_354 = tpu.memref_squeeze %dma_start3A_353 : memref<1x32x2x2x128xf32, #tpu.memory_space<hbm>> -> memref<32x2x2x128xf32, #tpu.memory_space<hbm>>
    %dma_start3A_355 = arith.constant 0 : i32
    %dma_start3A_356 = arith.constant 0 : i32
    %dma_start3A_357 = arith.constant 0 : i32
    %dma_start3A_358 = tpu.memref_slice %arg8[%dma_start3A_349, %add3A_338, %dma_start3A_355, %dma_start3A_356, %dma_start3A_357] : memref<1x4096x2x2x128xf32, #tpu.memory_space<hbm>> -> memref<1x32x2x2x128xf32, #tpu.memory_space<hbm>>
    %dma_start3A_359 = tpu.memref_squeeze %dma_start3A_358 : memref<1x32x2x2x128xf32, #tpu.memory_space<hbm>> -> memref<32x2x2x128xf32, #tpu.memory_space<hbm>>
    tpu.enqueue_dma source(%arg17 : memref<32x2x2x128xf32, #tpu.memory_space<vmem>>) target(%dma_start3A_359 : memref<32x2x2x128xf32, #tpu.memory_space<hbm>>) target_semaphore(%arg32 : memref<!tpu.dma_semaphore, #tpu.memory_space<semaphore_mem>>)
    %dma_wait3A_360 = arith.constant 0 : i32
    %dma_wait3A_361 = arith.constant 0 : i32
    %dma_wait3A_362 = arith.constant 0 : i32
    %dma_wait3A_363 = tpu.memref_slice %arg5[%dma_wait3A_360, %dma_wait3A_361, %dma_wait3A_362] : memref<1000x2x128xf32, #tpu.memory_space<hbm>> -> memref<32x2x128xf32, #tpu.memory_space<hbm>>
    %dma_wait3A_364 = arith.constant 0 : i32
    %dma_wait3A_365 = arith.constant 0 : i32
    %dma_wait3A_366 = arith.constant 0 : i32
    %dma_wait3A_367 = tpu.memref_slice %arg5[%dma_wait3A_364, %dma_wait3A_365, %dma_wait3A_366] : memref<1000x2x128xf32, #tpu.memory_space<hbm>> -> memref<32x2x128xf32, #tpu.memory_space<hbm>>
    tpu.wait_dma2 semaphore(%arg29 : memref<!tpu.dma_semaphore, #tpu.memory_space<semaphore_mem>>) src(%dma_wait3A_367 : memref<32x2x128xf32, #tpu.memory_space<hbm>>) dst(%arg20 : memref<32x2x128xf32, #tpu.memory_space<vmem>>)
    %dma_wait3A_368 = arith.constant 0 : i32
    %dma_wait3A_369 = arith.constant 0 : i32
    %dma_wait3A_370 = arith.constant 0 : i32
    %dma_wait3A_371 = tpu.memref_slice %arg6[%dma_wait3A_368, %dma_wait3A_369, %dma_wait3A_370] : memref<1000x2x128xf32, #tpu.memory_space<hbm>> -> memref<32x2x128xf32, #tpu.memory_space<hbm>>
    %dma_wait3A_372 = arith.constant 0 : i32
    %dma_wait3A_373 = arith.constant 0 : i32
    %dma_wait3A_374 = arith.constant 0 : i32
    %dma_wait3A_375 = tpu.memref_slice %arg6[%dma_wait3A_372, %dma_wait3A_373, %dma_wait3A_374] : memref<1000x2x128xf32, #tpu.memory_space<hbm>> -> memref<32x2x128xf32, #tpu.memory_space<hbm>>
    tpu.wait_dma2 semaphore(%arg29 : memref<!tpu.dma_semaphore, #tpu.memory_space<semaphore_mem>>) src(%dma_wait3A_375 : memref<32x2x128xf32, #tpu.memory_space<hbm>>) dst(%arg23 : memref<32x2x128xf32, #tpu.memory_space<vmem>>)
    %scan3A_376 = arith.constant 0 : i32
    %scan3A_377 = arith.constant 0 : i32
    %scan3A_378 = arith.constant 32 : i32
    %scan3A_379 = arith.addi %scan3A_377, %scan3A_378 : i32
    %scan3A_380 = arith.constant 1 : i32
    scf.for %scan3A_822 = %scan3A_377 to %scan3A_379 step %scan3A_380  : i32 {
      %get3A = arith.constant 0 : i32
      %get3A_823 = arith.index_cast %scan3A_822 : i32 to index
      %get3A_824 = arith.index_cast %get3A : i32 to index
      %get3A_825 = arith.constant 0 : index
      %get3A_826 = tpu.vector_load %arg23[%get3A_823, %get3A_824, %get3A_825] {strides = array<i32>} : memref<32x2x128xf32, #tpu.memory_space<vmem>>, vector<1x1x16xf32>,
      %get3A_827 = vector.shape_cast %get3A_826 : vector<1x1x16xf32> to vector<16xf32>
      %swap3A = arith.constant 0 : i32
      %swap3A_828 = arith.index_cast %scan3A_822 : i32 to index
      %swap3A_829 = arith.index_cast %swap3A : i32 to index
      %swap3A_830 = arith.constant 0 : index
      %swap3A_831 = tpu.vector_load %arg20[%swap3A_828, %swap3A_829, %swap3A_830] {strides = array<i32>} : memref<32x2x128xf32, #tpu.memory_space<vmem>>, vector<1x1x16xf32>,
      %swap3A_832 = vector.shape_cast %swap3A_831 : vector<1x1x16xf32> to vector<16xf32>
      %swap3A_833 = vector.shape_cast %get3A_827 : vector<16xf32> to vector<1x1x16xf32>
      tpu.vector_store %arg20[%swap3A_828, %swap3A_829, %swap3A_830], %swap3A_833 {add = true, strides = array<i32>} : memref<32x2x128xf32, #tpu.memory_space<vmem>>, vector<1x1x16xf32>,
      %get3A_834 = arith.constant 0 : i32
      %get3A_835 = arith.index_cast %scan3A_822 : i32 to index
      %get3A_836 = arith.index_cast %get3A_834 : i32 to index
      %get3A_837 = arith.constant 16 : index
      %get3A_838 = tpu.vector_load %arg23[%get3A_835, %get3A_836, %get3A_837] {strides = array<i32>} : memref<32x2x128xf32, #tpu.memory_space<vmem>>, vector<1x1x16xf32>,
      %get3A_839 = vector.shape_cast %get3A_838 : vector<1x1x16xf32> to vector<16xf32>
      %swap3A_840 = arith.constant 0 : i32
      %swap3A_841 = arith.index_cast %scan3A_822 : i32 to index
      %swap3A_842 = arith.index_cast %swap3A_840 : i32 to index
      %swap3A_843 = arith.constant 16 : index
      %swap3A_844 = tpu.vector_load %arg20[%swap3A_841, %swap3A_842, %swap3A_843] {strides = array<i32>} : memref<32x2x128xf32, #tpu.memory_space<vmem>>, vector<1x1x16xf32>,
      %swap3A_845 = vector.shape_cast %swap3A_844 : vector<1x1x16xf32> to vector<16xf32>
      %swap3A_846 = vector.shape_cast %get3A_839 : vector<16xf32> to vector<1x1x16xf32>
      tpu.vector_store %arg20[%swap3A_841, %swap3A_842, %swap3A_843], %swap3A_846 {add = true, strides = array<i32>} : memref<32x2x128xf32, #tpu.memory_space<vmem>>, vector<1x1x16xf32>,
      %get3A_847 = arith.constant 0 : i32
      %get3A_848 = arith.index_cast %scan3A_822 : i32 to index
      %get3A_849 = arith.index_cast %get3A_847 : i32 to index
      %get3A_850 = arith.constant 32 : index
      %get3A_851 = tpu.vector_load %arg23[%get3A_848, %get3A_849, %get3A_850] {strides = array<i32>} : memref<32x2x128xf32, #tpu.memory_space<vmem>>, vector<1x1x16xf32>,
      %get3A_852 = vector.shape_cast %get3A_851 : vector<1x1x16xf32> to vector<16xf32>
      %swap3A_853 = arith.constant 0 : i32
      %swap3A_854 = arith.index_cast %scan3A_822 : i32 to index
      %swap3A_855 = arith.index_cast %swap3A_853 : i32 to index
      %swap3A_856 = arith.constant 32 : index
      %swap3A_857 = tpu.vector_load %arg20[%swap3A_854, %swap3A_855, %swap3A_856] {strides = array<i32>} : memref<32x2x128xf32, #tpu.memory_space<vmem>>, vector<1x1x16xf32>,
      %swap3A_858 = vector.shape_cast %swap3A_857 : vector<1x1x16xf32> to vector<16xf32>
      %swap3A_859 = vector.shape_cast %get3A_852 : vector<16xf32> to vector<1x1x16xf32>
      tpu.vector_store %arg20[%swap3A_854, %swap3A_855, %swap3A_856], %swap3A_859 {add = true, strides = array<i32>} : memref<32x2x128xf32, #tpu.memory_space<vmem>>, vector<1x1x16xf32>,
      %get3A_860 = arith.constant 0 : i32
      %get3A_861 = arith.index_cast %scan3A_822 : i32 to index
      %get3A_862 = arith.index_cast %get3A_860 : i32 to index
      %get3A_863 = arith.constant 48 : index
      %get3A_864 = tpu.vector_load %arg23[%get3A_861, %get3A_862, %get3A_863] {strides = array<i32>} : memref<32x2x128xf32, #tpu.memory_space<vmem>>, vector<1x1x16xf32>,
      %get3A_865 = vector.shape_cast %get3A_864 : vector<1x1x16xf32> to vector<16xf32>
      %swap3A_866 = arith.constant 0 : i32
      %swap3A_867 = arith.index_cast %scan3A_822 : i32 to index
      %swap3A_868 = arith.index_cast %swap3A_866 : i32 to index
      %swap3A_869 = arith.constant 48 : index
      %swap3A_870 = tpu.vector_load %arg20[%swap3A_867, %swap3A_868, %swap3A_869] {strides = array<i32>} : memref<32x2x128xf32, #tpu.memory_space<vmem>>, vector<1x1x16xf32>,
      %swap3A_871 = vector.shape_cast %swap3A_870 : vector<1x1x16xf32> to vector<16xf32>
      %swap3A_872 = vector.shape_cast %get3A_865 : vector<16xf32> to vector<1x1x16xf32>
      tpu.vector_store %arg20[%swap3A_867, %swap3A_868, %swap3A_869], %swap3A_872 {add = true, strides = array<i32>} : memref<32x2x128xf32, #tpu.memory_space<vmem>>, vector<1x1x16xf32>,
      %get3A_873 = arith.constant 0 : i32
      %get3A_874 = arith.index_cast %scan3A_822 : i32 to index
      %get3A_875 = arith.index_cast %get3A_873 : i32 to index
      %get3A_876 = arith.constant 64 : index
      %get3A_877 = tpu.vector_load %arg23[%get3A_874, %get3A_875, %get3A_876] {strides = array<i32>} : memref<32x2x128xf32, #tpu.memory_space<vmem>>, vector<1x1x16xf32>,
      %get3A_878 = vector.shape_cast %get3A_877 : vector<1x1x16xf32> to vector<16xf32>
      %swap3A_879 = arith.constant 0 : i32
      %swap3A_880 = arith.index_cast %scan3A_822 : i32 to index
      %swap3A_881 = arith.index_cast %swap3A_879 : i32 to index
      %swap3A_882 = arith.constant 64 : index
      %swap3A_883 = tpu.vector_load %arg20[%swap3A_880, %swap3A_881, %swap3A_882] {strides = array<i32>} : memref<32x2x128xf32, #tpu.memory_space<vmem>>, vector<1x1x16xf32>,
      %swap3A_884 = vector.shape_cast %swap3A_883 : vector<1x1x16xf32> to vector<16xf32>
      %swap3A_885 = vector.shape_cast %get3A_878 : vector<16xf32> to vector<1x1x16xf32>
      tpu.vector_store %arg20[%swap3A_880, %swap3A_881, %swap3A_882], %swap3A_885 {add = true, strides = array<i32>} : memref<32x2x128xf32, #tpu.memory_space<vmem>>, vector<1x1x16xf32>,
      %get3A_886 = arith.constant 0 : i32
      %get3A_887 = arith.index_cast %scan3A_822 : i32 to index
      %get3A_888 = arith.index_cast %get3A_886 : i32 to index
      %get3A_889 = arith.constant 80 : index
      %get3A_890 = tpu.vector_load %arg23[%get3A_887, %get3A_888, %get3A_889] {strides = array<i32>} : memref<32x2x128xf32, #tpu.memory_space<vmem>>, vector<1x1x16xf32>,
      %get3A_891 = vector.shape_cast %get3A_890 : vector<1x1x16xf32> to vector<16xf32>
      %swap3A_892 = arith.constant 0 : i32
      %swap3A_893 = arith.index_cast %scan3A_822 : i32 to index
      %swap3A_894 = arith.index_cast %swap3A_892 : i32 to index
      %swap3A_895 = arith.constant 80 : index
      %swap3A_896 = tpu.vector_load %arg20[%swap3A_893, %swap3A_894, %swap3A_895] {strides = array<i32>} : memref<32x2x128xf32, #tpu.memory_space<vmem>>, vector<1x1x16xf32>,
      %swap3A_897 = vector.shape_cast %swap3A_896 : vector<1x1x16xf32> to vector<16xf32>
      %swap3A_898 = vector.shape_cast %get3A_891 : vector<16xf32> to vector<1x1x16xf32>
      tpu.vector_store %arg20[%swap3A_893, %swap3A_894, %swap3A_895], %swap3A_898 {add = true, strides = array<i32>} : memref<32x2x128xf32, #tpu.memory_space<vmem>>, vector<1x1x16xf32>,
      %get3A_899 = arith.constant 0 : i32
      %get3A_900 = arith.index_cast %scan3A_822 : i32 to index
      %get3A_901 = arith.index_cast %get3A_899 : i32 to index
      %get3A_902 = arith.constant 96 : index
      %get3A_903 = tpu.vector_load %arg23[%get3A_900, %get3A_901, %get3A_902] {strides = array<i32>} : memref<32x2x128xf32, #tpu.memory_space<vmem>>, vector<1x1x16xf32>,
      %get3A_904 = vector.shape_cast %get3A_903 : vector<1x1x16xf32> to vector<16xf32>
      %swap3A_905 = arith.constant 0 : i32
      %swap3A_906 = arith.index_cast %scan3A_822 : i32 to index
      %swap3A_907 = arith.index_cast %swap3A_905 : i32 to index
      %swap3A_908 = arith.constant 96 : index
      %swap3A_909 = tpu.vector_load %arg20[%swap3A_906, %swap3A_907, %swap3A_908] {strides = array<i32>} : memref<32x2x128xf32, #tpu.memory_space<vmem>>, vector<1x1x16xf32>,
      %swap3A_910 = vector.shape_cast %swap3A_909 : vector<1x1x16xf32> to vector<16xf32>
      %swap3A_911 = vector.shape_cast %get3A_904 : vector<16xf32> to vector<1x1x16xf32>
      tpu.vector_store %arg20[%swap3A_906, %swap3A_907, %swap3A_908], %swap3A_911 {add = true, strides = array<i32>} : memref<32x2x128xf32, #tpu.memory_space<vmem>>, vector<1x1x16xf32>,
      %get3A_912 = arith.constant 0 : i32
      %get3A_913 = arith.index_cast %scan3A_822 : i32 to index
      %get3A_914 = arith.index_cast %get3A_912 : i32 to index
      %get3A_915 = arith.constant 112 : index
      %get3A_916 = tpu.vector_load %arg23[%get3A_913, %get3A_914, %get3A_915] {strides = array<i32>} : memref<32x2x128xf32, #tpu.memory_space<vmem>>, vector<1x1x16xf32>,
      %get3A_917 = vector.shape_cast %get3A_916 : vector<1x1x16xf32> to vector<16xf32>
      %swap3A_918 = arith.constant 0 : i32
      %swap3A_919 = arith.index_cast %scan3A_822 : i32 to index
      %swap3A_920 = arith.index_cast %swap3A_918 : i32 to index
      %swap3A_921 = arith.constant 112 : index
      %swap3A_922 = tpu.vector_load %arg20[%swap3A_919, %swap3A_920, %swap3A_921] {strides = array<i32>} : memref<32x2x128xf32, #tpu.memory_space<vmem>>, vector<1x1x16xf32>,
      %swap3A_923 = vector.shape_cast %swap3A_922 : vector<1x1x16xf32> to vector<16xf32>
      %swap3A_924 = vector.shape_cast %get3A_917 : vector<16xf32> to vector<1x1x16xf32>
      tpu.vector_store %arg20[%swap3A_919, %swap3A_920, %swap3A_921], %swap3A_924 {add = true, strides = array<i32>} : memref<32x2x128xf32, #tpu.memory_space<vmem>>, vector<1x1x16xf32>,
      %get3A_925 = arith.constant 1 : i32
      %get3A_926 = arith.index_cast %scan3A_822 : i32 to index
      %get3A_927 = arith.index_cast %get3A_925 : i32 to index
      %get3A_928 = arith.constant 0 : index
      %get3A_929 = tpu.vector_load %arg23[%get3A_926, %get3A_927, %get3A_928] {strides = array<i32>} : memref<32x2x128xf32, #tpu.memory_space<vmem>>, vector<1x1x16xf32>,
      %get3A_930 = vector.shape_cast %get3A_929 : vector<1x1x16xf32> to vector<16xf32>
      %swap3A_931 = arith.constant 1 : i32
      %swap3A_932 = arith.index_cast %scan3A_822 : i32 to index
      %swap3A_933 = arith.index_cast %swap3A_931 : i32 to index
      %swap3A_934 = arith.constant 0 : index
      %swap3A_935 = tpu.vector_load %arg20[%swap3A_932, %swap3A_933, %swap3A_934] {strides = array<i32>} : memref<32x2x128xf32, #tpu.memory_space<vmem>>, vector<1x1x16xf32>,
      %swap3A_936 = vector.shape_cast %swap3A_935 : vector<1x1x16xf32> to vector<16xf32>
      %swap3A_937 = vector.shape_cast %get3A_930 : vector<16xf32> to vector<1x1x16xf32>
      tpu.vector_store %arg20[%swap3A_932, %swap3A_933, %swap3A_934], %swap3A_937 {add = true, strides = array<i32>} : memref<32x2x128xf32, #tpu.memory_space<vmem>>, vector<1x1x16xf32>,
      %get3A_938 = arith.constant 1 : i32
      %get3A_939 = arith.index_cast %scan3A_822 : i32 to index
      %get3A_940 = arith.index_cast %get3A_938 : i32 to index
      %get3A_941 = arith.constant 16 : index
      %get3A_942 = tpu.vector_load %arg23[%get3A_939, %get3A_940, %get3A_941] {strides = array<i32>} : memref<32x2x128xf32, #tpu.memory_space<vmem>>, vector<1x1x16xf32>,
      %get3A_943 = vector.shape_cast %get3A_942 : vector<1x1x16xf32> to vector<16xf32>
      %swap3A_944 = arith.constant 1 : i32
      %swap3A_945 = arith.index_cast %scan3A_822 : i32 to index
      %swap3A_946 = arith.index_cast %swap3A_944 : i32 to index
      %swap3A_947 = arith.constant 16 : index
      %swap3A_948 = tpu.vector_load %arg20[%swap3A_945, %swap3A_946, %swap3A_947] {strides = array<i32>} : memref<32x2x128xf32, #tpu.memory_space<vmem>>, vector<1x1x16xf32>,
      %swap3A_949 = vector.shape_cast %swap3A_948 : vector<1x1x16xf32> to vector<16xf32>
      %swap3A_950 = vector.shape_cast %get3A_943 : vector<16xf32> to vector<1x1x16xf32>
      tpu.vector_store %arg20[%swap3A_945, %swap3A_946, %swap3A_947], %swap3A_950 {add = true, strides = array<i32>} : memref<32x2x128xf32, #tpu.memory_space<vmem>>, vector<1x1x16xf32>,
      %get3A_951 = arith.constant 1 : i32
      %get3A_952 = arith.index_cast %scan3A_822 : i32 to index
      %get3A_953 = arith.index_cast %get3A_951 : i32 to index
      %get3A_954 = arith.constant 32 : index
      %get3A_955 = tpu.vector_load %arg23[%get3A_952, %get3A_953, %get3A_954] {strides = array<i32>} : memref<32x2x128xf32, #tpu.memory_space<vmem>>, vector<1x1x16xf32>,
      %get3A_956 = vector.shape_cast %get3A_955 : vector<1x1x16xf32> to vector<16xf32>
      %swap3A_957 = arith.constant 1 : i32
      %swap3A_958 = arith.index_cast %scan3A_822 : i32 to index
      %swap3A_959 = arith.index_cast %swap3A_957 : i32 to index
      %swap3A_960 = arith.constant 32 : index
      %swap3A_961 = tpu.vector_load %arg20[%swap3A_958, %swap3A_959, %swap3A_960] {strides = array<i32>} : memref<32x2x128xf32, #tpu.memory_space<vmem>>, vector<1x1x16xf32>,
      %swap3A_962 = vector.shape_cast %swap3A_961 : vector<1x1x16xf32> to vector<16xf32>
      %swap3A_963 = vector.shape_cast %get3A_956 : vector<16xf32> to vector<1x1x16xf32>
      tpu.vector_store %arg20[%swap3A_958, %swap3A_959, %swap3A_960], %swap3A_963 {add = true, strides = array<i32>} : memref<32x2x128xf32, #tpu.memory_space<vmem>>, vector<1x1x16xf32>,
      %get3A_964 = arith.constant 1 : i32
      %get3A_965 = arith.index_cast %scan3A_822 : i32 to index
      %get3A_966 = arith.index_cast %get3A_964 : i32 to index
      %get3A_967 = arith.constant 48 : index
      %get3A_968 = tpu.vector_load %arg23[%get3A_965, %get3A_966, %get3A_967] {strides = array<i32>} : memref<32x2x128xf32, #tpu.memory_space<vmem>>, vector<1x1x16xf32>,
      %get3A_969 = vector.shape_cast %get3A_968 : vector<1x1x16xf32> to vector<16xf32>
      %swap3A_970 = arith.constant 1 : i32
      %swap3A_971 = arith.index_cast %scan3A_822 : i32 to index
      %swap3A_972 = arith.index_cast %swap3A_970 : i32 to index
      %swap3A_973 = arith.constant 48 : index
      %swap3A_974 = tpu.vector_load %arg20[%swap3A_971, %swap3A_972, %swap3A_973] {strides = array<i32>} : memref<32x2x128xf32, #tpu.memory_space<vmem>>, vector<1x1x16xf32>,
      %swap3A_975 = vector.shape_cast %swap3A_974 : vector<1x1x16xf32> to vector<16xf32>
      %swap3A_976 = vector.shape_cast %get3A_969 : vector<16xf32> to vector<1x1x16xf32>
      tpu.vector_store %arg20[%swap3A_971, %swap3A_972, %swap3A_973], %swap3A_976 {add = true, strides = array<i32>} : memref<32x2x128xf32, #tpu.memory_space<vmem>>, vector<1x1x16xf32>,
      %get3A_977 = arith.constant 1 : i32
      %get3A_978 = arith.index_cast %scan3A_822 : i32 to index
      %get3A_979 = arith.index_cast %get3A_977 : i32 to index
      %get3A_980 = arith.constant 64 : index
      %get3A_981 = tpu.vector_load %arg23[%get3A_978, %get3A_979, %get3A_980] {strides = array<i32>} : memref<32x2x128xf32, #tpu.memory_space<vmem>>, vector<1x1x16xf32>,
      %get3A_982 = vector.shape_cast %get3A_981 : vector<1x1x16xf32> to vector<16xf32>
      %swap3A_983 = arith.constant 1 : i32
      %swap3A_984 = arith.index_cast %scan3A_822 : i32 to index
      %swap3A_985 = arith.index_cast %swap3A_983 : i32 to index
      %swap3A_986 = arith.constant 64 : index
      %swap3A_987 = tpu.vector_load %arg20[%swap3A_984, %swap3A_985, %swap3A_986] {strides = array<i32>} : memref<32x2x128xf32, #tpu.memory_space<vmem>>, vector<1x1x16xf32>,
      %swap3A_988 = vector.shape_cast %swap3A_987 : vector<1x1x16xf32> to vector<16xf32>
      %swap3A_989 = vector.shape_cast %get3A_982 : vector<16xf32> to vector<1x1x16xf32>
      tpu.vector_store %arg20[%swap3A_984, %swap3A_985, %swap3A_986], %swap3A_989 {add = true, strides = array<i32>} : memref<32x2x128xf32, #tpu.memory_space<vmem>>, vector<1x1x16xf32>,
      %get3A_990 = arith.constant 1 : i32
      %get3A_991 = arith.index_cast %scan3A_822 : i32 to index
      %get3A_992 = arith.index_cast %get3A_990 : i32 to index
      %get3A_993 = arith.constant 80 : index
      %get3A_994 = tpu.vector_load %arg23[%get3A_991, %get3A_992, %get3A_993] {strides = array<i32>} : memref<32x2x128xf32, #tpu.memory_space<vmem>>, vector<1x1x16xf32>,
      %get3A_995 = vector.shape_cast %get3A_994 : vector<1x1x16xf32> to vector<16xf32>
      %swap3A_996 = arith.constant 1 : i32
      %swap3A_997 = arith.index_cast %scan3A_822 : i32 to index
      %swap3A_998 = arith.index_cast %swap3A_996 : i32 to index
      %swap3A_999 = arith.constant 80 : index
      %swap3A_1000 = tpu.vector_load %arg20[%swap3A_997, %swap3A_998, %swap3A_999] {strides = array<i32>} : memref<32x2x128xf32, #tpu.memory_space<vmem>>, vector<1x1x16xf32>,
      %swap3A_1001 = vector.shape_cast %swap3A_1000 : vector<1x1x16xf32> to vector<16xf32>
      %swap3A_1002 = vector.shape_cast %get3A_995 : vector<16xf32> to vector<1x1x16xf32>
      tpu.vector_store %arg20[%swap3A_997, %swap3A_998, %swap3A_999], %swap3A_1002 {add = true, strides = array<i32>} : memref<32x2x128xf32, #tpu.memory_space<vmem>>, vector<1x1x16xf32>,
      %get3A_1003 = arith.constant 1 : i32
      %get3A_1004 = arith.index_cast %scan3A_822 : i32 to index
      %get3A_1005 = arith.index_cast %get3A_1003 : i32 to index
      %get3A_1006 = arith.constant 96 : index
      %get3A_1007 = tpu.vector_load %arg23[%get3A_1004, %get3A_1005, %get3A_1006] {strides = array<i32>} : memref<32x2x128xf32, #tpu.memory_space<vmem>>, vector<1x1x16xf32>,
      %get3A_1008 = vector.shape_cast %get3A_1007 : vector<1x1x16xf32> to vector<16xf32>
      %swap3A_1009 = arith.constant 1 : i32
      %swap3A_1010 = arith.index_cast %scan3A_822 : i32 to index
      %swap3A_1011 = arith.index_cast %swap3A_1009 : i32 to index
      %swap3A_1012 = arith.constant 96 : index
      %swap3A_1013 = tpu.vector_load %arg20[%swap3A_1010, %swap3A_1011, %swap3A_1012] {strides = array<i32>} : memref<32x2x128xf32, #tpu.memory_space<vmem>>, vector<1x1x16xf32>,
      %swap3A_1014 = vector.shape_cast %swap3A_1013 : vector<1x1x16xf32> to vector<16xf32>
      %swap3A_1015 = vector.shape_cast %get3A_1008 : vector<16xf32> to vector<1x1x16xf32>
      tpu.vector_store %arg20[%swap3A_1010, %swap3A_1011, %swap3A_1012], %swap3A_1015 {add = true, strides = array<i32>} : memref<32x2x128xf32, #tpu.memory_space<vmem>>, vector<1x1x16xf32>,
      %get3A_1016 = arith.constant 1 : i32
      %get3A_1017 = arith.index_cast %scan3A_822 : i32 to index
      %get3A_1018 = arith.index_cast %get3A_1016 : i32 to index
      %get3A_1019 = arith.constant 112 : index
      %get3A_1020 = tpu.vector_load %arg23[%get3A_1017, %get3A_1018, %get3A_1019] {strides = array<i32>} : memref<32x2x128xf32, #tpu.memory_space<vmem>>, vector<1x1x16xf32>,
      %get3A_1021 = vector.shape_cast %get3A_1020 : vector<1x1x16xf32> to vector<16xf32>
      %swap3A_1022 = arith.constant 1 : i32
      %swap3A_1023 = arith.index_cast %scan3A_822 : i32 to index
      %swap3A_1024 = arith.index_cast %swap3A_1022 : i32 to index
      %swap3A_1025 = arith.constant 112 : index
      %swap3A_1026 = tpu.vector_load %arg20[%swap3A_1023, %swap3A_1024, %swap3A_1025] {strides = array<i32>} : memref<32x2x128xf32, #tpu.memory_space<vmem>>, vector<1x1x16xf32>,
      %swap3A_1027 = vector.shape_cast %swap3A_1026 : vector<1x1x16xf32> to vector<16xf32>
      %swap3A_1028 = vector.shape_cast %get3A_1021 : vector<16xf32> to vector<1x1x16xf32>
      tpu.vector_store %arg20[%swap3A_1023, %swap3A_1024, %swap3A_1025], %swap3A_1028 {add = true, strides = array<i32>} : memref<32x2x128xf32, #tpu.memory_space<vmem>>, vector<1x1x16xf32>,
    }
    %scan3A_381 = arith.constant 32 : i32
    %dma_start3A_382 = arith.constant 0 : i32
    %dma_start3A_383 = arith.constant 0 : i32
    %dma_start3A_384 = arith.constant 0 : i32
    %dma_start3A_385 = tpu.memref_slice %arg7[%dma_start3A_382, %add3A_338, %dma_start3A_383, %dma_start3A_384] : memref<1x4096x2x128xf32, #tpu.memory_space<hbm>> -> memref<1x32x2x128xf32, #tpu.memory_space<hbm>>
    %dma_start3A_386 = tpu.memref_squeeze %dma_start3A_385 : memref<1x32x2x128xf32, #tpu.memory_space<hbm>> -> memref<32x2x128xf32, #tpu.memory_space<hbm>>
    %dma_start3A_387 = arith.constant 0 : i32
    %dma_start3A_388 = arith.constant 0 : i32
    %dma_start3A_389 = tpu.memref_slice %arg7[%dma_start3A_382, %add3A_338, %dma_start3A_387, %dma_start3A_388] : memref<1x4096x2x128xf32, #tpu.memory_space<hbm>> -> memref<1x32x2x128xf32, #tpu.memory_space<hbm>>
    %dma_start3A_390 = tpu.memref_squeeze %dma_start3A_389 : memref<1x32x2x128xf32, #tpu.memory_space<hbm>> -> memref<32x2x128xf32, #tpu.memory_space<hbm>>
    tpu.enqueue_dma source(%arg20 : memref<32x2x128xf32, #tpu.memory_space<vmem>>) target(%dma_start3A_390 : memref<32x2x128xf32, #tpu.memory_space<hbm>>) target_semaphore(%arg32 : memref<!tpu.dma_semaphore, #tpu.memory_space<semaphore_mem>>)
    %dma_wait3A_391 = arith.constant 0 : i32
    %dma_wait3A_392 = arith.constant 0 : i32
    %dma_wait3A_393 = arith.constant 0 : i32
    %dma_wait3A_394 = arith.constant 0 : i32
    %dma_wait3A_395 = arith.constant 0 : i32
    %dma_wait3A_396 = tpu.memref_slice %arg10[%dma_wait3A_391, %dma_wait3A_392, %dma_wait3A_393, %dma_wait3A_394, %dma_wait3A_395] : memref<64x4096x2x2x128xf32, #tpu.memory_space<hbm>> -> memref<1x32x2x2x128xf32, #tpu.memory_space<hbm>>
    %dma_wait3A_397 = tpu.memref_squeeze %dma_wait3A_396 : memref<1x32x2x2x128xf32, #tpu.memory_space<hbm>> -> memref<32x2x2x128xf32, #tpu.memory_space<hbm>>
    %dma_wait3A_398 = arith.constant 0 : i32
    %dma_wait3A_399 = arith.constant 0 : i32
    %dma_wait3A_400 = arith.constant 0 : i32
    %dma_wait3A_401 = arith.constant 0 : i32
    %dma_wait3A_402 = tpu.memref_slice %arg10[%dma_wait3A_391, %dma_wait3A_398, %dma_wait3A_399, %dma_wait3A_400, %dma_wait3A_401] : memref<64x4096x2x2x128xf32, #tpu.memory_space<hbm>> -> memref<1x32x2x2x128xf32, #tpu.memory_space<hbm>>
    %dma_wait3A_403 = tpu.memref_squeeze %dma_wait3A_402 : memref<1x32x2x2x128xf32, #tpu.memory_space<hbm>> -> memref<32x2x2x128xf32, #tpu.memory_space<hbm>>
    tpu.wait_dma2 semaphore(%arg34 : memref<!tpu.dma_semaphore, #tpu.memory_space<semaphore_mem>>) src(%arg19 : memref<32x2x2x128xf32, #tpu.memory_space<vmem>>) dst(%dma_wait3A_403 : memref<32x2x2x128xf32, #tpu.memory_space<hbm>>)
    %dma_wait3A_404 = arith.constant 0 : i32
    %dma_wait3A_405 = arith.constant 0 : i32
    %dma_wait3A_406 = arith.constant 0 : i32
    %dma_wait3A_407 = arith.constant 0 : i32
    %dma_wait3A_408 = tpu.memref_slice %arg9[%dma_wait3A_404, %dma_wait3A_405, %dma_wait3A_406, %dma_wait3A_407] : memref<64x4096x2x128xf32, #tpu.memory_space<hbm>> -> memref<1x32x2x128xf32, #tpu.memory_space<hbm>>
    %dma_wait3A_409 = tpu.memref_squeeze %dma_wait3A_408 : memref<1x32x2x128xf32, #tpu.memory_space<hbm>> -> memref<32x2x128xf32, #tpu.memory_space<hbm>>
    %dma_wait3A_410 = arith.constant 0 : i32
    %dma_wait3A_411 = arith.constant 0 : i32
    %dma_wait3A_412 = arith.constant 0 : i32
    %dma_wait3A_413 = tpu.memref_slice %arg9[%dma_wait3A_404, %dma_wait3A_410, %dma_wait3A_411, %dma_wait3A_412] : memref<64x4096x2x128xf32, #tpu.memory_space<hbm>> -> memref<1x32x2x128xf32, #tpu.memory_space<hbm>>
    %dma_wait3A_414 = tpu.memref_squeeze %dma_wait3A_413 : memref<1x32x2x128xf32, #tpu.memory_space<hbm>> -> memref<32x2x128xf32, #tpu.memory_space<hbm>>
    tpu.wait_dma2 semaphore(%arg34 : memref<!tpu.dma_semaphore, #tpu.memory_space<semaphore_mem>>) src(%arg22 : memref<32x2x128xf32, #tpu.memory_space<vmem>>) dst(%dma_wait3A_414 : memref<32x2x128xf32, #tpu.memory_space<hbm>>)
    %dma_start3A_415 = arith.constant 32 : i32
    %dma_start3A_416 = tpu.memref_slice %arg15[%dma_start3A_415] : memref<8192xi32, #tpu.memory_space<vmem>> -> memref<32xi32, #tpu.memory_space<vmem>>
    %dma_start3A_417 = arith.constant 0 : i32
    %dma_start3A_418 = arith.constant 0 : i32
    %dma_start3A_419 = arith.constant 0 : i32
    %dma_start3A_420 = arith.constant 0 : i32
    %dma_start3A_421 = tpu.memref_slice %arg4[%dma_start3A_417, %dma_start3A_418, %dma_start3A_419, %dma_start3A_420] : memref<100x2x2x128xf32, #tpu.memory_space<hbm>> -> memref<100x2x2x128xf32, #tpu.memory_space<hbm>>
    tpu.enqueue_indirect_dma source(%dma_start3A_421 : memref<100x2x2x128xf32, #tpu.memory_space<hbm>>) target(%arg19 : memref<32x2x2x128xf32, #tpu.memory_space<vmem>>) offsets(%dma_start3A_416 : memref<32xi32, #tpu.memory_space<vmem>>) semaphore(%arg28 : memref<!tpu.dma_semaphore, #tpu.memory_space<semaphore_mem>>)
    %dma_start3A_422 = arith.constant 32 : i32
    %dma_start3A_423 = tpu.memref_slice %arg14[%dma_start3A_422] : memref<8192xi32, #tpu.memory_space<vmem>> -> memref<32xi32, #tpu.memory_space<vmem>>
    %dma_start3A_424 = arith.constant 0 : i32
    %dma_start3A_425 = arith.constant 0 : i32
    %dma_start3A_426 = arith.constant 0 : i32
    %dma_start3A_427 = tpu.memref_slice %arg5[%dma_start3A_424, %dma_start3A_425, %dma_start3A_426] : memref<1000x2x128xf32, #tpu.memory_space<hbm>> -> memref<1000x2x128xf32, #tpu.memory_space<hbm>>
    tpu.enqueue_indirect_dma source(%dma_start3A_427 : memref<1000x2x128xf32, #tpu.memory_space<hbm>>) target(%arg22 : memref<32x2x128xf32, #tpu.memory_space<vmem>>) offsets(%dma_start3A_423 : memref<32xi32, #tpu.memory_space<vmem>>) semaphore(%arg31 : memref<!tpu.dma_semaphore, #tpu.memory_space<semaphore_mem>>)
    %dma_start3A_428 = arith.constant 32 : i32
    %dma_start3A_429 = tpu.memref_slice %arg16[%dma_start3A_428] : memref<8192xi32, #tpu.memory_space<vmem>> -> memref<32xi32, #tpu.memory_space<vmem>>
    %dma_start3A_430 = arith.constant 0 : i32
    %dma_start3A_431 = arith.constant 0 : i32
    %dma_start3A_432 = arith.constant 0 : i32
    %dma_start3A_433 = tpu.memref_slice %arg6[%dma_start3A_430, %dma_start3A_431, %dma_start3A_432] : memref<1000x2x128xf32, #tpu.memory_space<hbm>> -> memref<1000x2x128xf32, #tpu.memory_space<hbm>>
    tpu.enqueue_indirect_dma source(%dma_start3A_433 : memref<1000x2x128xf32, #tpu.memory_space<hbm>>) target(%arg25 : memref<32x2x128xf32, #tpu.memory_space<vmem>>) offsets(%dma_start3A_429 : memref<32xi32, #tpu.memory_space<vmem>>) semaphore(%arg31 : memref<!tpu.dma_semaphore, #tpu.memory_space<semaphore_mem>>)
    %add3A_434 = arith.constant 0 : i32
    %add3A_435 = arith.addi %mul3A_2, %add3A_434 : i32
    %dma_wait3A_436 = arith.constant 0 : i32
    %dma_wait3A_437 = arith.constant 0 : i32
    %dma_wait3A_438 = arith.constant 0 : i32
    %dma_wait3A_439 = arith.constant 0 : i32
    %dma_wait3A_440 = tpu.memref_slice %arg4[%dma_wait3A_436, %dma_wait3A_437, %dma_wait3A_438, %dma_wait3A_439] : memref<100x2x2x128xf32, #tpu.memory_space<hbm>> -> memref<32x2x2x128xf32, #tpu.memory_space<hbm>>
    %dma_wait3A_441 = arith.constant 0 : i32
    %dma_wait3A_442 = arith.constant 0 : i32
    %dma_wait3A_443 = arith.constant 0 : i32
    %dma_wait3A_444 = arith.constant 0 : i32
    %dma_wait3A_445 = tpu.memref_slice %arg4[%dma_wait3A_441, %dma_wait3A_442, %dma_wait3A_443, %dma_wait3A_444] : memref<100x2x2x128xf32, #tpu.memory_space<hbm>> -> memref<32x2x2x128xf32, #tpu.memory_space<hbm>>
    tpu.wait_dma2 semaphore(%arg27 : memref<!tpu.dma_semaphore, #tpu.memory_space<semaphore_mem>>) src(%dma_wait3A_445 : memref<32x2x2x128xf32, #tpu.memory_space<hbm>>) dst(%arg18 : memref<32x2x2x128xf32, #tpu.memory_space<vmem>>)
    %dma_start3A_446 = arith.constant 0 : i32
    %dma_start3A_447 = arith.constant 0 : i32
    %dma_start3A_448 = arith.constant 0 : i32
    %dma_start3A_449 = arith.constant 0 : i32
    %dma_start3A_450 = tpu.memref_slice %arg10[%add3A_435, %dma_start3A_446, %dma_start3A_447, %dma_start3A_448, %dma_start3A_449] : memref<64x4096x2x2x128xf32, #tpu.memory_space<hbm>> -> memref<1x32x2x2x128xf32, #tpu.memory_space<hbm>>
    %dma_start3A_451 = tpu.memref_squeeze %dma_start3A_450 : memref<1x32x2x2x128xf32, #tpu.memory_space<hbm>> -> memref<32x2x2x128xf32, #tpu.memory_space<hbm>>
    %dma_start3A_452 = arith.constant 0 : i32
    %dma_start3A_453 = arith.constant 0 : i32
    %dma_start3A_454 = arith.constant 0 : i32
    %dma_start3A_455 = arith.constant 0 : i32
    %dma_start3A_456 = tpu.memref_slice %arg10[%add3A_435, %dma_start3A_452, %dma_start3A_453, %dma_start3A_454, %dma_start3A_455] : memref<64x4096x2x2x128xf32, #tpu.memory_space<hbm>> -> memref<1x32x2x2x128xf32, #tpu.memory_space<hbm>>
    %dma_start3A_457 = tpu.memref_squeeze %dma_start3A_456 : memref<1x32x2x2x128xf32, #tpu.memory_space<hbm>> -> memref<32x2x2x128xf32, #tpu.memory_space<hbm>>
    tpu.enqueue_dma source(%arg18 : memref<32x2x2x128xf32, #tpu.memory_space<vmem>>) target(%dma_start3A_457 : memref<32x2x2x128xf32, #tpu.memory_space<hbm>>) target_semaphore(%arg33 : memref<!tpu.dma_semaphore, #tpu.memory_space<semaphore_mem>>)
    %dma_wait3A_458 = arith.constant 0 : i32
    %dma_wait3A_459 = arith.constant 0 : i32
    %dma_wait3A_460 = arith.constant 0 : i32
    %dma_wait3A_461 = tpu.memref_slice %arg5[%dma_wait3A_458, %dma_wait3A_459, %dma_wait3A_460] : memref<1000x2x128xf32, #tpu.memory_space<hbm>> -> memref<32x2x128xf32, #tpu.memory_space<hbm>>
    %dma_wait3A_462 = arith.constant 0 : i32
    %dma_wait3A_463 = arith.constant 0 : i32
    %dma_wait3A_464 = arith.constant 0 : i32
    %dma_wait3A_465 = tpu.memref_slice %arg5[%dma_wait3A_462, %dma_wait3A_463, %dma_wait3A_464] : memref<1000x2x128xf32, #tpu.memory_space<hbm>> -> memref<32x2x128xf32, #tpu.memory_space<hbm>>
    tpu.wait_dma2 semaphore(%arg30 : memref<!tpu.dma_semaphore, #tpu.memory_space<semaphore_mem>>) src(%dma_wait3A_465 : memref<32x2x128xf32, #tpu.memory_space<hbm>>) dst(%arg21 : memref<32x2x128xf32, #tpu.memory_space<vmem>>)
    %dma_wait3A_466 = arith.constant 0 : i32
    %dma_wait3A_467 = arith.constant 0 : i32
    %dma_wait3A_468 = arith.constant 0 : i32
    %dma_wait3A_469 = tpu.memref_slice %arg6[%dma_wait3A_466, %dma_wait3A_467, %dma_wait3A_468] : memref<1000x2x128xf32, #tpu.memory_space<hbm>> -> memref<32x2x128xf32, #tpu.memory_space<hbm>>
    %dma_wait3A_470 = arith.constant 0 : i32
    %dma_wait3A_471 = arith.constant 0 : i32
    %dma_wait3A_472 = arith.constant 0 : i32
    %dma_wait3A_473 = tpu.memref_slice %arg6[%dma_wait3A_470, %dma_wait3A_471, %dma_wait3A_472] : memref<1000x2x128xf32, #tpu.memory_space<hbm>> -> memref<32x2x128xf32, #tpu.memory_space<hbm>>
    tpu.wait_dma2 semaphore(%arg30 : memref<!tpu.dma_semaphore, #tpu.memory_space<semaphore_mem>>) src(%dma_wait3A_473 : memref<32x2x128xf32, #tpu.memory_space<hbm>>) dst(%arg24 : memref<32x2x128xf32, #tpu.memory_space<vmem>>)
    %scan3A_474 = arith.constant 0 : i32
    %scan3A_475 = arith.constant 0 : i32
    %scan3A_476 = arith.constant 32 : i32
    %scan3A_477 = arith.addi %scan3A_475, %scan3A_476 : i32
    %scan3A_478 = arith.constant 1 : i32
    scf.for %scan3A_822 = %scan3A_475 to %scan3A_477 step %scan3A_478  : i32 {
      %get3A = arith.constant 0 : i32
      %get3A_823 = arith.index_cast %scan3A_822 : i32 to index
      %get3A_824 = arith.index_cast %get3A : i32 to index
      %get3A_825 = arith.constant 0 : index
      %get3A_826 = tpu.vector_load %arg24[%get3A_823, %get3A_824, %get3A_825] {strides = array<i32>} : memref<32x2x128xf32, #tpu.memory_space<vmem>>, vector<1x1x16xf32>,
      %get3A_827 = vector.shape_cast %get3A_826 : vector<1x1x16xf32> to vector<16xf32>
      %swap3A = arith.constant 0 : i32
      %swap3A_828 = arith.index_cast %scan3A_822 : i32 to index
      %swap3A_829 = arith.index_cast %swap3A : i32 to index
      %swap3A_830 = arith.constant 0 : index
      %swap3A_831 = tpu.vector_load %arg21[%swap3A_828, %swap3A_829, %swap3A_830] {strides = array<i32>} : memref<32x2x128xf32, #tpu.memory_space<vmem>>, vector<1x1x16xf32>,
      %swap3A_832 = vector.shape_cast %swap3A_831 : vector<1x1x16xf32> to vector<16xf32>
      %swap3A_833 = vector.shape_cast %get3A_827 : vector<16xf32> to vector<1x1x16xf32>
      tpu.vector_store %arg21[%swap3A_828, %swap3A_829, %swap3A_830], %swap3A_833 {add = true, strides = array<i32>} : memref<32x2x128xf32, #tpu.memory_space<vmem>>, vector<1x1x16xf32>,
      %get3A_834 = arith.constant 0 : i32
      %get3A_835 = arith.index_cast %scan3A_822 : i32 to index
      %get3A_836 = arith.index_cast %get3A_834 : i32 to index
      %get3A_837 = arith.constant 16 : index
      %get3A_838 = tpu.vector_load %arg24[%get3A_835, %get3A_836, %get3A_837] {strides = array<i32>} : memref<32x2x128xf32, #tpu.memory_space<vmem>>, vector<1x1x16xf32>,
      %get3A_839 = vector.shape_cast %get3A_838 : vector<1x1x16xf32> to vector<16xf32>
      %swap3A_840 = arith.constant 0 : i32
      %swap3A_841 = arith.index_cast %scan3A_822 : i32 to index
      %swap3A_842 = arith.index_cast %swap3A_840 : i32 to index
      %swap3A_843 = arith.constant 16 : index
      %swap3A_844 = tpu.vector_load %arg21[%swap3A_841, %swap3A_842, %swap3A_843] {strides = array<i32>} : memref<32x2x128xf32, #tpu.memory_space<vmem>>, vector<1x1x16xf32>,
      %swap3A_845 = vector.shape_cast %swap3A_844 : vector<1x1x16xf32> to vector<16xf32>
      %swap3A_846 = vector.shape_cast %get3A_839 : vector<16xf32> to vector<1x1x16xf32>
      tpu.vector_store %arg21[%swap3A_841, %swap3A_842, %swap3A_843], %swap3A_846 {add = true, strides = array<i32>} : memref<32x2x128xf32, #tpu.memory_space<vmem>>, vector<1x1x16xf32>,
      %get3A_847 = arith.constant 0 : i32
      %get3A_848 = arith.index_cast %scan3A_822 : i32 to index
      %get3A_849 = arith.index_cast %get3A_847 : i32 to index
      %get3A_850 = arith.constant 32 : index
      %get3A_851 = tpu.vector_load %arg24[%get3A_848, %get3A_849, %get3A_850] {strides = array<i32>} : memref<32x2x128xf32, #tpu.memory_space<vmem>>, vector<1x1x16xf32>,
      %get3A_852 = vector.shape_cast %get3A_851 : vector<1x1x16xf32> to vector<16xf32>
      %swap3A_853 = arith.constant 0 : i32
      %swap3A_854 = arith.index_cast %scan3A_822 : i32 to index
      %swap3A_855 = arith.index_cast %swap3A_853 : i32 to index
      %swap3A_856 = arith.constant 32 : index
      %swap3A_857 = tpu.vector_load %arg21[%swap3A_854, %swap3A_855, %swap3A_856] {strides = array<i32>} : memref<32x2x128xf32, #tpu.memory_space<vmem>>, vector<1x1x16xf32>,
      %swap3A_858 = vector.shape_cast %swap3A_857 : vector<1x1x16xf32> to vector<16xf32>
      %swap3A_859 = vector.shape_cast %get3A_852 : vector<16xf32> to vector<1x1x16xf32>
      tpu.vector_store %arg21[%swap3A_854, %swap3A_855, %swap3A_856], %swap3A_859 {add = true, strides = array<i32>} : memref<32x2x128xf32, #tpu.memory_space<vmem>>, vector<1x1x16xf32>,
      %get3A_860 = arith.constant 0 : i32
      %get3A_861 = arith.index_cast %scan3A_822 : i32 to index
      %get3A_862 = arith.index_cast %get3A_860 : i32 to index
      %get3A_863 = arith.constant 48 : index
      %get3A_864 = tpu.vector_load %arg24[%get3A_861, %get3A_862, %get3A_863] {strides = array<i32>} : memref<32x2x128xf32, #tpu.memory_space<vmem>>, vector<1x1x16xf32>,
      %get3A_865 = vector.shape_cast %get3A_864 : vector<1x1x16xf32> to vector<16xf32>
      %swap3A_866 = arith.constant 0 : i32
      %swap3A_867 = arith.index_cast %scan3A_822 : i32 to index
      %swap3A_868 = arith.index_cast %swap3A_866 : i32 to index
      %swap3A_869 = arith.constant 48 : index
      %swap3A_870 = tpu.vector_load %arg21[%swap3A_867, %swap3A_868, %swap3A_869] {strides = array<i32>} : memref<32x2x128xf32, #tpu.memory_space<vmem>>, vector<1x1x16xf32>,
      %swap3A_871 = vector.shape_cast %swap3A_870 : vector<1x1x16xf32> to vector<16xf32>
      %swap3A_872 = vector.shape_cast %get3A_865 : vector<16xf32> to vector<1x1x16xf32>
      tpu.vector_store %arg21[%swap3A_867, %swap3A_868, %swap3A_869], %swap3A_872 {add = true, strides = array<i32>} : memref<32x2x128xf32, #tpu.memory_space<vmem>>, vector<1x1x16xf32>,
      %get3A_873 = arith.constant 0 : i32
      %get3A_874 = arith.index_cast %scan3A_822 : i32 to index
      %get3A_875 = arith.index_cast %get3A_873 : i32 to index
      %get3A_876 = arith.constant 64 : index
      %get3A_877 = tpu.vector_load %arg24[%get3A_874, %get3A_875, %get3A_876] {strides = array<i32>} : memref<32x2x128xf32, #tpu.memory_space<vmem>>, vector<1x1x16xf32>,
      %get3A_878 = vector.shape_cast %get3A_877 : vector<1x1x16xf32> to vector<16xf32>
      %swap3A_879 = arith.constant 0 : i32
      %swap3A_880 = arith.index_cast %scan3A_822 : i32 to index
      %swap3A_881 = arith.index_cast %swap3A_879 : i32 to index
      %swap3A_882 = arith.constant 64 : index
      %swap3A_883 = tpu.vector_load %arg21[%swap3A_880, %swap3A_881, %swap3A_882] {strides = array<i32>} : memref<32x2x128xf32, #tpu.memory_space<vmem>>, vector<1x1x16xf32>,
      %swap3A_884 = vector.shape_cast %swap3A_883 : vector<1x1x16xf32> to vector<16xf32>
      %swap3A_885 = vector.shape_cast %get3A_878 : vector<16xf32> to vector<1x1x16xf32>
      tpu.vector_store %arg21[%swap3A_880, %swap3A_881, %swap3A_882], %swap3A_885 {add = true, strides = array<i32>} : memref<32x2x128xf32, #tpu.memory_space<vmem>>, vector<1x1x16xf32>,
      %get3A_886 = arith.constant 0 : i32
      %get3A_887 = arith.index_cast %scan3A_822 : i32 to index
      %get3A_888 = arith.index_cast %get3A_886 : i32 to index
      %get3A_889 = arith.constant 80 : index
      %get3A_890 = tpu.vector_load %arg24[%get3A_887, %get3A_888, %get3A_889] {strides = array<i32>} : memref<32x2x128xf32, #tpu.memory_space<vmem>>, vector<1x1x16xf32>,
      %get3A_891 = vector.shape_cast %get3A_890 : vector<1x1x16xf32> to vector<16xf32>
      %swap3A_892 = arith.constant 0 : i32
      %swap3A_893 = arith.index_cast %scan3A_822 : i32 to index
      %swap3A_894 = arith.index_cast %swap3A_892 : i32 to index
      %swap3A_895 = arith.constant 80 : index
      %swap3A_896 = tpu.vector_load %arg21[%swap3A_893, %swap3A_894, %swap3A_895] {strides = array<i32>} : memref<32x2x128xf32, #tpu.memory_space<vmem>>, vector<1x1x16xf32>,
      %swap3A_897 = vector.shape_cast %swap3A_896 : vector<1x1x16xf32> to vector<16xf32>
      %swap3A_898 = vector.shape_cast %get3A_891 : vector<16xf32> to vector<1x1x16xf32>
      tpu.vector_store %arg21[%swap3A_893, %swap3A_894, %swap3A_895], %swap3A_898 {add = true, strides = array<i32>} : memref<32x2x128xf32, #tpu.memory_space<vmem>>, vector<1x1x16xf32>,
      %get3A_899 = arith.constant 0 : i32
      %get3A_900 = arith.index_cast %scan3A_822 : i32 to index
      %get3A_901 = arith.index_cast %get3A_899 : i32 to index
      %get3A_902 = arith.constant 96 : index
      %get3A_903 = tpu.vector_load %arg24[%get3A_900, %get3A_901, %get3A_902] {strides = array<i32>} : memref<32x2x128xf32, #tpu.memory_space<vmem>>, vector<1x1x16xf32>,
      %get3A_904 = vector.shape_cast %get3A_903 : vector<1x1x16xf32> to vector<16xf32>
      %swap3A_905 = arith.constant 0 : i32
      %swap3A_906 = arith.index_cast %scan3A_822 : i32 to index
      %swap3A_907 = arith.index_cast %swap3A_905 : i32 to index
      %swap3A_908 = arith.constant 96 : index
      %swap3A_909 = tpu.vector_load %arg21[%swap3A_906, %swap3A_907, %swap3A_908] {strides = array<i32>} : memref<32x2x128xf32, #tpu.memory_space<vmem>>, vector<1x1x16xf32>,
      %swap3A_910 = vector.shape_cast %swap3A_909 : vector<1x1x16xf32> to vector<16xf32>
      %swap3A_911 = vector.shape_cast %get3A_904 : vector<16xf32> to vector<1x1x16xf32>
      tpu.vector_store %arg21[%swap3A_906, %swap3A_907, %swap3A_908], %swap3A_911 {add = true, strides = array<i32>} : memref<32x2x128xf32, #tpu.memory_space<vmem>>, vector<1x1x16xf32>,
      %get3A_912 = arith.constant 0 : i32
      %get3A_913 = arith.index_cast %scan3A_822 : i32 to index
      %get3A_914 = arith.index_cast %get3A_912 : i32 to index
      %get3A_915 = arith.constant 112 : index
      %get3A_916 = tpu.vector_load %arg24[%get3A_913, %get3A_914, %get3A_915] {strides = array<i32>} : memref<32x2x128xf32, #tpu.memory_space<vmem>>, vector<1x1x16xf32>,
      %get3A_917 = vector.shape_cast %get3A_916 : vector<1x1x16xf32> to vector<16xf32>
      %swap3A_918 = arith.constant 0 : i32
      %swap3A_919 = arith.index_cast %scan3A_822 : i32 to index
      %swap3A_920 = arith.index_cast %swap3A_918 : i32 to index
      %swap3A_921 = arith.constant 112 : index
      %swap3A_922 = tpu.vector_load %arg21[%swap3A_919, %swap3A_920, %swap3A_921] {strides = array<i32>} : memref<32x2x128xf32, #tpu.memory_space<vmem>>, vector<1x1x16xf32>,
      %swap3A_923 = vector.shape_cast %swap3A_922 : vector<1x1x16xf32> to vector<16xf32>
      %swap3A_924 = vector.shape_cast %get3A_917 : vector<16xf32> to vector<1x1x16xf32>
      tpu.vector_store %arg21[%swap3A_919, %swap3A_920, %swap3A_921], %swap3A_924 {add = true, strides = array<i32>} : memref<32x2x128xf32, #tpu.memory_space<vmem>>, vector<1x1x16xf32>,
      %get3A_925 = arith.constant 1 : i32
      %get3A_926 = arith.index_cast %scan3A_822 : i32 to index
      %get3A_927 = arith.index_cast %get3A_925 : i32 to index
      %get3A_928 = arith.constant 0 : index
      %get3A_929 = tpu.vector_load %arg24[%get3A_926, %get3A_927, %get3A_928] {strides = array<i32>} : memref<32x2x128xf32, #tpu.memory_space<vmem>>, vector<1x1x16xf32>,
      %get3A_930 = vector.shape_cast %get3A_929 : vector<1x1x16xf32> to vector<16xf32>
      %swap3A_931 = arith.constant 1 : i32
      %swap3A_932 = arith.index_cast %scan3A_822 : i32 to index
      %swap3A_933 = arith.index_cast %swap3A_931 : i32 to index
      %swap3A_934 = arith.constant 0 : index
      %swap3A_935 = tpu.vector_load %arg21[%swap3A_932, %swap3A_933, %swap3A_934] {strides = array<i32>} : memref<32x2x128xf32, #tpu.memory_space<vmem>>, vector<1x1x16xf32>,
      %swap3A_936 = vector.shape_cast %swap3A_935 : vector<1x1x16xf32> to vector<16xf32>
      %swap3A_937 = vector.shape_cast %get3A_930 : vector<16xf32> to vector<1x1x16xf32>
      tpu.vector_store %arg21[%swap3A_932, %swap3A_933, %swap3A_934], %swap3A_937 {add = true, strides = array<i32>} : memref<32x2x128xf32, #tpu.memory_space<vmem>>, vector<1x1x16xf32>,
      %get3A_938 = arith.constant 1 : i32
      %get3A_939 = arith.index_cast %scan3A_822 : i32 to index
      %get3A_940 = arith.index_cast %get3A_938 : i32 to index
      %get3A_941 = arith.constant 16 : index
      %get3A_942 = tpu.vector_load %arg24[%get3A_939, %get3A_940, %get3A_941] {strides = array<i32>} : memref<32x2x128xf32, #tpu.memory_space<vmem>>, vector<1x1x16xf32>,
      %get3A_943 = vector.shape_cast %get3A_942 : vector<1x1x16xf32> to vector<16xf32>
      %swap3A_944 = arith.constant 1 : i32
      %swap3A_945 = arith.index_cast %scan3A_822 : i32 to index
      %swap3A_946 = arith.index_cast %swap3A_944 : i32 to index
      %swap3A_947 = arith.constant 16 : index
      %swap3A_948 = tpu.vector_load %arg21[%swap3A_945, %swap3A_946, %swap3A_947] {strides = array<i32>} : memref<32x2x128xf32, #tpu.memory_space<vmem>>, vector<1x1x16xf32>,
      %swap3A_949 = vector.shape_cast %swap3A_948 : vector<1x1x16xf32> to vector<16xf32>
      %swap3A_950 = vector.shape_cast %get3A_943 : vector<16xf32> to vector<1x1x16xf32>
      tpu.vector_store %arg21[%swap3A_945, %swap3A_946, %swap3A_947], %swap3A_950 {add = true, strides = array<i32>} : memref<32x2x128xf32, #tpu.memory_space<vmem>>, vector<1x1x16xf32>,
      %get3A_951 = arith.constant 1 : i32
      %get3A_952 = arith.index_cast %scan3A_822 : i32 to index
      %get3A_953 = arith.index_cast %get3A_951 : i32 to index
      %get3A_954 = arith.constant 32 : index
      %get3A_955 = tpu.vector_load %arg24[%get3A_952, %get3A_953, %get3A_954] {strides = array<i32>} : memref<32x2x128xf32, #tpu.memory_space<vmem>>, vector<1x1x16xf32>,
      %get3A_956 = vector.shape_cast %get3A_955 : vector<1x1x16xf32> to vector<16xf32>
      %swap3A_957 = arith.constant 1 : i32
      %swap3A_958 = arith.index_cast %scan3A_822 : i32 to index
      %swap3A_959 = arith.index_cast %swap3A_957 : i32 to index
      %swap3A_960 = arith.constant 32 : index
      %swap3A_961 = tpu.vector_load %arg21[%swap3A_958, %swap3A_959, %swap3A_960] {strides = array<i32>} : memref<32x2x128xf32, #tpu.memory_space<vmem>>, vector<1x1x16xf32>,
      %swap3A_962 = vector.shape_cast %swap3A_961 : vector<1x1x16xf32> to vector<16xf32>
      %swap3A_963 = vector.shape_cast %get3A_956 : vector<16xf32> to vector<1x1x16xf32>
      tpu.vector_store %arg21[%swap3A_958, %swap3A_959, %swap3A_960], %swap3A_963 {add = true, strides = array<i32>} : memref<32x2x128xf32, #tpu.memory_space<vmem>>, vector<1x1x16xf32>,
      %get3A_964 = arith.constant 1 : i32
      %get3A_965 = arith.index_cast %scan3A_822 : i32 to index
      %get3A_966 = arith.index_cast %get3A_964 : i32 to index
      %get3A_967 = arith.constant 48 : index
      %get3A_968 = tpu.vector_load %arg24[%get3A_965, %get3A_966, %get3A_967] {strides = array<i32>} : memref<32x2x128xf32, #tpu.memory_space<vmem>>, vector<1x1x16xf32>,
      %get3A_969 = vector.shape_cast %get3A_968 : vector<1x1x16xf32> to vector<16xf32>
      %swap3A_970 = arith.constant 1 : i32
      %swap3A_971 = arith.index_cast %scan3A_822 : i32 to index
      %swap3A_972 = arith.index_cast %swap3A_970 : i32 to index
      %swap3A_973 = arith.constant 48 : index
      %swap3A_974 = tpu.vector_load %arg21[%swap3A_971, %swap3A_972, %swap3A_973] {strides = array<i32>} : memref<32x2x128xf32, #tpu.memory_space<vmem>>, vector<1x1x16xf32>,
      %swap3A_975 = vector.shape_cast %swap3A_974 : vector<1x1x16xf32> to vector<16xf32>
      %swap3A_976 = vector.shape_cast %get3A_969 : vector<16xf32> to vector<1x1x16xf32>
      tpu.vector_store %arg21[%swap3A_971, %swap3A_972, %swap3A_973], %swap3A_976 {add = true, strides = array<i32>} : memref<32x2x128xf32, #tpu.memory_space<vmem>>, vector<1x1x16xf32>,
      %get3A_977 = arith.constant 1 : i32
      %get3A_978 = arith.index_cast %scan3A_822 : i32 to index
      %get3A_979 = arith.index_cast %get3A_977 : i32 to index
      %get3A_980 = arith.constant 64 : index
      %get3A_981 = tpu.vector_load %arg24[%get3A_978, %get3A_979, %get3A_980] {strides = array<i32>} : memref<32x2x128xf32, #tpu.memory_space<vmem>>, vector<1x1x16xf32>,
      %get3A_982 = vector.shape_cast %get3A_981 : vector<1x1x16xf32> to vector<16xf32>
      %swap3A_983 = arith.constant 1 : i32
      %swap3A_984 = arith.index_cast %scan3A_822 : i32 to index
      %swap3A_985 = arith.index_cast %swap3A_983 : i32 to index
      %swap3A_986 = arith.constant 64 : index
      %swap3A_987 = tpu.vector_load %arg21[%swap3A_984, %swap3A_985, %swap3A_986] {strides = array<i32>} : memref<32x2x128xf32, #tpu.memory_space<vmem>>, vector<1x1x16xf32>,
      %swap3A_988 = vector.shape_cast %swap3A_987 : vector<1x1x16xf32> to vector<16xf32>
      %swap3A_989 = vector.shape_cast %get3A_982 : vector<16xf32> to vector<1x1x16xf32>
      tpu.vector_store %arg21[%swap3A_984, %swap3A_985, %swap3A_986], %swap3A_989 {add = true, strides = array<i32>} : memref<32x2x128xf32, #tpu.memory_space<vmem>>, vector<1x1x16xf32>,
      %get3A_990 = arith.constant 1 : i32
      %get3A_991 = arith.index_cast %scan3A_822 : i32 to index
      %get3A_992 = arith.index_cast %get3A_990 : i32 to index
      %get3A_993 = arith.constant 80 : index
      %get3A_994 = tpu.vector_load %arg24[%get3A_991, %get3A_992, %get3A_993] {strides = array<i32>} : memref<32x2x128xf32, #tpu.memory_space<vmem>>, vector<1x1x16xf32>,
      %get3A_995 = vector.shape_cast %get3A_994 : vector<1x1x16xf32> to vector<16xf32>
      %swap3A_996 = arith.constant 1 : i32
      %swap3A_997 = arith.index_cast %scan3A_822 : i32 to index
      %swap3A_998 = arith.index_cast %swap3A_996 : i32 to index
      %swap3A_999 = arith.constant 80 : index
      %swap3A_1000 = tpu.vector_load %arg21[%swap3A_997, %swap3A_998, %swap3A_999] {strides = array<i32>} : memref<32x2x128xf32, #tpu.memory_space<vmem>>, vector<1x1x16xf32>,
      %swap3A_1001 = vector.shape_cast %swap3A_1000 : vector<1x1x16xf32> to vector<16xf32>
      %swap3A_1002 = vector.shape_cast %get3A_995 : vector<16xf32> to vector<1x1x16xf32>
      tpu.vector_store %arg21[%swap3A_997, %swap3A_998, %swap3A_999], %swap3A_1002 {add = true, strides = array<i32>} : memref<32x2x128xf32, #tpu.memory_space<vmem>>, vector<1x1x16xf32>,
      %get3A_1003 = arith.constant 1 : i32
      %get3A_1004 = arith.index_cast %scan3A_822 : i32 to index
      %get3A_1005 = arith.index_cast %get3A_1003 : i32 to index
      %get3A_1006 = arith.constant 96 : index
      %get3A_1007 = tpu.vector_load %arg24[%get3A_1004, %get3A_1005, %get3A_1006] {strides = array<i32>} : memref<32x2x128xf32, #tpu.memory_space<vmem>>, vector<1x1x16xf32>,
      %get3A_1008 = vector.shape_cast %get3A_1007 : vector<1x1x16xf32> to vector<16xf32>
      %swap3A_1009 = arith.constant 1 : i32
      %swap3A_1010 = arith.index_cast %scan3A_822 : i32 to index
      %swap3A_1011 = arith.index_cast %swap3A_1009 : i32 to index
      %swap3A_1012 = arith.constant 96 : index
      %swap3A_1013 = tpu.vector_load %arg21[%swap3A_1010, %swap3A_1011, %swap3A_1012] {strides = array<i32>} : memref<32x2x128xf32, #tpu.memory_space<vmem>>, vector<1x1x16xf32>,
      %swap3A_1014 = vector.shape_cast %swap3A_1013 : vector<1x1x16xf32> to vector<16xf32>
      %swap3A_1015 = vector.shape_cast %get3A_1008 : vector<16xf32> to vector<1x1x16xf32>
      tpu.vector_store %arg21[%swap3A_1010, %swap3A_1011, %swap3A_1012], %swap3A_1015 {add = true, strides = array<i32>} : memref<32x2x128xf32, #tpu.memory_space<vmem>>, vector<1x1x16xf32>,
      %get3A_1016 = arith.constant 1 : i32
      %get3A_1017 = arith.index_cast %scan3A_822 : i32 to index
      %get3A_1018 = arith.index_cast %get3A_1016 : i32 to index
      %get3A_1019 = arith.constant 112 : index
      %get3A_1020 = tpu.vector_load %arg24[%get3A_1017, %get3A_1018, %get3A_1019] {strides = array<i32>} : memref<32x2x128xf32, #tpu.memory_space<vmem>>, vector<1x1x16xf32>,
      %get3A_1021 = vector.shape_cast %get3A_1020 : vector<1x1x16xf32> to vector<16xf32>
      %swap3A_1022 = arith.constant 1 : i32
      %swap3A_1023 = arith.index_cast %scan3A_822 : i32 to index
      %swap3A_1024 = arith.index_cast %swap3A_1022 : i32 to index
      %swap3A_1025 = arith.constant 112 : index
      %swap3A_1026 = tpu.vector_load %arg21[%swap3A_1023, %swap3A_1024, %swap3A_1025] {strides = array<i32>} : memref<32x2x128xf32, #tpu.memory_space<vmem>>, vector<1x1x16xf32>,
      %swap3A_1027 = vector.shape_cast %swap3A_1026 : vector<1x1x16xf32> to vector<16xf32>
      %swap3A_1028 = vector.shape_cast %get3A_1021 : vector<16xf32> to vector<1x1x16xf32>
      tpu.vector_store %arg21[%swap3A_1023, %swap3A_1024, %swap3A_1025], %swap3A_1028 {add = true, strides = array<i32>} : memref<32x2x128xf32, #tpu.memory_space<vmem>>, vector<1x1x16xf32>,
    }
    %scan3A_479 = arith.constant 32 : i32
    %dma_start3A_480 = arith.constant 0 : i32
    %dma_start3A_481 = arith.constant 0 : i32
    %dma_start3A_482 = arith.constant 0 : i32
    %dma_start3A_483 = tpu.memref_slice %arg9[%add3A_435, %dma_start3A_480, %dma_start3A_481, %dma_start3A_482] : memref<64x4096x2x128xf32, #tpu.memory_space<hbm>> -> memref<1x32x2x128xf32, #tpu.memory_space<hbm>>
    %dma_start3A_484 = tpu.memref_squeeze %dma_start3A_483 : memref<1x32x2x128xf32, #tpu.memory_space<hbm>> -> memref<32x2x128xf32, #tpu.memory_space<hbm>>
    %dma_start3A_485 = arith.constant 0 : i32
    %dma_start3A_486 = arith.constant 0 : i32
    %dma_start3A_487 = arith.constant 0 : i32
    %dma_start3A_488 = tpu.memref_slice %arg9[%add3A_435, %dma_start3A_485, %dma_start3A_486, %dma_start3A_487] : memref<64x4096x2x128xf32, #tpu.memory_space<hbm>> -> memref<1x32x2x128xf32, #tpu.memory_space<hbm>>
    %dma_start3A_489 = tpu.memref_squeeze %dma_start3A_488 : memref<1x32x2x128xf32, #tpu.memory_space<hbm>> -> memref<32x2x128xf32, #tpu.memory_space<hbm>>
    tpu.enqueue_dma source(%arg21 : memref<32x2x128xf32, #tpu.memory_space<vmem>>) target(%dma_start3A_489 : memref<32x2x128xf32, #tpu.memory_space<hbm>>) target_semaphore(%arg33 : memref<!tpu.dma_semaphore, #tpu.memory_space<semaphore_mem>>)
    %dma_wait3A_490 = arith.constant 0 : i32
    %dma_wait3A_491 = arith.constant 0 : i32
    %dma_wait3A_492 = arith.constant 0 : i32
    %dma_wait3A_493 = arith.constant 0 : i32
    %dma_wait3A_494 = arith.constant 0 : i32
    %dma_wait3A_495 = tpu.memref_slice %arg10[%dma_wait3A_490, %dma_wait3A_491, %dma_wait3A_492, %dma_wait3A_493, %dma_wait3A_494] : memref<64x4096x2x2x128xf32, #tpu.memory_space<hbm>> -> memref<1x32x2x2x128xf32, #tpu.memory_space<hbm>>
    %dma_wait3A_496 = tpu.memref_squeeze %dma_wait3A_495 : memref<1x32x2x2x128xf32, #tpu.memory_space<hbm>> -> memref<32x2x2x128xf32, #tpu.memory_space<hbm>>
    %dma_wait3A_497 = arith.constant 0 : i32
    %dma_wait3A_498 = arith.constant 0 : i32
    %dma_wait3A_499 = arith.constant 0 : i32
    %dma_wait3A_500 = arith.constant 0 : i32
    %dma_wait3A_501 = tpu.memref_slice %arg10[%dma_wait3A_490, %dma_wait3A_497, %dma_wait3A_498, %dma_wait3A_499, %dma_wait3A_500] : memref<64x4096x2x2x128xf32, #tpu.memory_space<hbm>> -> memref<1x32x2x2x128xf32, #tpu.memory_space<hbm>>
    %dma_wait3A_502 = tpu.memref_squeeze %dma_wait3A_501 : memref<1x32x2x2x128xf32, #tpu.memory_space<hbm>> -> memref<32x2x2x128xf32, #tpu.memory_space<hbm>>
    tpu.wait_dma2 semaphore(%arg32 : memref<!tpu.dma_semaphore, #tpu.memory_space<semaphore_mem>>) src(%arg17 : memref<32x2x2x128xf32, #tpu.memory_space<vmem>>) dst(%dma_wait3A_502 : memref<32x2x2x128xf32, #tpu.memory_space<hbm>>)
    %dma_wait3A_503 = arith.constant 0 : i32
    %dma_wait3A_504 = arith.constant 0 : i32
    %dma_wait3A_505 = arith.constant 0 : i32
    %dma_wait3A_506 = arith.constant 0 : i32
    %dma_wait3A_507 = tpu.memref_slice %arg9[%dma_wait3A_503, %dma_wait3A_504, %dma_wait3A_505, %dma_wait3A_506] : memref<64x4096x2x128xf32, #tpu.memory_space<hbm>> -> memref<1x32x2x128xf32, #tpu.memory_space<hbm>>
    %dma_wait3A_508 = tpu.memref_squeeze %dma_wait3A_507 : memref<1x32x2x128xf32, #tpu.memory_space<hbm>> -> memref<32x2x128xf32, #tpu.memory_space<hbm>>
    %dma_wait3A_509 = arith.constant 0 : i32
    %dma_wait3A_510 = arith.constant 0 : i32
    %dma_wait3A_511 = arith.constant 0 : i32
    %dma_wait3A_512 = tpu.memref_slice %arg9[%dma_wait3A_503, %dma_wait3A_509, %dma_wait3A_510, %dma_wait3A_511] : memref<64x4096x2x128xf32, #tpu.memory_space<hbm>> -> memref<1x32x2x128xf32, #tpu.memory_space<hbm>>
    %dma_wait3A_513 = tpu.memref_squeeze %dma_wait3A_512 : memref<1x32x2x128xf32, #tpu.memory_space<hbm>> -> memref<32x2x128xf32, #tpu.memory_space<hbm>>
    tpu.wait_dma2 semaphore(%arg32 : memref<!tpu.dma_semaphore, #tpu.memory_space<semaphore_mem>>) src(%arg20 : memref<32x2x128xf32, #tpu.memory_space<vmem>>) dst(%dma_wait3A_513 : memref<32x2x128xf32, #tpu.memory_space<hbm>>)
    %dma_start3A_514 = arith.constant 64 : i32
    %dma_start3A_515 = tpu.memref_slice %arg15[%dma_start3A_514] : memref<8192xi32, #tpu.memory_space<vmem>> -> memref<32xi32, #tpu.memory_space<vmem>>
    %dma_start3A_516 = arith.constant 0 : i32
    %dma_start3A_517 = arith.constant 0 : i32
    %dma_start3A_518 = arith.constant 0 : i32
    %dma_start3A_519 = arith.constant 0 : i32
    %dma_start3A_520 = tpu.memref_slice %arg4[%dma_start3A_516, %dma_start3A_517, %dma_start3A_518, %dma_start3A_519] : memref<100x2x2x128xf32, #tpu.memory_space<hbm>> -> memref<100x2x2x128xf32, #tpu.memory_space<hbm>>
    tpu.enqueue_indirect_dma source(%dma_start3A_520 : memref<100x2x2x128xf32, #tpu.memory_space<hbm>>) target(%arg17 : memref<32x2x2x128xf32, #tpu.memory_space<vmem>>) offsets(%dma_start3A_515 : memref<32xi32, #tpu.memory_space<vmem>>) semaphore(%arg26 : memref<!tpu.dma_semaphore, #tpu.memory_space<semaphore_mem>>)
    %dma_start3A_521 = arith.constant 64 : i32
    %dma_start3A_522 = tpu.memref_slice %arg14[%dma_start3A_521] : memref<8192xi32, #tpu.memory_space<vmem>> -> memref<32xi32, #tpu.memory_space<vmem>>
    %dma_start3A_523 = arith.constant 0 : i32
    %dma_start3A_524 = arith.constant 0 : i32
    %dma_start3A_525 = arith.constant 0 : i32
    %dma_start3A_526 = tpu.memref_slice %arg5[%dma_start3A_523, %dma_start3A_524, %dma_start3A_525] : memref<1000x2x128xf32, #tpu.memory_space<hbm>> -> memref<1000x2x128xf32, #tpu.memory_space<hbm>>
    tpu.enqueue_indirect_dma source(%dma_start3A_526 : memref<1000x2x128xf32, #tpu.memory_space<hbm>>) target(%arg20 : memref<32x2x128xf32, #tpu.memory_space<vmem>>) offsets(%dma_start3A_522 : memref<32xi32, #tpu.memory_space<vmem>>) semaphore(%arg29 : memref<!tpu.dma_semaphore, #tpu.memory_space<semaphore_mem>>)
    %dma_start3A_527 = arith.constant 64 : i32
    %dma_start3A_528 = tpu.memref_slice %arg16[%dma_start3A_527] : memref<8192xi32, #tpu.memory_space<vmem>> -> memref<32xi32, #tpu.memory_space<vmem>>
    %dma_start3A_529 = arith.constant 0 : i32
    %dma_start3A_530 = arith.constant 0 : i32
    %dma_start3A_531 = arith.constant 0 : i32
    %dma_start3A_532 = tpu.memref_slice %arg6[%dma_start3A_529, %dma_start3A_530, %dma_start3A_531] : memref<1000x2x128xf32, #tpu.memory_space<hbm>> -> memref<1000x2x128xf32, #tpu.memory_space<hbm>>
    tpu.enqueue_indirect_dma source(%dma_start3A_532 : memref<1000x2x128xf32, #tpu.memory_space<hbm>>) target(%arg23 : memref<32x2x128xf32, #tpu.memory_space<vmem>>) offsets(%dma_start3A_528 : memref<32xi32, #tpu.memory_space<vmem>>) semaphore(%arg29 : memref<!tpu.dma_semaphore, #tpu.memory_space<semaphore_mem>>)
    %add3A_533 = arith.constant 0 : i32
    %add3A_534 = arith.addi %mul3A_2, %add3A_533 : i32
    %dma_wait3A_535 = arith.constant 0 : i32
    %dma_wait3A_536 = arith.constant 0 : i32
    %dma_wait3A_537 = arith.constant 0 : i32
    %dma_wait3A_538 = arith.constant 0 : i32
    %dma_wait3A_539 = tpu.memref_slice %arg4[%dma_wait3A_535, %dma_wait3A_536, %dma_wait3A_537, %dma_wait3A_538] : memref<100x2x2x128xf32, #tpu.memory_space<hbm>> -> memref<32x2x2x128xf32, #tpu.memory_space<hbm>>
    %dma_wait3A_540 = arith.constant 0 : i32
    %dma_wait3A_541 = arith.constant 0 : i32
    %dma_wait3A_542 = arith.constant 0 : i32
    %dma_wait3A_543 = arith.constant 0 : i32
    %dma_wait3A_544 = tpu.memref_slice %arg4[%dma_wait3A_540, %dma_wait3A_541, %dma_wait3A_542, %dma_wait3A_543] : memref<100x2x2x128xf32, #tpu.memory_space<hbm>> -> memref<32x2x2x128xf32, #tpu.memory_space<hbm>>
    tpu.wait_dma2 semaphore(%arg28 : memref<!tpu.dma_semaphore, #tpu.memory_space<semaphore_mem>>) src(%dma_wait3A_544 : memref<32x2x2x128xf32, #tpu.memory_space<hbm>>) dst(%arg19 : memref<32x2x2x128xf32, #tpu.memory_space<vmem>>)
    %dma_start3A_545 = arith.constant 32 : i32
    %dma_start3A_546 = arith.constant 0 : i32
    %dma_start3A_547 = arith.constant 0 : i32
    %dma_start3A_548 = arith.constant 0 : i32
    %dma_start3A_549 = tpu.memref_slice %arg10[%add3A_534, %dma_start3A_545, %dma_start3A_546, %dma_start3A_547, %dma_start3A_548] : memref<64x4096x2x2x128xf32, #tpu.memory_space<hbm>> -> memref<1x32x2x2x128xf32, #tpu.memory_space<hbm>>
    %dma_start3A_550 = tpu.memref_squeeze %dma_start3A_549 : memref<1x32x2x2x128xf32, #tpu.memory_space<hbm>> -> memref<32x2x2x128xf32, #tpu.memory_space<hbm>>
    %dma_start3A_551 = arith.constant 32 : i32
    %dma_start3A_552 = arith.constant 0 : i32
    %dma_start3A_553 = arith.constant 0 : i32
    %dma_start3A_554 = arith.constant 0 : i32
    %dma_start3A_555 = tpu.memref_slice %arg10[%add3A_534, %dma_start3A_551, %dma_start3A_552, %dma_start3A_553, %dma_start3A_554] : memref<64x4096x2x2x128xf32, #tpu.memory_space<hbm>> -> memref<1x32x2x2x128xf32, #tpu.memory_space<hbm>>
    %dma_start3A_556 = tpu.memref_squeeze %dma_start3A_555 : memref<1x32x2x2x128xf32, #tpu.memory_space<hbm>> -> memref<32x2x2x128xf32, #tpu.memory_space<hbm>>
    tpu.enqueue_dma source(%arg19 : memref<32x2x2x128xf32, #tpu.memory_space<vmem>>) target(%dma_start3A_556 : memref<32x2x2x128xf32, #tpu.memory_space<hbm>>) target_semaphore(%arg34 : memref<!tpu.dma_semaphore, #tpu.memory_space<semaphore_mem>>)
    %dma_wait3A_557 = arith.constant 0 : i32
    %dma_wait3A_558 = arith.constant 0 : i32
    %dma_wait3A_559 = arith.constant 0 : i32
    %dma_wait3A_560 = tpu.memref_slice %arg5[%dma_wait3A_557, %dma_wait3A_558, %dma_wait3A_559] : memref<1000x2x128xf32, #tpu.memory_space<hbm>> -> memref<32x2x128xf32, #tpu.memory_space<hbm>>
    %dma_wait3A_561 = arith.constant 0 : i32
    %dma_wait3A_562 = arith.constant 0 : i32
    %dma_wait3A_563 = arith.constant 0 : i32
    %dma_wait3A_564 = tpu.memref_slice %arg5[%dma_wait3A_561, %dma_wait3A_562, %dma_wait3A_563] : memref<1000x2x128xf32, #tpu.memory_space<hbm>> -> memref<32x2x128xf32, #tpu.memory_space<hbm>>
    tpu.wait_dma2 semaphore(%arg31 : memref<!tpu.dma_semaphore, #tpu.memory_space<semaphore_mem>>) src(%dma_wait3A_564 : memref<32x2x128xf32, #tpu.memory_space<hbm>>) dst(%arg22 : memref<32x2x128xf32, #tpu.memory_space<vmem>>)
    %dma_wait3A_565 = arith.constant 0 : i32
    %dma_wait3A_566 = arith.constant 0 : i32
    %dma_wait3A_567 = arith.constant 0 : i32
    %dma_wait3A_568 = tpu.memref_slice %arg6[%dma_wait3A_565, %dma_wait3A_566, %dma_wait3A_567] : memref<1000x2x128xf32, #tpu.memory_space<hbm>> -> memref<32x2x128xf32, #tpu.memory_space<hbm>>
    %dma_wait3A_569 = arith.constant 0 : i32
    %dma_wait3A_570 = arith.constant 0 : i32
    %dma_wait3A_571 = arith.constant 0 : i32
    %dma_wait3A_572 = tpu.memref_slice %arg6[%dma_wait3A_569, %dma_wait3A_570, %dma_wait3A_571] : memref<1000x2x128xf32, #tpu.memory_space<hbm>> -> memref<32x2x128xf32, #tpu.memory_space<hbm>>
    tpu.wait_dma2 semaphore(%arg31 : memref<!tpu.dma_semaphore, #tpu.memory_space<semaphore_mem>>) src(%dma_wait3A_572 : memref<32x2x128xf32, #tpu.memory_space<hbm>>) dst(%arg25 : memref<32x2x128xf32, #tpu.memory_space<vmem>>)
    %scan3A_573 = arith.constant 0 : i32
    %scan3A_574 = arith.constant 0 : i32
    %scan3A_575 = arith.constant 32 : i32
    %scan3A_576 = arith.addi %scan3A_574, %scan3A_575 : i32
    %scan3A_577 = arith.constant 1 : i32
    scf.for %scan3A_822 = %scan3A_574 to %scan3A_576 step %scan3A_577  : i32 {
      %get3A = arith.constant 0 : i32
      %get3A_823 = arith.index_cast %scan3A_822 : i32 to index
      %get3A_824 = arith.index_cast %get3A : i32 to index
      %get3A_825 = arith.constant 0 : index
      %get3A_826 = tpu.vector_load %arg25[%get3A_823, %get3A_824, %get3A_825] {strides = array<i32>} : memref<32x2x128xf32, #tpu.memory_space<vmem>>, vector<1x1x16xf32>,
      %get3A_827 = vector.shape_cast %get3A_826 : vector<1x1x16xf32> to vector<16xf32>
      %swap3A = arith.constant 0 : i32
      %swap3A_828 = arith.index_cast %scan3A_822 : i32 to index
      %swap3A_829 = arith.index_cast %swap3A : i32 to index
      %swap3A_830 = arith.constant 0 : index
      %swap3A_831 = tpu.vector_load %arg22[%swap3A_828, %swap3A_829, %swap3A_830] {strides = array<i32>} : memref<32x2x128xf32, #tpu.memory_space<vmem>>, vector<1x1x16xf32>,
      %swap3A_832 = vector.shape_cast %swap3A_831 : vector<1x1x16xf32> to vector<16xf32>
      %swap3A_833 = vector.shape_cast %get3A_827 : vector<16xf32> to vector<1x1x16xf32>
      tpu.vector_store %arg22[%swap3A_828, %swap3A_829, %swap3A_830], %swap3A_833 {add = true, strides = array<i32>} : memref<32x2x128xf32, #tpu.memory_space<vmem>>, vector<1x1x16xf32>,
      %get3A_834 = arith.constant 0 : i32
      %get3A_835 = arith.index_cast %scan3A_822 : i32 to index
      %get3A_836 = arith.index_cast %get3A_834 : i32 to index
      %get3A_837 = arith.constant 16 : index
      %get3A_838 = tpu.vector_load %arg25[%get3A_835, %get3A_836, %get3A_837] {strides = array<i32>} : memref<32x2x128xf32, #tpu.memory_space<vmem>>, vector<1x1x16xf32>,
      %get3A_839 = vector.shape_cast %get3A_838 : vector<1x1x16xf32> to vector<16xf32>
      %swap3A_840 = arith.constant 0 : i32
      %swap3A_841 = arith.index_cast %scan3A_822 : i32 to index
      %swap3A_842 = arith.index_cast %swap3A_840 : i32 to index
      %swap3A_843 = arith.constant 16 : index
      %swap3A_844 = tpu.vector_load %arg22[%swap3A_841, %swap3A_842, %swap3A_843] {strides = array<i32>} : memref<32x2x128xf32, #tpu.memory_space<vmem>>, vector<1x1x16xf32>,
      %swap3A_845 = vector.shape_cast %swap3A_844 : vector<1x1x16xf32> to vector<16xf32>
      %swap3A_846 = vector.shape_cast %get3A_839 : vector<16xf32> to vector<1x1x16xf32>
      tpu.vector_store %arg22[%swap3A_841, %swap3A_842, %swap3A_843], %swap3A_846 {add = true, strides = array<i32>} : memref<32x2x128xf32, #tpu.memory_space<vmem>>, vector<1x1x16xf32>,
      %get3A_847 = arith.constant 0 : i32
      %get3A_848 = arith.index_cast %scan3A_822 : i32 to index
      %get3A_849 = arith.index_cast %get3A_847 : i32 to index
      %get3A_850 = arith.constant 32 : index
      %get3A_851 = tpu.vector_load %arg25[%get3A_848, %get3A_849, %get3A_850] {strides = array<i32>} : memref<32x2x128xf32, #tpu.memory_space<vmem>>, vector<1x1x16xf32>,
      %get3A_852 = vector.shape_cast %get3A_851 : vector<1x1x16xf32> to vector<16xf32>
      %swap3A_853 = arith.constant 0 : i32
      %swap3A_854 = arith.index_cast %scan3A_822 : i32 to index
      %swap3A_855 = arith.index_cast %swap3A_853 : i32 to index
      %swap3A_856 = arith.constant 32 : index
      %swap3A_857 = tpu.vector_load %arg22[%swap3A_854, %swap3A_855, %swap3A_856] {strides = array<i32>} : memref<32x2x128xf32, #tpu.memory_space<vmem>>, vector<1x1x16xf32>,
      %swap3A_858 = vector.shape_cast %swap3A_857 : vector<1x1x16xf32> to vector<16xf32>
      %swap3A_859 = vector.shape_cast %get3A_852 : vector<16xf32> to vector<1x1x16xf32>
      tpu.vector_store %arg22[%swap3A_854, %swap3A_855, %swap3A_856], %swap3A_859 {add = true, strides = array<i32>} : memref<32x2x128xf32, #tpu.memory_space<vmem>>, vector<1x1x16xf32>,
      %get3A_860 = arith.constant 0 : i32
      %get3A_861 = arith.index_cast %scan3A_822 : i32 to index
      %get3A_862 = arith.index_cast %get3A_860 : i32 to index
      %get3A_863 = arith.constant 48 : index
      %get3A_864 = tpu.vector_load %arg25[%get3A_861, %get3A_862, %get3A_863] {strides = array<i32>} : memref<32x2x128xf32, #tpu.memory_space<vmem>>, vector<1x1x16xf32>,
      %get3A_865 = vector.shape_cast %get3A_864 : vector<1x1x16xf32> to vector<16xf32>
      %swap3A_866 = arith.constant 0 : i32
      %swap3A_867 = arith.index_cast %scan3A_822 : i32 to index
      %swap3A_868 = arith.index_cast %swap3A_866 : i32 to index
      %swap3A_869 = arith.constant 48 : index
      %swap3A_870 = tpu.vector_load %arg22[%swap3A_867, %swap3A_868, %swap3A_869] {strides = array<i32>} : memref<32x2x128xf32, #tpu.memory_space<vmem>>, vector<1x1x16xf32>,
      %swap3A_871 = vector.shape_cast %swap3A_870 : vector<1x1x16xf32> to vector<16xf32>
      %swap3A_872 = vector.shape_cast %get3A_865 : vector<16xf32> to vector<1x1x16xf32>
      tpu.vector_store %arg22[%swap3A_867, %swap3A_868, %swap3A_869], %swap3A_872 {add = true, strides = array<i32>} : memref<32x2x128xf32, #tpu.memory_space<vmem>>, vector<1x1x16xf32>,
      %get3A_873 = arith.constant 0 : i32
      %get3A_874 = arith.index_cast %scan3A_822 : i32 to index
      %get3A_875 = arith.index_cast %get3A_873 : i32 to index
      %get3A_876 = arith.constant 64 : index
      %get3A_877 = tpu.vector_load %arg25[%get3A_874, %get3A_875, %get3A_876] {strides = array<i32>} : memref<32x2x128xf32, #tpu.memory_space<vmem>>, vector<1x1x16xf32>,
      %get3A_878 = vector.shape_cast %get3A_877 : vector<1x1x16xf32> to vector<16xf32>
      %swap3A_879 = arith.constant 0 : i32
      %swap3A_880 = arith.index_cast %scan3A_822 : i32 to index
      %swap3A_881 = arith.index_cast %swap3A_879 : i32 to index
      %swap3A_882 = arith.constant 64 : index
      %swap3A_883 = tpu.vector_load %arg22[%swap3A_880, %swap3A_881, %swap3A_882] {strides = array<i32>} : memref<32x2x128xf32, #tpu.memory_space<vmem>>, vector<1x1x16xf32>,
      %swap3A_884 = vector.shape_cast %swap3A_883 : vector<1x1x16xf32> to vector<16xf32>
      %swap3A_885 = vector.shape_cast %get3A_878 : vector<16xf32> to vector<1x1x16xf32>
      tpu.vector_store %arg22[%swap3A_880, %swap3A_881, %swap3A_882], %swap3A_885 {add = true, strides = array<i32>} : memref<32x2x128xf32, #tpu.memory_space<vmem>>, vector<1x1x16xf32>,
      %get3A_886 = arith.constant 0 : i32
      %get3A_887 = arith.index_cast %scan3A_822 : i32 to index
      %get3A_888 = arith.index_cast %get3A_886 : i32 to index
      %get3A_889 = arith.constant 80 : index
      %get3A_890 = tpu.vector_load %arg25[%get3A_887, %get3A_888, %get3A_889] {strides = array<i32>} : memref<32x2x128xf32, #tpu.memory_space<vmem>>, vector<1x1x16xf32>,
      %get3A_891 = vector.shape_cast %get3A_890 : vector<1x1x16xf32> to vector<16xf32>
      %swap3A_892 = arith.constant 0 : i32
      %swap3A_893 = arith.index_cast %scan3A_822 : i32 to index
      %swap3A_894 = arith.index_cast %swap3A_892 : i32 to index
      %swap3A_895 = arith.constant 80 : index
      %swap3A_896 = tpu.vector_load %arg22[%swap3A_893, %swap3A_894, %swap3A_895] {strides = array<i32>} : memref<32x2x128xf32, #tpu.memory_space<vmem>>, vector<1x1x16xf32>,
      %swap3A_897 = vector.shape_cast %swap3A_896 : vector<1x1x16xf32> to vector<16xf32>
      %swap3A_898 = vector.shape_cast %get3A_891 : vector<16xf32> to vector<1x1x16xf32>
      tpu.vector_store %arg22[%swap3A_893, %swap3A_894, %swap3A_895], %swap3A_898 {add = true, strides = array<i32>} : memref<32x2x128xf32, #tpu.memory_space<vmem>>, vector<1x1x16xf32>,
      %get3A_899 = arith.constant 0 : i32
      %get3A_900 = arith.index_cast %scan3A_822 : i32 to index
      %get3A_901 = arith.index_cast %get3A_899 : i32 to index
      %get3A_902 = arith.constant 96 : index
      %get3A_903 = tpu.vector_load %arg25[%get3A_900, %get3A_901, %get3A_902] {strides = array<i32>} : memref<32x2x128xf32, #tpu.memory_space<vmem>>, vector<1x1x16xf32>,
      %get3A_904 = vector.shape_cast %get3A_903 : vector<1x1x16xf32> to vector<16xf32>
      %swap3A_905 = arith.constant 0 : i32
      %swap3A_906 = arith.index_cast %scan3A_822 : i32 to index
      %swap3A_907 = arith.index_cast %swap3A_905 : i32 to index
      %swap3A_908 = arith.constant 96 : index
      %swap3A_909 = tpu.vector_load %arg22[%swap3A_906, %swap3A_907, %swap3A_908] {strides = array<i32>} : memref<32x2x128xf32, #tpu.memory_space<vmem>>, vector<1x1x16xf32>,
      %swap3A_910 = vector.shape_cast %swap3A_909 : vector<1x1x16xf32> to vector<16xf32>
      %swap3A_911 = vector.shape_cast %get3A_904 : vector<16xf32> to vector<1x1x16xf32>
      tpu.vector_store %arg22[%swap3A_906, %swap3A_907, %swap3A_908], %swap3A_911 {add = true, strides = array<i32>} : memref<32x2x128xf32, #tpu.memory_space<vmem>>, vector<1x1x16xf32>,
      %get3A_912 = arith.constant 0 : i32
      %get3A_913 = arith.index_cast %scan3A_822 : i32 to index
      %get3A_914 = arith.index_cast %get3A_912 : i32 to index
      %get3A_915 = arith.constant 112 : index
      %get3A_916 = tpu.vector_load %arg25[%get3A_913, %get3A_914, %get3A_915] {strides = array<i32>} : memref<32x2x128xf32, #tpu.memory_space<vmem>>, vector<1x1x16xf32>,
      %get3A_917 = vector.shape_cast %get3A_916 : vector<1x1x16xf32> to vector<16xf32>
      %swap3A_918 = arith.constant 0 : i32
      %swap3A_919 = arith.index_cast %scan3A_822 : i32 to index
      %swap3A_920 = arith.index_cast %swap3A_918 : i32 to index
      %swap3A_921 = arith.constant 112 : index
      %swap3A_922 = tpu.vector_load %arg22[%swap3A_919, %swap3A_920, %swap3A_921] {strides = array<i32>} : memref<32x2x128xf32, #tpu.memory_space<vmem>>, vector<1x1x16xf32>,
      %swap3A_923 = vector.shape_cast %swap3A_922 : vector<1x1x16xf32> to vector<16xf32>
      %swap3A_924 = vector.shape_cast %get3A_917 : vector<16xf32> to vector<1x1x16xf32>
      tpu.vector_store %arg22[%swap3A_919, %swap3A_920, %swap3A_921], %swap3A_924 {add = true, strides = array<i32>} : memref<32x2x128xf32, #tpu.memory_space<vmem>>, vector<1x1x16xf32>,
      %get3A_925 = arith.constant 1 : i32
      %get3A_926 = arith.index_cast %scan3A_822 : i32 to index
      %get3A_927 = arith.index_cast %get3A_925 : i32 to index
      %get3A_928 = arith.constant 0 : index
      %get3A_929 = tpu.vector_load %arg25[%get3A_926, %get3A_927, %get3A_928] {strides = array<i32>} : memref<32x2x128xf32, #tpu.memory_space<vmem>>, vector<1x1x16xf32>,
      %get3A_930 = vector.shape_cast %get3A_929 : vector<1x1x16xf32> to vector<16xf32>
      %swap3A_931 = arith.constant 1 : i32
      %swap3A_932 = arith.index_cast %scan3A_822 : i32 to index
      %swap3A_933 = arith.index_cast %swap3A_931 : i32 to index
      %swap3A_934 = arith.constant 0 : index
      %swap3A_935 = tpu.vector_load %arg22[%swap3A_932, %swap3A_933, %swap3A_934] {strides = array<i32>} : memref<32x2x128xf32, #tpu.memory_space<vmem>>, vector<1x1x16xf32>,
      %swap3A_936 = vector.shape_cast %swap3A_935 : vector<1x1x16xf32> to vector<16xf32>
      %swap3A_937 = vector.shape_cast %get3A_930 : vector<16xf32> to vector<1x1x16xf32>
      tpu.vector_store %arg22[%swap3A_932, %swap3A_933, %swap3A_934], %swap3A_937 {add = true, strides = array<i32>} : memref<32x2x128xf32, #tpu.memory_space<vmem>>, vector<1x1x16xf32>,
      %get3A_938 = arith.constant 1 : i32
      %get3A_939 = arith.index_cast %scan3A_822 : i32 to index
      %get3A_940 = arith.index_cast %get3A_938 : i32 to index
      %get3A_941 = arith.constant 16 : index
      %get3A_942 = tpu.vector_load %arg25[%get3A_939, %get3A_940, %get3A_941] {strides = array<i32>} : memref<32x2x128xf32, #tpu.memory_space<vmem>>, vector<1x1x16xf32>,
      %get3A_943 = vector.shape_cast %get3A_942 : vector<1x1x16xf32> to vector<16xf32>
      %swap3A_944 = arith.constant 1 : i32
      %swap3A_945 = arith.index_cast %scan3A_822 : i32 to index
      %swap3A_946 = arith.index_cast %swap3A_944 : i32 to index
      %swap3A_947 = arith.constant 16 : index
      %swap3A_948 = tpu.vector_load %arg22[%swap3A_945, %swap3A_946, %swap3A_947] {strides = array<i32>} : memref<32x2x128xf32, #tpu.memory_space<vmem>>, vector<1x1x16xf32>,
      %swap3A_949 = vector.shape_cast %swap3A_948 : vector<1x1x16xf32> to vector<16xf32>
      %swap3A_950 = vector.shape_cast %get3A_943 : vector<16xf32> to vector<1x1x16xf32>
      tpu.vector_store %arg22[%swap3A_945, %swap3A_946, %swap3A_947], %swap3A_950 {add = true, strides = array<i32>} : memref<32x2x128xf32, #tpu.memory_space<vmem>>, vector<1x1x16xf32>,
      %get3A_951 = arith.constant 1 : i32
      %get3A_952 = arith.index_cast %scan3A_822 : i32 to index
      %get3A_953 = arith.index_cast %get3A_951 : i32 to index
      %get3A_954 = arith.constant 32 : index
      %get3A_955 = tpu.vector_load %arg25[%get3A_952, %get3A_953, %get3A_954] {strides = array<i32>} : memref<32x2x128xf32, #tpu.memory_space<vmem>>, vector<1x1x16xf32>,
      %get3A_956 = vector.shape_cast %get3A_955 : vector<1x1x16xf32> to vector<16xf32>
      %swap3A_957 = arith.constant 1 : i32
      %swap3A_958 = arith.index_cast %scan3A_822 : i32 to index
      %swap3A_959 = arith.index_cast %swap3A_957 : i32 to index
      %swap3A_960 = arith.constant 32 : index
      %swap3A_961 = tpu.vector_load %arg22[%swap3A_958, %swap3A_959, %swap3A_960] {strides = array<i32>} : memref<32x2x128xf32, #tpu.memory_space<vmem>>, vector<1x1x16xf32>,
      %swap3A_962 = vector.shape_cast %swap3A_961 : vector<1x1x16xf32> to vector<16xf32>
      %swap3A_963 = vector.shape_cast %get3A_956 : vector<16xf32> to vector<1x1x16xf32>
      tpu.vector_store %arg22[%swap3A_958, %swap3A_959, %swap3A_960], %swap3A_963 {add = true, strides = array<i32>} : memref<32x2x128xf32, #tpu.memory_space<vmem>>, vector<1x1x16xf32>,
      %get3A_964 = arith.constant 1 : i32
      %get3A_965 = arith.index_cast %scan3A_822 : i32 to index
      %get3A_966 = arith.index_cast %get3A_964 : i32 to index
      %get3A_967 = arith.constant 48 : index
      %get3A_968 = tpu.vector_load %arg25[%get3A_965, %get3A_966, %get3A_967] {strides = array<i32>} : memref<32x2x128xf32, #tpu.memory_space<vmem>>, vector<1x1x16xf32>,
      %get3A_969 = vector.shape_cast %get3A_968 : vector<1x1x16xf32> to vector<16xf32>
      %swap3A_970 = arith.constant 1 : i32
      %swap3A_971 = arith.index_cast %scan3A_822 : i32 to index
      %swap3A_972 = arith.index_cast %swap3A_970 : i32 to index
      %swap3A_973 = arith.constant 48 : index
      %swap3A_974 = tpu.vector_load %arg22[%swap3A_971, %swap3A_972, %swap3A_973] {strides = array<i32>} : memref<32x2x128xf32, #tpu.memory_space<vmem>>, vector<1x1x16xf32>,
      %swap3A_975 = vector.shape_cast %swap3A_974 : vector<1x1x16xf32> to vector<16xf32>
      %swap3A_976 = vector.shape_cast %get3A_969 : vector<16xf32> to vector<1x1x16xf32>
      tpu.vector_store %arg22[%swap3A_971, %swap3A_972, %swap3A_973], %swap3A_976 {add = true, strides = array<i32>} : memref<32x2x128xf32, #tpu.memory_space<vmem>>, vector<1x1x16xf32>,
      %get3A_977 = arith.constant 1 : i32
      %get3A_978 = arith.index_cast %scan3A_822 : i32 to index
      %get3A_979 = arith.index_cast %get3A_977 : i32 to index
      %get3A_980 = arith.constant 64 : index
      %get3A_981 = tpu.vector_load %arg25[%get3A_978, %get3A_979, %get3A_980] {strides = array<i32>} : memref<32x2x128xf32, #tpu.memory_space<vmem>>, vector<1x1x16xf32>,
      %get3A_982 = vector.shape_cast %get3A_981 : vector<1x1x16xf32> to vector<16xf32>
      %swap3A_983 = arith.constant 1 : i32
      %swap3A_984 = arith.index_cast %scan3A_822 : i32 to index
      %swap3A_985 = arith.index_cast %swap3A_983 : i32 to index
      %swap3A_986 = arith.constant 64 : index
      %swap3A_987 = tpu.vector_load %arg22[%swap3A_984, %swap3A_985, %swap3A_986] {strides = array<i32>} : memref<32x2x128xf32, #tpu.memory_space<vmem>>, vector<1x1x16xf32>,
      %swap3A_988 = vector.shape_cast %swap3A_987 : vector<1x1x16xf32> to vector<16xf32>
      %swap3A_989 = vector.shape_cast %get3A_982 : vector<16xf32> to vector<1x1x16xf32>
      tpu.vector_store %arg22[%swap3A_984, %swap3A_985, %swap3A_986], %swap3A_989 {add = true, strides = array<i32>} : memref<32x2x128xf32, #tpu.memory_space<vmem>>, vector<1x1x16xf32>,
      %get3A_990 = arith.constant 1 : i32
      %get3A_991 = arith.index_cast %scan3A_822 : i32 to index
      %get3A_992 = arith.index_cast %get3A_990 : i32 to index
      %get3A_993 = arith.constant 80 : index
      %get3A_994 = tpu.vector_load %arg25[%get3A_991, %get3A_992, %get3A_993] {strides = array<i32>} : memref<32x2x128xf32, #tpu.memory_space<vmem>>, vector<1x1x16xf32>,
      %get3A_995 = vector.shape_cast %get3A_994 : vector<1x1x16xf32> to vector<16xf32>
      %swap3A_996 = arith.constant 1 : i32
      %swap3A_997 = arith.index_cast %scan3A_822 : i32 to index
      %swap3A_998 = arith.index_cast %swap3A_996 : i32 to index
      %swap3A_999 = arith.constant 80 : index
      %swap3A_1000 = tpu.vector_load %arg22[%swap3A_997, %swap3A_998, %swap3A_999] {strides = array<i32>} : memref<32x2x128xf32, #tpu.memory_space<vmem>>, vector<1x1x16xf32>,
      %swap3A_1001 = vector.shape_cast %swap3A_1000 : vector<1x1x16xf32> to vector<16xf32>
      %swap3A_1002 = vector.shape_cast %get3A_995 : vector<16xf32> to vector<1x1x16xf32>
      tpu.vector_store %arg22[%swap3A_997, %swap3A_998, %swap3A_999], %swap3A_1002 {add = true, strides = array<i32>} : memref<32x2x128xf32, #tpu.memory_space<vmem>>, vector<1x1x16xf32>,
      %get3A_1003 = arith.constant 1 : i32
      %get3A_1004 = arith.index_cast %scan3A_822 : i32 to index
      %get3A_1005 = arith.index_cast %get3A_1003 : i32 to index
      %get3A_1006 = arith.constant 96 : index
      %get3A_1007 = tpu.vector_load %arg25[%get3A_1004, %get3A_1005, %get3A_1006] {strides = array<i32>} : memref<32x2x128xf32, #tpu.memory_space<vmem>>, vector<1x1x16xf32>,
      %get3A_1008 = vector.shape_cast %get3A_1007 : vector<1x1x16xf32> to vector<16xf32>
      %swap3A_1009 = arith.constant 1 : i32
      %swap3A_1010 = arith.index_cast %scan3A_822 : i32 to index
      %swap3A_1011 = arith.index_cast %swap3A_1009 : i32 to index
      %swap3A_1012 = arith.constant 96 : index
      %swap3A_1013 = tpu.vector_load %arg22[%swap3A_1010, %swap3A_1011, %swap3A_1012] {strides = array<i32>} : memref<32x2x128xf32, #tpu.memory_space<vmem>>, vector<1x1x16xf32>,
      %swap3A_1014 = vector.shape_cast %swap3A_1013 : vector<1x1x16xf32> to vector<16xf32>
      %swap3A_1015 = vector.shape_cast %get3A_1008 : vector<16xf32> to vector<1x1x16xf32>
      tpu.vector_store %arg22[%swap3A_1010, %swap3A_1011, %swap3A_1012], %swap3A_1015 {add = true, strides = array<i32>} : memref<32x2x128xf32, #tpu.memory_space<vmem>>, vector<1x1x16xf32>,
      %get3A_1016 = arith.constant 1 : i32
      %get3A_1017 = arith.index_cast %scan3A_822 : i32 to index
      %get3A_1018 = arith.index_cast %get3A_1016 : i32 to index
      %get3A_1019 = arith.constant 112 : index
      %get3A_1020 = tpu.vector_load %arg25[%get3A_1017, %get3A_1018, %get3A_1019] {strides = array<i32>} : memref<32x2x128xf32, #tpu.memory_space<vmem>>, vector<1x1x16xf32>,
      %get3A_1021 = vector.shape_cast %get3A_1020 : vector<1x1x16xf32> to vector<16xf32>
      %swap3A_1022 = arith.constant 1 : i32
      %swap3A_1023 = arith.index_cast %scan3A_822 : i32 to index
      %swap3A_1024 = arith.index_cast %swap3A_1022 : i32 to index
      %swap3A_1025 = arith.constant 112 : index
      %swap3A_1026 = tpu.vector_load %arg22[%swap3A_1023, %swap3A_1024, %swap3A_1025] {strides = array<i32>} : memref<32x2x128xf32, #tpu.memory_space<vmem>>, vector<1x1x16xf32>,
      %swap3A_1027 = vector.shape_cast %swap3A_1026 : vector<1x1x16xf32> to vector<16xf32>
      %swap3A_1028 = vector.shape_cast %get3A_1021 : vector<16xf32> to vector<1x1x16xf32>
      tpu.vector_store %arg22[%swap3A_1023, %swap3A_1024, %swap3A_1025], %swap3A_1028 {add = true, strides = array<i32>} : memref<32x2x128xf32, #tpu.memory_space<vmem>>, vector<1x1x16xf32>,
    }
    %scan3A_578 = arith.constant 32 : i32
    %dma_start3A_579 = arith.constant 32 : i32
    %dma_start3A_580 = arith.constant 0 : i32
    %dma_start3A_581 = arith.constant 0 : i32
    %dma_start3A_582 = tpu.memref_slice %arg9[%add3A_534, %dma_start3A_579, %dma_start3A_580, %dma_start3A_581] : memref<64x4096x2x128xf32, #tpu.memory_space<hbm>> -> memref<1x32x2x128xf32, #tpu.memory_space<hbm>>
    %dma_start3A_583 = tpu.memref_squeeze %dma_start3A_582 : memref<1x32x2x128xf32, #tpu.memory_space<hbm>> -> memref<32x2x128xf32, #tpu.memory_space<hbm>>
    %dma_start3A_584 = arith.constant 32 : i32
    %dma_start3A_585 = arith.constant 0 : i32
    %dma_start3A_586 = arith.constant 0 : i32
    %dma_start3A_587 = tpu.memref_slice %arg9[%add3A_534, %dma_start3A_584, %dma_start3A_585, %dma_start3A_586] : memref<64x4096x2x128xf32, #tpu.memory_space<hbm>> -> memref<1x32x2x128xf32, #tpu.memory_space<hbm>>
    %dma_start3A_588 = tpu.memref_squeeze %dma_start3A_587 : memref<1x32x2x128xf32, #tpu.memory_space<hbm>> -> memref<32x2x128xf32, #tpu.memory_space<hbm>>
    tpu.enqueue_dma source(%arg22 : memref<32x2x128xf32, #tpu.memory_space<vmem>>) target(%dma_start3A_588 : memref<32x2x128xf32, #tpu.memory_space<hbm>>) target_semaphore(%arg34 : memref<!tpu.dma_semaphore, #tpu.memory_space<semaphore_mem>>)
    %dma_wait3A_589 = arith.constant 0 : i32
    %dma_wait3A_590 = arith.constant 0 : i32
    %dma_wait3A_591 = arith.constant 0 : i32
    %dma_wait3A_592 = arith.constant 0 : i32
    %dma_wait3A_593 = arith.constant 0 : i32
    %dma_wait3A_594 = tpu.memref_slice %arg10[%dma_wait3A_589, %dma_wait3A_590, %dma_wait3A_591, %dma_wait3A_592, %dma_wait3A_593] : memref<64x4096x2x2x128xf32, #tpu.memory_space<hbm>> -> memref<1x32x2x2x128xf32, #tpu.memory_space<hbm>>
    %dma_wait3A_595 = tpu.memref_squeeze %dma_wait3A_594 : memref<1x32x2x2x128xf32, #tpu.memory_space<hbm>> -> memref<32x2x2x128xf32, #tpu.memory_space<hbm>>
    %dma_wait3A_596 = arith.constant 0 : i32
    %dma_wait3A_597 = arith.constant 0 : i32
    %dma_wait3A_598 = arith.constant 0 : i32
    %dma_wait3A_599 = arith.constant 0 : i32
    %dma_wait3A_600 = tpu.memref_slice %arg10[%dma_wait3A_589, %dma_wait3A_596, %dma_wait3A_597, %dma_wait3A_598, %dma_wait3A_599] : memref<64x4096x2x2x128xf32, #tpu.memory_space<hbm>> -> memref<1x32x2x2x128xf32, #tpu.memory_space<hbm>>
    %dma_wait3A_601 = tpu.memref_squeeze %dma_wait3A_600 : memref<1x32x2x2x128xf32, #tpu.memory_space<hbm>> -> memref<32x2x2x128xf32, #tpu.memory_space<hbm>>
    tpu.wait_dma2 semaphore(%arg33 : memref<!tpu.dma_semaphore, #tpu.memory_space<semaphore_mem>>) src(%arg18 : memref<32x2x2x128xf32, #tpu.memory_space<vmem>>) dst(%dma_wait3A_601 : memref<32x2x2x128xf32, #tpu.memory_space<hbm>>)
    %dma_wait3A_602 = arith.constant 0 : i32
    %dma_wait3A_603 = arith.constant 0 : i32
    %dma_wait3A_604 = arith.constant 0 : i32
    %dma_wait3A_605 = arith.constant 0 : i32
    %dma_wait3A_606 = tpu.memref_slice %arg9[%dma_wait3A_602, %dma_wait3A_603, %dma_wait3A_604, %dma_wait3A_605] : memref<64x4096x2x128xf32, #tpu.memory_space<hbm>> -> memref<1x32x2x128xf32, #tpu.memory_space<hbm>>
    %dma_wait3A_607 = tpu.memref_squeeze %dma_wait3A_606 : memref<1x32x2x128xf32, #tpu.memory_space<hbm>> -> memref<32x2x128xf32, #tpu.memory_space<hbm>>
    %dma_wait3A_608 = arith.constant 0 : i32
    %dma_wait3A_609 = arith.constant 0 : i32
    %dma_wait3A_610 = arith.constant 0 : i32
    %dma_wait3A_611 = tpu.memref_slice %arg9[%dma_wait3A_602, %dma_wait3A_608, %dma_wait3A_609, %dma_wait3A_610] : memref<64x4096x2x128xf32, #tpu.memory_space<hbm>> -> memref<1x32x2x128xf32, #tpu.memory_space<hbm>>
    %dma_wait3A_612 = tpu.memref_squeeze %dma_wait3A_611 : memref<1x32x2x128xf32, #tpu.memory_space<hbm>> -> memref<32x2x128xf32, #tpu.memory_space<hbm>>
    tpu.wait_dma2 semaphore(%arg33 : memref<!tpu.dma_semaphore, #tpu.memory_space<semaphore_mem>>) src(%arg21 : memref<32x2x128xf32, #tpu.memory_space<vmem>>) dst(%dma_wait3A_612 : memref<32x2x128xf32, #tpu.memory_space<hbm>>)
    %dma_start3A_613 = arith.constant 96 : i32
    %dma_start3A_614 = tpu.memref_slice %arg15[%dma_start3A_613] : memref<8192xi32, #tpu.memory_space<vmem>> -> memref<32xi32, #tpu.memory_space<vmem>>
    %dma_start3A_615 = arith.constant 0 : i32
    %dma_start3A_616 = arith.constant 0 : i32
    %dma_start3A_617 = arith.constant 0 : i32
    %dma_start3A_618 = arith.constant 0 : i32
    %dma_start3A_619 = tpu.memref_slice %arg4[%dma_start3A_615, %dma_start3A_616, %dma_start3A_617, %dma_start3A_618] : memref<100x2x2x128xf32, #tpu.memory_space<hbm>> -> memref<100x2x2x128xf32, #tpu.memory_space<hbm>>
    tpu.enqueue_indirect_dma source(%dma_start3A_619 : memref<100x2x2x128xf32, #tpu.memory_space<hbm>>) target(%arg18 : memref<32x2x2x128xf32, #tpu.memory_space<vmem>>) offsets(%dma_start3A_614 : memref<32xi32, #tpu.memory_space<vmem>>) semaphore(%arg27 : memref<!tpu.dma_semaphore, #tpu.memory_space<semaphore_mem>>)
    %dma_start3A_620 = arith.constant 96 : i32
    %dma_start3A_621 = tpu.memref_slice %arg14[%dma_start3A_620] : memref<8192xi32, #tpu.memory_space<vmem>> -> memref<32xi32, #tpu.memory_space<vmem>>
    %dma_start3A_622 = arith.constant 0 : i32
    %dma_start3A_623 = arith.constant 0 : i32
    %dma_start3A_624 = arith.constant 0 : i32
    %dma_start3A_625 = tpu.memref_slice %arg5[%dma_start3A_622, %dma_start3A_623, %dma_start3A_624] : memref<1000x2x128xf32, #tpu.memory_space<hbm>> -> memref<1000x2x128xf32, #tpu.memory_space<hbm>>
    tpu.enqueue_indirect_dma source(%dma_start3A_625 : memref<1000x2x128xf32, #tpu.memory_space<hbm>>) target(%arg21 : memref<32x2x128xf32, #tpu.memory_space<vmem>>) offsets(%dma_start3A_621 : memref<32xi32, #tpu.memory_space<vmem>>) semaphore(%arg30 : memref<!tpu.dma_semaphore, #tpu.memory_space<semaphore_mem>>)
    %dma_start3A_626 = arith.constant 96 : i32
    %dma_start3A_627 = tpu.memref_slice %arg16[%dma_start3A_626] : memref<8192xi32, #tpu.memory_space<vmem>> -> memref<32xi32, #tpu.memory_space<vmem>>
    %dma_start3A_628 = arith.constant 0 : i32
    %dma_start3A_629 = arith.constant 0 : i32
    %dma_start3A_630 = arith.constant 0 : i32
    %dma_start3A_631 = tpu.memref_slice %arg6[%dma_start3A_628, %dma_start3A_629, %dma_start3A_630] : memref<1000x2x128xf32, #tpu.memory_space<hbm>> -> memref<1000x2x128xf32, #tpu.memory_space<hbm>>
    tpu.enqueue_indirect_dma source(%dma_start3A_631 : memref<1000x2x128xf32, #tpu.memory_space<hbm>>) target(%arg24 : memref<32x2x128xf32, #tpu.memory_space<vmem>>) offsets(%dma_start3A_627 : memref<32xi32, #tpu.memory_space<vmem>>) semaphore(%arg30 : memref<!tpu.dma_semaphore, #tpu.memory_space<semaphore_mem>>)
    %scan3A_632 = arith.constant 0 : i32
    %scan3A_633 = arith.constant 0 : i32
    %scan3A_634 = arith.constant 84 : i32
    %scan3A_635 = arith.addi %scan3A_633, %scan3A_634 : i32
    %scan3A_636 = arith.constant 1 : i32
    scf.for %scan3A_822 = %scan3A_633 to %scan3A_635 step %scan3A_636  : i32 {
      %mul3A_823 = arith.constant 3 : i32
      %mul3A_824 = arith.muli %mul3A_823, %scan3A_822 : i32
      %add3A_825 = arith.constant 6 : i32
      %add3A_826 = arith.addi %add3A_825, %mul3A_824 : i32
      %add3A_827 = arith.constant 0 : i32
      %add3A_828 = arith.addi %add3A_826, %add3A_827 : i32
      %sub3A = arith.constant 4 : i32
      %sub3A_829 = arith.subi %add3A_828, %sub3A : i32
      %mul3A_830 = arith.constant 32 : i32
      %mul3A_831 = arith.muli %sub3A_829, %mul3A_830 : i32
      %jit3A = arith.constant 4096 : i32
      %div3A = arith.divsi %mul3A_831, %jit3A : i32
      %sign3A = arith.constant 0 : i32
      %sign3A_832 = arith.cmpi sgt, %mul3A_831, %sign3A : i32
      %sign3A_833 = arith.extui %sign3A_832 : i1 to i32
      %sign3A_834 = arith.constant 0 : i32
      %sign3A_835 = arith.cmpi slt, %mul3A_831, %sign3A_834 : i32
      %sign3A_836 = arith.extui %sign3A_835 : i1 to i32
      %sign3A_837 = arith.subi %sign3A_833, %sign3A_836 : i32
      %sign3A_838 = arith.constant 0 : i32
      %sign3A_839 = arith.cmpi sgt, %jit3A, %sign3A_838 : i32
      %sign3A_840 = arith.extui %sign3A_839 : i1 to i32
      %sign3A_841 = arith.constant 0 : i32
      %sign3A_842 = arith.cmpi slt, %jit3A, %sign3A_841 : i32
      %sign3A_843 = arith.extui %sign3A_842 : i1 to i32
      %sign3A_844 = arith.subi %sign3A_840, %sign3A_843 : i32
      %ne3A = arith.cmpi ne, %sign3A_837, %sign3A_844 : i32
      %rem3A = arith.remsi %mul3A_831, %jit3A : i32
      %ne3A_845 = arith.constant 0 : i32
      %ne3A_846 = arith.cmpi ne, %rem3A, %ne3A_845 : i32
      %and3A = arith.andi %ne3A, %ne3A_846 : i1
      %sub3A_847 = arith.constant 1 : i32
      %sub3A_848 = arith.subi %div3A, %sub3A_847 : i32
      %select_n3A = arith.select %and3A, %sub3A_848, %div3A : i32
      %add3A_849 = arith.addi %mul3A_2, %select_n3A : i32
      %mul3A_850 = arith.constant 4096 : i32
      %mul3A_851 = arith.muli %select_n3A, %mul3A_850 : i32
      %sub3A_852 = arith.subi %mul3A_831, %mul3A_851 : i32
      %dma_wait3A_853 = arith.constant 0 : i32
      %dma_wait3A_854 = arith.constant 0 : i32
      %dma_wait3A_855 = arith.constant 0 : i32
      %dma_wait3A_856 = arith.constant 0 : i32
      %dma_wait3A_857 = tpu.memref_slice %arg4[%dma_wait3A_853, %dma_wait3A_854, %dma_wait3A_855, %dma_wait3A_856] : memref<100x2x2x128xf32, #tpu.memory_space<hbm>> -> memref<32x2x2x128xf32, #tpu.memory_space<hbm>>
      %dma_wait3A_858 = arith.constant 0 : i32
      %dma_wait3A_859 = arith.constant 0 : i32
      %dma_wait3A_860 = arith.constant 0 : i32
      %dma_wait3A_861 = arith.constant 0 : i32
      %dma_wait3A_862 = tpu.memref_slice %arg4[%dma_wait3A_858, %dma_wait3A_859, %dma_wait3A_860, %dma_wait3A_861] : memref<100x2x2x128xf32, #tpu.memory_space<hbm>> -> memref<32x2x2x128xf32, #tpu.memory_space<hbm>>
      tpu.wait_dma2 semaphore(%arg26 : memref<!tpu.dma_semaphore, #tpu.memory_space<semaphore_mem>>) src(%dma_wait3A_862 : memref<32x2x2x128xf32, #tpu.memory_space<hbm>>) dst(%arg17 : memref<32x2x2x128xf32, #tpu.memory_space<vmem>>)
      %dma_start3A_863 = arith.constant 0 : i32
      %dma_start3A_864 = arith.constant 0 : i32
      %dma_start3A_865 = arith.constant 0 : i32
      %dma_start3A_866 = tpu.memref_slice %arg10[%add3A_849, %sub3A_852, %dma_start3A_863, %dma_start3A_864, %dma_start3A_865] : memref<64x4096x2x2x128xf32, #tpu.memory_space<hbm>> -> memref<1x32x2x2x128xf32, #tpu.memory_space<hbm>>
      %dma_start3A_867 = tpu.memref_squeeze %dma_start3A_866 : memref<1x32x2x2x128xf32, #tpu.memory_space<hbm>> -> memref<32x2x2x128xf32, #tpu.memory_space<hbm>>
      %dma_start3A_868 = arith.constant 0 : i32
      %dma_start3A_869 = arith.constant 0 : i32
      %dma_start3A_870 = arith.constant 0 : i32
      %dma_start3A_871 = tpu.memref_slice %arg10[%add3A_849, %sub3A_852, %dma_start3A_868, %dma_start3A_869, %dma_start3A_870] : memref<64x4096x2x2x128xf32, #tpu.memory_space<hbm>> -> memref<1x32x2x2x128xf32, #tpu.memory_space<hbm>>
      %dma_start3A_872 = tpu.memref_squeeze %dma_start3A_871 : memref<1x32x2x2x128xf32, #tpu.memory_space<hbm>> -> memref<32x2x2x128xf32, #tpu.memory_space<hbm>>
      tpu.enqueue_dma source(%arg17 : memref<32x2x2x128xf32, #tpu.memory_space<vmem>>) target(%dma_start3A_872 : memref<32x2x2x128xf32, #tpu.memory_space<hbm>>) target_semaphore(%arg32 : memref<!tpu.dma_semaphore, #tpu.memory_space<semaphore_mem>>)
      %dma_wait3A_873 = arith.constant 0 : i32
      %dma_wait3A_874 = arith.constant 0 : i32
      %dma_wait3A_875 = arith.constant 0 : i32
      %dma_wait3A_876 = tpu.memref_slice %arg5[%dma_wait3A_873, %dma_wait3A_874, %dma_wait3A_875] : memref<1000x2x128xf32, #tpu.memory_space<hbm>> -> memref<32x2x128xf32, #tpu.memory_space<hbm>>
      %dma_wait3A_877 = arith.constant 0 : i32
      %dma_wait3A_878 = arith.constant 0 : i32
      %dma_wait3A_879 = arith.constant 0 : i32
      %dma_wait3A_880 = tpu.memref_slice %arg5[%dma_wait3A_877, %dma_wait3A_878, %dma_wait3A_879] : memref<1000x2x128xf32, #tpu.memory_space<hbm>> -> memref<32x2x128xf32, #tpu.memory_space<hbm>>
      tpu.wait_dma2 semaphore(%arg29 : memref<!tpu.dma_semaphore, #tpu.memory_space<semaphore_mem>>) src(%dma_wait3A_880 : memref<32x2x128xf32, #tpu.memory_space<hbm>>) dst(%arg20 : memref<32x2x128xf32, #tpu.memory_space<vmem>>)
      %dma_wait3A_881 = arith.constant 0 : i32
      %dma_wait3A_882 = arith.constant 0 : i32
      %dma_wait3A_883 = arith.constant 0 : i32
      %dma_wait3A_884 = tpu.memref_slice %arg6[%dma_wait3A_881, %dma_wait3A_882, %dma_wait3A_883] : memref<1000x2x128xf32, #tpu.memory_space<hbm>> -> memref<32x2x128xf32, #tpu.memory_space<hbm>>
      %dma_wait3A_885 = arith.constant 0 : i32
      %dma_wait3A_886 = arith.constant 0 : i32
      %dma_wait3A_887 = arith.constant 0 : i32
      %dma_wait3A_888 = tpu.memref_slice %arg6[%dma_wait3A_885, %dma_wait3A_886, %dma_wait3A_887] : memref<1000x2x128xf32, #tpu.memory_space<hbm>> -> memref<32x2x128xf32, #tpu.memory_space<hbm>>
      tpu.wait_dma2 semaphore(%arg29 : memref<!tpu.dma_semaphore, #tpu.memory_space<semaphore_mem>>) src(%dma_wait3A_888 : memref<32x2x128xf32, #tpu.memory_space<hbm>>) dst(%arg23 : memref<32x2x128xf32, #tpu.memory_space<vmem>>)
      %scan3A_889 = arith.constant 0 : i32
      %scan3A_890 = arith.constant 0 : i32
      %scan3A_891 = arith.constant 32 : i32
      %scan3A_892 = arith.addi %scan3A_890, %scan3A_891 : i32
      %scan3A_893 = arith.constant 1 : i32
      scf.for %scan3A_1211 = %scan3A_890 to %scan3A_892 step %scan3A_893  : i32 {
        %get3A = arith.constant 0 : i32
        %get3A_1212 = arith.index_cast %scan3A_1211 : i32 to index
        %get3A_1213 = arith.index_cast %get3A : i32 to index
        %get3A_1214 = arith.constant 0 : index
        %get3A_1215 = tpu.vector_load %arg23[%get3A_1212, %get3A_1213, %get3A_1214] {strides = array<i32>} : memref<32x2x128xf32, #tpu.memory_space<vmem>>, vector<1x1x16xf32>,
        %get3A_1216 = vector.shape_cast %get3A_1215 : vector<1x1x16xf32> to vector<16xf32>
        %swap3A = arith.constant 0 : i32
        %swap3A_1217 = arith.index_cast %scan3A_1211 : i32 to index
        %swap3A_1218 = arith.index_cast %swap3A : i32 to index
        %swap3A_1219 = arith.constant 0 : index
        %swap3A_1220 = tpu.vector_load %arg20[%swap3A_1217, %swap3A_1218, %swap3A_1219] {strides = array<i32>} : memref<32x2x128xf32, #tpu.memory_space<vmem>>, vector<1x1x16xf32>,
        %swap3A_1221 = vector.shape_cast %swap3A_1220 : vector<1x1x16xf32> to vector<16xf32>
        %swap3A_1222 = vector.shape_cast %get3A_1216 : vector<16xf32> to vector<1x1x16xf32>
        tpu.vector_store %arg20[%swap3A_1217, %swap3A_1218, %swap3A_1219], %swap3A_1222 {add = true, strides = array<i32>} : memref<32x2x128xf32, #tpu.memory_space<vmem>>, vector<1x1x16xf32>,
        %get3A_1223 = arith.constant 0 : i32
        %get3A_1224 = arith.index_cast %scan3A_1211 : i32 to index
        %get3A_1225 = arith.index_cast %get3A_1223 : i32 to index
        %get3A_1226 = arith.constant 16 : index
        %get3A_1227 = tpu.vector_load %arg23[%get3A_1224, %get3A_1225, %get3A_1226] {strides = array<i32>} : memref<32x2x128xf32, #tpu.memory_space<vmem>>, vector<1x1x16xf32>,
        %get3A_1228 = vector.shape_cast %get3A_1227 : vector<1x1x16xf32> to vector<16xf32>
        %swap3A_1229 = arith.constant 0 : i32
        %swap3A_1230 = arith.index_cast %scan3A_1211 : i32 to index
        %swap3A_1231 = arith.index_cast %swap3A_1229 : i32 to index
        %swap3A_1232 = arith.constant 16 : index
        %swap3A_1233 = tpu.vector_load %arg20[%swap3A_1230, %swap3A_1231, %swap3A_1232] {strides = array<i32>} : memref<32x2x128xf32, #tpu.memory_space<vmem>>, vector<1x1x16xf32>,
        %swap3A_1234 = vector.shape_cast %swap3A_1233 : vector<1x1x16xf32> to vector<16xf32>
        %swap3A_1235 = vector.shape_cast %get3A_1228 : vector<16xf32> to vector<1x1x16xf32>
        tpu.vector_store %arg20[%swap3A_1230, %swap3A_1231, %swap3A_1232], %swap3A_1235 {add = true, strides = array<i32>} : memref<32x2x128xf32, #tpu.memory_space<vmem>>, vector<1x1x16xf32>,
        %get3A_1236 = arith.constant 0 : i32
        %get3A_1237 = arith.index_cast %scan3A_1211 : i32 to index
        %get3A_1238 = arith.index_cast %get3A_1236 : i32 to index
        %get3A_1239 = arith.constant 32 : index
        %get3A_1240 = tpu.vector_load %arg23[%get3A_1237, %get3A_1238, %get3A_1239] {strides = array<i32>} : memref<32x2x128xf32, #tpu.memory_space<vmem>>, vector<1x1x16xf32>,
        %get3A_1241 = vector.shape_cast %get3A_1240 : vector<1x1x16xf32> to vector<16xf32>
        %swap3A_1242 = arith.constant 0 : i32
        %swap3A_1243 = arith.index_cast %scan3A_1211 : i32 to index
        %swap3A_1244 = arith.index_cast %swap3A_1242 : i32 to index
        %swap3A_1245 = arith.constant 32 : index
        %swap3A_1246 = tpu.vector_load %arg20[%swap3A_1243, %swap3A_1244, %swap3A_1245] {strides = array<i32>} : memref<32x2x128xf32, #tpu.memory_space<vmem>>, vector<1x1x16xf32>,
        %swap3A_1247 = vector.shape_cast %swap3A_1246 : vector<1x1x16xf32> to vector<16xf32>
        %swap3A_1248 = vector.shape_cast %get3A_1241 : vector<16xf32> to vector<1x1x16xf32>
        tpu.vector_store %arg20[%swap3A_1243, %swap3A_1244, %swap3A_1245], %swap3A_1248 {add = true, strides = array<i32>} : memref<32x2x128xf32, #tpu.memory_space<vmem>>, vector<1x1x16xf32>,
        %get3A_1249 = arith.constant 0 : i32
        %get3A_1250 = arith.index_cast %scan3A_1211 : i32 to index
        %get3A_1251 = arith.index_cast %get3A_1249 : i32 to index
        %get3A_1252 = arith.constant 48 : index
        %get3A_1253 = tpu.vector_load %arg23[%get3A_1250, %get3A_1251, %get3A_1252] {strides = array<i32>} : memref<32x2x128xf32, #tpu.memory_space<vmem>>, vector<1x1x16xf32>,
        %get3A_1254 = vector.shape_cast %get3A_1253 : vector<1x1x16xf32> to vector<16xf32>
        %swap3A_1255 = arith.constant 0 : i32
        %swap3A_1256 = arith.index_cast %scan3A_1211 : i32 to index
        %swap3A_1257 = arith.index_cast %swap3A_1255 : i32 to index
        %swap3A_1258 = arith.constant 48 : index
        %swap3A_1259 = tpu.vector_load %arg20[%swap3A_1256, %swap3A_1257, %swap3A_1258] {strides = array<i32>} : memref<32x2x128xf32, #tpu.memory_space<vmem>>, vector<1x1x16xf32>,
        %swap3A_1260 = vector.shape_cast %swap3A_1259 : vector<1x1x16xf32> to vector<16xf32>
        %swap3A_1261 = vector.shape_cast %get3A_1254 : vector<16xf32> to vector<1x1x16xf32>
        tpu.vector_store %arg20[%swap3A_1256, %swap3A_1257, %swap3A_1258], %swap3A_1261 {add = true, strides = array<i32>} : memref<32x2x128xf32, #tpu.memory_space<vmem>>, vector<1x1x16xf32>,
        %get3A_1262 = arith.constant 0 : i32
        %get3A_1263 = arith.index_cast %scan3A_1211 : i32 to index
        %get3A_1264 = arith.index_cast %get3A_1262 : i32 to index
        %get3A_1265 = arith.constant 64 : index
        %get3A_1266 = tpu.vector_load %arg23[%get3A_1263, %get3A_1264, %get3A_1265] {strides = array<i32>} : memref<32x2x128xf32, #tpu.memory_space<vmem>>, vector<1x1x16xf32>,
        %get3A_1267 = vector.shape_cast %get3A_1266 : vector<1x1x16xf32> to vector<16xf32>
        %swap3A_1268 = arith.constant 0 : i32
        %swap3A_1269 = arith.index_cast %scan3A_1211 : i32 to index
        %swap3A_1270 = arith.index_cast %swap3A_1268 : i32 to index
        %swap3A_1271 = arith.constant 64 : index
        %swap3A_1272 = tpu.vector_load %arg20[%swap3A_1269, %swap3A_1270, %swap3A_1271] {strides = array<i32>} : memref<32x2x128xf32, #tpu.memory_space<vmem>>, vector<1x1x16xf32>,
        %swap3A_1273 = vector.shape_cast %swap3A_1272 : vector<1x1x16xf32> to vector<16xf32>
        %swap3A_1274 = vector.shape_cast %get3A_1267 : vector<16xf32> to vector<1x1x16xf32>
        tpu.vector_store %arg20[%swap3A_1269, %swap3A_1270, %swap3A_1271], %swap3A_1274 {add = true, strides = array<i32>} : memref<32x2x128xf32, #tpu.memory_space<vmem>>, vector<1x1x16xf32>,
        %get3A_1275 = arith.constant 0 : i32
        %get3A_1276 = arith.index_cast %scan3A_1211 : i32 to index
        %get3A_1277 = arith.index_cast %get3A_1275 : i32 to index
        %get3A_1278 = arith.constant 80 : index
        %get3A_1279 = tpu.vector_load %arg23[%get3A_1276, %get3A_1277, %get3A_1278] {strides = array<i32>} : memref<32x2x128xf32, #tpu.memory_space<vmem>>, vector<1x1x16xf32>,
        %get3A_1280 = vector.shape_cast %get3A_1279 : vector<1x1x16xf32> to vector<16xf32>
        %swap3A_1281 = arith.constant 0 : i32
        %swap3A_1282 = arith.index_cast %scan3A_1211 : i32 to index
        %swap3A_1283 = arith.index_cast %swap3A_1281 : i32 to index
        %swap3A_1284 = arith.constant 80 : index
        %swap3A_1285 = tpu.vector_load %arg20[%swap3A_1282, %swap3A_1283, %swap3A_1284] {strides = array<i32>} : memref<32x2x128xf32, #tpu.memory_space<vmem>>, vector<1x1x16xf32>,
        %swap3A_1286 = vector.shape_cast %swap3A_1285 : vector<1x1x16xf32> to vector<16xf32>
        %swap3A_1287 = vector.shape_cast %get3A_1280 : vector<16xf32> to vector<1x1x16xf32>
        tpu.vector_store %arg20[%swap3A_1282, %swap3A_1283, %swap3A_1284], %swap3A_1287 {add = true, strides = array<i32>} : memref<32x2x128xf32, #tpu.memory_space<vmem>>, vector<1x1x16xf32>,
        %get3A_1288 = arith.constant 0 : i32
        %get3A_1289 = arith.index_cast %scan3A_1211 : i32 to index
        %get3A_1290 = arith.index_cast %get3A_1288 : i32 to index
        %get3A_1291 = arith.constant 96 : index
        %get3A_1292 = tpu.vector_load %arg23[%get3A_1289, %get3A_1290, %get3A_1291] {strides = array<i32>} : memref<32x2x128xf32, #tpu.memory_space<vmem>>, vector<1x1x16xf32>,
        %get3A_1293 = vector.shape_cast %get3A_1292 : vector<1x1x16xf32> to vector<16xf32>
        %swap3A_1294 = arith.constant 0 : i32
        %swap3A_1295 = arith.index_cast %scan3A_1211 : i32 to index
        %swap3A_1296 = arith.index_cast %swap3A_1294 : i32 to index
        %swap3A_1297 = arith.constant 96 : index
        %swap3A_1298 = tpu.vector_load %arg20[%swap3A_1295, %swap3A_1296, %swap3A_1297] {strides = array<i32>} : memref<32x2x128xf32, #tpu.memory_space<vmem>>, vector<1x1x16xf32>,
        %swap3A_1299 = vector.shape_cast %swap3A_1298 : vector<1x1x16xf32> to vector<16xf32>
        %swap3A_1300 = vector.shape_cast %get3A_1293 : vector<16xf32> to vector<1x1x16xf32>
        tpu.vector_store %arg20[%swap3A_1295, %swap3A_1296, %swap3A_1297], %swap3A_1300 {add = true, strides = array<i32>} : memref<32x2x128xf32, #tpu.memory_space<vmem>>, vector<1x1x16xf32>,
        %get3A_1301 = arith.constant 0 : i32
        %get3A_1302 = arith.index_cast %scan3A_1211 : i32 to index
        %get3A_1303 = arith.index_cast %get3A_1301 : i32 to index
        %get3A_1304 = arith.constant 112 : index
        %get3A_1305 = tpu.vector_load %arg23[%get3A_1302, %get3A_1303, %get3A_1304] {strides = array<i32>} : memref<32x2x128xf32, #tpu.memory_space<vmem>>, vector<1x1x16xf32>,
        %get3A_1306 = vector.shape_cast %get3A_1305 : vector<1x1x16xf32> to vector<16xf32>
        %swap3A_1307 = arith.constant 0 : i32
        %swap3A_1308 = arith.index_cast %scan3A_1211 : i32 to index
        %swap3A_1309 = arith.index_cast %swap3A_1307 : i32 to index
        %swap3A_1310 = arith.constant 112 : index
        %swap3A_1311 = tpu.vector_load %arg20[%swap3A_1308, %swap3A_1309, %swap3A_1310] {strides = array<i32>} : memref<32x2x128xf32, #tpu.memory_space<vmem>>, vector<1x1x16xf32>,
        %swap3A_1312 = vector.shape_cast %swap3A_1311 : vector<1x1x16xf32> to vector<16xf32>
        %swap3A_1313 = vector.shape_cast %get3A_1306 : vector<16xf32> to vector<1x1x16xf32>
        tpu.vector_store %arg20[%swap3A_1308, %swap3A_1309, %swap3A_1310], %swap3A_1313 {add = true, strides = array<i32>} : memref<32x2x128xf32, #tpu.memory_space<vmem>>, vector<1x1x16xf32>,
        %get3A_1314 = arith.constant 1 : i32
        %get3A_1315 = arith.index_cast %scan3A_1211 : i32 to index
        %get3A_1316 = arith.index_cast %get3A_1314 : i32 to index
        %get3A_1317 = arith.constant 0 : index
        %get3A_1318 = tpu.vector_load %arg23[%get3A_1315, %get3A_1316, %get3A_1317] {strides = array<i32>} : memref<32x2x128xf32, #tpu.memory_space<vmem>>, vector<1x1x16xf32>,
        %get3A_1319 = vector.shape_cast %get3A_1318 : vector<1x1x16xf32> to vector<16xf32>
        %swap3A_1320 = arith.constant 1 : i32
        %swap3A_1321 = arith.index_cast %scan3A_1211 : i32 to index
        %swap3A_1322 = arith.index_cast %swap3A_1320 : i32 to index
        %swap3A_1323 = arith.constant 0 : index
        %swap3A_1324 = tpu.vector_load %arg20[%swap3A_1321, %swap3A_1322, %swap3A_1323] {strides = array<i32>} : memref<32x2x128xf32, #tpu.memory_space<vmem>>, vector<1x1x16xf32>,
        %swap3A_1325 = vector.shape_cast %swap3A_1324 : vector<1x1x16xf32> to vector<16xf32>
        %swap3A_1326 = vector.shape_cast %get3A_1319 : vector<16xf32> to vector<1x1x16xf32>
        tpu.vector_store %arg20[%swap3A_1321, %swap3A_1322, %swap3A_1323], %swap3A_1326 {add = true, strides = array<i32>} : memref<32x2x128xf32, #tpu.memory_space<vmem>>, vector<1x1x16xf32>,
        %get3A_1327 = arith.constant 1 : i32
        %get3A_1328 = arith.index_cast %scan3A_1211 : i32 to index
        %get3A_1329 = arith.index_cast %get3A_1327 : i32 to index
        %get3A_1330 = arith.constant 16 : index
        %get3A_1331 = tpu.vector_load %arg23[%get3A_1328, %get3A_1329, %get3A_1330] {strides = array<i32>} : memref<32x2x128xf32, #tpu.memory_space<vmem>>, vector<1x1x16xf32>,
        %get3A_1332 = vector.shape_cast %get3A_1331 : vector<1x1x16xf32> to vector<16xf32>
        %swap3A_1333 = arith.constant 1 : i32
        %swap3A_1334 = arith.index_cast %scan3A_1211 : i32 to index
        %swap3A_1335 = arith.index_cast %swap3A_1333 : i32 to index
        %swap3A_1336 = arith.constant 16 : index
        %swap3A_1337 = tpu.vector_load %arg20[%swap3A_1334, %swap3A_1335, %swap3A_1336] {strides = array<i32>} : memref<32x2x128xf32, #tpu.memory_space<vmem>>, vector<1x1x16xf32>,
        %swap3A_1338 = vector.shape_cast %swap3A_1337 : vector<1x1x16xf32> to vector<16xf32>
        %swap3A_1339 = vector.shape_cast %get3A_1332 : vector<16xf32> to vector<1x1x16xf32>
        tpu.vector_store %arg20[%swap3A_1334, %swap3A_1335, %swap3A_1336], %swap3A_1339 {add = true, strides = array<i32>} : memref<32x2x128xf32, #tpu.memory_space<vmem>>, vector<1x1x16xf32>,
        %get3A_1340 = arith.constant 1 : i32
        %get3A_1341 = arith.index_cast %scan3A_1211 : i32 to index
        %get3A_1342 = arith.index_cast %get3A_1340 : i32 to index
        %get3A_1343 = arith.constant 32 : index
        %get3A_1344 = tpu.vector_load %arg23[%get3A_1341, %get3A_1342, %get3A_1343] {strides = array<i32>} : memref<32x2x128xf32, #tpu.memory_space<vmem>>, vector<1x1x16xf32>,
        %get3A_1345 = vector.shape_cast %get3A_1344 : vector<1x1x16xf32> to vector<16xf32>
        %swap3A_1346 = arith.constant 1 : i32
        %swap3A_1347 = arith.index_cast %scan3A_1211 : i32 to index
        %swap3A_1348 = arith.index_cast %swap3A_1346 : i32 to index
        %swap3A_1349 = arith.constant 32 : index
        %swap3A_1350 = tpu.vector_load %arg20[%swap3A_1347, %swap3A_1348, %swap3A_1349] {strides = array<i32>} : memref<32x2x128xf32, #tpu.memory_space<vmem>>, vector<1x1x16xf32>,
        %swap3A_1351 = vector.shape_cast %swap3A_1350 : vector<1x1x16xf32> to vector<16xf32>
        %swap3A_1352 = vector.shape_cast %get3A_1345 : vector<16xf32> to vector<1x1x16xf32>
        tpu.vector_store %arg20[%swap3A_1347, %swap3A_1348, %swap3A_1349], %swap3A_1352 {add = true, strides = array<i32>} : memref<32x2x128xf32, #tpu.memory_space<vmem>>, vector<1x1x16xf32>,
        %get3A_1353 = arith.constant 1 : i32
        %get3A_1354 = arith.index_cast %scan3A_1211 : i32 to index
        %get3A_1355 = arith.index_cast %get3A_1353 : i32 to index
        %get3A_1356 = arith.constant 48 : index
        %get3A_1357 = tpu.vector_load %arg23[%get3A_1354, %get3A_1355, %get3A_1356] {strides = array<i32>} : memref<32x2x128xf32, #tpu.memory_space<vmem>>, vector<1x1x16xf32>,
        %get3A_1358 = vector.shape_cast %get3A_1357 : vector<1x1x16xf32> to vector<16xf32>
        %swap3A_1359 = arith.constant 1 : i32
        %swap3A_1360 = arith.index_cast %scan3A_1211 : i32 to index
        %swap3A_1361 = arith.index_cast %swap3A_1359 : i32 to index
        %swap3A_1362 = arith.constant 48 : index
        %swap3A_1363 = tpu.vector_load %arg20[%swap3A_1360, %swap3A_1361, %swap3A_1362] {strides = array<i32>} : memref<32x2x128xf32, #tpu.memory_space<vmem>>, vector<1x1x16xf32>,
        %swap3A_1364 = vector.shape_cast %swap3A_1363 : vector<1x1x16xf32> to vector<16xf32>
        %swap3A_1365 = vector.shape_cast %get3A_1358 : vector<16xf32> to vector<1x1x16xf32>
        tpu.vector_store %arg20[%swap3A_1360, %swap3A_1361, %swap3A_1362], %swap3A_1365 {add = true, strides = array<i32>} : memref<32x2x128xf32, #tpu.memory_space<vmem>>, vector<1x1x16xf32>,
        %get3A_1366 = arith.constant 1 : i32
        %get3A_1367 = arith.index_cast %scan3A_1211 : i32 to index
        %get3A_1368 = arith.index_cast %get3A_1366 : i32 to index
        %get3A_1369 = arith.constant 64 : index
        %get3A_1370 = tpu.vector_load %arg23[%get3A_1367, %get3A_1368, %get3A_1369] {strides = array<i32>} : memref<32x2x128xf32, #tpu.memory_space<vmem>>, vector<1x1x16xf32>,
        %get3A_1371 = vector.shape_cast %get3A_1370 : vector<1x1x16xf32> to vector<16xf32>
        %swap3A_1372 = arith.constant 1 : i32
        %swap3A_1373 = arith.index_cast %scan3A_1211 : i32 to index
        %swap3A_1374 = arith.index_cast %swap3A_1372 : i32 to index
        %swap3A_1375 = arith.constant 64 : index
        %swap3A_1376 = tpu.vector_load %arg20[%swap3A_1373, %swap3A_1374, %swap3A_1375] {strides = array<i32>} : memref<32x2x128xf32, #tpu.memory_space<vmem>>, vector<1x1x16xf32>,
        %swap3A_1377 = vector.shape_cast %swap3A_1376 : vector<1x1x16xf32> to vector<16xf32>
        %swap3A_1378 = vector.shape_cast %get3A_1371 : vector<16xf32> to vector<1x1x16xf32>
        tpu.vector_store %arg20[%swap3A_1373, %swap3A_1374, %swap3A_1375], %swap3A_1378 {add = true, strides = array<i32>} : memref<32x2x128xf32, #tpu.memory_space<vmem>>, vector<1x1x16xf32>,
        %get3A_1379 = arith.constant 1 : i32
        %get3A_1380 = arith.index_cast %scan3A_1211 : i32 to index
        %get3A_1381 = arith.index_cast %get3A_1379 : i32 to index
        %get3A_1382 = arith.constant 80 : index
        %get3A_1383 = tpu.vector_load %arg23[%get3A_1380, %get3A_1381, %get3A_1382] {strides = array<i32>} : memref<32x2x128xf32, #tpu.memory_space<vmem>>, vector<1x1x16xf32>,
        %get3A_1384 = vector.shape_cast %get3A_1383 : vector<1x1x16xf32> to vector<16xf32>
        %swap3A_1385 = arith.constant 1 : i32
        %swap3A_1386 = arith.index_cast %scan3A_1211 : i32 to index
        %swap3A_1387 = arith.index_cast %swap3A_1385 : i32 to index
        %swap3A_1388 = arith.constant 80 : index
        %swap3A_1389 = tpu.vector_load %arg20[%swap3A_1386, %swap3A_1387, %swap3A_1388] {strides = array<i32>} : memref<32x2x128xf32, #tpu.memory_space<vmem>>, vector<1x1x16xf32>,
        %swap3A_1390 = vector.shape_cast %swap3A_1389 : vector<1x1x16xf32> to vector<16xf32>
        %swap3A_1391 = vector.shape_cast %get3A_1384 : vector<16xf32> to vector<1x1x16xf32>
        tpu.vector_store %arg20[%swap3A_1386, %swap3A_1387, %swap3A_1388], %swap3A_1391 {add = true, strides = array<i32>} : memref<32x2x128xf32, #tpu.memory_space<vmem>>, vector<1x1x16xf32>,
        %get3A_1392 = arith.constant 1 : i32
        %get3A_1393 = arith.index_cast %scan3A_1211 : i32 to index
        %get3A_1394 = arith.index_cast %get3A_1392 : i32 to index
        %get3A_1395 = arith.constant 96 : index
        %get3A_1396 = tpu.vector_load %arg23[%get3A_1393, %get3A_1394, %get3A_1395] {strides = array<i32>} : memref<32x2x128xf32, #tpu.memory_space<vmem>>, vector<1x1x16xf32>,
        %get3A_1397 = vector.shape_cast %get3A_1396 : vector<1x1x16xf32> to vector<16xf32>
        %swap3A_1398 = arith.constant 1 : i32
        %swap3A_1399 = arith.index_cast %scan3A_1211 : i32 to index
        %swap3A_1400 = arith.index_cast %swap3A_1398 : i32 to index
        %swap3A_1401 = arith.constant 96 : index
        %swap3A_1402 = tpu.vector_load %arg20[%swap3A_1399, %swap3A_1400, %swap3A_1401] {strides = array<i32>} : memref<32x2x128xf32, #tpu.memory_space<vmem>>, vector<1x1x16xf32>,
        %swap3A_1403 = vector.shape_cast %swap3A_1402 : vector<1x1x16xf32> to vector<16xf32>
        %swap3A_1404 = vector.shape_cast %get3A_1397 : vector<16xf32> to vector<1x1x16xf32>
        tpu.vector_store %arg20[%swap3A_1399, %swap3A_1400, %swap3A_1401], %swap3A_1404 {add = true, strides = array<i32>} : memref<32x2x128xf32, #tpu.memory_space<vmem>>, vector<1x1x16xf32>,
        %get3A_1405 = arith.constant 1 : i32
        %get3A_1406 = arith.index_cast %scan3A_1211 : i32 to index
        %get3A_1407 = arith.index_cast %get3A_1405 : i32 to index
        %get3A_1408 = arith.constant 112 : index
        %get3A_1409 = tpu.vector_load %arg23[%get3A_1406, %get3A_1407, %get3A_1408] {strides = array<i32>} : memref<32x2x128xf32, #tpu.memory_space<vmem>>, vector<1x1x16xf32>,
        %get3A_1410 = vector.shape_cast %get3A_1409 : vector<1x1x16xf32> to vector<16xf32>
        %swap3A_1411 = arith.constant 1 : i32
        %swap3A_1412 = arith.index_cast %scan3A_1211 : i32 to index
        %swap3A_1413 = arith.index_cast %swap3A_1411 : i32 to index
        %swap3A_1414 = arith.constant 112 : index
        %swap3A_1415 = tpu.vector_load %arg20[%swap3A_1412, %swap3A_1413, %swap3A_1414] {strides = array<i32>} : memref<32x2x128xf32, #tpu.memory_space<vmem>>, vector<1x1x16xf32>,
        %swap3A_1416 = vector.shape_cast %swap3A_1415 : vector<1x1x16xf32> to vector<16xf32>
        %swap3A_1417 = vector.shape_cast %get3A_1410 : vector<16xf32> to vector<1x1x16xf32>
        tpu.vector_store %arg20[%swap3A_1412, %swap3A_1413, %swap3A_1414], %swap3A_1417 {add = true, strides = array<i32>} : memref<32x2x128xf32, #tpu.memory_space<vmem>>, vector<1x1x16xf32>,
      }
      %scan3A_894 = arith.constant 32 : i32
      %dma_start3A_895 = arith.constant 0 : i32
      %dma_start3A_896 = arith.constant 0 : i32
      %dma_start3A_897 = tpu.memref_slice %arg9[%add3A_849, %sub3A_852, %dma_start3A_895, %dma_start3A_896] : memref<64x4096x2x128xf32, #tpu.memory_space<hbm>> -> memref<1x32x2x128xf32, #tpu.memory_space<hbm>>
      %dma_start3A_898 = tpu.memref_squeeze %dma_start3A_897 : memref<1x32x2x128xf32, #tpu.memory_space<hbm>> -> memref<32x2x128xf32, #tpu.memory_space<hbm>>
      %dma_start3A_899 = arith.constant 0 : i32
      %dma_start3A_900 = arith.constant 0 : i32
      %dma_start3A_901 = tpu.memref_slice %arg9[%add3A_849, %sub3A_852, %dma_start3A_899, %dma_start3A_900] : memref<64x4096x2x128xf32, #tpu.memory_space<hbm>> -> memref<1x32x2x128xf32, #tpu.memory_space<hbm>>
      %dma_start3A_902 = tpu.memref_squeeze %dma_start3A_901 : memref<1x32x2x128xf32, #tpu.memory_space<hbm>> -> memref<32x2x128xf32, #tpu.memory_space<hbm>>
      tpu.enqueue_dma source(%arg20 : memref<32x2x128xf32, #tpu.memory_space<vmem>>) target(%dma_start3A_902 : memref<32x2x128xf32, #tpu.memory_space<hbm>>) target_semaphore(%arg32 : memref<!tpu.dma_semaphore, #tpu.memory_space<semaphore_mem>>)
      %add3A_903 = arith.constant 2 : i32
      %add3A_904 = arith.addi %sub3A_829, %add3A_903 : i32
      %mul3A_905 = arith.constant 32 : i32
      %mul3A_906 = arith.muli %add3A_904, %mul3A_905 : i32
      %dma_wait3A_907 = arith.constant 0 : i32
      %dma_wait3A_908 = arith.constant 0 : i32
      %dma_wait3A_909 = arith.constant 0 : i32
      %dma_wait3A_910 = arith.constant 0 : i32
      %dma_wait3A_911 = arith.constant 0 : i32
      %dma_wait3A_912 = tpu.memref_slice %arg10[%dma_wait3A_907, %dma_wait3A_908, %dma_wait3A_909, %dma_wait3A_910, %dma_wait3A_911] : memref<64x4096x2x2x128xf32, #tpu.memory_space<hbm>> -> memref<1x32x2x2x128xf32, #tpu.memory_space<hbm>>
      %dma_wait3A_913 = tpu.memref_squeeze %dma_wait3A_912 : memref<1x32x2x2x128xf32, #tpu.memory_space<hbm>> -> memref<32x2x2x128xf32, #tpu.memory_space<hbm>>
      %dma_wait3A_914 = arith.constant 0 : i32
      %dma_wait3A_915 = arith.constant 0 : i32
      %dma_wait3A_916 = arith.constant 0 : i32
      %dma_wait3A_917 = arith.constant 0 : i32
      %dma_wait3A_918 = tpu.memref_slice %arg10[%dma_wait3A_907, %dma_wait3A_914, %dma_wait3A_915, %dma_wait3A_916, %dma_wait3A_917] : memref<64x4096x2x2x128xf32, #tpu.memory_space<hbm>> -> memref<1x32x2x2x128xf32, #tpu.memory_space<hbm>>
      %dma_wait3A_919 = tpu.memref_squeeze %dma_wait3A_918 : memref<1x32x2x2x128xf32, #tpu.memory_space<hbm>> -> memref<32x2x2x128xf32, #tpu.memory_space<hbm>>
      tpu.wait_dma2 semaphore(%arg34 : memref<!tpu.dma_semaphore, #tpu.memory_space<semaphore_mem>>) src(%arg19 : memref<32x2x2x128xf32, #tpu.memory_space<vmem>>) dst(%dma_wait3A_919 : memref<32x2x2x128xf32, #tpu.memory_space<hbm>>)
      %dma_wait3A_920 = arith.constant 0 : i32
      %dma_wait3A_921 = arith.constant 0 : i32
      %dma_wait3A_922 = arith.constant 0 : i32
      %dma_wait3A_923 = arith.constant 0 : i32
      %dma_wait3A_924 = tpu.memref_slice %arg9[%dma_wait3A_920, %dma_wait3A_921, %dma_wait3A_922, %dma_wait3A_923] : memref<64x4096x2x128xf32, #tpu.memory_space<hbm>> -> memref<1x32x2x128xf32, #tpu.memory_space<hbm>>
      %dma_wait3A_925 = tpu.memref_squeeze %dma_wait3A_924 : memref<1x32x2x128xf32, #tpu.memory_space<hbm>> -> memref<32x2x128xf32, #tpu.memory_space<hbm>>
      %dma_wait3A_926 = arith.constant 0 : i32
      %dma_wait3A_927 = arith.constant 0 : i32
      %dma_wait3A_928 = arith.constant 0 : i32
      %dma_wait3A_929 = tpu.memref_slice %arg9[%dma_wait3A_920, %dma_wait3A_926, %dma_wait3A_927, %dma_wait3A_928] : memref<64x4096x2x128xf32, #tpu.memory_space<hbm>> -> memref<1x32x2x128xf32, #tpu.memory_space<hbm>>
      %dma_wait3A_930 = tpu.memref_squeeze %dma_wait3A_929 : memref<1x32x2x128xf32, #tpu.memory_space<hbm>> -> memref<32x2x128xf32, #tpu.memory_space<hbm>>
      tpu.wait_dma2 semaphore(%arg34 : memref<!tpu.dma_semaphore, #tpu.memory_space<semaphore_mem>>) src(%arg22 : memref<32x2x128xf32, #tpu.memory_space<vmem>>) dst(%dma_wait3A_930 : memref<32x2x128xf32, #tpu.memory_space<hbm>>)
      %dma_start3A_931 = tpu.memref_slice %arg15[%mul3A_906] : memref<8192xi32, #tpu.memory_space<vmem>> -> memref<32xi32, #tpu.memory_space<vmem>>
      %dma_start3A_932 = arith.constant 0 : i32
      %dma_start3A_933 = arith.constant 0 : i32
      %dma_start3A_934 = arith.constant 0 : i32
      %dma_start3A_935 = arith.constant 0 : i32
      %dma_start3A_936 = tpu.memref_slice %arg4[%dma_start3A_932, %dma_start3A_933, %dma_start3A_934, %dma_start3A_935] : memref<100x2x2x128xf32, #tpu.memory_space<hbm>> -> memref<100x2x2x128xf32, #tpu.memory_space<hbm>>
      tpu.enqueue_indirect_dma source(%dma_start3A_936 : memref<100x2x2x128xf32, #tpu.memory_space<hbm>>) target(%arg19 : memref<32x2x2x128xf32, #tpu.memory_space<vmem>>) offsets(%dma_start3A_931 : memref<32xi32, #tpu.memory_space<vmem>>) semaphore(%arg28 : memref<!tpu.dma_semaphore, #tpu.memory_space<semaphore_mem>>)
      %dma_start3A_937 = tpu.memref_slice %arg14[%mul3A_906] : memref<8192xi32, #tpu.memory_space<vmem>> -> memref<32xi32, #tpu.memory_space<vmem>>
      %dma_start3A_938 = arith.constant 0 : i32
      %dma_start3A_939 = arith.constant 0 : i32
      %dma_start3A_940 = arith.constant 0 : i32
      %dma_start3A_941 = tpu.memref_slice %arg5[%dma_start3A_938, %dma_start3A_939, %dma_start3A_940] : memref<1000x2x128xf32, #tpu.memory_space<hbm>> -> memref<1000x2x128xf32, #tpu.memory_space<hbm>>
      tpu.enqueue_indirect_dma source(%dma_start3A_941 : memref<1000x2x128xf32, #tpu.memory_space<hbm>>) target(%arg22 : memref<32x2x128xf32, #tpu.memory_space<vmem>>) offsets(%dma_start3A_937 : memref<32xi32, #tpu.memory_space<vmem>>) semaphore(%arg31 : memref<!tpu.dma_semaphore, #tpu.memory_space<semaphore_mem>>)
      %dma_start3A_942 = tpu.memref_slice %arg16[%mul3A_906] : memref<8192xi32, #tpu.memory_space<vmem>> -> memref<32xi32, #tpu.memory_space<vmem>>
      %dma_start3A_943 = arith.constant 0 : i32
      %dma_start3A_944 = arith.constant 0 : i32
      %dma_start3A_945 = arith.constant 0 : i32
      %dma_start3A_946 = tpu.memref_slice %arg6[%dma_start3A_943, %dma_start3A_944, %dma_start3A_945] : memref<1000x2x128xf32, #tpu.memory_space<hbm>> -> memref<1000x2x128xf32, #tpu.memory_space<hbm>>
      tpu.enqueue_indirect_dma source(%dma_start3A_946 : memref<1000x2x128xf32, #tpu.memory_space<hbm>>) target(%arg25 : memref<32x2x128xf32, #tpu.memory_space<vmem>>) offsets(%dma_start3A_942 : memref<32xi32, #tpu.memory_space<vmem>>) semaphore(%arg31 : memref<!tpu.dma_semaphore, #tpu.memory_space<semaphore_mem>>)
      %mul3A_947 = arith.constant 3 : i32
      %mul3A_948 = arith.muli %mul3A_947, %scan3A_822 : i32
      %add3A_949 = arith.constant 6 : i32
      %add3A_950 = arith.addi %add3A_949, %mul3A_948 : i32
      %add3A_951 = arith.constant 1 : i32
      %add3A_952 = arith.addi %add3A_950, %add3A_951 : i32
      %sub3A_953 = arith.constant 4 : i32
      %sub3A_954 = arith.subi %add3A_952, %sub3A_953 : i32
      %mul3A_955 = arith.constant 32 : i32
      %mul3A_956 = arith.muli %sub3A_954, %mul3A_955 : i32
      %jit3A_957 = arith.constant 4096 : i32
      %div3A_958 = arith.divsi %mul3A_956, %jit3A_957 : i32
      %sign3A_959 = arith.constant 0 : i32
      %sign3A_960 = arith.cmpi sgt, %mul3A_956, %sign3A_959 : i32
      %sign3A_961 = arith.extui %sign3A_960 : i1 to i32
      %sign3A_962 = arith.constant 0 : i32
      %sign3A_963 = arith.cmpi slt, %mul3A_956, %sign3A_962 : i32
      %sign3A_964 = arith.extui %sign3A_963 : i1 to i32
      %sign3A_965 = arith.subi %sign3A_961, %sign3A_964 : i32
      %sign3A_966 = arith.constant 0 : i32
      %sign3A_967 = arith.cmpi sgt, %jit3A_957, %sign3A_966 : i32
      %sign3A_968 = arith.extui %sign3A_967 : i1 to i32
      %sign3A_969 = arith.constant 0 : i32
      %sign3A_970 = arith.cmpi slt, %jit3A_957, %sign3A_969 : i32
      %sign3A_971 = arith.extui %sign3A_970 : i1 to i32
      %sign3A_972 = arith.subi %sign3A_968, %sign3A_971 : i32
      %ne3A_973 = arith.cmpi ne, %sign3A_965, %sign3A_972 : i32
      %rem3A_974 = arith.remsi %mul3A_956, %jit3A_957 : i32
      %ne3A_975 = arith.constant 0 : i32
      %ne3A_976 = arith.cmpi ne, %rem3A_974, %ne3A_975 : i32
      %and3A_977 = arith.andi %ne3A_973, %ne3A_976 : i1
      %sub3A_978 = arith.constant 1 : i32
      %sub3A_979 = arith.subi %div3A_958, %sub3A_978 : i32
      %select_n3A_980 = arith.select %and3A_977, %sub3A_979, %div3A_958 : i32
      %add3A_981 = arith.addi %mul3A_2, %select_n3A_980 : i32
      %mul3A_982 = arith.constant 4096 : i32
      %mul3A_983 = arith.muli %select_n3A_980, %mul3A_982 : i32
      %sub3A_984 = arith.subi %mul3A_956, %mul3A_983 : i32
      %dma_wait3A_985 = arith.constant 0 : i32
      %dma_wait3A_986 = arith.constant 0 : i32
      %dma_wait3A_987 = arith.constant 0 : i32
      %dma_wait3A_988 = arith.constant 0 : i32
      %dma_wait3A_989 = tpu.memref_slice %arg4[%dma_wait3A_985, %dma_wait3A_986, %dma_wait3A_987, %dma_wait3A_988] : memref<100x2x2x128xf32, #tpu.memory_space<hbm>> -> memref<32x2x2x128xf32, #tpu.memory_space<hbm>>
      %dma_wait3A_990 = arith.constant 0 : i32
      %dma_wait3A_991 = arith.constant 0 : i32
      %dma_wait3A_992 = arith.constant 0 : i32
      %dma_wait3A_993 = arith.constant 0 : i32
      %dma_wait3A_994 = tpu.memref_slice %arg4[%dma_wait3A_990, %dma_wait3A_991, %dma_wait3A_992, %dma_wait3A_993] : memref<100x2x2x128xf32, #tpu.memory_space<hbm>> -> memref<32x2x2x128xf32, #tpu.memory_space<hbm>>
      tpu.wait_dma2 semaphore(%arg27 : memref<!tpu.dma_semaphore, #tpu.memory_space<semaphore_mem>>) src(%dma_wait3A_994 : memref<32x2x2x128xf32, #tpu.memory_space<hbm>>) dst(%arg18 : memref<32x2x2x128xf32, #tpu.memory_space<vmem>>)
      %dma_start3A_995 = arith.constant 0 : i32
      %dma_start3A_996 = arith.constant 0 : i32
      %dma_start3A_997 = arith.constant 0 : i32
      %dma_start3A_998 = tpu.memref_slice %arg10[%add3A_981, %sub3A_984, %dma_start3A_995, %dma_start3A_996, %dma_start3A_997] : memref<64x4096x2x2x128xf32, #tpu.memory_space<hbm>> -> memref<1x32x2x2x128xf32, #tpu.memory_space<hbm>>
      %dma_start3A_999 = tpu.memref_squeeze %dma_start3A_998 : memref<1x32x2x2x128xf32, #tpu.memory_space<hbm>> -> memref<32x2x2x128xf32, #tpu.memory_space<hbm>>
      %dma_start3A_1000 = arith.constant 0 : i32
      %dma_start3A_1001 = arith.constant 0 : i32
      %dma_start3A_1002 = arith.constant 0 : i32
      %dma_start3A_1003 = tpu.memref_slice %arg10[%add3A_981, %sub3A_984, %dma_start3A_1000, %dma_start3A_1001, %dma_start3A_1002] : memref<64x4096x2x2x128xf32, #tpu.memory_space<hbm>> -> memref<1x32x2x2x128xf32, #tpu.memory_space<hbm>>
      %dma_start3A_1004 = tpu.memref_squeeze %dma_start3A_1003 : memref<1x32x2x2x128xf32, #tpu.memory_space<hbm>> -> memref<32x2x2x128xf32, #tpu.memory_space<hbm>>
      tpu.enqueue_dma source(%arg18 : memref<32x2x2x128xf32, #tpu.memory_space<vmem>>) target(%dma_start3A_1004 : memref<32x2x2x128xf32, #tpu.memory_space<hbm>>) target_semaphore(%arg33 : memref<!tpu.dma_semaphore, #tpu.memory_space<semaphore_mem>>)
      %dma_wait3A_1005 = arith.constant 0 : i32
      %dma_wait3A_1006 = arith.constant 0 : i32
      %dma_wait3A_1007 = arith.constant 0 : i32
      %dma_wait3A_1008 = tpu.memref_slice %arg5[%dma_wait3A_1005, %dma_wait3A_1006, %dma_wait3A_1007] : memref<1000x2x128xf32, #tpu.memory_space<hbm>> -> memref<32x2x128xf32, #tpu.memory_space<hbm>>
      %dma_wait3A_1009 = arith.constant 0 : i32
      %dma_wait3A_1010 = arith.constant 0 : i32
      %dma_wait3A_1011 = arith.constant 0 : i32
      %dma_wait3A_1012 = tpu.memref_slice %arg5[%dma_wait3A_1009, %dma_wait3A_1010, %dma_wait3A_1011] : memref<1000x2x128xf32, #tpu.memory_space<hbm>> -> memref<32x2x128xf32, #tpu.memory_space<hbm>>
      tpu.wait_dma2 semaphore(%arg30 : memref<!tpu.dma_semaphore, #tpu.memory_space<semaphore_mem>>) src(%dma_wait3A_1012 : memref<32x2x128xf32, #tpu.memory_space<hbm>>) dst(%arg21 : memref<32x2x128xf32, #tpu.memory_space<vmem>>)
      %dma_wait3A_1013 = arith.constant 0 : i32
      %dma_wait3A_1014 = arith.constant 0 : i32
      %dma_wait3A_1015 = arith.constant 0 : i32
      %dma_wait3A_1016 = tpu.memref_slice %arg6[%dma_wait3A_1013, %dma_wait3A_1014, %dma_wait3A_1015] : memref<1000x2x128xf32, #tpu.memory_space<hbm>> -> memref<32x2x128xf32, #tpu.memory_space<hbm>>
      %dma_wait3A_1017 = arith.constant 0 : i32
      %dma_wait3A_1018 = arith.constant 0 : i32
      %dma_wait3A_1019 = arith.constant 0 : i32
      %dma_wait3A_1020 = tpu.memref_slice %arg6[%dma_wait3A_1017, %dma_wait3A_1018, %dma_wait3A_1019] : memref<1000x2x128xf32, #tpu.memory_space<hbm>> -> memref<32x2x128xf32, #tpu.memory_space<hbm>>
      tpu.wait_dma2 semaphore(%arg30 : memref<!tpu.dma_semaphore, #tpu.memory_space<semaphore_mem>>) src(%dma_wait3A_1020 : memref<32x2x128xf32, #tpu.memory_space<hbm>>) dst(%arg24 : memref<32x2x128xf32, #tpu.memory_space<vmem>>)
      %scan3A_1021 = arith.constant 0 : i32
      %scan3A_1022 = arith.constant 0 : i32
      %scan3A_1023 = arith.constant 32 : i32
      %scan3A_1024 = arith.addi %scan3A_1022, %scan3A_1023 : i32
      %scan3A_1025 = arith.constant 1 : i32
      scf.for %scan3A_1211 = %scan3A_1022 to %scan3A_1024 step %scan3A_1025  : i32 {
        %get3A = arith.constant 0 : i32
        %get3A_1212 = arith.index_cast %scan3A_1211 : i32 to index
        %get3A_1213 = arith.index_cast %get3A : i32 to index
        %get3A_1214 = arith.constant 0 : index
        %get3A_1215 = tpu.vector_load %arg24[%get3A_1212, %get3A_1213, %get3A_1214] {strides = array<i32>} : memref<32x2x128xf32, #tpu.memory_space<vmem>>, vector<1x1x16xf32>,
        %get3A_1216 = vector.shape_cast %get3A_1215 : vector<1x1x16xf32> to vector<16xf32>
        %swap3A = arith.constant 0 : i32
        %swap3A_1217 = arith.index_cast %scan3A_1211 : i32 to index
        %swap3A_1218 = arith.index_cast %swap3A : i32 to index
        %swap3A_1219 = arith.constant 0 : index
        %swap3A_1220 = tpu.vector_load %arg21[%swap3A_1217, %swap3A_1218, %swap3A_1219] {strides = array<i32>} : memref<32x2x128xf32, #tpu.memory_space<vmem>>, vector<1x1x16xf32>,
        %swap3A_1221 = vector.shape_cast %swap3A_1220 : vector<1x1x16xf32> to vector<16xf32>
        %swap3A_1222 = vector.shape_cast %get3A_1216 : vector<16xf32> to vector<1x1x16xf32>
        tpu.vector_store %arg21[%swap3A_1217, %swap3A_1218, %swap3A_1219], %swap3A_1222 {add = true, strides = array<i32>} : memref<32x2x128xf32, #tpu.memory_space<vmem>>, vector<1x1x16xf32>,
        %get3A_1223 = arith.constant 0 : i32
        %get3A_1224 = arith.index_cast %scan3A_1211 : i32 to index
        %get3A_1225 = arith.index_cast %get3A_1223 : i32 to index
        %get3A_1226 = arith.constant 16 : index
        %get3A_1227 = tpu.vector_load %arg24[%get3A_1224, %get3A_1225, %get3A_1226] {strides = array<i32>} : memref<32x2x128xf32, #tpu.memory_space<vmem>>, vector<1x1x16xf32>,
        %get3A_1228 = vector.shape_cast %get3A_1227 : vector<1x1x16xf32> to vector<16xf32>
        %swap3A_1229 = arith.constant 0 : i32
        %swap3A_1230 = arith.index_cast %scan3A_1211 : i32 to index
        %swap3A_1231 = arith.index_cast %swap3A_1229 : i32 to index
        %swap3A_1232 = arith.constant 16 : index
        %swap3A_1233 = tpu.vector_load %arg21[%swap3A_1230, %swap3A_1231, %swap3A_1232] {strides = array<i32>} : memref<32x2x128xf32, #tpu.memory_space<vmem>>, vector<1x1x16xf32>,
        %swap3A_1234 = vector.shape_cast %swap3A_1233 : vector<1x1x16xf32> to vector<16xf32>
        %swap3A_1235 = vector.shape_cast %get3A_1228 : vector<16xf32> to vector<1x1x16xf32>
        tpu.vector_store %arg21[%swap3A_1230, %swap3A_1231, %swap3A_1232], %swap3A_1235 {add = true, strides = array<i32>} : memref<32x2x128xf32, #tpu.memory_space<vmem>>, vector<1x1x16xf32>,
        %get3A_1236 = arith.constant 0 : i32
        %get3A_1237 = arith.index_cast %scan3A_1211 : i32 to index
        %get3A_1238 = arith.index_cast %get3A_1236 : i32 to index
        %get3A_1239 = arith.constant 32 : index
        %get3A_1240 = tpu.vector_load %arg24[%get3A_1237, %get3A_1238, %get3A_1239] {strides = array<i32>} : memref<32x2x128xf32, #tpu.memory_space<vmem>>, vector<1x1x16xf32>,
        %get3A_1241 = vector.shape_cast %get3A_1240 : vector<1x1x16xf32> to vector<16xf32>
        %swap3A_1242 = arith.constant 0 : i32
        %swap3A_1243 = arith.index_cast %scan3A_1211 : i32 to index
        %swap3A_1244 = arith.index_cast %swap3A_1242 : i32 to index
        %swap3A_1245 = arith.constant 32 : index
        %swap3A_1246 = tpu.vector_load %arg21[%swap3A_1243, %swap3A_1244, %swap3A_1245] {strides = array<i32>} : memref<32x2x128xf32, #tpu.memory_space<vmem>>, vector<1x1x16xf32>,
        %swap3A_1247 = vector.shape_cast %swap3A_1246 : vector<1x1x16xf32> to vector<16xf32>
        %swap3A_1248 = vector.shape_cast %get3A_1241 : vector<16xf32> to vector<1x1x16xf32>
        tpu.vector_store %arg21[%swap3A_1243, %swap3A_1244, %swap3A_1245], %swap3A_1248 {add = true, strides = array<i32>} : memref<32x2x128xf32, #tpu.memory_space<vmem>>, vector<1x1x16xf32>,
        %get3A_1249 = arith.constant 0 : i32
        %get3A_1250 = arith.index_cast %scan3A_1211 : i32 to index
        %get3A_1251 = arith.index_cast %get3A_1249 : i32 to index
        %get3A_1252 = arith.constant 48 : index
        %get3A_1253 = tpu.vector_load %arg24[%get3A_1250, %get3A_1251, %get3A_1252] {strides = array<i32>} : memref<32x2x128xf32, #tpu.memory_space<vmem>>, vector<1x1x16xf32>,
        %get3A_1254 = vector.shape_cast %get3A_1253 : vector<1x1x16xf32> to vector<16xf32>
        %swap3A_1255 = arith.constant 0 : i32
        %swap3A_1256 = arith.index_cast %scan3A_1211 : i32 to index
        %swap3A_1257 = arith.index_cast %swap3A_1255 : i32 to index
        %swap3A_1258 = arith.constant 48 : index
        %swap3A_1259 = tpu.vector_load %arg21[%swap3A_1256, %swap3A_1257, %swap3A_1258] {strides = array<i32>} : memref<32x2x128xf32, #tpu.memory_space<vmem>>, vector<1x1x16xf32>,
        %swap3A_1260 = vector.shape_cast %swap3A_1259 : vector<1x1x16xf32> to vector<16xf32>
        %swap3A_1261 = vector.shape_cast %get3A_1254 : vector<16xf32> to vector<1x1x16xf32>
        tpu.vector_store %arg21[%swap3A_1256, %swap3A_1257, %swap3A_1258], %swap3A_1261 {add = true, strides = array<i32>} : memref<32x2x128xf32, #tpu.memory_space<vmem>>, vector<1x1x16xf32>,
        %get3A_1262 = arith.constant 0 : i32
        %get3A_1263 = arith.index_cast %scan3A_1211 : i32 to index
        %get3A_1264 = arith.index_cast %get3A_1262 : i32 to index
        %get3A_1265 = arith.constant 64 : index
        %get3A_1266 = tpu.vector_load %arg24[%get3A_1263, %get3A_1264, %get3A_1265] {strides = array<i32>} : memref<32x2x128xf32, #tpu.memory_space<vmem>>, vector<1x1x16xf32>,
        %get3A_1267 = vector.shape_cast %get3A_1266 : vector<1x1x16xf32> to vector<16xf32>
        %swap3A_1268 = arith.constant 0 : i32
        %swap3A_1269 = arith.index_cast %scan3A_1211 : i32 to index
        %swap3A_1270 = arith.index_cast %swap3A_1268 : i32 to index
        %swap3A_1271 = arith.constant 64 : index
        %swap3A_1272 = tpu.vector_load %arg21[%swap3A_1269, %swap3A_1270, %swap3A_1271] {strides = array<i32>} : memref<32x2x128xf32, #tpu.memory_space<vmem>>, vector<1x1x16xf32>,
        %swap3A_1273 = vector.shape_cast %swap3A_1272 : vector<1x1x16xf32> to vector<16xf32>
        %swap3A_1274 = vector.shape_cast %get3A_1267 : vector<16xf32> to vector<1x1x16xf32>
        tpu.vector_store %arg21[%swap3A_1269, %swap3A_1270, %swap3A_1271], %swap3A_1274 {add = true, strides = array<i32>} : memref<32x2x128xf32, #tpu.memory_space<vmem>>, vector<1x1x16xf32>,
        %get3A_1275 = arith.constant 0 : i32
        %get3A_1276 = arith.index_cast %scan3A_1211 : i32 to index
        %get3A_1277 = arith.index_cast %get3A_1275 : i32 to index
        %get3A_1278 = arith.constant 80 : index
        %get3A_1279 = tpu.vector_load %arg24[%get3A_1276, %get3A_1277, %get3A_1278] {strides = array<i32>} : memref<32x2x128xf32, #tpu.memory_space<vmem>>, vector<1x1x16xf32>,
        %get3A_1280 = vector.shape_cast %get3A_1279 : vector<1x1x16xf32> to vector<16xf32>
        %swap3A_1281 = arith.constant 0 : i32
        %swap3A_1282 = arith.index_cast %scan3A_1211 : i32 to index
        %swap3A_1283 = arith.index_cast %swap3A_1281 : i32 to index
        %swap3A_1284 = arith.constant 80 : index
        %swap3A_1285 = tpu.vector_load %arg21[%swap3A_1282, %swap3A_1283, %swap3A_1284] {strides = array<i32>} : memref<32x2x128xf32, #tpu.memory_space<vmem>>, vector<1x1x16xf32>,
        %swap3A_1286 = vector.shape_cast %swap3A_1285 : vector<1x1x16xf32> to vector<16xf32>
        %swap3A_1287 = vector.shape_cast %get3A_1280 : vector<16xf32> to vector<1x1x16xf32>
        tpu.vector_store %arg21[%swap3A_1282, %swap3A_1283, %swap3A_1284], %swap3A_1287 {add = true, strides = array<i32>} : memref<32x2x128xf32, #tpu.memory_space<vmem>>, vector<1x1x16xf32>,
        %get3A_1288 = arith.constant 0 : i32
        %get3A_1289 = arith.index_cast %scan3A_1211 : i32 to index
        %get3A_1290 = arith.index_cast %get3A_1288 : i32 to index
        %get3A_1291 = arith.constant 96 : index
        %get3A_1292 = tpu.vector_load %arg24[%get3A_1289, %get3A_1290, %get3A_1291] {strides = array<i32>} : memref<32x2x128xf32, #tpu.memory_space<vmem>>, vector<1x1x16xf32>,
        %get3A_1293 = vector.shape_cast %get3A_1292 : vector<1x1x16xf32> to vector<16xf32>
        %swap3A_1294 = arith.constant 0 : i32
        %swap3A_1295 = arith.index_cast %scan3A_1211 : i32 to index
        %swap3A_1296 = arith.index_cast %swap3A_1294 : i32 to index
        %swap3A_1297 = arith.constant 96 : index
        %swap3A_1298 = tpu.vector_load %arg21[%swap3A_1295, %swap3A_1296, %swap3A_1297] {strides = array<i32>} : memref<32x2x128xf32, #tpu.memory_space<vmem>>, vector<1x1x16xf32>,
        %swap3A_1299 = vector.shape_cast %swap3A_1298 : vector<1x1x16xf32> to vector<16xf32>
        %swap3A_1300 = vector.shape_cast %get3A_1293 : vector<16xf32> to vector<1x1x16xf32>
        tpu.vector_store %arg21[%swap3A_1295, %swap3A_1296, %swap3A_1297], %swap3A_1300 {add = true, strides = array<i32>} : memref<32x2x128xf32, #tpu.memory_space<vmem>>, vector<1x1x16xf32>,
        %get3A_1301 = arith.constant 0 : i32
        %get3A_1302 = arith.index_cast %scan3A_1211 : i32 to index
        %get3A_1303 = arith.index_cast %get3A_1301 : i32 to index
        %get3A_1304 = arith.constant 112 : index
        %get3A_1305 = tpu.vector_load %arg24[%get3A_1302, %get3A_1303, %get3A_1304] {strides = array<i32>} : memref<32x2x128xf32, #tpu.memory_space<vmem>>, vector<1x1x16xf32>,
        %get3A_1306 = vector.shape_cast %get3A_1305 : vector<1x1x16xf32> to vector<16xf32>
        %swap3A_1307 = arith.constant 0 : i32
        %swap3A_1308 = arith.index_cast %scan3A_1211 : i32 to index
        %swap3A_1309 = arith.index_cast %swap3A_1307 : i32 to index
        %swap3A_1310 = arith.constant 112 : index
        %swap3A_1311 = tpu.vector_load %arg21[%swap3A_1308, %swap3A_1309, %swap3A_1310] {strides = array<i32>} : memref<32x2x128xf32, #tpu.memory_space<vmem>>, vector<1x1x16xf32>,
        %swap3A_1312 = vector.shape_cast %swap3A_1311 : vector<1x1x16xf32> to vector<16xf32>
        %swap3A_1313 = vector.shape_cast %get3A_1306 : vector<16xf32> to vector<1x1x16xf32>
        tpu.vector_store %arg21[%swap3A_1308, %swap3A_1309, %swap3A_1310], %swap3A_1313 {add = true, strides = array<i32>} : memref<32x2x128xf32, #tpu.memory_space<vmem>>, vector<1x1x16xf32>,
        %get3A_1314 = arith.constant 1 : i32
        %get3A_1315 = arith.index_cast %scan3A_1211 : i32 to index
        %get3A_1316 = arith.index_cast %get3A_1314 : i32 to index
        %get3A_1317 = arith.constant 0 : index
        %get3A_1318 = tpu.vector_load %arg24[%get3A_1315, %get3A_1316, %get3A_1317] {strides = array<i32>} : memref<32x2x128xf32, #tpu.memory_space<vmem>>, vector<1x1x16xf32>,
        %get3A_1319 = vector.shape_cast %get3A_1318 : vector<1x1x16xf32> to vector<16xf32>
        %swap3A_1320 = arith.constant 1 : i32
        %swap3A_1321 = arith.index_cast %scan3A_1211 : i32 to index
        %swap3A_1322 = arith.index_cast %swap3A_1320 : i32 to index
        %swap3A_1323 = arith.constant 0 : index
        %swap3A_1324 = tpu.vector_load %arg21[%swap3A_1321, %swap3A_1322, %swap3A_1323] {strides = array<i32>} : memref<32x2x128xf32, #tpu.memory_space<vmem>>, vector<1x1x16xf32>,
        %swap3A_1325 = vector.shape_cast %swap3A_1324 : vector<1x1x16xf32> to vector<16xf32>
        %swap3A_1326 = vector.shape_cast %get3A_1319 : vector<16xf32> to vector<1x1x16xf32>
        tpu.vector_store %arg21[%swap3A_1321, %swap3A_1322, %swap3A_1323], %swap3A_1326 {add = true, strides = array<i32>} : memref<32x2x128xf32, #tpu.memory_space<vmem>>, vector<1x1x16xf32>,
        %get3A_1327 = arith.constant 1 : i32
        %get3A_1328 = arith.index_cast %scan3A_1211 : i32 to index
        %get3A_1329 = arith.index_cast %get3A_1327 : i32 to index
        %get3A_1330 = arith.constant 16 : index
        %get3A_1331 = tpu.vector_load %arg24[%get3A_1328, %get3A_1329, %get3A_1330] {strides = array<i32>} : memref<32x2x128xf32, #tpu.memory_space<vmem>>, vector<1x1x16xf32>,
        %get3A_1332 = vector.shape_cast %get3A_1331 : vector<1x1x16xf32> to vector<16xf32>
        %swap3A_1333 = arith.constant 1 : i32
        %swap3A_1334 = arith.index_cast %scan3A_1211 : i32 to index
        %swap3A_1335 = arith.index_cast %swap3A_1333 : i32 to index
        %swap3A_1336 = arith.constant 16 : index
        %swap3A_1337 = tpu.vector_load %arg21[%swap3A_1334, %swap3A_1335, %swap3A_1336] {strides = array<i32>} : memref<32x2x128xf32, #tpu.memory_space<vmem>>, vector<1x1x16xf32>,
        %swap3A_1338 = vector.shape_cast %swap3A_1337 : vector<1x1x16xf32> to vector<16xf32>
        %swap3A_1339 = vector.shape_cast %get3A_1332 : vector<16xf32> to vector<1x1x16xf32>
        tpu.vector_store %arg21[%swap3A_1334, %swap3A_1335, %swap3A_1336], %swap3A_1339 {add = true, strides = array<i32>} : memref<32x2x128xf32, #tpu.memory_space<vmem>>, vector<1x1x16xf32>,
        %get3A_1340 = arith.constant 1 : i32
        %get3A_1341 = arith.index_cast %scan3A_1211 : i32 to index
        %get3A_1342 = arith.index_cast %get3A_1340 : i32 to index
        %get3A_1343 = arith.constant 32 : index
        %get3A_1344 = tpu.vector_load %arg24[%get3A_1341, %get3A_1342, %get3A_1343] {strides = array<i32>} : memref<32x2x128xf32, #tpu.memory_space<vmem>>, vector<1x1x16xf32>,
        %get3A_1345 = vector.shape_cast %get3A_1344 : vector<1x1x16xf32> to vector<16xf32>
        %swap3A_1346 = arith.constant 1 : i32
        %swap3A_1347 = arith.index_cast %scan3A_1211 : i32 to index
        %swap3A_1348 = arith.index_cast %swap3A_1346 : i32 to index
        %swap3A_1349 = arith.constant 32 : index
        %swap3A_1350 = tpu.vector_load %arg21[%swap3A_1347, %swap3A_1348, %swap3A_1349] {strides = array<i32>} : memref<32x2x128xf32, #tpu.memory_space<vmem>>, vector<1x1x16xf32>,
        %swap3A_1351 = vector.shape_cast %swap3A_1350 : vector<1x1x16xf32> to vector<16xf32>
        %swap3A_1352 = vector.shape_cast %get3A_1345 : vector<16xf32> to vector<1x1x16xf32>
        tpu.vector_store %arg21[%swap3A_1347, %swap3A_1348, %swap3A_1349], %swap3A_1352 {add = true, strides = array<i32>} : memref<32x2x128xf32, #tpu.memory_space<vmem>>, vector<1x1x16xf32>,
        %get3A_1353 = arith.constant 1 : i32
        %get3A_1354 = arith.index_cast %scan3A_1211 : i32 to index
        %get3A_1355 = arith.index_cast %get3A_1353 : i32 to index
        %get3A_1356 = arith.constant 48 : index
        %get3A_1357 = tpu.vector_load %arg24[%get3A_1354, %get3A_1355, %get3A_1356] {strides = array<i32>} : memref<32x2x128xf32, #tpu.memory_space<vmem>>, vector<1x1x16xf32>,
        %get3A_1358 = vector.shape_cast %get3A_1357 : vector<1x1x16xf32> to vector<16xf32>
        %swap3A_1359 = arith.constant 1 : i32
        %swap3A_1360 = arith.index_cast %scan3A_1211 : i32 to index
        %swap3A_1361 = arith.index_cast %swap3A_1359 : i32 to index
        %swap3A_1362 = arith.constant 48 : index
        %swap3A_1363 = tpu.vector_load %arg21[%swap3A_1360, %swap3A_1361, %swap3A_1362] {strides = array<i32>} : memref<32x2x128xf32, #tpu.memory_space<vmem>>, vector<1x1x16xf32>,
        %swap3A_1364 = vector.shape_cast %swap3A_1363 : vector<1x1x16xf32> to vector<16xf32>
        %swap3A_1365 = vector.shape_cast %get3A_1358 : vector<16xf32> to vector<1x1x16xf32>
        tpu.vector_store %arg21[%swap3A_1360, %swap3A_1361, %swap3A_1362], %swap3A_1365 {add = true, strides = array<i32>} : memref<32x2x128xf32, #tpu.memory_space<vmem>>, vector<1x1x16xf32>,
        %get3A_1366 = arith.constant 1 : i32
        %get3A_1367 = arith.index_cast %scan3A_1211 : i32 to index
        %get3A_1368 = arith.index_cast %get3A_1366 : i32 to index
        %get3A_1369 = arith.constant 64 : index
        %get3A_1370 = tpu.vector_load %arg24[%get3A_1367, %get3A_1368, %get3A_1369] {strides = array<i32>} : memref<32x2x128xf32, #tpu.memory_space<vmem>>, vector<1x1x16xf32>,
        %get3A_1371 = vector.shape_cast %get3A_1370 : vector<1x1x16xf32> to vector<16xf32>
        %swap3A_1372 = arith.constant 1 : i32
        %swap3A_1373 = arith.index_cast %scan3A_1211 : i32 to index
        %swap3A_1374 = arith.index_cast %swap3A_1372 : i32 to index
        %swap3A_1375 = arith.constant 64 : index
        %swap3A_1376 = tpu.vector_load %arg21[%swap3A_1373, %swap3A_1374, %swap3A_1375] {strides = array<i32>} : memref<32x2x128xf32, #tpu.memory_space<vmem>>, vector<1x1x16xf32>,
        %swap3A_1377 = vector.shape_cast %swap3A_1376 : vector<1x1x16xf32> to vector<16xf32>
        %swap3A_1378 = vector.shape_cast %get3A_1371 : vector<16xf32> to vector<1x1x16xf32>
        tpu.vector_store %arg21[%swap3A_1373, %swap3A_1374, %swap3A_1375], %swap3A_1378 {add = true, strides = array<i32>} : memref<32x2x128xf32, #tpu.memory_space<vmem>>, vector<1x1x16xf32>,
        %get3A_1379 = arith.constant 1 : i32
        %get3A_1380 = arith.index_cast %scan3A_1211 : i32 to index
        %get3A_1381 = arith.index_cast %get3A_1379 : i32 to index
        %get3A_1382 = arith.constant 80 : index
        %get3A_1383 = tpu.vector_load %arg24[%get3A_1380, %get3A_1381, %get3A_1382] {strides = array<i32>} : memref<32x2x128xf32, #tpu.memory_space<vmem>>, vector<1x1x16xf32>,
        %get3A_1384 = vector.shape_cast %get3A_1383 : vector<1x1x16xf32> to vector<16xf32>
        %swap3A_1385 = arith.constant 1 : i32
        %swap3A_1386 = arith.index_cast %scan3A_1211 : i32 to index
        %swap3A_1387 = arith.index_cast %swap3A_1385 : i32 to index
        %swap3A_1388 = arith.constant 80 : index
        %swap3A_1389 = tpu.vector_load %arg21[%swap3A_1386, %swap3A_1387, %swap3A_1388] {strides = array<i32>} : memref<32x2x128xf32, #tpu.memory_space<vmem>>, vector<1x1x16xf32>,
        %swap3A_1390 = vector.shape_cast %swap3A_1389 : vector<1x1x16xf32> to vector<16xf32>
        %swap3A_1391 = vector.shape_cast %get3A_1384 : vector<16xf32> to vector<1x1x16xf32>
        tpu.vector_store %arg21[%swap3A_1386, %swap3A_1387, %swap3A_1388], %swap3A_1391 {add = true, strides = array<i32>} : memref<32x2x128xf32, #tpu.memory_space<vmem>>, vector<1x1x16xf32>,
        %get3A_1392 = arith.constant 1 : i32
        %get3A_1393 = arith.index_cast %scan3A_1211 : i32 to index
        %get3A_1394 = arith.index_cast %get3A_1392 : i32 to index
        %get3A_1395 = arith.constant 96 : index
        %get3A_1396 = tpu.vector_load %arg24[%get3A_1393, %get3A_1394, %get3A_1395] {strides = array<i32>} : memref<32x2x128xf32, #tpu.memory_space<vmem>>, vector<1x1x16xf32>,
        %get3A_1397 = vector.shape_cast %get3A_1396 : vector<1x1x16xf32> to vector<16xf32>
        %swap3A_1398 = arith.constant 1 : i32
        %swap3A_1399 = arith.index_cast %scan3A_1211 : i32 to index
        %swap3A_1400 = arith.index_cast %swap3A_1398 : i32 to index
        %swap3A_1401 = arith.constant 96 : index
        %swap3A_1402 = tpu.vector_load %arg21[%swap3A_1399, %swap3A_1400, %swap3A_1401] {strides = array<i32>} : memref<32x2x128xf32, #tpu.memory_space<vmem>>, vector<1x1x16xf32>,
        %swap3A_1403 = vector.shape_cast %swap3A_1402 : vector<1x1x16xf32> to vector<16xf32>
        %swap3A_1404 = vector.shape_cast %get3A_1397 : vector<16xf32> to vector<1x1x16xf32>
        tpu.vector_store %arg21[%swap3A_1399, %swap3A_1400, %swap3A_1401], %swap3A_1404 {add = true, strides = array<i32>} : memref<32x2x128xf32, #tpu.memory_space<vmem>>, vector<1x1x16xf32>,
        %get3A_1405 = arith.constant 1 : i32
        %get3A_1406 = arith.index_cast %scan3A_1211 : i32 to index
        %get3A_1407 = arith.index_cast %get3A_1405 : i32 to index
        %get3A_1408 = arith.constant 112 : index
        %get3A_1409 = tpu.vector_load %arg24[%get3A_1406, %get3A_1407, %get3A_1408] {strides = array<i32>} : memref<32x2x128xf32, #tpu.memory_space<vmem>>, vector<1x1x16xf32>,
        %get3A_1410 = vector.shape_cast %get3A_1409 : vector<1x1x16xf32> to vector<16xf32>
        %swap3A_1411 = arith.constant 1 : i32
        %swap3A_1412 = arith.index_cast %scan3A_1211 : i32 to index
        %swap3A_1413 = arith.index_cast %swap3A_1411 : i32 to index
        %swap3A_1414 = arith.constant 112 : index
        %swap3A_1415 = tpu.vector_load %arg21[%swap3A_1412, %swap3A_1413, %swap3A_1414] {strides = array<i32>} : memref<32x2x128xf32, #tpu.memory_space<vmem>>, vector<1x1x16xf32>,
        %swap3A_1416 = vector.shape_cast %swap3A_1415 : vector<1x1x16xf32> to vector<16xf32>
        %swap3A_1417 = vector.shape_cast %get3A_1410 : vector<16xf32> to vector<1x1x16xf32>
        tpu.vector_store %arg21[%swap3A_1412, %swap3A_1413, %swap3A_1414], %swap3A_1417 {add = true, strides = array<i32>} : memref<32x2x128xf32, #tpu.memory_space<vmem>>, vector<1x1x16xf32>,
      }
      %scan3A_1026 = arith.constant 32 : i32
      %dma_start3A_1027 = arith.constant 0 : i32
      %dma_start3A_1028 = arith.constant 0 : i32
      %dma_start3A_1029 = tpu.memref_slice %arg9[%add3A_981, %sub3A_984, %dma_start3A_1027, %dma_start3A_1028] : memref<64x4096x2x128xf32, #tpu.memory_space<hbm>> -> memref<1x32x2x128xf32, #tpu.memory_space<hbm>>
      %dma_start3A_1030 = tpu.memref_squeeze %dma_start3A_1029 : memref<1x32x2x128xf32, #tpu.memory_space<hbm>> -> memref<32x2x128xf32, #tpu.memory_space<hbm>>
      %dma_start3A_1031 = arith.constant 0 : i32
      %dma_start3A_1032 = arith.constant 0 : i32
      %dma_start3A_1033 = tpu.memref_slice %arg9[%add3A_981, %sub3A_984, %dma_start3A_1031, %dma_start3A_1032] : memref<64x4096x2x128xf32, #tpu.memory_space<hbm>> -> memref<1x32x2x128xf32, #tpu.memory_space<hbm>>
      %dma_start3A_1034 = tpu.memref_squeeze %dma_start3A_1033 : memref<1x32x2x128xf32, #tpu.memory_space<hbm>> -> memref<32x2x128xf32, #tpu.memory_space<hbm>>
      tpu.enqueue_dma source(%arg21 : memref<32x2x128xf32, #tpu.memory_space<vmem>>) target(%dma_start3A_1034 : memref<32x2x128xf32, #tpu.memory_space<hbm>>) target_semaphore(%arg33 : memref<!tpu.dma_semaphore, #tpu.memory_space<semaphore_mem>>)
      %add3A_1035 = arith.constant 2 : i32
      %add3A_1036 = arith.addi %sub3A_954, %add3A_1035 : i32
      %mul3A_1037 = arith.constant 32 : i32
      %mul3A_1038 = arith.muli %add3A_1036, %mul3A_1037 : i32
      %dma_wait3A_1039 = arith.constant 0 : i32
      %dma_wait3A_1040 = arith.constant 0 : i32
      %dma_wait3A_1041 = arith.constant 0 : i32
      %dma_wait3A_1042 = arith.constant 0 : i32
      %dma_wait3A_1043 = arith.constant 0 : i32
      %dma_wait3A_1044 = tpu.memref_slice %arg10[%dma_wait3A_1039, %dma_wait3A_1040, %dma_wait3A_1041, %dma_wait3A_1042, %dma_wait3A_1043] : memref<64x4096x2x2x128xf32, #tpu.memory_space<hbm>> -> memref<1x32x2x2x128xf32, #tpu.memory_space<hbm>>
      %dma_wait3A_1045 = tpu.memref_squeeze %dma_wait3A_1044 : memref<1x32x2x2x128xf32, #tpu.memory_space<hbm>> -> memref<32x2x2x128xf32, #tpu.memory_space<hbm>>
      %dma_wait3A_1046 = arith.constant 0 : i32
      %dma_wait3A_1047 = arith.constant 0 : i32
      %dma_wait3A_1048 = arith.constant 0 : i32
      %dma_wait3A_1049 = arith.constant 0 : i32
      %dma_wait3A_1050 = tpu.memref_slice %arg10[%dma_wait3A_1039, %dma_wait3A_1046, %dma_wait3A_1047, %dma_wait3A_1048, %dma_wait3A_1049] : memref<64x4096x2x2x128xf32, #tpu.memory_space<hbm>> -> memref<1x32x2x2x128xf32, #tpu.memory_space<hbm>>
      %dma_wait3A_1051 = tpu.memref_squeeze %dma_wait3A_1050 : memref<1x32x2x2x128xf32, #tpu.memory_space<hbm>> -> memref<32x2x2x128xf32, #tpu.memory_space<hbm>>
      tpu.wait_dma2 semaphore(%arg32 : memref<!tpu.dma_semaphore, #tpu.memory_space<semaphore_mem>>) src(%arg17 : memref<32x2x2x128xf32, #tpu.memory_space<vmem>>) dst(%dma_wait3A_1051 : memref<32x2x2x128xf32, #tpu.memory_space<hbm>>)
      %dma_wait3A_1052 = arith.constant 0 : i32
      %dma_wait3A_1053 = arith.constant 0 : i32
      %dma_wait3A_1054 = arith.constant 0 : i32
      %dma_wait3A_1055 = arith.constant 0 : i32
      %dma_wait3A_1056 = tpu.memref_slice %arg9[%dma_wait3A_1052, %dma_wait3A_1053, %dma_wait3A_1054, %dma_wait3A_1055] : memref<64x4096x2x128xf32, #tpu.memory_space<hbm>> -> memref<1x32x2x128xf32, #tpu.memory_space<hbm>>
      %dma_wait3A_1057 = tpu.memref_squeeze %dma_wait3A_1056 : memref<1x32x2x128xf32, #tpu.memory_space<hbm>> -> memref<32x2x128xf32, #tpu.memory_space<hbm>>
      %dma_wait3A_1058 = arith.constant 0 : i32
      %dma_wait3A_1059 = arith.constant 0 : i32
      %dma_wait3A_1060 = arith.constant 0 : i32
      %dma_wait3A_1061 = tpu.memref_slice %arg9[%dma_wait3A_1052, %dma_wait3A_1058, %dma_wait3A_1059, %dma_wait3A_1060] : memref<64x4096x2x128xf32, #tpu.memory_space<hbm>> -> memref<1x32x2x128xf32, #tpu.memory_space<hbm>>
      %dma_wait3A_1062 = tpu.memref_squeeze %dma_wait3A_1061 : memref<1x32x2x128xf32, #tpu.memory_space<hbm>> -> memref<32x2x128xf32, #tpu.memory_space<hbm>>
      tpu.wait_dma2 semaphore(%arg32 : memref<!tpu.dma_semaphore, #tpu.memory_space<semaphore_mem>>) src(%arg20 : memref<32x2x128xf32, #tpu.memory_space<vmem>>) dst(%dma_wait3A_1062 : memref<32x2x128xf32, #tpu.memory_space<hbm>>)
      %dma_start3A_1063 = tpu.memref_slice %arg15[%mul3A_1038] : memref<8192xi32, #tpu.memory_space<vmem>> -> memref<32xi32, #tpu.memory_space<vmem>>
      %dma_start3A_1064 = arith.constant 0 : i32
      %dma_start3A_1065 = arith.constant 0 : i32
      %dma_start3A_1066 = arith.constant 0 : i32
      %dma_start3A_1067 = arith.constant 0 : i32
      %dma_start3A_1068 = tpu.memref_slice %arg4[%dma_start3A_1064, %dma_start3A_1065, %dma_start3A_1066, %dma_start3A_1067] : memref<100x2x2x128xf32, #tpu.memory_space<hbm>> -> memref<100x2x2x128xf32, #tpu.memory_space<hbm>>
      tpu.enqueue_indirect_dma source(%dma_start3A_1068 : memref<100x2x2x128xf32, #tpu.memory_space<hbm>>) target(%arg17 : memref<32x2x2x128xf32, #tpu.memory_space<vmem>>) offsets(%dma_start3A_1063 : memref<32xi32, #tpu.memory_space<vmem>>) semaphore(%arg26 : memref<!tpu.dma_semaphore, #tpu.memory_space<semaphore_mem>>)
      %dma_start3A_1069 = tpu.memref_slice %arg14[%mul3A_1038] : memref<8192xi32, #tpu.memory_space<vmem>> -> memref<32xi32, #tpu.memory_space<vmem>>
      %dma_start3A_1070 = arith.constant 0 : i32
      %dma_start3A_1071 = arith.constant 0 : i32
      %dma_start3A_1072 = arith.constant 0 : i32
      %dma_start3A_1073 = tpu.memref_slice %arg5[%dma_start3A_1070, %dma_start3A_1071, %dma_start3A_1072] : memref<1000x2x128xf32, #tpu.memory_space<hbm>> -> memref<1000x2x128xf32, #tpu.memory_space<hbm>>
      tpu.enqueue_indirect_dma source(%dma_start3A_1073 : memref<1000x2x128xf32, #tpu.memory_space<hbm>>) target(%arg20 : memref<32x2x128xf32, #tpu.memory_space<vmem>>) offsets(%dma_start3A_1069 : memref<32xi32, #tpu.memory_space<vmem>>) semaphore(%arg29 : memref<!tpu.dma_semaphore, #tpu.memory_space<semaphore_mem>>)
      %dma_start3A_1074 = tpu.memref_slice %arg16[%mul3A_1038] : memref<8192xi32, #tpu.memory_space<vmem>> -> memref<32xi32, #tpu.memory_space<vmem>>
      %dma_start3A_1075 = arith.constant 0 : i32
      %dma_start3A_1076 = arith.constant 0 : i32
      %dma_start3A_1077 = arith.constant 0 : i32
      %dma_start3A_1078 = tpu.memref_slice %arg6[%dma_start3A_1075, %dma_start3A_1076, %dma_start3A_1077] : memref<1000x2x128xf32, #tpu.memory_space<hbm>> -> memref<1000x2x128xf32, #tpu.memory_space<hbm>>
      tpu.enqueue_indirect_dma source(%dma_start3A_1078 : memref<1000x2x128xf32, #tpu.memory_space<hbm>>) target(%arg23 : memref<32x2x128xf32, #tpu.memory_space<vmem>>) offsets(%dma_start3A_1074 : memref<32xi32, #tpu.memory_space<vmem>>) semaphore(%arg29 : memref<!tpu.dma_semaphore, #tpu.memory_space<semaphore_mem>>)
      %mul3A_1079 = arith.constant 3 : i32
      %mul3A_1080 = arith.muli %mul3A_1079, %scan3A_822 : i32
      %add3A_1081 = arith.constant 6 : i32
      %add3A_1082 = arith.addi %add3A_1081, %mul3A_1080 : i32
      %add3A_1083 = arith.constant 2 : i32
      %add3A_1084 = arith.addi %add3A_1082, %add3A_1083 : i32
      %sub3A_1085 = arith.constant 4 : i32
      %sub3A_1086 = arith.subi %add3A_1084, %sub3A_1085 : i32
      %mul3A_1087 = arith.constant 32 : i32
      %mul3A_1088 = arith.muli %sub3A_1086, %mul3A_1087 : i32
      %jit3A_1089 = arith.constant 4096 : i32
      %div3A_1090 = arith.divsi %mul3A_1088, %jit3A_1089 : i32
      %sign3A_1091 = arith.constant 0 : i32
      %sign3A_1092 = arith.cmpi sgt, %mul3A_1088, %sign3A_1091 : i32
      %sign3A_1093 = arith.extui %sign3A_1092 : i1 to i32
      %sign3A_1094 = arith.constant 0 : i32
      %sign3A_1095 = arith.cmpi slt, %mul3A_1088, %sign3A_1094 : i32
      %sign3A_1096 = arith.extui %sign3A_1095 : i1 to i32
      %sign3A_1097 = arith.subi %sign3A_1093, %sign3A_1096 : i32
      %sign3A_1098 = arith.constant 0 : i32
      %sign3A_1099 = arith.cmpi sgt, %jit3A_1089, %sign3A_1098 : i32
      %sign3A_1100 = arith.extui %sign3A_1099 : i1 to i32
      %sign3A_1101 = arith.constant 0 : i32
      %sign3A_1102 = arith.cmpi slt, %jit3A_1089, %sign3A_1101 : i32
      %sign3A_1103 = arith.extui %sign3A_1102 : i1 to i32
      %sign3A_1104 = arith.subi %sign3A_1100, %sign3A_1103 : i32
      %ne3A_1105 = arith.cmpi ne, %sign3A_1097, %sign3A_1104 : i32
      %rem3A_1106 = arith.remsi %mul3A_1088, %jit3A_1089 : i32
      %ne3A_1107 = arith.constant 0 : i32
      %ne3A_1108 = arith.cmpi ne, %rem3A_1106, %ne3A_1107 : i32
      %and3A_1109 = arith.andi %ne3A_1105, %ne3A_1108 : i1
      %sub3A_1110 = arith.constant 1 : i32
      %sub3A_1111 = arith.subi %div3A_1090, %sub3A_1110 : i32
      %select_n3A_1112 = arith.select %and3A_1109, %sub3A_1111, %div3A_1090 : i32
      %add3A_1113 = arith.addi %mul3A_2, %select_n3A_1112 : i32
      %mul3A_1114 = arith.constant 4096 : i32
      %mul3A_1115 = arith.muli %select_n3A_1112, %mul3A_1114 : i32
      %sub3A_1116 = arith.subi %mul3A_1088, %mul3A_1115 : i32
      %dma_wait3A_1117 = arith.constant 0 : i32
      %dma_wait3A_1118 = arith.constant 0 : i32
      %dma_wait3A_1119 = arith.constant 0 : i32
      %dma_wait3A_1120 = arith.constant 0 : i32
      %dma_wait3A_1121 = tpu.memref_slice %arg4[%dma_wait3A_1117, %dma_wait3A_1118, %dma_wait3A_1119, %dma_wait3A_1120] : memref<100x2x2x128xf32, #tpu.memory_space<hbm>> -> memref<32x2x2x128xf32, #tpu.memory_space<hbm>>
      %dma_wait3A_1122 = arith.constant 0 : i32
      %dma_wait3A_1123 = arith.constant 0 : i32
      %dma_wait3A_1124 = arith.constant 0 : i32
      %dma_wait3A_1125 = arith.constant 0 : i32
      %dma_wait3A_1126 = tpu.memref_slice %arg4[%dma_wait3A_1122, %dma_wait3A_1123, %dma_wait3A_1124, %dma_wait3A_1125] : memref<100x2x2x128xf32, #tpu.memory_space<hbm>> -> memref<32x2x2x128xf32, #tpu.memory_space<hbm>>
      tpu.wait_dma2 semaphore(%arg28 : memref<!tpu.dma_semaphore, #tpu.memory_space<semaphore_mem>>) src(%dma_wait3A_1126 : memref<32x2x2x128xf32, #tpu.memory_space<hbm>>) dst(%arg19 : memref<32x2x2x128xf32, #tpu.memory_space<vmem>>)
      %dma_start3A_1127 = arith.constant 0 : i32
      %dma_start3A_1128 = arith.constant 0 : i32
      %dma_start3A_1129 = arith.constant 0 : i32
      %dma_start3A_1130 = tpu.memref_slice %arg10[%add3A_1113, %sub3A_1116, %dma_start3A_1127, %dma_start3A_1128, %dma_start3A_1129] : memref<64x4096x2x2x128xf32, #tpu.memory_space<hbm>> -> memref<1x32x2x2x128xf32, #tpu.memory_space<hbm>>
      %dma_start3A_1131 = tpu.memref_squeeze %dma_start3A_1130 : memref<1x32x2x2x128xf32, #tpu.memory_space<hbm>> -> memref<32x2x2x128xf32, #tpu.memory_space<hbm>>
      %dma_start3A_1132 = arith.constant 0 : i32
      %dma_start3A_1133 = arith.constant 0 : i32
      %dma_start3A_1134 = arith.constant 0 : i32
      %dma_start3A_1135 = tpu.memref_slice %arg10[%add3A_1113, %sub3A_1116, %dma_start3A_1132, %dma_start3A_1133, %dma_start3A_1134] : memref<64x4096x2x2x128xf32, #tpu.memory_space<hbm>> -> memref<1x32x2x2x128xf32, #tpu.memory_space<hbm>>
      %dma_start3A_1136 = tpu.memref_squeeze %dma_start3A_1135 : memref<1x32x2x2x128xf32, #tpu.memory_space<hbm>> -> memref<32x2x2x128xf32, #tpu.memory_space<hbm>>
      tpu.enqueue_dma source(%arg19 : memref<32x2x2x128xf32, #tpu.memory_space<vmem>>) target(%dma_start3A_1136 : memref<32x2x2x128xf32, #tpu.memory_space<hbm>>) target_semaphore(%arg34 : memref<!tpu.dma_semaphore, #tpu.memory_space<semaphore_mem>>)
      %dma_wait3A_1137 = arith.constant 0 : i32
      %dma_wait3A_1138 = arith.constant 0 : i32
      %dma_wait3A_1139 = arith.constant 0 : i32
      %dma_wait3A_1140 = tpu.memref_slice %arg5[%dma_wait3A_1137, %dma_wait3A_1138, %dma_wait3A_1139] : memref<1000x2x128xf32, #tpu.memory_space<hbm>> -> memref<32x2x128xf32, #tpu.memory_space<hbm>>
      %dma_wait3A_1141 = arith.constant 0 : i32
      %dma_wait3A_1142 = arith.constant 0 : i32
      %dma_wait3A_1143 = arith.constant 0 : i32
      %dma_wait3A_1144 = tpu.memref_slice %arg5[%dma_wait3A_1141, %dma_wait3A_1142, %dma_wait3A_1143] : memref<1000x2x128xf32, #tpu.memory_space<hbm>> -> memref<32x2x128xf32, #tpu.memory_space<hbm>>
      tpu.wait_dma2 semaphore(%arg31 : memref<!tpu.dma_semaphore, #tpu.memory_space<semaphore_mem>>) src(%dma_wait3A_1144 : memref<32x2x128xf32, #tpu.memory_space<hbm>>) dst(%arg22 : memref<32x2x128xf32, #tpu.memory_space<vmem>>)
      %dma_wait3A_1145 = arith.constant 0 : i32
      %dma_wait3A_1146 = arith.constant 0 : i32
      %dma_wait3A_1147 = arith.constant 0 : i32
      %dma_wait3A_1148 = tpu.memref_slice %arg6[%dma_wait3A_1145, %dma_wait3A_1146, %dma_wait3A_1147] : memref<1000x2x128xf32, #tpu.memory_space<hbm>> -> memref<32x2x128xf32, #tpu.memory_space<hbm>>
      %dma_wait3A_1149 = arith.constant 0 : i32
      %dma_wait3A_1150 = arith.constant 0 : i32
      %dma_wait3A_1151 = arith.constant 0 : i32
      %dma_wait3A_1152 = tpu.memref_slice %arg6[%dma_wait3A_1149, %dma_wait3A_1150, %dma_wait3A_1151] : memref<1000x2x128xf32, #tpu.memory_space<hbm>> -> memref<32x2x128xf32, #tpu.memory_space<hbm>>
      tpu.wait_dma2 semaphore(%arg31 : memref<!tpu.dma_semaphore, #tpu.memory_space<semaphore_mem>>) src(%dma_wait3A_1152 : memref<32x2x128xf32, #tpu.memory_space<hbm>>) dst(%arg25 : memref<32x2x128xf32, #tpu.memory_space<vmem>>)
      %scan3A_1153 = arith.constant 0 : i32
      %scan3A_1154 = arith.constant 0 : i32
      %scan3A_1155 = arith.constant 32 : i32
      %scan3A_1156 = arith.addi %scan3A_1154, %scan3A_1155 : i32
      %scan3A_1157 = arith.constant 1 : i32
      scf.for %scan3A_1211 = %scan3A_1154 to %scan3A_1156 step %scan3A_1157  : i32 {
        %get3A = arith.constant 0 : i32
        %get3A_1212 = arith.index_cast %scan3A_1211 : i32 to index
        %get3A_1213 = arith.index_cast %get3A : i32 to index
        %get3A_1214 = arith.constant 0 : index
        %get3A_1215 = tpu.vector_load %arg25[%get3A_1212, %get3A_1213, %get3A_1214] {strides = array<i32>} : memref<32x2x128xf32, #tpu.memory_space<vmem>>, vector<1x1x16xf32>,
        %get3A_1216 = vector.shape_cast %get3A_1215 : vector<1x1x16xf32> to vector<16xf32>
        %swap3A = arith.constant 0 : i32
        %swap3A_1217 = arith.index_cast %scan3A_1211 : i32 to index
        %swap3A_1218 = arith.index_cast %swap3A : i32 to index
        %swap3A_1219 = arith.constant 0 : index
        %swap3A_1220 = tpu.vector_load %arg22[%swap3A_1217, %swap3A_1218, %swap3A_1219] {strides = array<i32>} : memref<32x2x128xf32, #tpu.memory_space<vmem>>, vector<1x1x16xf32>,
        %swap3A_1221 = vector.shape_cast %swap3A_1220 : vector<1x1x16xf32> to vector<16xf32>
        %swap3A_1222 = vector.shape_cast %get3A_1216 : vector<16xf32> to vector<1x1x16xf32>
        tpu.vector_store %arg22[%swap3A_1217, %swap3A_1218, %swap3A_1219], %swap3A_1222 {add = true, strides = array<i32>} : memref<32x2x128xf32, #tpu.memory_space<vmem>>, vector<1x1x16xf32>,
        %get3A_1223 = arith.constant 0 : i32
        %get3A_1224 = arith.index_cast %scan3A_1211 : i32 to index
        %get3A_1225 = arith.index_cast %get3A_1223 : i32 to index
        %get3A_1226 = arith.constant 16 : index
        %get3A_1227 = tpu.vector_load %arg25[%get3A_1224, %get3A_1225, %get3A_1226] {strides = array<i32>} : memref<32x2x128xf32, #tpu.memory_space<vmem>>, vector<1x1x16xf32>,
        %get3A_1228 = vector.shape_cast %get3A_1227 : vector<1x1x16xf32> to vector<16xf32>
        %swap3A_1229 = arith.constant 0 : i32
        %swap3A_1230 = arith.index_cast %scan3A_1211 : i32 to index
        %swap3A_1231 = arith.index_cast %swap3A_1229 : i32 to index
        %swap3A_1232 = arith.constant 16 : index
        %swap3A_1233 = tpu.vector_load %arg22[%swap3A_1230, %swap3A_1231, %swap3A_1232] {strides = array<i32>} : memref<32x2x128xf32, #tpu.memory_space<vmem>>, vector<1x1x16xf32>,
        %swap3A_1234 = vector.shape_cast %swap3A_1233 : vector<1x1x16xf32> to vector<16xf32>
        %swap3A_1235 = vector.shape_cast %get3A_1228 : vector<16xf32> to vector<1x1x16xf32>
        tpu.vector_store %arg22[%swap3A_1230, %swap3A_1231, %swap3A_1232], %swap3A_1235 {add = true, strides = array<i32>} : memref<32x2x128xf32, #tpu.memory_space<vmem>>, vector<1x1x16xf32>,
        %get3A_1236 = arith.constant 0 : i32
        %get3A_1237 = arith.index_cast %scan3A_1211 : i32 to index
        %get3A_1238 = arith.index_cast %get3A_1236 : i32 to index
        %get3A_1239 = arith.constant 32 : index
        %get3A_1240 = tpu.vector_load %arg25[%get3A_1237, %get3A_1238, %get3A_1239] {strides = array<i32>} : memref<32x2x128xf32, #tpu.memory_space<vmem>>, vector<1x1x16xf32>,
        %get3A_1241 = vector.shape_cast %get3A_1240 : vector<1x1x16xf32> to vector<16xf32>
        %swap3A_1242 = arith.constant 0 : i32
        %swap3A_1243 = arith.index_cast %scan3A_1211 : i32 to index
        %swap3A_1244 = arith.index_cast %swap3A_1242 : i32 to index
        %swap3A_1245 = arith.constant 32 : index
        %swap3A_1246 = tpu.vector_load %arg22[%swap3A_1243, %swap3A_1244, %swap3A_1245] {strides = array<i32>} : memref<32x2x128xf32, #tpu.memory_space<vmem>>, vector<1x1x16xf32>,
        %swap3A_1247 = vector.shape_cast %swap3A_1246 : vector<1x1x16xf32> to vector<16xf32>
        %swap3A_1248 = vector.shape_cast %get3A_1241 : vector<16xf32> to vector<1x1x16xf32>
        tpu.vector_store %arg22[%swap3A_1243, %swap3A_1244, %swap3A_1245], %swap3A_1248 {add = true, strides = array<i32>} : memref<32x2x128xf32, #tpu.memory_space<vmem>>, vector<1x1x16xf32>,
        %get3A_1249 = arith.constant 0 : i32
        %get3A_1250 = arith.index_cast %scan3A_1211 : i32 to index
        %get3A_1251 = arith.index_cast %get3A_1249 : i32 to index
        %get3A_1252 = arith.constant 48 : index
        %get3A_1253 = tpu.vector_load %arg25[%get3A_1250, %get3A_1251, %get3A_1252] {strides = array<i32>} : memref<32x2x128xf32, #tpu.memory_space<vmem>>, vector<1x1x16xf32>,
        %get3A_1254 = vector.shape_cast %get3A_1253 : vector<1x1x16xf32> to vector<16xf32>
        %swap3A_1255 = arith.constant 0 : i32
        %swap3A_1256 = arith.index_cast %scan3A_1211 : i32 to index
        %swap3A_1257 = arith.index_cast %swap3A_1255 : i32 to index
        %swap3A_1258 = arith.constant 48 : index
        %swap3A_1259 = tpu.vector_load %arg22[%swap3A_1256, %swap3A_1257, %swap3A_1258] {strides = array<i32>} : memref<32x2x128xf32, #tpu.memory_space<vmem>>, vector<1x1x16xf32>,
        %swap3A_1260 = vector.shape_cast %swap3A_1259 : vector<1x1x16xf32> to vector<16xf32>
        %swap3A_1261 = vector.shape_cast %get3A_1254 : vector<16xf32> to vector<1x1x16xf32>
        tpu.vector_store %arg22[%swap3A_1256, %swap3A_1257, %swap3A_1258], %swap3A_1261 {add = true, strides = array<i32>} : memref<32x2x128xf32, #tpu.memory_space<vmem>>, vector<1x1x16xf32>,
        %get3A_1262 = arith.constant 0 : i32
        %get3A_1263 = arith.index_cast %scan3A_1211 : i32 to index
        %get3A_1264 = arith.index_cast %get3A_1262 : i32 to index
        %get3A_1265 = arith.constant 64 : index
        %get3A_1266 = tpu.vector_load %arg25[%get3A_1263, %get3A_1264, %get3A_1265] {strides = array<i32>} : memref<32x2x128xf32, #tpu.memory_space<vmem>>, vector<1x1x16xf32>,
        %get3A_1267 = vector.shape_cast %get3A_1266 : vector<1x1x16xf32> to vector<16xf32>
        %swap3A_1268 = arith.constant 0 : i32
        %swap3A_1269 = arith.index_cast %scan3A_1211 : i32 to index
        %swap3A_1270 = arith.index_cast %swap3A_1268 : i32 to index
        %swap3A_1271 = arith.constant 64 : index
        %swap3A_1272 = tpu.vector_load %arg22[%swap3A_1269, %swap3A_1270, %swap3A_1271] {strides = array<i32>} : memref<32x2x128xf32, #tpu.memory_space<vmem>>, vector<1x1x16xf32>,
        %swap3A_1273 = vector.shape_cast %swap3A_1272 : vector<1x1x16xf32> to vector<16xf32>
        %swap3A_1274 = vector.shape_cast %get3A_1267 : vector<16xf32> to vector<1x1x16xf32>
        tpu.vector_store %arg22[%swap3A_1269, %swap3A_1270, %swap3A_1271], %swap3A_1274 {add = true, strides = array<i32>} : memref<32x2x128xf32, #tpu.memory_space<vmem>>, vector<1x1x16xf32>,
        %get3A_1275 = arith.constant 0 : i32
        %get3A_1276 = arith.index_cast %scan3A_1211 : i32 to index
        %get3A_1277 = arith.index_cast %get3A_1275 : i32 to index
        %get3A_1278 = arith.constant 80 : index
        %get3A_1279 = tpu.vector_load %arg25[%get3A_1276, %get3A_1277, %get3A_1278] {strides = array<i32>} : memref<32x2x128xf32, #tpu.memory_space<vmem>>, vector<1x1x16xf32>,
        %get3A_1280 = vector.shape_cast %get3A_1279 : vector<1x1x16xf32> to vector<16xf32>
        %swap3A_1281 = arith.constant 0 : i32
        %swap3A_1282 = arith.index_cast %scan3A_1211 : i32 to index
        %swap3A_1283 = arith.index_cast %swap3A_1281 : i32 to index
        %swap3A_1284 = arith.constant 80 : index
        %swap3A_1285 = tpu.vector_load %arg22[%swap3A_1282, %swap3A_1283, %swap3A_1284] {strides = array<i32>} : memref<32x2x128xf32, #tpu.memory_space<vmem>>, vector<1x1x16xf32>,
        %swap3A_1286 = vector.shape_cast %swap3A_1285 : vector<1x1x16xf32> to vector<16xf32>
        %swap3A_1287 = vector.shape_cast %get3A_1280 : vector<16xf32> to vector<1x1x16xf32>
        tpu.vector_store %arg22[%swap3A_1282, %swap3A_1283, %swap3A_1284], %swap3A_1287 {add = true, strides = array<i32>} : memref<32x2x128xf32, #tpu.memory_space<vmem>>, vector<1x1x16xf32>,
        %get3A_1288 = arith.constant 0 : i32
        %get3A_1289 = arith.index_cast %scan3A_1211 : i32 to index
        %get3A_1290 = arith.index_cast %get3A_1288 : i32 to index
        %get3A_1291 = arith.constant 96 : index
        %get3A_1292 = tpu.vector_load %arg25[%get3A_1289, %get3A_1290, %get3A_1291] {strides = array<i32>} : memref<32x2x128xf32, #tpu.memory_space<vmem>>, vector<1x1x16xf32>,
        %get3A_1293 = vector.shape_cast %get3A_1292 : vector<1x1x16xf32> to vector<16xf32>
        %swap3A_1294 = arith.constant 0 : i32
        %swap3A_1295 = arith.index_cast %scan3A_1211 : i32 to index
        %swap3A_1296 = arith.index_cast %swap3A_1294 : i32 to index
        %swap3A_1297 = arith.constant 96 : index
        %swap3A_1298 = tpu.vector_load %arg22[%swap3A_1295, %swap3A_1296, %swap3A_1297] {strides = array<i32>} : memref<32x2x128xf32, #tpu.memory_space<vmem>>, vector<1x1x16xf32>,
        %swap3A_1299 = vector.shape_cast %swap3A_1298 : vector<1x1x16xf32> to vector<16xf32>
        %swap3A_1300 = vector.shape_cast %get3A_1293 : vector<16xf32> to vector<1x1x16xf32>
        tpu.vector_store %arg22[%swap3A_1295, %swap3A_1296, %swap3A_1297], %swap3A_1300 {add = true, strides = array<i32>} : memref<32x2x128xf32, #tpu.memory_space<vmem>>, vector<1x1x16xf32>,
        %get3A_1301 = arith.constant 0 : i32
        %get3A_1302 = arith.index_cast %scan3A_1211 : i32 to index
        %get3A_1303 = arith.index_cast %get3A_1301 : i32 to index
        %get3A_1304 = arith.constant 112 : index
        %get3A_1305 = tpu.vector_load %arg25[%get3A_1302, %get3A_1303, %get3A_1304] {strides = array<i32>} : memref<32x2x128xf32, #tpu.memory_space<vmem>>, vector<1x1x16xf32>,
        %get3A_1306 = vector.shape_cast %get3A_1305 : vector<1x1x16xf32> to vector<16xf32>
        %swap3A_1307 = arith.constant 0 : i32
        %swap3A_1308 = arith.index_cast %scan3A_1211 : i32 to index
        %swap3A_1309 = arith.index_cast %swap3A_1307 : i32 to index
        %swap3A_1310 = arith.constant 112 : index
        %swap3A_1311 = tpu.vector_load %arg22[%swap3A_1308, %swap3A_1309, %swap3A_1310] {strides = array<i32>} : memref<32x2x128xf32, #tpu.memory_space<vmem>>, vector<1x1x16xf32>,
        %swap3A_1312 = vector.shape_cast %swap3A_1311 : vector<1x1x16xf32> to vector<16xf32>
        %swap3A_1313 = vector.shape_cast %get3A_1306 : vector<16xf32> to vector<1x1x16xf32>
        tpu.vector_store %arg22[%swap3A_1308, %swap3A_1309, %swap3A_1310], %swap3A_1313 {add = true, strides = array<i32>} : memref<32x2x128xf32, #tpu.memory_space<vmem>>, vector<1x1x16xf32>,
        %get3A_1314 = arith.constant 1 : i32
        %get3A_1315 = arith.index_cast %scan3A_1211 : i32 to index
        %get3A_1316 = arith.index_cast %get3A_1314 : i32 to index
        %get3A_1317 = arith.constant 0 : index
        %get3A_1318 = tpu.vector_load %arg25[%get3A_1315, %get3A_1316, %get3A_1317] {strides = array<i32>} : memref<32x2x128xf32, #tpu.memory_space<vmem>>, vector<1x1x16xf32>,
        %get3A_1319 = vector.shape_cast %get3A_1318 : vector<1x1x16xf32> to vector<16xf32>
        %swap3A_1320 = arith.constant 1 : i32
        %swap3A_1321 = arith.index_cast %scan3A_1211 : i32 to index
        %swap3A_1322 = arith.index_cast %swap3A_1320 : i32 to index
        %swap3A_1323 = arith.constant 0 : index
        %swap3A_1324 = tpu.vector_load %arg22[%swap3A_1321, %swap3A_1322, %swap3A_1323] {strides = array<i32>} : memref<32x2x128xf32, #tpu.memory_space<vmem>>, vector<1x1x16xf32>,
        %swap3A_1325 = vector.shape_cast %swap3A_1324 : vector<1x1x16xf32> to vector<16xf32>
        %swap3A_1326 = vector.shape_cast %get3A_1319 : vector<16xf32> to vector<1x1x16xf32>
        tpu.vector_store %arg22[%swap3A_1321, %swap3A_1322, %swap3A_1323], %swap3A_1326 {add = true, strides = array<i32>} : memref<32x2x128xf32, #tpu.memory_space<vmem>>, vector<1x1x16xf32>,
        %get3A_1327 = arith.constant 1 : i32
        %get3A_1328 = arith.index_cast %scan3A_1211 : i32 to index
        %get3A_1329 = arith.index_cast %get3A_1327 : i32 to index
        %get3A_1330 = arith.constant 16 : index
        %get3A_1331 = tpu.vector_load %arg25[%get3A_1328, %get3A_1329, %get3A_1330] {strides = array<i32>} : memref<32x2x128xf32, #tpu.memory_space<vmem>>, vector<1x1x16xf32>,
        %get3A_1332 = vector.shape_cast %get3A_1331 : vector<1x1x16xf32> to vector<16xf32>
        %swap3A_1333 = arith.constant 1 : i32
        %swap3A_1334 = arith.index_cast %scan3A_1211 : i32 to index
        %swap3A_1335 = arith.index_cast %swap3A_1333 : i32 to index
        %swap3A_1336 = arith.constant 16 : index
        %swap3A_1337 = tpu.vector_load %arg22[%swap3A_1334, %swap3A_1335, %swap3A_1336] {strides = array<i32>} : memref<32x2x128xf32, #tpu.memory_space<vmem>>, vector<1x1x16xf32>,
        %swap3A_1338 = vector.shape_cast %swap3A_1337 : vector<1x1x16xf32> to vector<16xf32>
        %swap3A_1339 = vector.shape_cast %get3A_1332 : vector<16xf32> to vector<1x1x16xf32>
        tpu.vector_store %arg22[%swap3A_1334, %swap3A_1335, %swap3A_1336], %swap3A_1339 {add = true, strides = array<i32>} : memref<32x2x128xf32, #tpu.memory_space<vmem>>, vector<1x1x16xf32>,
        %get3A_1340 = arith.constant 1 : i32
        %get3A_1341 = arith.index_cast %scan3A_1211 : i32 to index
        %get3A_1342 = arith.index_cast %get3A_1340 : i32 to index
        %get3A_1343 = arith.constant 32 : index
        %get3A_1344 = tpu.vector_load %arg25[%get3A_1341, %get3A_1342, %get3A_1343] {strides = array<i32>} : memref<32x2x128xf32, #tpu.memory_space<vmem>>, vector<1x1x16xf32>,
        %get3A_1345 = vector.shape_cast %get3A_1344 : vector<1x1x16xf32> to vector<16xf32>
        %swap3A_1346 = arith.constant 1 : i32
        %swap3A_1347 = arith.index_cast %scan3A_1211 : i32 to index
        %swap3A_1348 = arith.index_cast %swap3A_1346 : i32 to index
        %swap3A_1349 = arith.constant 32 : index
        %swap3A_1350 = tpu.vector_load %arg22[%swap3A_1347, %swap3A_1348, %swap3A_1349] {strides = array<i32>} : memref<32x2x128xf32, #tpu.memory_space<vmem>>, vector<1x1x16xf32>,
        %swap3A_1351 = vector.shape_cast %swap3A_1350 : vector<1x1x16xf32> to vector<16xf32>
        %swap3A_1352 = vector.shape_cast %get3A_1345 : vector<16xf32> to vector<1x1x16xf32>
        tpu.vector_store %arg22[%swap3A_1347, %swap3A_1348, %swap3A_1349], %swap3A_1352 {add = true, strides = array<i32>} : memref<32x2x128xf32, #tpu.memory_space<vmem>>, vector<1x1x16xf32>,
        %get3A_1353 = arith.constant 1 : i32
        %get3A_1354 = arith.index_cast %scan3A_1211 : i32 to index
        %get3A_1355 = arith.index_cast %get3A_1353 : i32 to index
        %get3A_1356 = arith.constant 48 : index
        %get3A_1357 = tpu.vector_load %arg25[%get3A_1354, %get3A_1355, %get3A_1356] {strides = array<i32>} : memref<32x2x128xf32, #tpu.memory_space<vmem>>, vector<1x1x16xf32>,
        %get3A_1358 = vector.shape_cast %get3A_1357 : vector<1x1x16xf32> to vector<16xf32>
        %swap3A_1359 = arith.constant 1 : i32
        %swap3A_1360 = arith.index_cast %scan3A_1211 : i32 to index
        %swap3A_1361 = arith.index_cast %swap3A_1359 : i32 to index
        %swap3A_1362 = arith.constant 48 : index
        %swap3A_1363 = tpu.vector_load %arg22[%swap3A_1360, %swap3A_1361, %swap3A_1362] {strides = array<i32>} : memref<32x2x128xf32, #tpu.memory_space<vmem>>, vector<1x1x16xf32>,
        %swap3A_1364 = vector.shape_cast %swap3A_1363 : vector<1x1x16xf32> to vector<16xf32>
        %swap3A_1365 = vector.shape_cast %get3A_1358 : vector<16xf32> to vector<1x1x16xf32>
        tpu.vector_store %arg22[%swap3A_1360, %swap3A_1361, %swap3A_1362], %swap3A_1365 {add = true, strides = array<i32>} : memref<32x2x128xf32, #tpu.memory_space<vmem>>, vector<1x1x16xf32>,
        %get3A_1366 = arith.constant 1 : i32
        %get3A_1367 = arith.index_cast %scan3A_1211 : i32 to index
        %get3A_1368 = arith.index_cast %get3A_1366 : i32 to index
        %get3A_1369 = arith.constant 64 : index
        %get3A_1370 = tpu.vector_load %arg25[%get3A_1367, %get3A_1368, %get3A_1369] {strides = array<i32>} : memref<32x2x128xf32, #tpu.memory_space<vmem>>, vector<1x1x16xf32>,
        %get3A_1371 = vector.shape_cast %get3A_1370 : vector<1x1x16xf32> to vector<16xf32>
        %swap3A_1372 = arith.constant 1 : i32
        %swap3A_1373 = arith.index_cast %scan3A_1211 : i32 to index
        %swap3A_1374 = arith.index_cast %swap3A_1372 : i32 to index
        %swap3A_1375 = arith.constant 64 : index
        %swap3A_1376 = tpu.vector_load %arg22[%swap3A_1373, %swap3A_1374, %swap3A_1375] {strides = array<i32>} : memref<32x2x128xf32, #tpu.memory_space<vmem>>, vector<1x1x16xf32>,
        %swap3A_1377 = vector.shape_cast %swap3A_1376 : vector<1x1x16xf32> to vector<16xf32>
        %swap3A_1378 = vector.shape_cast %get3A_1371 : vector<16xf32> to vector<1x1x16xf32>
        tpu.vector_store %arg22[%swap3A_1373, %swap3A_1374, %swap3A_1375], %swap3A_1378 {add = true, strides = array<i32>} : memref<32x2x128xf32, #tpu.memory_space<vmem>>, vector<1x1x16xf32>,
        %get3A_1379 = arith.constant 1 : i32
        %get3A_1380 = arith.index_cast %scan3A_1211 : i32 to index
        %get3A_1381 = arith.index_cast %get3A_1379 : i32 to index
        %get3A_1382 = arith.constant 80 : index
        %get3A_1383 = tpu.vector_load %arg25[%get3A_1380, %get3A_1381, %get3A_1382] {strides = array<i32>} : memref<32x2x128xf32, #tpu.memory_space<vmem>>, vector<1x1x16xf32>,
        %get3A_1384 = vector.shape_cast %get3A_1383 : vector<1x1x16xf32> to vector<16xf32>
        %swap3A_1385 = arith.constant 1 : i32
        %swap3A_1386 = arith.index_cast %scan3A_1211 : i32 to index
        %swap3A_1387 = arith.index_cast %swap3A_1385 : i32 to index
        %swap3A_1388 = arith.constant 80 : index
        %swap3A_1389 = tpu.vector_load %arg22[%swap3A_1386, %swap3A_1387, %swap3A_1388] {strides = array<i32>} : memref<32x2x128xf32, #tpu.memory_space<vmem>>, vector<1x1x16xf32>,
        %swap3A_1390 = vector.shape_cast %swap3A_1389 : vector<1x1x16xf32> to vector<16xf32>
        %swap3A_1391 = vector.shape_cast %get3A_1384 : vector<16xf32> to vector<1x1x16xf32>
        tpu.vector_store %arg22[%swap3A_1386, %swap3A_1387, %swap3A_1388], %swap3A_1391 {add = true, strides = array<i32>} : memref<32x2x128xf32, #tpu.memory_space<vmem>>, vector<1x1x16xf32>,
        %get3A_1392 = arith.constant 1 : i32
        %get3A_1393 = arith.index_cast %scan3A_1211 : i32 to index
        %get3A_1394 = arith.index_cast %get3A_1392 : i32 to index
        %get3A_1395 = arith.constant 96 : index
        %get3A_1396 = tpu.vector_load %arg25[%get3A_1393, %get3A_1394, %get3A_1395] {strides = array<i32>} : memref<32x2x128xf32, #tpu.memory_space<vmem>>, vector<1x1x16xf32>,
        %get3A_1397 = vector.shape_cast %get3A_1396 : vector<1x1x16xf32> to vector<16xf32>
        %swap3A_1398 = arith.constant 1 : i32
        %swap3A_1399 = arith.index_cast %scan3A_1211 : i32 to index
        %swap3A_1400 = arith.index_cast %swap3A_1398 : i32 to index
        %swap3A_1401 = arith.constant 96 : index
        %swap3A_1402 = tpu.vector_load %arg22[%swap3A_1399, %swap3A_1400, %swap3A_1401] {strides = array<i32>} : memref<32x2x128xf32, #tpu.memory_space<vmem>>, vector<1x1x16xf32>,
        %swap3A_1403 = vector.shape_cast %swap3A_1402 : vector<1x1x16xf32> to vector<16xf32>
        %swap3A_1404 = vector.shape_cast %get3A_1397 : vector<16xf32> to vector<1x1x16xf32>
        tpu.vector_store %arg22[%swap3A_1399, %swap3A_1400, %swap3A_1401], %swap3A_1404 {add = true, strides = array<i32>} : memref<32x2x128xf32, #tpu.memory_space<vmem>>, vector<1x1x16xf32>,
        %get3A_1405 = arith.constant 1 : i32
        %get3A_1406 = arith.index_cast %scan3A_1211 : i32 to index
        %get3A_1407 = arith.index_cast %get3A_1405 : i32 to index
        %get3A_1408 = arith.constant 112 : index
        %get3A_1409 = tpu.vector_load %arg25[%get3A_1406, %get3A_1407, %get3A_1408] {strides = array<i32>} : memref<32x2x128xf32, #tpu.memory_space<vmem>>, vector<1x1x16xf32>,
        %get3A_1410 = vector.shape_cast %get3A_1409 : vector<1x1x16xf32> to vector<16xf32>
        %swap3A_1411 = arith.constant 1 : i32
        %swap3A_1412 = arith.index_cast %scan3A_1211 : i32 to index
        %swap3A_1413 = arith.index_cast %swap3A_1411 : i32 to index
        %swap3A_1414 = arith.constant 112 : index
        %swap3A_1415 = tpu.vector_load %arg22[%swap3A_1412, %swap3A_1413, %swap3A_1414] {strides = array<i32>} : memref<32x2x128xf32, #tpu.memory_space<vmem>>, vector<1x1x16xf32>,
        %swap3A_1416 = vector.shape_cast %swap3A_1415 : vector<1x1x16xf32> to vector<16xf32>
        %swap3A_1417 = vector.shape_cast %get3A_1410 : vector<16xf32> to vector<1x1x16xf32>
        tpu.vector_store %arg22[%swap3A_1412, %swap3A_1413, %swap3A_1414], %swap3A_1417 {add = true, strides = array<i32>} : memref<32x2x128xf32, #tpu.memory_space<vmem>>, vector<1x1x16xf32>,
      }
      %scan3A_1158 = arith.constant 32 : i32
      %dma_start3A_1159 = arith.constant 0 : i32
      %dma_start3A_1160 = arith.constant 0 : i32
      %dma_start3A_1161 = tpu.memref_slice %arg9[%add3A_1113, %sub3A_1116, %dma_start3A_1159, %dma_start3A_1160] : memref<64x4096x2x128xf32, #tpu.memory_space<hbm>> -> memref<1x32x2x128xf32, #tpu.memory_space<hbm>>
      %dma_start3A_1162 = tpu.memref_squeeze %dma_start3A_1161 : memref<1x32x2x128xf32, #tpu.memory_space<hbm>> -> memref<32x2x128xf32, #tpu.memory_space<hbm>>
      %dma_start3A_1163 = arith.constant 0 : i32
      %dma_start3A_1164 = arith.constant 0 : i32
      %dma_start3A_1165 = tpu.memref_slice %arg9[%add3A_1113, %sub3A_1116, %dma_start3A_1163, %dma_start3A_1164] : memref<64x4096x2x128xf32, #tpu.memory_space<hbm>> -> memref<1x32x2x128xf32, #tpu.memory_space<hbm>>
      %dma_start3A_1166 = tpu.memref_squeeze %dma_start3A_1165 : memref<1x32x2x128xf32, #tpu.memory_space<hbm>> -> memref<32x2x128xf32, #tpu.memory_space<hbm>>
      tpu.enqueue_dma source(%arg22 : memref<32x2x128xf32, #tpu.memory_space<vmem>>) target(%dma_start3A_1166 : memref<32x2x128xf32, #tpu.memory_space<hbm>>) target_semaphore(%arg34 : memref<!tpu.dma_semaphore, #tpu.memory_space<semaphore_mem>>)
      %add3A_1167 = arith.constant 2 : i32
      %add3A_1168 = arith.addi %sub3A_1086, %add3A_1167 : i32
      %mul3A_1169 = arith.constant 32 : i32
      %mul3A_1170 = arith.muli %add3A_1168, %mul3A_1169 : i32
      %dma_wait3A_1171 = arith.constant 0 : i32
      %dma_wait3A_1172 = arith.constant 0 : i32
      %dma_wait3A_1173 = arith.constant 0 : i32
      %dma_wait3A_1174 = arith.constant 0 : i32
      %dma_wait3A_1175 = arith.constant 0 : i32
      %dma_wait3A_1176 = tpu.memref_slice %arg10[%dma_wait3A_1171, %dma_wait3A_1172, %dma_wait3A_1173, %dma_wait3A_1174, %dma_wait3A_1175] : memref<64x4096x2x2x128xf32, #tpu.memory_space<hbm>> -> memref<1x32x2x2x128xf32, #tpu.memory_space<hbm>>
      %dma_wait3A_1177 = tpu.memref_squeeze %dma_wait3A_1176 : memref<1x32x2x2x128xf32, #tpu.memory_space<hbm>> -> memref<32x2x2x128xf32, #tpu.memory_space<hbm>>
      %dma_wait3A_1178 = arith.constant 0 : i32
      %dma_wait3A_1179 = arith.constant 0 : i32
      %dma_wait3A_1180 = arith.constant 0 : i32
      %dma_wait3A_1181 = arith.constant 0 : i32
      %dma_wait3A_1182 = tpu.memref_slice %arg10[%dma_wait3A_1171, %dma_wait3A_1178, %dma_wait3A_1179, %dma_wait3A_1180, %dma_wait3A_1181] : memref<64x4096x2x2x128xf32, #tpu.memory_space<hbm>> -> memref<1x32x2x2x128xf32, #tpu.memory_space<hbm>>
      %dma_wait3A_1183 = tpu.memref_squeeze %dma_wait3A_1182 : memref<1x32x2x2x128xf32, #tpu.memory_space<hbm>> -> memref<32x2x2x128xf32, #tpu.memory_space<hbm>>
      tpu.wait_dma2 semaphore(%arg33 : memref<!tpu.dma_semaphore, #tpu.memory_space<semaphore_mem>>) src(%arg18 : memref<32x2x2x128xf32, #tpu.memory_space<vmem>>) dst(%dma_wait3A_1183 : memref<32x2x2x128xf32, #tpu.memory_space<hbm>>)
      %dma_wait3A_1184 = arith.constant 0 : i32
      %dma_wait3A_1185 = arith.constant 0 : i32
      %dma_wait3A_1186 = arith.constant 0 : i32
      %dma_wait3A_1187 = arith.constant 0 : i32
      %dma_wait3A_1188 = tpu.memref_slice %arg9[%dma_wait3A_1184, %dma_wait3A_1185, %dma_wait3A_1186, %dma_wait3A_1187] : memref<64x4096x2x128xf32, #tpu.memory_space<hbm>> -> memref<1x32x2x128xf32, #tpu.memory_space<hbm>>
      %dma_wait3A_1189 = tpu.memref_squeeze %dma_wait3A_1188 : memref<1x32x2x128xf32, #tpu.memory_space<hbm>> -> memref<32x2x128xf32, #tpu.memory_space<hbm>>
      %dma_wait3A_1190 = arith.constant 0 : i32
      %dma_wait3A_1191 = arith.constant 0 : i32
      %dma_wait3A_1192 = arith.constant 0 : i32
      %dma_wait3A_1193 = tpu.memref_slice %arg9[%dma_wait3A_1184, %dma_wait3A_1190, %dma_wait3A_1191, %dma_wait3A_1192] : memref<64x4096x2x128xf32, #tpu.memory_space<hbm>> -> memref<1x32x2x128xf32, #tpu.memory_space<hbm>>
      %dma_wait3A_1194 = tpu.memref_squeeze %dma_wait3A_1193 : memref<1x32x2x128xf32, #tpu.memory_space<hbm>> -> memref<32x2x128xf32, #tpu.memory_space<hbm>>
      tpu.wait_dma2 semaphore(%arg33 : memref<!tpu.dma_semaphore, #tpu.memory_space<semaphore_mem>>) src(%arg21 : memref<32x2x128xf32, #tpu.memory_space<vmem>>) dst(%dma_wait3A_1194 : memref<32x2x128xf32, #tpu.memory_space<hbm>>)
      %dma_start3A_1195 = tpu.memref_slice %arg15[%mul3A_1170] : memref<8192xi32, #tpu.memory_space<vmem>> -> memref<32xi32, #tpu.memory_space<vmem>>
      %dma_start3A_1196 = arith.constant 0 : i32
      %dma_start3A_1197 = arith.constant 0 : i32
      %dma_start3A_1198 = arith.constant 0 : i32
      %dma_start3A_1199 = arith.constant 0 : i32
      %dma_start3A_1200 = tpu.memref_slice %arg4[%dma_start3A_1196, %dma_start3A_1197, %dma_start3A_1198, %dma_start3A_1199] : memref<100x2x2x128xf32, #tpu.memory_space<hbm>> -> memref<100x2x2x128xf32, #tpu.memory_space<hbm>>
      tpu.enqueue_indirect_dma source(%dma_start3A_1200 : memref<100x2x2x128xf32, #tpu.memory_space<hbm>>) target(%arg18 : memref<32x2x2x128xf32, #tpu.memory_space<vmem>>) offsets(%dma_start3A_1195 : memref<32xi32, #tpu.memory_space<vmem>>) semaphore(%arg27 : memref<!tpu.dma_semaphore, #tpu.memory_space<semaphore_mem>>)
      %dma_start3A_1201 = tpu.memref_slice %arg14[%mul3A_1170] : memref<8192xi32, #tpu.memory_space<vmem>> -> memref<32xi32, #tpu.memory_space<vmem>>
      %dma_start3A_1202 = arith.constant 0 : i32
      %dma_start3A_1203 = arith.constant 0 : i32
      %dma_start3A_1204 = arith.constant 0 : i32
      %dma_start3A_1205 = tpu.memref_slice %arg5[%dma_start3A_1202, %dma_start3A_1203, %dma_start3A_1204] : memref<1000x2x128xf32, #tpu.memory_space<hbm>> -> memref<1000x2x128xf32, #tpu.memory_space<hbm>>
      tpu.enqueue_indirect_dma source(%dma_start3A_1205 : memref<1000x2x128xf32, #tpu.memory_space<hbm>>) target(%arg21 : memref<32x2x128xf32, #tpu.memory_space<vmem>>) offsets(%dma_start3A_1201 : memref<32xi32, #tpu.memory_space<vmem>>) semaphore(%arg30 : memref<!tpu.dma_semaphore, #tpu.memory_space<semaphore_mem>>)
      %dma_start3A_1206 = tpu.memref_slice %arg16[%mul3A_1170] : memref<8192xi32, #tpu.memory_space<vmem>> -> memref<32xi32, #tpu.memory_space<vmem>>
      %dma_start3A_1207 = arith.constant 0 : i32
      %dma_start3A_1208 = arith.constant 0 : i32
      %dma_start3A_1209 = arith.constant 0 : i32
      %dma_start3A_1210 = tpu.memref_slice %arg6[%dma_start3A_1207, %dma_start3A_1208, %dma_start3A_1209] : memref<1000x2x128xf32, #tpu.memory_space<hbm>> -> memref<1000x2x128xf32, #tpu.memory_space<hbm>>
      tpu.enqueue_indirect_dma source(%dma_start3A_1210 : memref<1000x2x128xf32, #tpu.memory_space<hbm>>) target(%arg24 : memref<32x2x128xf32, #tpu.memory_space<vmem>>) offsets(%dma_start3A_1206 : memref<32xi32, #tpu.memory_space<vmem>>) semaphore(%arg30 : memref<!tpu.dma_semaphore, #tpu.memory_space<semaphore_mem>>)
    }
    %scan3A_637 = arith.constant 84 : i32
    %add3A_638 = arith.constant 1 : i32
    %add3A_639 = arith.addi %mul3A_2, %add3A_638 : i32
    %dma_wait3A_640 = arith.constant 0 : i32
    %dma_wait3A_641 = arith.constant 0 : i32
    %dma_wait3A_642 = arith.constant 0 : i32
    %dma_wait3A_643 = arith.constant 0 : i32
    %dma_wait3A_644 = tpu.memref_slice %arg4[%dma_wait3A_640, %dma_wait3A_641, %dma_wait3A_642, %dma_wait3A_643] : memref<100x2x2x128xf32, #tpu.memory_space<hbm>> -> memref<32x2x2x128xf32, #tpu.memory_space<hbm>>
    %dma_wait3A_645 = arith.constant 0 : i32
    %dma_wait3A_646 = arith.constant 0 : i32
    %dma_wait3A_647 = arith.constant 0 : i32
    %dma_wait3A_648 = arith.constant 0 : i32
    %dma_wait3A_649 = tpu.memref_slice %arg4[%dma_wait3A_645, %dma_wait3A_646, %dma_wait3A_647, %dma_wait3A_648] : memref<100x2x2x128xf32, #tpu.memory_space<hbm>> -> memref<32x2x2x128xf32, #tpu.memory_space<hbm>>
    tpu.wait_dma2 semaphore(%arg26 : memref<!tpu.dma_semaphore, #tpu.memory_space<semaphore_mem>>) src(%dma_wait3A_649 : memref<32x2x2x128xf32, #tpu.memory_space<hbm>>) dst(%arg17 : memref<32x2x2x128xf32, #tpu.memory_space<vmem>>)
    %dma_start3A_650 = arith.constant 4032 : i32
    %dma_start3A_651 = arith.constant 0 : i32
    %dma_start3A_652 = arith.constant 0 : i32
    %dma_start3A_653 = arith.constant 0 : i32
    %dma_start3A_654 = tpu.memref_slice %arg10[%add3A_639, %dma_start3A_650, %dma_start3A_651, %dma_start3A_652, %dma_start3A_653] : memref<64x4096x2x2x128xf32, #tpu.memory_space<hbm>> -> memref<1x32x2x2x128xf32, #tpu.memory_space<hbm>>
    %dma_start3A_655 = tpu.memref_squeeze %dma_start3A_654 : memref<1x32x2x2x128xf32, #tpu.memory_space<hbm>> -> memref<32x2x2x128xf32, #tpu.memory_space<hbm>>
    %dma_start3A_656 = arith.constant 4032 : i32
    %dma_start3A_657 = arith.constant 0 : i32
    %dma_start3A_658 = arith.constant 0 : i32
    %dma_start3A_659 = arith.constant 0 : i32
    %dma_start3A_660 = tpu.memref_slice %arg10[%add3A_639, %dma_start3A_656, %dma_start3A_657, %dma_start3A_658, %dma_start3A_659] : memref<64x4096x2x2x128xf32, #tpu.memory_space<hbm>> -> memref<1x32x2x2x128xf32, #tpu.memory_space<hbm>>
    %dma_start3A_661 = tpu.memref_squeeze %dma_start3A_660 : memref<1x32x2x2x128xf32, #tpu.memory_space<hbm>> -> memref<32x2x2x128xf32, #tpu.memory_space<hbm>>
    tpu.enqueue_dma source(%arg17 : memref<32x2x2x128xf32, #tpu.memory_space<vmem>>) target(%dma_start3A_661 : memref<32x2x2x128xf32, #tpu.memory_space<hbm>>) target_semaphore(%arg32 : memref<!tpu.dma_semaphore, #tpu.memory_space<semaphore_mem>>)
    %dma_wait3A_662 = arith.constant 0 : i32
    %dma_wait3A_663 = arith.constant 0 : i32
    %dma_wait3A_664 = arith.constant 0 : i32
    %dma_wait3A_665 = tpu.memref_slice %arg5[%dma_wait3A_662, %dma_wait3A_663, %dma_wait3A_664] : memref<1000x2x128xf32, #tpu.memory_space<hbm>> -> memref<32x2x128xf32, #tpu.memory_space<hbm>>
    %dma_wait3A_666 = arith.constant 0 : i32
    %dma_wait3A_667 = arith.constant 0 : i32
    %dma_wait3A_668 = arith.constant 0 : i32
    %dma_wait3A_669 = tpu.memref_slice %arg5[%dma_wait3A_666, %dma_wait3A_667, %dma_wait3A_668] : memref<1000x2x128xf32, #tpu.memory_space<hbm>> -> memref<32x2x128xf32, #tpu.memory_space<hbm>>
    tpu.wait_dma2 semaphore(%arg29 : memref<!tpu.dma_semaphore, #tpu.memory_space<semaphore_mem>>) src(%dma_wait3A_669 : memref<32x2x128xf32, #tpu.memory_space<hbm>>) dst(%arg20 : memref<32x2x128xf32, #tpu.memory_space<vmem>>)
    %dma_wait3A_670 = arith.constant 0 : i32
    %dma_wait3A_671 = arith.constant 0 : i32
    %dma_wait3A_672 = arith.constant 0 : i32
    %dma_wait3A_673 = tpu.memref_slice %arg6[%dma_wait3A_670, %dma_wait3A_671, %dma_wait3A_672] : memref<1000x2x128xf32, #tpu.memory_space<hbm>> -> memref<32x2x128xf32, #tpu.memory_space<hbm>>
    %dma_wait3A_674 = arith.constant 0 : i32
    %dma_wait3A_675 = arith.constant 0 : i32
    %dma_wait3A_676 = arith.constant 0 : i32
    %dma_wait3A_677 = tpu.memref_slice %arg6[%dma_wait3A_674, %dma_wait3A_675, %dma_wait3A_676] : memref<1000x2x128xf32, #tpu.memory_space<hbm>> -> memref<32x2x128xf32, #tpu.memory_space<hbm>>
    tpu.wait_dma2 semaphore(%arg29 : memref<!tpu.dma_semaphore, #tpu.memory_space<semaphore_mem>>) src(%dma_wait3A_677 : memref<32x2x128xf32, #tpu.memory_space<hbm>>) dst(%arg23 : memref<32x2x128xf32, #tpu.memory_space<vmem>>)
    %scan3A_678 = arith.constant 0 : i32
    %scan3A_679 = arith.constant 0 : i32
    %scan3A_680 = arith.constant 32 : i32
    %scan3A_681 = arith.addi %scan3A_679, %scan3A_680 : i32
    %scan3A_682 = arith.constant 1 : i32
    scf.for %scan3A_822 = %scan3A_679 to %scan3A_681 step %scan3A_682  : i32 {
      %get3A = arith.constant 0 : i32
      %get3A_823 = arith.index_cast %scan3A_822 : i32 to index
      %get3A_824 = arith.index_cast %get3A : i32 to index
      %get3A_825 = arith.constant 0 : index
      %get3A_826 = tpu.vector_load %arg23[%get3A_823, %get3A_824, %get3A_825] {strides = array<i32>} : memref<32x2x128xf32, #tpu.memory_space<vmem>>, vector<1x1x16xf32>,
      %get3A_827 = vector.shape_cast %get3A_826 : vector<1x1x16xf32> to vector<16xf32>
      %swap3A = arith.constant 0 : i32
      %swap3A_828 = arith.index_cast %scan3A_822 : i32 to index
      %swap3A_829 = arith.index_cast %swap3A : i32 to index
      %swap3A_830 = arith.constant 0 : index
      %swap3A_831 = tpu.vector_load %arg20[%swap3A_828, %swap3A_829, %swap3A_830] {strides = array<i32>} : memref<32x2x128xf32, #tpu.memory_space<vmem>>, vector<1x1x16xf32>,
      %swap3A_832 = vector.shape_cast %swap3A_831 : vector<1x1x16xf32> to vector<16xf32>
      %swap3A_833 = vector.shape_cast %get3A_827 : vector<16xf32> to vector<1x1x16xf32>
      tpu.vector_store %arg20[%swap3A_828, %swap3A_829, %swap3A_830], %swap3A_833 {add = true, strides = array<i32>} : memref<32x2x128xf32, #tpu.memory_space<vmem>>, vector<1x1x16xf32>,
      %get3A_834 = arith.constant 0 : i32
      %get3A_835 = arith.index_cast %scan3A_822 : i32 to index
      %get3A_836 = arith.index_cast %get3A_834 : i32 to index
      %get3A_837 = arith.constant 16 : index
      %get3A_838 = tpu.vector_load %arg23[%get3A_835, %get3A_836, %get3A_837] {strides = array<i32>} : memref<32x2x128xf32, #tpu.memory_space<vmem>>, vector<1x1x16xf32>,
      %get3A_839 = vector.shape_cast %get3A_838 : vector<1x1x16xf32> to vector<16xf32>
      %swap3A_840 = arith.constant 0 : i32
      %swap3A_841 = arith.index_cast %scan3A_822 : i32 to index
      %swap3A_842 = arith.index_cast %swap3A_840 : i32 to index
      %swap3A_843 = arith.constant 16 : index
      %swap3A_844 = tpu.vector_load %arg20[%swap3A_841, %swap3A_842, %swap3A_843] {strides = array<i32>} : memref<32x2x128xf32, #tpu.memory_space<vmem>>, vector<1x1x16xf32>,
      %swap3A_845 = vector.shape_cast %swap3A_844 : vector<1x1x16xf32> to vector<16xf32>
      %swap3A_846 = vector.shape_cast %get3A_839 : vector<16xf32> to vector<1x1x16xf32>
      tpu.vector_store %arg20[%swap3A_841, %swap3A_842, %swap3A_843], %swap3A_846 {add = true, strides = array<i32>} : memref<32x2x128xf32, #tpu.memory_space<vmem>>, vector<1x1x16xf32>,
      %get3A_847 = arith.constant 0 : i32
      %get3A_848 = arith.index_cast %scan3A_822 : i32 to index
      %get3A_849 = arith.index_cast %get3A_847 : i32 to index
      %get3A_850 = arith.constant 32 : index
      %get3A_851 = tpu.vector_load %arg23[%get3A_848, %get3A_849, %get3A_850] {strides = array<i32>} : memref<32x2x128xf32, #tpu.memory_space<vmem>>, vector<1x1x16xf32>,
      %get3A_852 = vector.shape_cast %get3A_851 : vector<1x1x16xf32> to vector<16xf32>
      %swap3A_853 = arith.constant 0 : i32
      %swap3A_854 = arith.index_cast %scan3A_822 : i32 to index
      %swap3A_855 = arith.index_cast %swap3A_853 : i32 to index
      %swap3A_856 = arith.constant 32 : index
      %swap3A_857 = tpu.vector_load %arg20[%swap3A_854, %swap3A_855, %swap3A_856] {strides = array<i32>} : memref<32x2x128xf32, #tpu.memory_space<vmem>>, vector<1x1x16xf32>,
      %swap3A_858 = vector.shape_cast %swap3A_857 : vector<1x1x16xf32> to vector<16xf32>
      %swap3A_859 = vector.shape_cast %get3A_852 : vector<16xf32> to vector<1x1x16xf32>
      tpu.vector_store %arg20[%swap3A_854, %swap3A_855, %swap3A_856], %swap3A_859 {add = true, strides = array<i32>} : memref<32x2x128xf32, #tpu.memory_space<vmem>>, vector<1x1x16xf32>,
      %get3A_860 = arith.constant 0 : i32
      %get3A_861 = arith.index_cast %scan3A_822 : i32 to index
      %get3A_862 = arith.index_cast %get3A_860 : i32 to index
      %get3A_863 = arith.constant 48 : index
      %get3A_864 = tpu.vector_load %arg23[%get3A_861, %get3A_862, %get3A_863] {strides = array<i32>} : memref<32x2x128xf32, #tpu.memory_space<vmem>>, vector<1x1x16xf32>,
      %get3A_865 = vector.shape_cast %get3A_864 : vector<1x1x16xf32> to vector<16xf32>
      %swap3A_866 = arith.constant 0 : i32
      %swap3A_867 = arith.index_cast %scan3A_822 : i32 to index
      %swap3A_868 = arith.index_cast %swap3A_866 : i32 to index
      %swap3A_869 = arith.constant 48 : index
      %swap3A_870 = tpu.vector_load %arg20[%swap3A_867, %swap3A_868, %swap3A_869] {strides = array<i32>} : memref<32x2x128xf32, #tpu.memory_space<vmem>>, vector<1x1x16xf32>,
      %swap3A_871 = vector.shape_cast %swap3A_870 : vector<1x1x16xf32> to vector<16xf32>
      %swap3A_872 = vector.shape_cast %get3A_865 : vector<16xf32> to vector<1x1x16xf32>
      tpu.vector_store %arg20[%swap3A_867, %swap3A_868, %swap3A_869], %swap3A_872 {add = true, strides = array<i32>} : memref<32x2x128xf32, #tpu.memory_space<vmem>>, vector<1x1x16xf32>,
      %get3A_873 = arith.constant 0 : i32
      %get3A_874 = arith.index_cast %scan3A_822 : i32 to index
      %get3A_875 = arith.index_cast %get3A_873 : i32 to index
      %get3A_876 = arith.constant 64 : index
      %get3A_877 = tpu.vector_load %arg23[%get3A_874, %get3A_875, %get3A_876] {strides = array<i32>} : memref<32x2x128xf32, #tpu.memory_space<vmem>>, vector<1x1x16xf32>,
      %get3A_878 = vector.shape_cast %get3A_877 : vector<1x1x16xf32> to vector<16xf32>
      %swap3A_879 = arith.constant 0 : i32
      %swap3A_880 = arith.index_cast %scan3A_822 : i32 to index
      %swap3A_881 = arith.index_cast %swap3A_879 : i32 to index
      %swap3A_882 = arith.constant 64 : index
      %swap3A_883 = tpu.vector_load %arg20[%swap3A_880, %swap3A_881, %swap3A_882] {strides = array<i32>} : memref<32x2x128xf32, #tpu.memory_space<vmem>>, vector<1x1x16xf32>,
      %swap3A_884 = vector.shape_cast %swap3A_883 : vector<1x1x16xf32> to vector<16xf32>
      %swap3A_885 = vector.shape_cast %get3A_878 : vector<16xf32> to vector<1x1x16xf32>
      tpu.vector_store %arg20[%swap3A_880, %swap3A_881, %swap3A_882], %swap3A_885 {add = true, strides = array<i32>} : memref<32x2x128xf32, #tpu.memory_space<vmem>>, vector<1x1x16xf32>,
      %get3A_886 = arith.constant 0 : i32
      %get3A_887 = arith.index_cast %scan3A_822 : i32 to index
      %get3A_888 = arith.index_cast %get3A_886 : i32 to index
      %get3A_889 = arith.constant 80 : index
      %get3A_890 = tpu.vector_load %arg23[%get3A_887, %get3A_888, %get3A_889] {strides = array<i32>} : memref<32x2x128xf32, #tpu.memory_space<vmem>>, vector<1x1x16xf32>,
      %get3A_891 = vector.shape_cast %get3A_890 : vector<1x1x16xf32> to vector<16xf32>
      %swap3A_892 = arith.constant 0 : i32
      %swap3A_893 = arith.index_cast %scan3A_822 : i32 to index
      %swap3A_894 = arith.index_cast %swap3A_892 : i32 to index
      %swap3A_895 = arith.constant 80 : index
      %swap3A_896 = tpu.vector_load %arg20[%swap3A_893, %swap3A_894, %swap3A_895] {strides = array<i32>} : memref<32x2x128xf32, #tpu.memory_space<vmem>>, vector<1x1x16xf32>,
      %swap3A_897 = vector.shape_cast %swap3A_896 : vector<1x1x16xf32> to vector<16xf32>
      %swap3A_898 = vector.shape_cast %get3A_891 : vector<16xf32> to vector<1x1x16xf32>
      tpu.vector_store %arg20[%swap3A_893, %swap3A_894, %swap3A_895], %swap3A_898 {add = true, strides = array<i32>} : memref<32x2x128xf32, #tpu.memory_space<vmem>>, vector<1x1x16xf32>,
      %get3A_899 = arith.constant 0 : i32
      %get3A_900 = arith.index_cast %scan3A_822 : i32 to index
      %get3A_901 = arith.index_cast %get3A_899 : i32 to index
      %get3A_902 = arith.constant 96 : index
      %get3A_903 = tpu.vector_load %arg23[%get3A_900, %get3A_901, %get3A_902] {strides = array<i32>} : memref<32x2x128xf32, #tpu.memory_space<vmem>>, vector<1x1x16xf32>,
      %get3A_904 = vector.shape_cast %get3A_903 : vector<1x1x16xf32> to vector<16xf32>
      %swap3A_905 = arith.constant 0 : i32
      %swap3A_906 = arith.index_cast %scan3A_822 : i32 to index
      %swap3A_907 = arith.index_cast %swap3A_905 : i32 to index
      %swap3A_908 = arith.constant 96 : index
      %swap3A_909 = tpu.vector_load %arg20[%swap3A_906, %swap3A_907, %swap3A_908] {strides = array<i32>} : memref<32x2x128xf32, #tpu.memory_space<vmem>>, vector<1x1x16xf32>,
      %swap3A_910 = vector.shape_cast %swap3A_909 : vector<1x1x16xf32> to vector<16xf32>
      %swap3A_911 = vector.shape_cast %get3A_904 : vector<16xf32> to vector<1x1x16xf32>
      tpu.vector_store %arg20[%swap3A_906, %swap3A_907, %swap3A_908], %swap3A_911 {add = true, strides = array<i32>} : memref<32x2x128xf32, #tpu.memory_space<vmem>>, vector<1x1x16xf32>,
      %get3A_912 = arith.constant 0 : i32
      %get3A_913 = arith.index_cast %scan3A_822 : i32 to index
      %get3A_914 = arith.index_cast %get3A_912 : i32 to index
      %get3A_915 = arith.constant 112 : index
      %get3A_916 = tpu.vector_load %arg23[%get3A_913, %get3A_914, %get3A_915] {strides = array<i32>} : memref<32x2x128xf32, #tpu.memory_space<vmem>>, vector<1x1x16xf32>,
      %get3A_917 = vector.shape_cast %get3A_916 : vector<1x1x16xf32> to vector<16xf32>
      %swap3A_918 = arith.constant 0 : i32
      %swap3A_919 = arith.index_cast %scan3A_822 : i32 to index
      %swap3A_920 = arith.index_cast %swap3A_918 : i32 to index
      %swap3A_921 = arith.constant 112 : index
      %swap3A_922 = tpu.vector_load %arg20[%swap3A_919, %swap3A_920, %swap3A_921] {strides = array<i32>} : memref<32x2x128xf32, #tpu.memory_space<vmem>>, vector<1x1x16xf32>,
      %swap3A_923 = vector.shape_cast %swap3A_922 : vector<1x1x16xf32> to vector<16xf32>
      %swap3A_924 = vector.shape_cast %get3A_917 : vector<16xf32> to vector<1x1x16xf32>
      tpu.vector_store %arg20[%swap3A_919, %swap3A_920, %swap3A_921], %swap3A_924 {add = true, strides = array<i32>} : memref<32x2x128xf32, #tpu.memory_space<vmem>>, vector<1x1x16xf32>,
      %get3A_925 = arith.constant 1 : i32
      %get3A_926 = arith.index_cast %scan3A_822 : i32 to index
      %get3A_927 = arith.index_cast %get3A_925 : i32 to index
      %get3A_928 = arith.constant 0 : index
      %get3A_929 = tpu.vector_load %arg23[%get3A_926, %get3A_927, %get3A_928] {strides = array<i32>} : memref<32x2x128xf32, #tpu.memory_space<vmem>>, vector<1x1x16xf32>,
      %get3A_930 = vector.shape_cast %get3A_929 : vector<1x1x16xf32> to vector<16xf32>
      %swap3A_931 = arith.constant 1 : i32
      %swap3A_932 = arith.index_cast %scan3A_822 : i32 to index
      %swap3A_933 = arith.index_cast %swap3A_931 : i32 to index
      %swap3A_934 = arith.constant 0 : index
      %swap3A_935 = tpu.vector_load %arg20[%swap3A_932, %swap3A_933, %swap3A_934] {strides = array<i32>} : memref<32x2x128xf32, #tpu.memory_space<vmem>>, vector<1x1x16xf32>,
      %swap3A_936 = vector.shape_cast %swap3A_935 : vector<1x1x16xf32> to vector<16xf32>
      %swap3A_937 = vector.shape_cast %get3A_930 : vector<16xf32> to vector<1x1x16xf32>
      tpu.vector_store %arg20[%swap3A_932, %swap3A_933, %swap3A_934], %swap3A_937 {add = true, strides = array<i32>} : memref<32x2x128xf32, #tpu.memory_space<vmem>>, vector<1x1x16xf32>,
      %get3A_938 = arith.constant 1 : i32
      %get3A_939 = arith.index_cast %scan3A_822 : i32 to index
      %get3A_940 = arith.index_cast %get3A_938 : i32 to index
      %get3A_941 = arith.constant 16 : index
      %get3A_942 = tpu.vector_load %arg23[%get3A_939, %get3A_940, %get3A_941] {strides = array<i32>} : memref<32x2x128xf32, #tpu.memory_space<vmem>>, vector<1x1x16xf32>,
      %get3A_943 = vector.shape_cast %get3A_942 : vector<1x1x16xf32> to vector<16xf32>
      %swap3A_944 = arith.constant 1 : i32
      %swap3A_945 = arith.index_cast %scan3A_822 : i32 to index
      %swap3A_946 = arith.index_cast %swap3A_944 : i32 to index
      %swap3A_947 = arith.constant 16 : index
      %swap3A_948 = tpu.vector_load %arg20[%swap3A_945, %swap3A_946, %swap3A_947] {strides = array<i32>} : memref<32x2x128xf32, #tpu.memory_space<vmem>>, vector<1x1x16xf32>,
      %swap3A_949 = vector.shape_cast %swap3A_948 : vector<1x1x16xf32> to vector<16xf32>
      %swap3A_950 = vector.shape_cast %get3A_943 : vector<16xf32> to vector<1x1x16xf32>
      tpu.vector_store %arg20[%swap3A_945, %swap3A_946, %swap3A_947], %swap3A_950 {add = true, strides = array<i32>} : memref<32x2x128xf32, #tpu.memory_space<vmem>>, vector<1x1x16xf32>,
      %get3A_951 = arith.constant 1 : i32
      %get3A_952 = arith.index_cast %scan3A_822 : i32 to index
      %get3A_953 = arith.index_cast %get3A_951 : i32 to index
      %get3A_954 = arith.constant 32 : index
      %get3A_955 = tpu.vector_load %arg23[%get3A_952, %get3A_953, %get3A_954] {strides = array<i32>} : memref<32x2x128xf32, #tpu.memory_space<vmem>>, vector<1x1x16xf32>,
      %get3A_956 = vector.shape_cast %get3A_955 : vector<1x1x16xf32> to vector<16xf32>
      %swap3A_957 = arith.constant 1 : i32
      %swap3A_958 = arith.index_cast %scan3A_822 : i32 to index
      %swap3A_959 = arith.index_cast %swap3A_957 : i32 to index
      %swap3A_960 = arith.constant 32 : index
      %swap3A_961 = tpu.vector_load %arg20[%swap3A_958, %swap3A_959, %swap3A_960] {strides = array<i32>} : memref<32x2x128xf32, #tpu.memory_space<vmem>>, vector<1x1x16xf32>,
      %swap3A_962 = vector.shape_cast %swap3A_961 : vector<1x1x16xf32> to vector<16xf32>
      %swap3A_963 = vector.shape_cast %get3A_956 : vector<16xf32> to vector<1x1x16xf32>
      tpu.vector_store %arg20[%swap3A_958, %swap3A_959, %swap3A_960], %swap3A_963 {add = true, strides = array<i32>} : memref<32x2x128xf32, #tpu.memory_space<vmem>>, vector<1x1x16xf32>,
      %get3A_964 = arith.constant 1 : i32
      %get3A_965 = arith.index_cast %scan3A_822 : i32 to index
      %get3A_966 = arith.index_cast %get3A_964 : i32 to index
      %get3A_967 = arith.constant 48 : index
      %get3A_968 = tpu.vector_load %arg23[%get3A_965, %get3A_966, %get3A_967] {strides = array<i32>} : memref<32x2x128xf32, #tpu.memory_space<vmem>>, vector<1x1x16xf32>,
      %get3A_969 = vector.shape_cast %get3A_968 : vector<1x1x16xf32> to vector<16xf32>
      %swap3A_970 = arith.constant 1 : i32
      %swap3A_971 = arith.index_cast %scan3A_822 : i32 to index
      %swap3A_972 = arith.index_cast %swap3A_970 : i32 to index
      %swap3A_973 = arith.constant 48 : index
      %swap3A_974 = tpu.vector_load %arg20[%swap3A_971, %swap3A_972, %swap3A_973] {strides = array<i32>} : memref<32x2x128xf32, #tpu.memory_space<vmem>>, vector<1x1x16xf32>,
      %swap3A_975 = vector.shape_cast %swap3A_974 : vector<1x1x16xf32> to vector<16xf32>
      %swap3A_976 = vector.shape_cast %get3A_969 : vector<16xf32> to vector<1x1x16xf32>
      tpu.vector_store %arg20[%swap3A_971, %swap3A_972, %swap3A_973], %swap3A_976 {add = true, strides = array<i32>} : memref<32x2x128xf32, #tpu.memory_space<vmem>>, vector<1x1x16xf32>,
      %get3A_977 = arith.constant 1 : i32
      %get3A_978 = arith.index_cast %scan3A_822 : i32 to index
      %get3A_979 = arith.index_cast %get3A_977 : i32 to index
      %get3A_980 = arith.constant 64 : index
      %get3A_981 = tpu.vector_load %arg23[%get3A_978, %get3A_979, %get3A_980] {strides = array<i32>} : memref<32x2x128xf32, #tpu.memory_space<vmem>>, vector<1x1x16xf32>,
      %get3A_982 = vector.shape_cast %get3A_981 : vector<1x1x16xf32> to vector<16xf32>
      %swap3A_983 = arith.constant 1 : i32
      %swap3A_984 = arith.index_cast %scan3A_822 : i32 to index
      %swap3A_985 = arith.index_cast %swap3A_983 : i32 to index
      %swap3A_986 = arith.constant 64 : index
      %swap3A_987 = tpu.vector_load %arg20[%swap3A_984, %swap3A_985, %swap3A_986] {strides = array<i32>} : memref<32x2x128xf32, #tpu.memory_space<vmem>>, vector<1x1x16xf32>,
      %swap3A_988 = vector.shape_cast %swap3A_987 : vector<1x1x16xf32> to vector<16xf32>
      %swap3A_989 = vector.shape_cast %get3A_982 : vector<16xf32> to vector<1x1x16xf32>
      tpu.vector_store %arg20[%swap3A_984, %swap3A_985, %swap3A_986], %swap3A_989 {add = true, strides = array<i32>} : memref<32x2x128xf32, #tpu.memory_space<vmem>>, vector<1x1x16xf32>,
      %get3A_990 = arith.constant 1 : i32
      %get3A_991 = arith.index_cast %scan3A_822 : i32 to index
      %get3A_992 = arith.index_cast %get3A_990 : i32 to index
      %get3A_993 = arith.constant 80 : index
      %get3A_994 = tpu.vector_load %arg23[%get3A_991, %get3A_992, %get3A_993] {strides = array<i32>} : memref<32x2x128xf32, #tpu.memory_space<vmem>>, vector<1x1x16xf32>,
      %get3A_995 = vector.shape_cast %get3A_994 : vector<1x1x16xf32> to vector<16xf32>
      %swap3A_996 = arith.constant 1 : i32
      %swap3A_997 = arith.index_cast %scan3A_822 : i32 to index
      %swap3A_998 = arith.index_cast %swap3A_996 : i32 to index
      %swap3A_999 = arith.constant 80 : index
      %swap3A_1000 = tpu.vector_load %arg20[%swap3A_997, %swap3A_998, %swap3A_999] {strides = array<i32>} : memref<32x2x128xf32, #tpu.memory_space<vmem>>, vector<1x1x16xf32>,
      %swap3A_1001 = vector.shape_cast %swap3A_1000 : vector<1x1x16xf32> to vector<16xf32>
      %swap3A_1002 = vector.shape_cast %get3A_995 : vector<16xf32> to vector<1x1x16xf32>
      tpu.vector_store %arg20[%swap3A_997, %swap3A_998, %swap3A_999], %swap3A_1002 {add = true, strides = array<i32>} : memref<32x2x128xf32, #tpu.memory_space<vmem>>, vector<1x1x16xf32>,
      %get3A_1003 = arith.constant 1 : i32
      %get3A_1004 = arith.index_cast %scan3A_822 : i32 to index
      %get3A_1005 = arith.index_cast %get3A_1003 : i32 to index
      %get3A_1006 = arith.constant 96 : index
      %get3A_1007 = tpu.vector_load %arg23[%get3A_1004, %get3A_1005, %get3A_1006] {strides = array<i32>} : memref<32x2x128xf32, #tpu.memory_space<vmem>>, vector<1x1x16xf32>,
      %get3A_1008 = vector.shape_cast %get3A_1007 : vector<1x1x16xf32> to vector<16xf32>
      %swap3A_1009 = arith.constant 1 : i32
      %swap3A_1010 = arith.index_cast %scan3A_822 : i32 to index
      %swap3A_1011 = arith.index_cast %swap3A_1009 : i32 to index
      %swap3A_1012 = arith.constant 96 : index
      %swap3A_1013 = tpu.vector_load %arg20[%swap3A_1010, %swap3A_1011, %swap3A_1012] {strides = array<i32>} : memref<32x2x128xf32, #tpu.memory_space<vmem>>, vector<1x1x16xf32>,
      %swap3A_1014 = vector.shape_cast %swap3A_1013 : vector<1x1x16xf32> to vector<16xf32>
      %swap3A_1015 = vector.shape_cast %get3A_1008 : vector<16xf32> to vector<1x1x16xf32>
      tpu.vector_store %arg20[%swap3A_1010, %swap3A_1011, %swap3A_1012], %swap3A_1015 {add = true, strides = array<i32>} : memref<32x2x128xf32, #tpu.memory_space<vmem>>, vector<1x1x16xf32>,
      %get3A_1016 = arith.constant 1 : i32
      %get3A_1017 = arith.index_cast %scan3A_822 : i32 to index
      %get3A_1018 = arith.index_cast %get3A_1016 : i32 to index
      %get3A_1019 = arith.constant 112 : index
      %get3A_1020 = tpu.vector_load %arg23[%get3A_1017, %get3A_1018, %get3A_1019] {strides = array<i32>} : memref<32x2x128xf32, #tpu.memory_space<vmem>>, vector<1x1x16xf32>,
      %get3A_1021 = vector.shape_cast %get3A_1020 : vector<1x1x16xf32> to vector<16xf32>
      %swap3A_1022 = arith.constant 1 : i32
      %swap3A_1023 = arith.index_cast %scan3A_822 : i32 to index
      %swap3A_1024 = arith.index_cast %swap3A_1022 : i32 to index
      %swap3A_1025 = arith.constant 112 : index
      %swap3A_1026 = tpu.vector_load %arg20[%swap3A_1023, %swap3A_1024, %swap3A_1025] {strides = array<i32>} : memref<32x2x128xf32, #tpu.memory_space<vmem>>, vector<1x1x16xf32>,
      %swap3A_1027 = vector.shape_cast %swap3A_1026 : vector<1x1x16xf32> to vector<16xf32>
      %swap3A_1028 = vector.shape_cast %get3A_1021 : vector<16xf32> to vector<1x1x16xf32>
      tpu.vector_store %arg20[%swap3A_1023, %swap3A_1024, %swap3A_1025], %swap3A_1028 {add = true, strides = array<i32>} : memref<32x2x128xf32, #tpu.memory_space<vmem>>, vector<1x1x16xf32>,
    }
    %scan3A_683 = arith.constant 32 : i32
    %dma_start3A_684 = arith.constant 4032 : i32
    %dma_start3A_685 = arith.constant 0 : i32
    %dma_start3A_686 = arith.constant 0 : i32
    %dma_start3A_687 = tpu.memref_slice %arg9[%add3A_639, %dma_start3A_684, %dma_start3A_685, %dma_start3A_686] : memref<64x4096x2x128xf32, #tpu.memory_space<hbm>> -> memref<1x32x2x128xf32, #tpu.memory_space<hbm>>
    %dma_start3A_688 = tpu.memref_squeeze %dma_start3A_687 : memref<1x32x2x128xf32, #tpu.memory_space<hbm>> -> memref<32x2x128xf32, #tpu.memory_space<hbm>>
    %dma_start3A_689 = arith.constant 4032 : i32
    %dma_start3A_690 = arith.constant 0 : i32
    %dma_start3A_691 = arith.constant 0 : i32
    %dma_start3A_692 = tpu.memref_slice %arg9[%add3A_639, %dma_start3A_689, %dma_start3A_690, %dma_start3A_691] : memref<64x4096x2x128xf32, #tpu.memory_space<hbm>> -> memref<1x32x2x128xf32, #tpu.memory_space<hbm>>
    %dma_start3A_693 = tpu.memref_squeeze %dma_start3A_692 : memref<1x32x2x128xf32, #tpu.memory_space<hbm>> -> memref<32x2x128xf32, #tpu.memory_space<hbm>>
    tpu.enqueue_dma source(%arg20 : memref<32x2x128xf32, #tpu.memory_space<vmem>>) target(%dma_start3A_693 : memref<32x2x128xf32, #tpu.memory_space<hbm>>) target_semaphore(%arg32 : memref<!tpu.dma_semaphore, #tpu.memory_space<semaphore_mem>>)
    %add3A_694 = arith.constant 1 : i32
    %add3A_695 = arith.addi %mul3A_2, %add3A_694 : i32
    %dma_wait3A_696 = arith.constant 0 : i32
    %dma_wait3A_697 = arith.constant 0 : i32
    %dma_wait3A_698 = arith.constant 0 : i32
    %dma_wait3A_699 = arith.constant 0 : i32
    %dma_wait3A_700 = tpu.memref_slice %arg4[%dma_wait3A_696, %dma_wait3A_697, %dma_wait3A_698, %dma_wait3A_699] : memref<100x2x2x128xf32, #tpu.memory_space<hbm>> -> memref<32x2x2x128xf32, #tpu.memory_space<hbm>>
    %dma_wait3A_701 = arith.constant 0 : i32
    %dma_wait3A_702 = arith.constant 0 : i32
    %dma_wait3A_703 = arith.constant 0 : i32
    %dma_wait3A_704 = arith.constant 0 : i32
    %dma_wait3A_705 = tpu.memref_slice %arg4[%dma_wait3A_701, %dma_wait3A_702, %dma_wait3A_703, %dma_wait3A_704] : memref<100x2x2x128xf32, #tpu.memory_space<hbm>> -> memref<32x2x2x128xf32, #tpu.memory_space<hbm>>
    tpu.wait_dma2 semaphore(%arg27 : memref<!tpu.dma_semaphore, #tpu.memory_space<semaphore_mem>>) src(%dma_wait3A_705 : memref<32x2x2x128xf32, #tpu.memory_space<hbm>>) dst(%arg18 : memref<32x2x2x128xf32, #tpu.memory_space<vmem>>)
    %dma_start3A_706 = arith.constant 4064 : i32
    %dma_start3A_707 = arith.constant 0 : i32
    %dma_start3A_708 = arith.constant 0 : i32
    %dma_start3A_709 = arith.constant 0 : i32
    %dma_start3A_710 = tpu.memref_slice %arg10[%add3A_695, %dma_start3A_706, %dma_start3A_707, %dma_start3A_708, %dma_start3A_709] : memref<64x4096x2x2x128xf32, #tpu.memory_space<hbm>> -> memref<1x32x2x2x128xf32, #tpu.memory_space<hbm>>
    %dma_start3A_711 = tpu.memref_squeeze %dma_start3A_710 : memref<1x32x2x2x128xf32, #tpu.memory_space<hbm>> -> memref<32x2x2x128xf32, #tpu.memory_space<hbm>>
    %dma_start3A_712 = arith.constant 4064 : i32
    %dma_start3A_713 = arith.constant 0 : i32
    %dma_start3A_714 = arith.constant 0 : i32
    %dma_start3A_715 = arith.constant 0 : i32
    %dma_start3A_716 = tpu.memref_slice %arg10[%add3A_695, %dma_start3A_712, %dma_start3A_713, %dma_start3A_714, %dma_start3A_715] : memref<64x4096x2x2x128xf32, #tpu.memory_space<hbm>> -> memref<1x32x2x2x128xf32, #tpu.memory_space<hbm>>
    %dma_start3A_717 = tpu.memref_squeeze %dma_start3A_716 : memref<1x32x2x2x128xf32, #tpu.memory_space<hbm>> -> memref<32x2x2x128xf32, #tpu.memory_space<hbm>>
    tpu.enqueue_dma source(%arg18 : memref<32x2x2x128xf32, #tpu.memory_space<vmem>>) target(%dma_start3A_717 : memref<32x2x2x128xf32, #tpu.memory_space<hbm>>) target_semaphore(%arg33 : memref<!tpu.dma_semaphore, #tpu.memory_space<semaphore_mem>>)
    %dma_wait3A_718 = arith.constant 0 : i32
    %dma_wait3A_719 = arith.constant 0 : i32
    %dma_wait3A_720 = arith.constant 0 : i32
    %dma_wait3A_721 = tpu.memref_slice %arg5[%dma_wait3A_718, %dma_wait3A_719, %dma_wait3A_720] : memref<1000x2x128xf32, #tpu.memory_space<hbm>> -> memref<32x2x128xf32, #tpu.memory_space<hbm>>
    %dma_wait3A_722 = arith.constant 0 : i32
    %dma_wait3A_723 = arith.constant 0 : i32
    %dma_wait3A_724 = arith.constant 0 : i32
    %dma_wait3A_725 = tpu.memref_slice %arg5[%dma_wait3A_722, %dma_wait3A_723, %dma_wait3A_724] : memref<1000x2x128xf32, #tpu.memory_space<hbm>> -> memref<32x2x128xf32, #tpu.memory_space<hbm>>
    tpu.wait_dma2 semaphore(%arg30 : memref<!tpu.dma_semaphore, #tpu.memory_space<semaphore_mem>>) src(%dma_wait3A_725 : memref<32x2x128xf32, #tpu.memory_space<hbm>>) dst(%arg21 : memref<32x2x128xf32, #tpu.memory_space<vmem>>)
    %dma_wait3A_726 = arith.constant 0 : i32
    %dma_wait3A_727 = arith.constant 0 : i32
    %dma_wait3A_728 = arith.constant 0 : i32
    %dma_wait3A_729 = tpu.memref_slice %arg6[%dma_wait3A_726, %dma_wait3A_727, %dma_wait3A_728] : memref<1000x2x128xf32, #tpu.memory_space<hbm>> -> memref<32x2x128xf32, #tpu.memory_space<hbm>>
    %dma_wait3A_730 = arith.constant 0 : i32
    %dma_wait3A_731 = arith.constant 0 : i32
    %dma_wait3A_732 = arith.constant 0 : i32
    %dma_wait3A_733 = tpu.memref_slice %arg6[%dma_wait3A_730, %dma_wait3A_731, %dma_wait3A_732] : memref<1000x2x128xf32, #tpu.memory_space<hbm>> -> memref<32x2x128xf32, #tpu.memory_space<hbm>>
    tpu.wait_dma2 semaphore(%arg30 : memref<!tpu.dma_semaphore, #tpu.memory_space<semaphore_mem>>) src(%dma_wait3A_733 : memref<32x2x128xf32, #tpu.memory_space<hbm>>) dst(%arg24 : memref<32x2x128xf32, #tpu.memory_space<vmem>>)
    %scan3A_734 = arith.constant 0 : i32
    %scan3A_735 = arith.constant 0 : i32
    %scan3A_736 = arith.constant 32 : i32
    %scan3A_737 = arith.addi %scan3A_735, %scan3A_736 : i32
    %scan3A_738 = arith.constant 1 : i32
    scf.for %scan3A_822 = %scan3A_735 to %scan3A_737 step %scan3A_738  : i32 {
      %get3A = arith.constant 0 : i32
      %get3A_823 = arith.index_cast %scan3A_822 : i32 to index
      %get3A_824 = arith.index_cast %get3A : i32 to index
      %get3A_825 = arith.constant 0 : index
      %get3A_826 = tpu.vector_load %arg24[%get3A_823, %get3A_824, %get3A_825] {strides = array<i32>} : memref<32x2x128xf32, #tpu.memory_space<vmem>>, vector<1x1x16xf32>,
      %get3A_827 = vector.shape_cast %get3A_826 : vector<1x1x16xf32> to vector<16xf32>
      %swap3A = arith.constant 0 : i32
      %swap3A_828 = arith.index_cast %scan3A_822 : i32 to index
      %swap3A_829 = arith.index_cast %swap3A : i32 to index
      %swap3A_830 = arith.constant 0 : index
      %swap3A_831 = tpu.vector_load %arg21[%swap3A_828, %swap3A_829, %swap3A_830] {strides = array<i32>} : memref<32x2x128xf32, #tpu.memory_space<vmem>>, vector<1x1x16xf32>,
      %swap3A_832 = vector.shape_cast %swap3A_831 : vector<1x1x16xf32> to vector<16xf32>
      %swap3A_833 = vector.shape_cast %get3A_827 : vector<16xf32> to vector<1x1x16xf32>
      tpu.vector_store %arg21[%swap3A_828, %swap3A_829, %swap3A_830], %swap3A_833 {add = true, strides = array<i32>} : memref<32x2x128xf32, #tpu.memory_space<vmem>>, vector<1x1x16xf32>,
      %get3A_834 = arith.constant 0 : i32
      %get3A_835 = arith.index_cast %scan3A_822 : i32 to index
      %get3A_836 = arith.index_cast %get3A_834 : i32 to index
      %get3A_837 = arith.constant 16 : index
      %get3A_838 = tpu.vector_load %arg24[%get3A_835, %get3A_836, %get3A_837] {strides = array<i32>} : memref<32x2x128xf32, #tpu.memory_space<vmem>>, vector<1x1x16xf32>,
      %get3A_839 = vector.shape_cast %get3A_838 : vector<1x1x16xf32> to vector<16xf32>
      %swap3A_840 = arith.constant 0 : i32
      %swap3A_841 = arith.index_cast %scan3A_822 : i32 to index
      %swap3A_842 = arith.index_cast %swap3A_840 : i32 to index
      %swap3A_843 = arith.constant 16 : index
      %swap3A_844 = tpu.vector_load %arg21[%swap3A_841, %swap3A_842, %swap3A_843] {strides = array<i32>} : memref<32x2x128xf32, #tpu.memory_space<vmem>>, vector<1x1x16xf32>,
      %swap3A_845 = vector.shape_cast %swap3A_844 : vector<1x1x16xf32> to vector<16xf32>
      %swap3A_846 = vector.shape_cast %get3A_839 : vector<16xf32> to vector<1x1x16xf32>
      tpu.vector_store %arg21[%swap3A_841, %swap3A_842, %swap3A_843], %swap3A_846 {add = true, strides = array<i32>} : memref<32x2x128xf32, #tpu.memory_space<vmem>>, vector<1x1x16xf32>,
      %get3A_847 = arith.constant 0 : i32
      %get3A_848 = arith.index_cast %scan3A_822 : i32 to index
      %get3A_849 = arith.index_cast %get3A_847 : i32 to index
      %get3A_850 = arith.constant 32 : index
      %get3A_851 = tpu.vector_load %arg24[%get3A_848, %get3A_849, %get3A_850] {strides = array<i32>} : memref<32x2x128xf32, #tpu.memory_space<vmem>>, vector<1x1x16xf32>,
      %get3A_852 = vector.shape_cast %get3A_851 : vector<1x1x16xf32> to vector<16xf32>
      %swap3A_853 = arith.constant 0 : i32
      %swap3A_854 = arith.index_cast %scan3A_822 : i32 to index
      %swap3A_855 = arith.index_cast %swap3A_853 : i32 to index
      %swap3A_856 = arith.constant 32 : index
      %swap3A_857 = tpu.vector_load %arg21[%swap3A_854, %swap3A_855, %swap3A_856] {strides = array<i32>} : memref<32x2x128xf32, #tpu.memory_space<vmem>>, vector<1x1x16xf32>,
      %swap3A_858 = vector.shape_cast %swap3A_857 : vector<1x1x16xf32> to vector<16xf32>
      %swap3A_859 = vector.shape_cast %get3A_852 : vector<16xf32> to vector<1x1x16xf32>
      tpu.vector_store %arg21[%swap3A_854, %swap3A_855, %swap3A_856], %swap3A_859 {add = true, strides = array<i32>} : memref<32x2x128xf32, #tpu.memory_space<vmem>>, vector<1x1x16xf32>,
      %get3A_860 = arith.constant 0 : i32
      %get3A_861 = arith.index_cast %scan3A_822 : i32 to index
      %get3A_862 = arith.index_cast %get3A_860 : i32 to index
      %get3A_863 = arith.constant 48 : index
      %get3A_864 = tpu.vector_load %arg24[%get3A_861, %get3A_862, %get3A_863] {strides = array<i32>} : memref<32x2x128xf32, #tpu.memory_space<vmem>>, vector<1x1x16xf32>,
      %get3A_865 = vector.shape_cast %get3A_864 : vector<1x1x16xf32> to vector<16xf32>
      %swap3A_866 = arith.constant 0 : i32
      %swap3A_867 = arith.index_cast %scan3A_822 : i32 to index
      %swap3A_868 = arith.index_cast %swap3A_866 : i32 to index
      %swap3A_869 = arith.constant 48 : index
      %swap3A_870 = tpu.vector_load %arg21[%swap3A_867, %swap3A_868, %swap3A_869] {strides = array<i32>} : memref<32x2x128xf32, #tpu.memory_space<vmem>>, vector<1x1x16xf32>,
      %swap3A_871 = vector.shape_cast %swap3A_870 : vector<1x1x16xf32> to vector<16xf32>
      %swap3A_872 = vector.shape_cast %get3A_865 : vector<16xf32> to vector<1x1x16xf32>
      tpu.vector_store %arg21[%swap3A_867, %swap3A_868, %swap3A_869], %swap3A_872 {add = true, strides = array<i32>} : memref<32x2x128xf32, #tpu.memory_space<vmem>>, vector<1x1x16xf32>,
      %get3A_873 = arith.constant 0 : i32
      %get3A_874 = arith.index_cast %scan3A_822 : i32 to index
      %get3A_875 = arith.index_cast %get3A_873 : i32 to index
      %get3A_876 = arith.constant 64 : index
      %get3A_877 = tpu.vector_load %arg24[%get3A_874, %get3A_875, %get3A_876] {strides = array<i32>} : memref<32x2x128xf32, #tpu.memory_space<vmem>>, vector<1x1x16xf32>,
      %get3A_878 = vector.shape_cast %get3A_877 : vector<1x1x16xf32> to vector<16xf32>
      %swap3A_879 = arith.constant 0 : i32
      %swap3A_880 = arith.index_cast %scan3A_822 : i32 to index
      %swap3A_881 = arith.index_cast %swap3A_879 : i32 to index
      %swap3A_882 = arith.constant 64 : index
      %swap3A_883 = tpu.vector_load %arg21[%swap3A_880, %swap3A_881, %swap3A_882] {strides = array<i32>} : memref<32x2x128xf32, #tpu.memory_space<vmem>>, vector<1x1x16xf32>,
      %swap3A_884 = vector.shape_cast %swap3A_883 : vector<1x1x16xf32> to vector<16xf32>
      %swap3A_885 = vector.shape_cast %get3A_878 : vector<16xf32> to vector<1x1x16xf32>
      tpu.vector_store %arg21[%swap3A_880, %swap3A_881, %swap3A_882], %swap3A_885 {add = true, strides = array<i32>} : memref<32x2x128xf32, #tpu.memory_space<vmem>>, vector<1x1x16xf32>,
      %get3A_886 = arith.constant 0 : i32
      %get3A_887 = arith.index_cast %scan3A_822 : i32 to index
      %get3A_888 = arith.index_cast %get3A_886 : i32 to index
      %get3A_889 = arith.constant 80 : index
      %get3A_890 = tpu.vector_load %arg24[%get3A_887, %get3A_888, %get3A_889] {strides = array<i32>} : memref<32x2x128xf32, #tpu.memory_space<vmem>>, vector<1x1x16xf32>,
      %get3A_891 = vector.shape_cast %get3A_890 : vector<1x1x16xf32> to vector<16xf32>
      %swap3A_892 = arith.constant 0 : i32
      %swap3A_893 = arith.index_cast %scan3A_822 : i32 to index
      %swap3A_894 = arith.index_cast %swap3A_892 : i32 to index
      %swap3A_895 = arith.constant 80 : index
      %swap3A_896 = tpu.vector_load %arg21[%swap3A_893, %swap3A_894, %swap3A_895] {strides = array<i32>} : memref<32x2x128xf32, #tpu.memory_space<vmem>>, vector<1x1x16xf32>,
      %swap3A_897 = vector.shape_cast %swap3A_896 : vector<1x1x16xf32> to vector<16xf32>
      %swap3A_898 = vector.shape_cast %get3A_891 : vector<16xf32> to vector<1x1x16xf32>
      tpu.vector_store %arg21[%swap3A_893, %swap3A_894, %swap3A_895], %swap3A_898 {add = true, strides = array<i32>} : memref<32x2x128xf32, #tpu.memory_space<vmem>>, vector<1x1x16xf32>,
      %get3A_899 = arith.constant 0 : i32
      %get3A_900 = arith.index_cast %scan3A_822 : i32 to index
      %get3A_901 = arith.index_cast %get3A_899 : i32 to index
      %get3A_902 = arith.constant 96 : index
      %get3A_903 = tpu.vector_load %arg24[%get3A_900, %get3A_901, %get3A_902] {strides = array<i32>} : memref<32x2x128xf32, #tpu.memory_space<vmem>>, vector<1x1x16xf32>,
      %get3A_904 = vector.shape_cast %get3A_903 : vector<1x1x16xf32> to vector<16xf32>
      %swap3A_905 = arith.constant 0 : i32
      %swap3A_906 = arith.index_cast %scan3A_822 : i32 to index
      %swap3A_907 = arith.index_cast %swap3A_905 : i32 to index
      %swap3A_908 = arith.constant 96 : index
      %swap3A_909 = tpu.vector_load %arg21[%swap3A_906, %swap3A_907, %swap3A_908] {strides = array<i32>} : memref<32x2x128xf32, #tpu.memory_space<vmem>>, vector<1x1x16xf32>,
      %swap3A_910 = vector.shape_cast %swap3A_909 : vector<1x1x16xf32> to vector<16xf32>
      %swap3A_911 = vector.shape_cast %get3A_904 : vector<16xf32> to vector<1x1x16xf32>
      tpu.vector_store %arg21[%swap3A_906, %swap3A_907, %swap3A_908], %swap3A_911 {add = true, strides = array<i32>} : memref<32x2x128xf32, #tpu.memory_space<vmem>>, vector<1x1x16xf32>,
      %get3A_912 = arith.constant 0 : i32
      %get3A_913 = arith.index_cast %scan3A_822 : i32 to index
      %get3A_914 = arith.index_cast %get3A_912 : i32 to index
      %get3A_915 = arith.constant 112 : index
      %get3A_916 = tpu.vector_load %arg24[%get3A_913, %get3A_914, %get3A_915] {strides = array<i32>} : memref<32x2x128xf32, #tpu.memory_space<vmem>>, vector<1x1x16xf32>,
      %get3A_917 = vector.shape_cast %get3A_916 : vector<1x1x16xf32> to vector<16xf32>
      %swap3A_918 = arith.constant 0 : i32
      %swap3A_919 = arith.index_cast %scan3A_822 : i32 to index
      %swap3A_920 = arith.index_cast %swap3A_918 : i32 to index
      %swap3A_921 = arith.constant 112 : index
      %swap3A_922 = tpu.vector_load %arg21[%swap3A_919, %swap3A_920, %swap3A_921] {strides = array<i32>} : memref<32x2x128xf32, #tpu.memory_space<vmem>>, vector<1x1x16xf32>,
      %swap3A_923 = vector.shape_cast %swap3A_922 : vector<1x1x16xf32> to vector<16xf32>
      %swap3A_924 = vector.shape_cast %get3A_917 : vector<16xf32> to vector<1x1x16xf32>
      tpu.vector_store %arg21[%swap3A_919, %swap3A_920, %swap3A_921], %swap3A_924 {add = true, strides = array<i32>} : memref<32x2x128xf32, #tpu.memory_space<vmem>>, vector<1x1x16xf32>,
      %get3A_925 = arith.constant 1 : i32
      %get3A_926 = arith.index_cast %scan3A_822 : i32 to index
      %get3A_927 = arith.index_cast %get3A_925 : i32 to index
      %get3A_928 = arith.constant 0 : index
      %get3A_929 = tpu.vector_load %arg24[%get3A_926, %get3A_927, %get3A_928] {strides = array<i32>} : memref<32x2x128xf32, #tpu.memory_space<vmem>>, vector<1x1x16xf32>,
      %get3A_930 = vector.shape_cast %get3A_929 : vector<1x1x16xf32> to vector<16xf32>
      %swap3A_931 = arith.constant 1 : i32
      %swap3A_932 = arith.index_cast %scan3A_822 : i32 to index
      %swap3A_933 = arith.index_cast %swap3A_931 : i32 to index
      %swap3A_934 = arith.constant 0 : index
      %swap3A_935 = tpu.vector_load %arg21[%swap3A_932, %swap3A_933, %swap3A_934] {strides = array<i32>} : memref<32x2x128xf32, #tpu.memory_space<vmem>>, vector<1x1x16xf32>,
      %swap3A_936 = vector.shape_cast %swap3A_935 : vector<1x1x16xf32> to vector<16xf32>
      %swap3A_937 = vector.shape_cast %get3A_930 : vector<16xf32> to vector<1x1x16xf32>
      tpu.vector_store %arg21[%swap3A_932, %swap3A_933, %swap3A_934], %swap3A_937 {add = true, strides = array<i32>} : memref<32x2x128xf32, #tpu.memory_space<vmem>>, vector<1x1x16xf32>,
      %get3A_938 = arith.constant 1 : i32
      %get3A_939 = arith.index_cast %scan3A_822 : i32 to index
      %get3A_940 = arith.index_cast %get3A_938 : i32 to index
      %get3A_941 = arith.constant 16 : index
      %get3A_942 = tpu.vector_load %arg24[%get3A_939, %get3A_940, %get3A_941] {strides = array<i32>} : memref<32x2x128xf32, #tpu.memory_space<vmem>>, vector<1x1x16xf32>,
      %get3A_943 = vector.shape_cast %get3A_942 : vector<1x1x16xf32> to vector<16xf32>
      %swap3A_944 = arith.constant 1 : i32
      %swap3A_945 = arith.index_cast %scan3A_822 : i32 to index
      %swap3A_946 = arith.index_cast %swap3A_944 : i32 to index
      %swap3A_947 = arith.constant 16 : index
      %swap3A_948 = tpu.vector_load %arg21[%swap3A_945, %swap3A_946, %swap3A_947] {strides = array<i32>} : memref<32x2x128xf32, #tpu.memory_space<vmem>>, vector<1x1x16xf32>,
      %swap3A_949 = vector.shape_cast %swap3A_948 : vector<1x1x16xf32> to vector<16xf32>
      %swap3A_950 = vector.shape_cast %get3A_943 : vector<16xf32> to vector<1x1x16xf32>
      tpu.vector_store %arg21[%swap3A_945, %swap3A_946, %swap3A_947], %swap3A_950 {add = true, strides = array<i32>} : memref<32x2x128xf32, #tpu.memory_space<vmem>>, vector<1x1x16xf32>,
      %get3A_951 = arith.constant 1 : i32
      %get3A_952 = arith.index_cast %scan3A_822 : i32 to index
      %get3A_953 = arith.index_cast %get3A_951 : i32 to index
      %get3A_954 = arith.constant 32 : index
      %get3A_955 = tpu.vector_load %arg24[%get3A_952, %get3A_953, %get3A_954] {strides = array<i32>} : memref<32x2x128xf32, #tpu.memory_space<vmem>>, vector<1x1x16xf32>,
      %get3A_956 = vector.shape_cast %get3A_955 : vector<1x1x16xf32> to vector<16xf32>
      %swap3A_957 = arith.constant 1 : i32
      %swap3A_958 = arith.index_cast %scan3A_822 : i32 to index
      %swap3A_959 = arith.index_cast %swap3A_957 : i32 to index
      %swap3A_960 = arith.constant 32 : index
      %swap3A_961 = tpu.vector_load %arg21[%swap3A_958, %swap3A_959, %swap3A_960] {strides = array<i32>} : memref<32x2x128xf32, #tpu.memory_space<vmem>>, vector<1x1x16xf32>,
      %swap3A_962 = vector.shape_cast %swap3A_961 : vector<1x1x16xf32> to vector<16xf32>
      %swap3A_963 = vector.shape_cast %get3A_956 : vector<16xf32> to vector<1x1x16xf32>
      tpu.vector_store %arg21[%swap3A_958, %swap3A_959, %swap3A_960], %swap3A_963 {add = true, strides = array<i32>} : memref<32x2x128xf32, #tpu.memory_space<vmem>>, vector<1x1x16xf32>,
      %get3A_964 = arith.constant 1 : i32
      %get3A_965 = arith.index_cast %scan3A_822 : i32 to index
      %get3A_966 = arith.index_cast %get3A_964 : i32 to index
      %get3A_967 = arith.constant 48 : index
      %get3A_968 = tpu.vector_load %arg24[%get3A_965, %get3A_966, %get3A_967] {strides = array<i32>} : memref<32x2x128xf32, #tpu.memory_space<vmem>>, vector<1x1x16xf32>,
      %get3A_969 = vector.shape_cast %get3A_968 : vector<1x1x16xf32> to vector<16xf32>
      %swap3A_970 = arith.constant 1 : i32
      %swap3A_971 = arith.index_cast %scan3A_822 : i32 to index
      %swap3A_972 = arith.index_cast %swap3A_970 : i32 to index
      %swap3A_973 = arith.constant 48 : index
      %swap3A_974 = tpu.vector_load %arg21[%swap3A_971, %swap3A_972, %swap3A_973] {strides = array<i32>} : memref<32x2x128xf32, #tpu.memory_space<vmem>>, vector<1x1x16xf32>,
      %swap3A_975 = vector.shape_cast %swap3A_974 : vector<1x1x16xf32> to vector<16xf32>
      %swap3A_976 = vector.shape_cast %get3A_969 : vector<16xf32> to vector<1x1x16xf32>
      tpu.vector_store %arg21[%swap3A_971, %swap3A_972, %swap3A_973], %swap3A_976 {add = true, strides = array<i32>} : memref<32x2x128xf32, #tpu.memory_space<vmem>>, vector<1x1x16xf32>,
      %get3A_977 = arith.constant 1 : i32
      %get3A_978 = arith.index_cast %scan3A_822 : i32 to index
      %get3A_979 = arith.index_cast %get3A_977 : i32 to index
      %get3A_980 = arith.constant 64 : index
      %get3A_981 = tpu.vector_load %arg24[%get3A_978, %get3A_979, %get3A_980] {strides = array<i32>} : memref<32x2x128xf32, #tpu.memory_space<vmem>>, vector<1x1x16xf32>,
      %get3A_982 = vector.shape_cast %get3A_981 : vector<1x1x16xf32> to vector<16xf32>
      %swap3A_983 = arith.constant 1 : i32
      %swap3A_984 = arith.index_cast %scan3A_822 : i32 to index
      %swap3A_985 = arith.index_cast %swap3A_983 : i32 to index
      %swap3A_986 = arith.constant 64 : index
      %swap3A_987 = tpu.vector_load %arg21[%swap3A_984, %swap3A_985, %swap3A_986] {strides = array<i32>} : memref<32x2x128xf32, #tpu.memory_space<vmem>>, vector<1x1x16xf32>,
      %swap3A_988 = vector.shape_cast %swap3A_987 : vector<1x1x16xf32> to vector<16xf32>
      %swap3A_989 = vector.shape_cast %get3A_982 : vector<16xf32> to vector<1x1x16xf32>
      tpu.vector_store %arg21[%swap3A_984, %swap3A_985, %swap3A_986], %swap3A_989 {add = true, strides = array<i32>} : memref<32x2x128xf32, #tpu.memory_space<vmem>>, vector<1x1x16xf32>,
      %get3A_990 = arith.constant 1 : i32
      %get3A_991 = arith.index_cast %scan3A_822 : i32 to index
      %get3A_992 = arith.index_cast %get3A_990 : i32 to index
      %get3A_993 = arith.constant 80 : index
      %get3A_994 = tpu.vector_load %arg24[%get3A_991, %get3A_992, %get3A_993] {strides = array<i32>} : memref<32x2x128xf32, #tpu.memory_space<vmem>>, vector<1x1x16xf32>,
      %get3A_995 = vector.shape_cast %get3A_994 : vector<1x1x16xf32> to vector<16xf32>
      %swap3A_996 = arith.constant 1 : i32
      %swap3A_997 = arith.index_cast %scan3A_822 : i32 to index
      %swap3A_998 = arith.index_cast %swap3A_996 : i32 to index
      %swap3A_999 = arith.constant 80 : index
      %swap3A_1000 = tpu.vector_load %arg21[%swap3A_997, %swap3A_998, %swap3A_999] {strides = array<i32>} : memref<32x2x128xf32, #tpu.memory_space<vmem>>, vector<1x1x16xf32>,
      %swap3A_1001 = vector.shape_cast %swap3A_1000 : vector<1x1x16xf32> to vector<16xf32>
      %swap3A_1002 = vector.shape_cast %get3A_995 : vector<16xf32> to vector<1x1x16xf32>
      tpu.vector_store %arg21[%swap3A_997, %swap3A_998, %swap3A_999], %swap3A_1002 {add = true, strides = array<i32>} : memref<32x2x128xf32, #tpu.memory_space<vmem>>, vector<1x1x16xf32>,
      %get3A_1003 = arith.constant 1 : i32
      %get3A_1004 = arith.index_cast %scan3A_822 : i32 to index
      %get3A_1005 = arith.index_cast %get3A_1003 : i32 to index
      %get3A_1006 = arith.constant 96 : index
      %get3A_1007 = tpu.vector_load %arg24[%get3A_1004, %get3A_1005, %get3A_1006] {strides = array<i32>} : memref<32x2x128xf32, #tpu.memory_space<vmem>>, vector<1x1x16xf32>,
      %get3A_1008 = vector.shape_cast %get3A_1007 : vector<1x1x16xf32> to vector<16xf32>
      %swap3A_1009 = arith.constant 1 : i32
      %swap3A_1010 = arith.index_cast %scan3A_822 : i32 to index
      %swap3A_1011 = arith.index_cast %swap3A_1009 : i32 to index
      %swap3A_1012 = arith.constant 96 : index
      %swap3A_1013 = tpu.vector_load %arg21[%swap3A_1010, %swap3A_1011, %swap3A_1012] {strides = array<i32>} : memref<32x2x128xf32, #tpu.memory_space<vmem>>, vector<1x1x16xf32>,
      %swap3A_1014 = vector.shape_cast %swap3A_1013 : vector<1x1x16xf32> to vector<16xf32>
      %swap3A_1015 = vector.shape_cast %get3A_1008 : vector<16xf32> to vector<1x1x16xf32>
      tpu.vector_store %arg21[%swap3A_1010, %swap3A_1011, %swap3A_1012], %swap3A_1015 {add = true, strides = array<i32>} : memref<32x2x128xf32, #tpu.memory_space<vmem>>, vector<1x1x16xf32>,
      %get3A_1016 = arith.constant 1 : i32
      %get3A_1017 = arith.index_cast %scan3A_822 : i32 to index
      %get3A_1018 = arith.index_cast %get3A_1016 : i32 to index
      %get3A_1019 = arith.constant 112 : index
      %get3A_1020 = tpu.vector_load %arg24[%get3A_1017, %get3A_1018, %get3A_1019] {strides = array<i32>} : memref<32x2x128xf32, #tpu.memory_space<vmem>>, vector<1x1x16xf32>,
      %get3A_1021 = vector.shape_cast %get3A_1020 : vector<1x1x16xf32> to vector<16xf32>
      %swap3A_1022 = arith.constant 1 : i32
      %swap3A_1023 = arith.index_cast %scan3A_822 : i32 to index
      %swap3A_1024 = arith.index_cast %swap3A_1022 : i32 to index
      %swap3A_1025 = arith.constant 112 : index
      %swap3A_1026 = tpu.vector_load %arg21[%swap3A_1023, %swap3A_1024, %swap3A_1025] {strides = array<i32>} : memref<32x2x128xf32, #tpu.memory_space<vmem>>, vector<1x1x16xf32>,
      %swap3A_1027 = vector.shape_cast %swap3A_1026 : vector<1x1x16xf32> to vector<16xf32>
      %swap3A_1028 = vector.shape_cast %get3A_1021 : vector<16xf32> to vector<1x1x16xf32>
      tpu.vector_store %arg21[%swap3A_1023, %swap3A_1024, %swap3A_1025], %swap3A_1028 {add = true, strides = array<i32>} : memref<32x2x128xf32, #tpu.memory_space<vmem>>, vector<1x1x16xf32>,
    }
    %scan3A_739 = arith.constant 32 : i32
    %dma_start3A_740 = arith.constant 4064 : i32
    %dma_start3A_741 = arith.constant 0 : i32
    %dma_start3A_742 = arith.constant 0 : i32
    %dma_start3A_743 = tpu.memref_slice %arg9[%add3A_695, %dma_start3A_740, %dma_start3A_741, %dma_start3A_742] : memref<64x4096x2x128xf32, #tpu.memory_space<hbm>> -> memref<1x32x2x128xf32, #tpu.memory_space<hbm>>
    %dma_start3A_744 = tpu.memref_squeeze %dma_start3A_743 : memref<1x32x2x128xf32, #tpu.memory_space<hbm>> -> memref<32x2x128xf32, #tpu.memory_space<hbm>>
    %dma_start3A_745 = arith.constant 4064 : i32
    %dma_start3A_746 = arith.constant 0 : i32
    %dma_start3A_747 = arith.constant 0 : i32
    %dma_start3A_748 = tpu.memref_slice %arg9[%add3A_695, %dma_start3A_745, %dma_start3A_746, %dma_start3A_747] : memref<64x4096x2x128xf32, #tpu.memory_space<hbm>> -> memref<1x32x2x128xf32, #tpu.memory_space<hbm>>
    %dma_start3A_749 = tpu.memref_squeeze %dma_start3A_748 : memref<1x32x2x128xf32, #tpu.memory_space<hbm>> -> memref<32x2x128xf32, #tpu.memory_space<hbm>>
    tpu.enqueue_dma source(%arg21 : memref<32x2x128xf32, #tpu.memory_space<vmem>>) target(%dma_start3A_749 : memref<32x2x128xf32, #tpu.memory_space<hbm>>) target_semaphore(%arg33 : memref<!tpu.dma_semaphore, #tpu.memory_space<semaphore_mem>>)
    %dma_wait3A_750 = arith.constant 0 : i32
    %dma_wait3A_751 = arith.constant 0 : i32
    %dma_wait3A_752 = arith.constant 0 : i32
    %dma_wait3A_753 = arith.constant 0 : i32
    %dma_wait3A_754 = arith.constant 0 : i32
    %dma_wait3A_755 = tpu.memref_slice %arg10[%dma_wait3A_750, %dma_wait3A_751, %dma_wait3A_752, %dma_wait3A_753, %dma_wait3A_754] : memref<64x4096x2x2x128xf32, #tpu.memory_space<hbm>> -> memref<1x32x2x2x128xf32, #tpu.memory_space<hbm>>
    %dma_wait3A_756 = tpu.memref_squeeze %dma_wait3A_755 : memref<1x32x2x2x128xf32, #tpu.memory_space<hbm>> -> memref<32x2x2x128xf32, #tpu.memory_space<hbm>>
    %dma_wait3A_757 = arith.constant 0 : i32
    %dma_wait3A_758 = arith.constant 0 : i32
    %dma_wait3A_759 = arith.constant 0 : i32
    %dma_wait3A_760 = arith.constant 0 : i32
    %dma_wait3A_761 = tpu.memref_slice %arg10[%dma_wait3A_750, %dma_wait3A_757, %dma_wait3A_758, %dma_wait3A_759, %dma_wait3A_760] : memref<64x4096x2x2x128xf32, #tpu.memory_space<hbm>> -> memref<1x32x2x2x128xf32, #tpu.memory_space<hbm>>
    %dma_wait3A_762 = tpu.memref_squeeze %dma_wait3A_761 : memref<1x32x2x2x128xf32, #tpu.memory_space<hbm>> -> memref<32x2x2x128xf32, #tpu.memory_space<hbm>>
    tpu.wait_dma2 semaphore(%arg32 : memref<!tpu.dma_semaphore, #tpu.memory_space<semaphore_mem>>) src(%arg17 : memref<32x2x2x128xf32, #tpu.memory_space<vmem>>) dst(%dma_wait3A_762 : memref<32x2x2x128xf32, #tpu.memory_space<hbm>>)
    %dma_wait3A_763 = arith.constant 0 : i32
    %dma_wait3A_764 = arith.constant 0 : i32
    %dma_wait3A_765 = arith.constant 0 : i32
    %dma_wait3A_766 = arith.constant 0 : i32
    %dma_wait3A_767 = tpu.memref_slice %arg9[%dma_wait3A_763, %dma_wait3A_764, %dma_wait3A_765, %dma_wait3A_766] : memref<64x4096x2x128xf32, #tpu.memory_space<hbm>> -> memref<1x32x2x128xf32, #tpu.memory_space<hbm>>
    %dma_wait3A_768 = tpu.memref_squeeze %dma_wait3A_767 : memref<1x32x2x128xf32, #tpu.memory_space<hbm>> -> memref<32x2x128xf32, #tpu.memory_space<hbm>>
    %dma_wait3A_769 = arith.constant 0 : i32
    %dma_wait3A_770 = arith.constant 0 : i32
    %dma_wait3A_771 = arith.constant 0 : i32
    %dma_wait3A_772 = tpu.memref_slice %arg9[%dma_wait3A_763, %dma_wait3A_769, %dma_wait3A_770, %dma_wait3A_771] : memref<64x4096x2x128xf32, #tpu.memory_space<hbm>> -> memref<1x32x2x128xf32, #tpu.memory_space<hbm>>
    %dma_wait3A_773 = tpu.memref_squeeze %dma_wait3A_772 : memref<1x32x2x128xf32, #tpu.memory_space<hbm>> -> memref<32x2x128xf32, #tpu.memory_space<hbm>>
    tpu.wait_dma2 semaphore(%arg32 : memref<!tpu.dma_semaphore, #tpu.memory_space<semaphore_mem>>) src(%arg20 : memref<32x2x128xf32, #tpu.memory_space<vmem>>) dst(%dma_wait3A_773 : memref<32x2x128xf32, #tpu.memory_space<hbm>>)
    %dma_wait3A_774 = arith.constant 0 : i32
    %dma_wait3A_775 = arith.constant 0 : i32
    %dma_wait3A_776 = arith.constant 0 : i32
    %dma_wait3A_777 = arith.constant 0 : i32
    %dma_wait3A_778 = arith.constant 0 : i32
    %dma_wait3A_779 = tpu.memref_slice %arg10[%dma_wait3A_774, %dma_wait3A_775, %dma_wait3A_776, %dma_wait3A_777, %dma_wait3A_778] : memref<64x4096x2x2x128xf32, #tpu.memory_space<hbm>> -> memref<1x32x2x2x128xf32, #tpu.memory_space<hbm>>
    %dma_wait3A_780 = tpu.memref_squeeze %dma_wait3A_779 : memref<1x32x2x2x128xf32, #tpu.memory_space<hbm>> -> memref<32x2x2x128xf32, #tpu.memory_space<hbm>>
    %dma_wait3A_781 = arith.constant 0 : i32
    %dma_wait3A_782 = arith.constant 0 : i32
    %dma_wait3A_783 = arith.constant 0 : i32
    %dma_wait3A_784 = arith.constant 0 : i32
    %dma_wait3A_785 = tpu.memref_slice %arg10[%dma_wait3A_774, %dma_wait3A_781, %dma_wait3A_782, %dma_wait3A_783, %dma_wait3A_784] : memref<64x4096x2x2x128xf32, #tpu.memory_space<hbm>> -> memref<1x32x2x2x128xf32, #tpu.memory_space<hbm>>
    %dma_wait3A_786 = tpu.memref_squeeze %dma_wait3A_785 : memref<1x32x2x2x128xf32, #tpu.memory_space<hbm>> -> memref<32x2x2x128xf32, #tpu.memory_space<hbm>>
    tpu.wait_dma2 semaphore(%arg33 : memref<!tpu.dma_semaphore, #tpu.memory_space<semaphore_mem>>) src(%arg18 : memref<32x2x2x128xf32, #tpu.memory_space<vmem>>) dst(%dma_wait3A_786 : memref<32x2x2x128xf32, #tpu.memory_space<hbm>>)
    %dma_wait3A_787 = arith.constant 0 : i32
    %dma_wait3A_788 = arith.constant 0 : i32
    %dma_wait3A_789 = arith.constant 0 : i32
    %dma_wait3A_790 = arith.constant 0 : i32
    %dma_wait3A_791 = tpu.memref_slice %arg9[%dma_wait3A_787, %dma_wait3A_788, %dma_wait3A_789, %dma_wait3A_790] : memref<64x4096x2x128xf32, #tpu.memory_space<hbm>> -> memref<1x32x2x128xf32, #tpu.memory_space<hbm>>
    %dma_wait3A_792 = tpu.memref_squeeze %dma_wait3A_791 : memref<1x32x2x128xf32, #tpu.memory_space<hbm>> -> memref<32x2x128xf32, #tpu.memory_space<hbm>>
    %dma_wait3A_793 = arith.constant 0 : i32
    %dma_wait3A_794 = arith.constant 0 : i32
    %dma_wait3A_795 = arith.constant 0 : i32
    %dma_wait3A_796 = tpu.memref_slice %arg9[%dma_wait3A_787, %dma_wait3A_793, %dma_wait3A_794, %dma_wait3A_795] : memref<64x4096x2x128xf32, #tpu.memory_space<hbm>> -> memref<1x32x2x128xf32, #tpu.memory_space<hbm>>
    %dma_wait3A_797 = tpu.memref_squeeze %dma_wait3A_796 : memref<1x32x2x128xf32, #tpu.memory_space<hbm>> -> memref<32x2x128xf32, #tpu.memory_space<hbm>>
    tpu.wait_dma2 semaphore(%arg33 : memref<!tpu.dma_semaphore, #tpu.memory_space<semaphore_mem>>) src(%arg21 : memref<32x2x128xf32, #tpu.memory_space<vmem>>) dst(%dma_wait3A_797 : memref<32x2x128xf32, #tpu.memory_space<hbm>>)
    %dma_wait3A_798 = arith.constant 0 : i32
    %dma_wait3A_799 = arith.constant 0 : i32
    %dma_wait3A_800 = arith.constant 0 : i32
    %dma_wait3A_801 = arith.constant 0 : i32
    %dma_wait3A_802 = arith.constant 0 : i32
    %dma_wait3A_803 = tpu.memref_slice %arg10[%dma_wait3A_798, %dma_wait3A_799, %dma_wait3A_800, %dma_wait3A_801, %dma_wait3A_802] : memref<64x4096x2x2x128xf32, #tpu.memory_space<hbm>> -> memref<1x32x2x2x128xf32, #tpu.memory_space<hbm>>
    %dma_wait3A_804 = tpu.memref_squeeze %dma_wait3A_803 : memref<1x32x2x2x128xf32, #tpu.memory_space<hbm>> -> memref<32x2x2x128xf32, #tpu.memory_space<hbm>>
    %dma_wait3A_805 = arith.constant 0 : i32
    %dma_wait3A_806 = arith.constant 0 : i32
    %dma_wait3A_807 = arith.constant 0 : i32
    %dma_wait3A_808 = arith.constant 0 : i32
    %dma_wait3A_809 = tpu.memref_slice %arg10[%dma_wait3A_798, %dma_wait3A_805, %dma_wait3A_806, %dma_wait3A_807, %dma_wait3A_808] : memref<64x4096x2x2x128xf32, #tpu.memory_space<hbm>> -> memref<1x32x2x2x128xf32, #tpu.memory_space<hbm>>
    %dma_wait3A_810 = tpu.memref_squeeze %dma_wait3A_809 : memref<1x32x2x2x128xf32, #tpu.memory_space<hbm>> -> memref<32x2x2x128xf32, #tpu.memory_space<hbm>>
    tpu.wait_dma2 semaphore(%arg34 : memref<!tpu.dma_semaphore, #tpu.memory_space<semaphore_mem>>) src(%arg19 : memref<32x2x2x128xf32, #tpu.memory_space<vmem>>) dst(%dma_wait3A_810 : memref<32x2x2x128xf32, #tpu.memory_space<hbm>>)
    %dma_wait3A_811 = arith.constant 0 : i32
    %dma_wait3A_812 = arith.constant 0 : i32
    %dma_wait3A_813 = arith.constant 0 : i32
    %dma_wait3A_814 = arith.constant 0 : i32
    %dma_wait3A_815 = tpu.memref_slice %arg9[%dma_wait3A_811, %dma_wait3A_812, %dma_wait3A_813, %dma_wait3A_814] : memref<64x4096x2x128xf32, #tpu.memory_space<hbm>> -> memref<1x32x2x128xf32, #tpu.memory_space<hbm>>
    %dma_wait3A_816 = tpu.memref_squeeze %dma_wait3A_815 : memref<1x32x2x128xf32, #tpu.memory_space<hbm>> -> memref<32x2x128xf32, #tpu.memory_space<hbm>>
    %dma_wait3A_817 = arith.constant 0 : i32
    %dma_wait3A_818 = arith.constant 0 : i32
    %dma_wait3A_819 = arith.constant 0 : i32
    %dma_wait3A_820 = tpu.memref_slice %arg9[%dma_wait3A_811, %dma_wait3A_817, %dma_wait3A_818, %dma_wait3A_819] : memref<64x4096x2x128xf32, #tpu.memory_space<hbm>> -> memref<1x32x2x128xf32, #tpu.memory_space<hbm>>
    %dma_wait3A_821 = tpu.memref_squeeze %dma_wait3A_820 : memref<1x32x2x128xf32, #tpu.memory_space<hbm>> -> memref<32x2x128xf32, #tpu.memory_space<hbm>>
    tpu.wait_dma2 semaphore(%arg34 : memref<!tpu.dma_semaphore, #tpu.memory_space<semaphore_mem>>) src(%arg22 : memref<32x2x128xf32, #tpu.memory_space<vmem>>) dst(%dma_wait3A_821 : memref<32x2x128xf32, #tpu.memory_space<hbm>>)
    return
  }
}

module attributes {stable_mosaic.version = 14 : i64} {
  func.func @_tables_body(%arg0: memref<100x128xf32, #tpu.memory_space<vmem>>, %arg1: memref<100x128xf32, #tpu.memory_space<vmem>>, %arg2: memref<100x1xf32, #tpu.memory_space<vmem>>, %arg3: memref<100x128xf32, #tpu.memory_space<vmem>>, %arg4: memref<100x128xf32, #tpu.memory_space<vmem>>, %arg5: memref<100x1xf32, #tpu.memory_space<vmem>>, %arg6: memref<1000x128xf32, #tpu.memory_space<vmem>>, %arg7: memref<1000x128xf32, #tpu.memory_space<vmem>>, %arg8: memref<100x2x2x128xf32, #tpu.memory_space<vmem>>, %arg9: memref<1000x2x128xf32, #tpu.memory_space<vmem>>, %arg10: memref<1000x2x128xf32, #tpu.memory_space<vmem>>) attributes {dimension_semantics = [], scalar_prefetch = 0 : i64, scratch_operands = 0 : i64, tpu.core_type = #tpu.core_type<tc>} {
    %get3A = arith.constant 0 : index
    %get3A_0 = arith.constant 0 : index
    %get3A_1 = vector.load %arg1[%get3A, %get3A_0] : memref<100x128xf32, #tpu.memory_space<vmem>>, vector<100x128xf32>
    %abs3A = math.absf %get3A_1 : vector<100x128xf32>
    %reduce_sum3A = arith.constant dense<0.000000e+00> : vector<100xf32>
    %reduce_sum3A_2 = vector.multi_reduction <add>, %abs3A, %reduce_sum3A [1] : vector<100x128xf32> to vector<100xf32>
    %broadcast_in_dim3A = vector.shape_cast %reduce_sum3A_2 : vector<100xf32> to vector<100x1xf32>
    %max3A = arith.constant 9.99999996E-13 : f32
    %max3A_3 = vector.broadcast %max3A : f32 to vector<100x1xf32>
    %max3A_4 = arith.maximumf %broadcast_in_dim3A, %max3A_3 : vector<100x1xf32>
    %get3A_5 = arith.constant 0 : index
    %get3A_6 = arith.constant 0 : index
    %get3A_7 = vector.load %arg2[%get3A_5, %get3A_6] : memref<100x1xf32, #tpu.memory_space<vmem>>, vector<100x1xf32>
    %gt3A = arith.constant 0.000000e+00 : f32
    %gt3A_8 = vector.broadcast %gt3A : f32 to vector<100x1xf32>
    %gt3A_9 = arith.cmpf ogt, %get3A_7, %gt3A_8 : vector<100x1xf32>
    %min3A = arith.constant 0.000000e+00 : f32
    %min3A_10 = vector.broadcast %min3A : f32 to vector<100x1xf32>
    %min3A_11 = arith.minimumf %get3A_7, %min3A_10 : vector<100x1xf32>
    %exp3A = math.exp %min3A_11 : vector<100x1xf32>
    %sub3A = arith.constant 1.000000e+00 : f32
    %sub3A_12 = vector.broadcast %sub3A : f32 to vector<100x1xf32>
    %sub3A_13 = arith.subf %exp3A, %sub3A_12 : vector<100x1xf32>
    %select_n3A = arith.select %gt3A_9, %get3A_7, %sub3A_13 : vector<100x1xi1>, vector<100x1xf32>
    %add3A = arith.constant 1.000000e+00 : f32
    %add3A_14 = vector.broadcast %add3A : f32 to vector<100x1xf32>
    %add3A_15 = arith.addf %select_n3A, %add3A_14 : vector<100x1xf32>
    %div3A = vector.broadcast %max3A_4 : vector<100x1xf32> to vector<100x128xf32>
    %div3A_16 = arith.divf %get3A_1, %div3A : vector<100x128xf32>
    %mul3A = vector.broadcast %add3A_15 : vector<100x1xf32> to vector<100x128xf32>
    %mul3A_17 = arith.mulf %div3A_16, %mul3A : vector<100x128xf32>
    %abs3A_18 = math.absf %mul3A_17 : vector<100x128xf32>
    %get3A_19 = arith.constant 0 : index
    %get3A_20 = arith.constant 0 : index
    %get3A_21 = vector.load %arg0[%get3A_19, %get3A_20] : memref<100x128xf32, #tpu.memory_space<vmem>>, vector<100x128xf32>
    %add3A_22 = arith.addf %get3A_21, %abs3A_18 : vector<100x128xf32>
    %sub3A_23 = arith.subf %get3A_21, %abs3A_18 : vector<100x128xf32>
    %get3A_24 = arith.constant 0 : index
    %get3A_25 = arith.constant 0 : index
    %get3A_26 = vector.load %arg4[%get3A_24, %get3A_25] : memref<100x128xf32, #tpu.memory_space<vmem>>, vector<100x128xf32>
    %abs3A_27 = math.absf %get3A_26 : vector<100x128xf32>
    %reduce_sum3A_28 = arith.constant dense<0.000000e+00> : vector<100xf32>
    %reduce_sum3A_29 = vector.multi_reduction <add>, %abs3A_27, %reduce_sum3A_28 [1] : vector<100x128xf32> to vector<100xf32>
    %broadcast_in_dim3A_30 = vector.shape_cast %reduce_sum3A_29 : vector<100xf32> to vector<100x1xf32>
    %max3A_31 = arith.constant 9.99999996E-13 : f32
    %max3A_32 = vector.broadcast %max3A_31 : f32 to vector<100x1xf32>
    %max3A_33 = arith.maximumf %broadcast_in_dim3A_30, %max3A_32 : vector<100x1xf32>
    %get3A_34 = arith.constant 0 : index
    %get3A_35 = arith.constant 0 : index
    %get3A_36 = vector.load %arg5[%get3A_34, %get3A_35] : memref<100x1xf32, #tpu.memory_space<vmem>>, vector<100x1xf32>
    %gt3A_37 = arith.constant 0.000000e+00 : f32
    %gt3A_38 = vector.broadcast %gt3A_37 : f32 to vector<100x1xf32>
    %gt3A_39 = arith.cmpf ogt, %get3A_36, %gt3A_38 : vector<100x1xf32>
    %min3A_40 = arith.constant 0.000000e+00 : f32
    %min3A_41 = vector.broadcast %min3A_40 : f32 to vector<100x1xf32>
    %min3A_42 = arith.minimumf %get3A_36, %min3A_41 : vector<100x1xf32>
    %exp3A_43 = math.exp %min3A_42 : vector<100x1xf32>
    %sub3A_44 = arith.constant 1.000000e+00 : f32
    %sub3A_45 = vector.broadcast %sub3A_44 : f32 to vector<100x1xf32>
    %sub3A_46 = arith.subf %exp3A_43, %sub3A_45 : vector<100x1xf32>
    %select_n3A_47 = arith.select %gt3A_39, %get3A_36, %sub3A_46 : vector<100x1xi1>, vector<100x1xf32>
    %add3A_48 = arith.constant 1.000000e+00 : f32
    %add3A_49 = vector.broadcast %add3A_48 : f32 to vector<100x1xf32>
    %add3A_50 = arith.addf %select_n3A_47, %add3A_49 : vector<100x1xf32>
    %div3A_51 = vector.broadcast %max3A_33 : vector<100x1xf32> to vector<100x128xf32>
    %div3A_52 = arith.divf %get3A_26, %div3A_51 : vector<100x128xf32>
    %mul3A_53 = vector.broadcast %add3A_50 : vector<100x1xf32> to vector<100x128xf32>
    %mul3A_54 = arith.mulf %div3A_52, %mul3A_53 : vector<100x128xf32>
    %abs3A_55 = math.absf %mul3A_54 : vector<100x128xf32>
    %get3A_56 = arith.constant 0 : index
    %get3A_57 = arith.constant 0 : index
    %get3A_58 = vector.load %arg3[%get3A_56, %get3A_57] : memref<100x128xf32, #tpu.memory_space<vmem>>, vector<100x128xf32>
    %add3A_59 = arith.addf %get3A_58, %abs3A_55 : vector<100x128xf32>
    %sub3A_60 = arith.subf %get3A_58, %abs3A_55 : vector<100x128xf32>
    %stack3A = vector.shape_cast %add3A_22 : vector<100x128xf32> to vector<100x1x128xf32>
    %stack3A_61 = vector.shape_cast %sub3A_23 : vector<100x128xf32> to vector<100x1x128xf32>
    %stack3A_62 = tpu.concatenate %stack3A, %stack3A_61 in 1 : vector<100x1x128xf32>, vector<100x1x128xf32> -> vector<100x2x128xf32>
    %stack3A_63 = vector.shape_cast %add3A_59 : vector<100x128xf32> to vector<100x1x128xf32>
    %stack3A_64 = vector.shape_cast %sub3A_60 : vector<100x128xf32> to vector<100x1x128xf32>
    %stack3A_65 = tpu.concatenate %stack3A_63, %stack3A_64 in 1 : vector<100x1x128xf32>, vector<100x1x128xf32> -> vector<100x2x128xf32>
    %stack3A_66 = vector.shape_cast %stack3A_62 : vector<100x2x128xf32> to vector<100x1x2x128xf32>
    %stack3A_67 = vector.shape_cast %stack3A_65 : vector<100x2x128xf32> to vector<100x1x2x128xf32>
    %stack3A_68 = tpu.concatenate %stack3A_66, %stack3A_67 in 1 : vector<100x1x2x128xf32>, vector<100x1x2x128xf32> -> vector<100x2x2x128xf32>
    %swap3A = arith.constant 0 : index
    %swap3A_69 = arith.constant 0 : index
    %swap3A_70 = arith.constant 0 : index
    %swap3A_71 = arith.constant 0 : index
    %swap3A_72 = vector.load %arg8[%swap3A, %swap3A_69, %swap3A_70, %swap3A_71] : memref<100x2x2x128xf32, #tpu.memory_space<vmem>>, vector<100x2x2x128xf32>
    tpu.vector_store %arg8[%swap3A, %swap3A_69, %swap3A_70, %swap3A_71], %stack3A_68 {strides = array<i32>} : memref<100x2x2x128xf32, #tpu.memory_space<vmem>>, vector<100x2x2x128xf32>,
    %get3A_73 = arith.constant 0 : index
    %get3A_74 = arith.constant 0 : index
    %get3A_75 = vector.load %arg6[%get3A_73, %get3A_74] : memref<1000x128xf32, #tpu.memory_space<vmem>>, vector<1000x128xf32>
    %get3A_76 = arith.constant 0 : index
    %get3A_77 = arith.constant 0 : index
    %get3A_78 = vector.load %arg7[%get3A_76, %get3A_77] : memref<1000x128xf32, #tpu.memory_space<vmem>>, vector<1000x128xf32>
    %stack3A_79 = vector.shape_cast %get3A_75 : vector<1000x128xf32> to vector<1000x1x128xf32>
    %stack3A_80 = vector.shape_cast %get3A_78 : vector<1000x128xf32> to vector<1000x1x128xf32>
    %stack3A_81 = tpu.concatenate %stack3A_79, %stack3A_80 in 1 : vector<1000x1x128xf32>, vector<1000x1x128xf32> -> vector<1000x2x128xf32>
    %swap3A_82 = arith.constant 0 : index
    %swap3A_83 = arith.constant 0 : index
    %swap3A_84 = arith.constant 0 : index
    %swap3A_85 = vector.load %arg9[%swap3A_82, %swap3A_83, %swap3A_84] : memref<1000x2x128xf32, #tpu.memory_space<vmem>>, vector<1000x2x128xf32>
    tpu.vector_store %arg9[%swap3A_82, %swap3A_83, %swap3A_84], %stack3A_81 {strides = array<i32>} : memref<1000x2x128xf32, #tpu.memory_space<vmem>>, vector<1000x2x128xf32>,
    %stack3A_86 = vector.shape_cast %get3A_78 : vector<1000x128xf32> to vector<1000x1x128xf32>
    %stack3A_87 = vector.shape_cast %get3A_75 : vector<1000x128xf32> to vector<1000x1x128xf32>
    %stack3A_88 = tpu.concatenate %stack3A_86, %stack3A_87 in 1 : vector<1000x1x128xf32>, vector<1000x1x128xf32> -> vector<1000x2x128xf32>
    %swap3A_89 = arith.constant 0 : index
    %swap3A_90 = arith.constant 0 : index
    %swap3A_91 = arith.constant 0 : index
    %swap3A_92 = vector.load %arg10[%swap3A_89, %swap3A_90, %swap3A_91] : memref<1000x2x128xf32, #tpu.memory_space<vmem>>, vector<1000x2x128xf32>
    tpu.vector_store %arg10[%swap3A_89, %swap3A_90, %swap3A_91], %stack3A_88 {strides = array<i32>} : memref<1000x2x128xf32, #tpu.memory_space<vmem>>, vector<1000x2x128xf32>,
    return
  }
}

</mosaic_0001>

<sc_bundles>
// kernel: kernel.4.cloned.1.call-start
scs
__scs_entry_jumppad:
0x0: {  	(pc) =	sbr.rel $0x88, $3  }
0x1: {  	(tag) =	ssettag $0x0;
	lr =	simm.s32 $0x1  }
0x2: {  	[smem:$0x3F97] =	sst lr;
	_ =	strace $0xD0000000  }
0x3: {  	_ = 	snop  }
0x4: {  	_ = 	snop  }
0x5: {  	_ = 	snop  }
0x6: {  	_ = 	snop  }
0x7: {  	_ = 	snop  }
__scs_overlays_trampoline_lowered:
0x8: {  	[smem:$0x3FA6] =	sst s0  }
0x9: {  	[smem:$0x3FA7] =	sst s1  }
0xa: {  	[smem:$0x3FA8] =	sst s2  }
0xb: {  	[smem:$0x3FA9] =	sst s3  }
0xc: {  	[smem:$0x3FAA] =	sst s4  }
0xd: {  	[smem:$0x3FAB] =	sst s5  }
0xe: {  	[smem:$0x3FAC] =	sst s6  }
0xf: {  	[smem:$0x3FAD] =	sst s7  }
0x10: {  	[smem:$0x3FAE] =	sst s8  }
0x11: {  	[smem:$0x3FAF] =	sst s9;
	s0 =	simm.s32 @!p0 $0x0  }
0x12: {  	s1 =	sld [smem:$0x3F95];
	s0 =	simm.s32 @p0 $0x1  }
0x13: {  	[smem:$0x3FB0] =	sst s0;
	s0 =	simm.s32 @!p1 $0x0  }
0x14: {  	s2 =	sld [smem:$0x3F94];
	s0 =	simm.s32 @p1 $0x1  }
0x15: {  	[smem:$0x3FB1] =	sst s0;
	s0 =	simm.s32 @!p2 $0x0  }
0x16: {  	s3 =	sld [smem:$0x3FDB];
	s0 =	simm.s32 @p2 $0x1  }
0x17: {  	s4 =	simm.s32 $0x1BF5;
	[smem:$0x3FB3] =	sst s0  }
0x18: {  	s0 =	sld [smem:$0x3F96];
	_ =	swait.ge [sflag:s4], $0x0  }
0x19: {  	s7 =	sld [smem:$0x3F97]  }
0x1a: {  	s8 =	sadd.s32 $0xFFFFE003, lr  }
0x1b: {  	s9 =	sadd.s32 $0xFFFFFEF7, lr;
	s5 =	simm.s32 $0xFFFFFFFF;
	p2 =	slt.u32 s8, $0xFFFFF086  }
0x1c: {  	p1 =	slt.u32 s9, $0xF7A;
	s5 =	simm.s32 @!p2 $0x0  }
0x1d: {  	s5 =	simm.s32 @p1 $0x1;
	p0 =	seq.s32 s7, s2  }
0x1e: {  	s7 =	smul.u32 @!p0 $0xF7A, s2;
	p2 =	seq.s32 @!p0 s5, $0x0  }
0x1f: {  	s9 =	smul.u32 $0xF7A, s1;
	s8 =	simm.s32 @!p0 $0x1BF5;
	p2 =	por !p2, p0  }
0x20: {  	[sflag:s8] =	ssyncset.s32 @!p0 $0xFFFFF086;
	s6 =	sadd.s32 @!p0 s3, s7;
	s7 =	simm.s32 @!p0 $0x108  }
0x21: {  	s3 =	sadd.s32 s3, s9;
	s6 =	sadd.s32 @!p0 $0x88, s6;
	s7 =	simm.s32 @p2 $0x1082  }
0x22: {  	[simem:s7], [sflag:s8] =	dma.local @!p0 [hbm:s6], $0xF7A  }
0x23: {  	s9 =	sor.u32 $0xD0000000, s2;
	s6 =	simm.s32 $0x108;
	_ =	swait.ge @!p0 [sflag:s8], $0x0  }
0x24: {  	s3 =	sadd.s32 $0x88, s3;
	s6 =	simm.s32 @!p1 $0x1082;
	[sflag:s4] =	ssyncset.s32 $0xFFFFF086  }
0x25: {  	[simem:s6], [sflag:s4] =	dma.local [hbm:s3], $0xF7A  }
0x26: {  	[smem:$0x3F97] =	sst s1;
	(tag) =	ssettag s2;
	_ =	strace s9  }
0x27: {  	s1 =	sld [smem:$0x3FA7]  }
0x28: {  	s2 =	sld [smem:$0x3FA8]  }
0x29: {  	s4 =	sld [smem:$0x3FAA]  }
0x2a: {  	p0 =	seq.s32 s5, $0x0;
	s5 =	sld [smem:$0x3FAB]  }
0x2b: {  	s6 =	sld [smem:$0x3FAC]  }
0x2c: {  	s7 =	sld [smem:$0x3FAD]  }
0x2d: {  	s3 =	simm.s32 $0x108;
	s8 =	sld [smem:$0x3FAE]  }
0x2e: {  	s3 =	simm.s32 @!p0 $0x1082;
	s9 =	sld [smem:$0x3FAF]  }
0x2f: {  	lr =	sadd.s32 s0, s3;
	s0 =	sld [smem:$0x3FA6]  }
0x30: {  	s3 =	sld [smem:$0x3FA9]  }
0x31: {  	[smem:$0x3FB2] =	sst s10  }
0x32: {  	s10 =	sld [smem:$0x3FB0];
	_ =	sdelay $0x3  }
0x33: {  	p0 =	seq.s32 s10, $0x1;
	s10 =	sld [smem:$0x3FB2];
	_ =	sdelay $0x3  }
0x34: {  	[smem:$0x3FB2] =	sst s10  }
0x35: {  	s10 =	sld [smem:$0x3FB1];
	_ =	sdelay $0x3  }
0x36: {  	p1 =	seq.s32 s10, $0x1;
	s10 =	sld [smem:$0x3FB2];
	_ =	sdelay $0x3  }
0x37: {  	[smem:$0x3FB2] =	sst s10  }
0x38: {  	s10 =	sld [smem:$0x3FB3]  }
0x39: {  	_ = 	snop;
	(pc) =	sbr.ind lr, $3  }
0x3a: {  	_ = 	snop  }
0x3b: {  	_ = 	snop  }
0x3c: {  	p2 =	seq.s32 s10, $0x1;
	s10 =	sld [smem:$0x3FB2]  }
0x3d: {  	_ =	shalt  }
0x3e: {  	_ =	shalt  }
0x3f: {  	_ =	shalt  }
0x40: {  	_ =	shalt  }
0x41: {  	_ =	shalt  }
0x42: {  	_ =	shalt  }
0x43: {  	_ =	shalt  }
0x44: {  	_ =	shalt  }
0x45: {  	_ =	shalt  }
0x46: {  	_ =	shalt  }
0x47: {  	_ =	shalt  }
0x48: {  	_ =	shalt  }
0x49: {  	_ =	shalt  }
0x4a: {  	_ =	shalt  }
0x4b: {  	_ =	shalt  }
0x4c: {  	_ =	shalt  }
0x4d: {  	_ =	shalt  }
0x4e: {  	_ =	shalt  }
0x4f: {  	_ =	shalt  }
0x50: {  	_ =	shalt  }
0x51: {  	_ =	shalt  }
0x52: {  	_ =	shalt  }
0x53: {  	_ =	shalt  }
0x54: {  	_ =	shalt  }
0x55: {  	_ =	shalt  }
0x56: {  	_ =	shalt  }
0x57: {  	_ =	shalt  }
0x58: {  	_ =	shalt  }
0x59: {  	_ =	shalt  }
0x5a: {  	_ =	shalt  }
0x5b: {  	_ =	shalt  }
0x5c: {  	_ =	shalt  }
0x5d: {  	_ =	shalt  }
0x5e: {  	_ =	shalt  }
0x5f: {  	_ =	shalt  }
0x60: {  	_ =	shalt  }
0x61: {  	_ =	shalt  }
0x62: {  	_ =	shalt  }
0x63: {  	_ =	shalt  }
0x64: {  	_ =	shalt  }
0x65: {  	_ =	shalt  }
0x66: {  	_ =	shalt  }
0x67: {  	_ =	shalt  }
0x68: {  	_ =	shalt  }
0x69: {  	_ =	shalt  }
0x6a: {  	_ =	shalt  }
0x6b: {  	_ =	shalt  }
0x6c: {  	_ =	shalt  }
0x6d: {  	_ =	shalt  }
0x6e: {  	_ =	shalt  }
0x6f: {  	_ =	shalt  }
0x70: {  	_ =	shalt  }
0x71: {  	_ =	shalt  }
0x72: {  	_ =	shalt  }
0x73: {  	_ =	shalt  }
0x74: {  	_ =	shalt  }
0x75: {  	_ =	shalt  }
0x76: {  	_ =	shalt  }
0x77: {  	_ =	shalt  }
0x78: {  	_ =	shalt  }
0x79: {  	_ =	shalt  }
0x7a: {  	_ =	shalt  }
0x7b: {  	_ =	shalt  }
0x7c: {  	_ =	shalt  }
0x7d: {  	_ =	shalt  }
0x7e: {  	_ =	shalt  }
0x7f: {  	_ =	shalt  }
0x80: {  	_ =	shalt  }
0x81: {  	_ =	shalt  }
0x82: {  	_ =	shalt  }
0x83: {  	_ =	shalt  }
0x84: {  	_ =	shalt  }
0x85: {  	_ =	shalt  }
0x86: {  	_ =	shalt  }
0x87: {  	_ =	shalt  }
.Lfunc_end0:
.L_simem_size_0:
called_computation_lowered:
.L_overlay_start_0:
0x88: {  	s2 =	sld [smem:$0x3FD9]  }
0x89: {  	s3 =	sld [smem:$0x3FFE];
	_ =	sdelay $0x1  }
0x8a: {  	s1 =	srdreg.scid  }
0x8b: {  	s0 =	sand.u32 $0x1, s1  }
0x8c: {  	s14 =	sshll.u32 s0, $0xA;
	s2 =	sadd.s32 s3, s2  }
0x8d: {  	s2 =	sadd.s32 s2, s14  }
0x8e: {  	[smem:$0x3FBE] =	sst s2  }
0x8f: {  	_ = 	snop  }
0x90: {  	s2 =	sld [smem:$0x3FD0];
	_ =	sdelay $0x2  }
0x91: {  	s4 =	simm.s32 $0xA;
	s5 =	simm.s32 $0x10;
	s15 =	sld [smem:$0x3FC9]  }
0x92: {  	[smem:s5], [sflag:s4] =	dma.local [hbm:s2], $0x1  }
0x93: {  	_ =	swait.eq [sflag:s4], $0x1  }
0x94: {  	s16 =	sld [smem:$0x10]  }
0x95: {  	s17 =	sld [smem:$0x11];
	[sflag:s4] =	ssyncset.done $0x0  }
0x96: {  	s6 =	sld [smem:$0x12];
	[sflag:s4] =	ssyncadd.s32 $0xFFFFFFFF  }
0x97: {  	s18 =	sld [smem:$0x13];
	(tm) =	ssettm $0x1  }
0x98: {  	s7 =	sld [smem:$0x3FFB];
	_ =	sdelay $0x3  }
0x99: {  	_ =	strace s7  }
0x9a: {  	s7 =	sld [smem:$0x3FFC];
	_ =	sdelay $0x3  }
0x9b: {  	_ =	strace s7  }
0x9c: {  	s7 =	sld [smem:$0x3FFD];
	_ =	sdelay $0x3  }
0x9d: {  	_ =	strace s7  }
0x9e: {  	_ =	strace $0x8FFFFFFF  }
0x9f: {  	s19 =	sld [smem:$0x3FDB];
	_ =	sdelay $0x1  }
0xa0: {  	s8 =	simm.s32 $_scs_section_size  }
0xa1: {  	s9 =	simm.s32 $_size__tile_overlayer_lowered;
	s10 =	simm.s32 $_tile_overlayer_lowered  }
0xa2: {  	s22 =	simm.s32 $0x1BFF;
	s21 =	sshll.u32 s10, $0x1;
	s7 =	sadd.s32 s8, s19  }
0xa3: {  	s11 =	simm.s32 $0x0;
	s20 =	sshll.u32 s9, $0x1;
	s9 =	sadd.s32 s21, s7  }
0xa4: {  	[timem:s11], [sflag:s22] =	dma.local [hbm:s9], s20  }
0xa5: {  	_ =	swait.ge [sflag:s22], s20  }
0xa6: {  	s8 =	ssub.s32 $0x0, s20;
	[sflag:s22] =	ssyncset.done $0x0  }
0xa7: {  	[sflag:s22] =	ssyncadd.s32 s8;
	_ =	sdelay $0x1  }
0xa8: {  	s23 =	simm.s32 $0x1B8B  }
0xa9: {  	_ =	swait.ge [sflag:s23], $0x1  }
0xaa: {  	[sflag:s23] =	ssyncset.done $0x0  }
0xab: {  	s25 =	simm.s32 $0x1B8E;
	s24 =	sld [smem:$0x3FFE];
	[sflag:s23] =	ssyncadd.s32 $0xFFFFFFFF  }
0xac: {  	s26 =	simm.s32 $execute0_lowered;
	[smem:$0x3FD2] =	sst s25  }
0xad: {  	s9 =	sshll.u32 s26, $0x1;
	_ =	strace $0x80000046;
	[dreg:$0x1] =	wrdreg $0xFFFFFFFF  }
0xae: {  	s28 =	simm.s32 $_size_execute0_lowered;
	s7 =	sadd.s32 s7, s9;
	[dreg:$0x0] =	wrdreg $0x0  }
0xaf: {  	s9 =	sshll.u32 s28, $0x1;
	[dreg:$0x2] =	wrdreg s7  }
0xb0: {  	[dreg:$0x3] =	wrdreg s9  }
0xb1: {  	[dreg:$0x4] =	wrdreg $0xC0  }
0xb2: {  	_ =	task [dreg:s11], $0x5FFFF  }
0xb3: {  	[dreg:$0x1] =	wrdreg $0xFFFFFFFF  }
0xb4: {  	[dreg:$0x0] =	wrdreg $0x60  }
0xb5: {  	[dreg:$0x2] =	wrdreg s15  }
0xb6: {  	[dreg:$0x3] =	wrdreg s24  }
0xb7: {  	[dreg:$0x4] =	wrdreg s16  }
0xb8: {  	[dreg:$0x5] =	wrdreg s17  }
0xb9: {  	[dreg:$0x6] =	wrdreg s6  }
0xba: {  	[dreg:$0x7] =	wrdreg s18  }
0xbb: {  	[dreg:$0x8] =	wrdreg $0x9  }
0xbc: {  	_ =	task.clear_ibuf [dreg:s11], $0x9FFFF;
	_ =	strace $0x90000046  }
0xbd: {  	s29 =	simm.s32 $0x9;
	_ =	strace $0x80000048  }
0xbe: {  	_ =	swait.ge [sflag:s29], $0x1  }
0xbf: {  	[sflag:s29] =	ssyncadd.s32 $0xFFFFFFFF  }
0xc0: {  	_ =	strace $0x90000048  }
0xc1: {  	_ =	sfence  }
0xc2: {  	s30 =	sld [smem:$0x0];
	_ =	sdelay $0x2  }
0xc3: {  	s31 =	sshll.u32 s1, $0xD;
	s1 =	sshrl.u32 s1, $0x2  }
0xc4: {  	s3 =	sand.u32 $0x4000, s31;
	s1 =	sadd.s32 s1, s30  }
0xc5: {  	s0 =	sor.u32 s3, s0;
	s1 =	sshll.u32 s1, $0x11  }
0xc6: {  	s0 =	sor.u32 s1, s0  }
0xc7: {  	s0 =	sadd.s32 $0x8F2B, s0  }
0xc8: {  	[sflag:s0] =	ssyncadd.remote.s32 $0x1  }
0xc9: {  	_ =	sfence.sel $0xFFFF  }
0xca: {  	[dreg:$0x0] =	wrdreg $0xFFFFFFFF;
	(pc) =	sbr.abs _section_cstart, $3  }
0xcb: {  	[dreg:$0x1] =	wrdreg $0xFFFFFFFF  }
0xcc: {  	_ =	task.clear_ibuf [dreg:s11], $0x2FFFF;
	_ =	strace $0x9FFFFFFF  }
0xcd: {  	(tm) =	ssettm $0x7FFFFFFF  }
tec
execute0_lowered:
.L_overlay_start_1:
0x0: {  	(tag) =	ssettag $0x1  }
0x1: {  	s0 =	rddreg [dreg:$0x0]  }
0x2: {  	s4 =	rddreg [dreg:$0x1]  }
0x3: {  	s9 =	rddreg [dreg:$0x2]  }
0x4: {  	s10 =	rddreg [dreg:$0x3]  }
0x5: {  	s1 =	rddreg [dreg:$0x4]  }
0x6: {  	s2 =	rddreg [dreg:$0x5];
	s3 =	simm.s32 $0x0  }
0x7: {  	s7 =	srdreg.scid;
	s12 =	stileid.u32;
	s28 =	simm.s32 $0x16180  }
0x8: {  	s30 =	simm.s32 $0x2;
	s31 =	simm.s32 $0x5;
	[smem:$0x7FF] =	sst s3  }
0x9: {  	s11 =	sadd.s32 $0x1A00, s4;
	s5 =	sadd.s32 $0x29600, s4;
	s6 =	sadd.s32 $0x19A00, s4  }
0xa: {  	s8 =	sand.u32 $0x1, s7;
	s12 =	sshll.u32 s12, $0x1;
	s7 =	sadd.s32 $0x21800, s4  }
0xb: {  	_ =	strace $0x80000047;
	s19 =	ssub.s32 $0x2, s8;
	s12 =	sor.u32 s8, s12  }
0xc: {  	s20 =	sshrl.u32 s19, $0x1;
	s13 =	smul.u32 $0x6000, s12;
	s14 =	sshllo.u32 s12, $0x1  }
0xd: {  	s8 =	sshll.u32 s12, $0x1;
	s16 =	sshll.u32 s12, $0x7;
	s17 =	sshll.u32 s12, $0x4  }
0xe: {  	s22 =	sshll.u32 s12, $0xD;
	s23 =	sshll.u32 s12, $0xC;
	s4 =	ssub.s32 s19, s20  }
0xf: {  	s15 =	smul.u32 $0x3000, s14;
	s17 =	sadd.s32 s0, s17;
	s0 =	sadd.s32 s10, s22  }
0x10: {  	s24 =	sadd.s32 s9, s23;
	s25 =	sor.u32 $0x20, s16;
	s29 =	sor.u32 $0x40, s16  }
0x11: {  	s20 =	sor.u32 $0x60, s16;
	s13 =	sshrl.u32 s13, $0x3;
	[dreg:$0xa] =	wrdreg s0  }
0x12: {  	[dreg:$0xb] =	wrdreg s24;
	s26 =	sshll.u32 s25, $0x6;
	s0 =	sshll.u32 s25, $0x5  }
0x13: {  	s25 =	sshll.u32 s14, $0x12;
	[dreg:$0x7] =	wrdreg s17;
	s0 =	sadd.s32 s9, s0  }
0x14: {  	s18 =	sadd.s32 s11, s13;
	s21 =	sshrl.u32 s15, $0x3;
	[dreg:$0xd] =	wrdreg s0  }
0x15: {  	s15 =	sadd.s32 s11, s21;
	s11 =	sadd.s32 s10, s26;
	[dreg:$0x8] =	wrdreg s18  }
0x16: {  	s23 =	sshll.u32 s12, $0x13;
	s26 =	sadd.s32 s25, s2;
	[dreg:$0xc] =	wrdreg s11  }
0x17: {  	s19 =	sshll.u32 s29, $0x5;
	s13 =	sadd.s32 $0x3F000, s26;
	[dreg:$0x9] =	wrdreg s15  }
0x18: {  	s11 =	sshll.u32 s29, $0x6;
	s25 =	sadd.s32 $0x400, s15;
	[dreg:$0x14] =	wrdreg s13  }
0x19: {  	s21 =	sshll.u32 s20, $0x6;
	s0 =	sadd.s32 s10, s11;
	[dreg:$0x1e] =	wrdreg s25  }
0x1a: {  	s11 =	sshll.u32 s20, $0x5;
	s20 =	sadd.s32 $0x200, s17;
	[dreg:$0xe] =	wrdreg s0  }
0x1b: {  	s24 =	sshll.u32 s12, $0x12;
	s0 =	sadd.s32 s9, s19;
	[dreg:$0x19] =	wrdreg s20  }
0x1c: {  	s12 =	simm.s32 $0x6;
	s22 =	sadd.s32 s9, s11;
	[dreg:$0xf] =	wrdreg s0  }
0x1d: {  	s29 =	sshll.u32 s14, $0x11;
	s19 =	smax.u32 s4, $0x1;
	[dreg:$0x11] =	wrdreg s22  }
0x1e: {  	s11 =	sadd.s32 s1, s24;
	s24 =	sadd.s32 $0x200, s15;
	[dreg:$0x18] =	wrdreg s19  }
0x1f: {  	s25 =	simm.s32 $0x4;
	s13 =	simm.s32 $0x8;
	[dreg:$0x1d] =	wrdreg s24  }
0x20: {  	s9 =	sadd.s32 s29, s1;
	s0 =	sadd.s32 s10, s21;
	[dreg:$0x13] =	wrdreg s11  }
0x21: {  	s15 =	simm.s32 $0xA180;
	s14 =	sadd.s32 $0x1F800, s9;
	[dreg:$0x10] =	wrdreg s0  }
0x22: {  	s4 =	simm.s32 $0x3;
	s16 =	sadd.s32 $0x1FC00, s9;
	[dreg:$0x16] =	wrdreg s14  }
0x23: {  	s20 =	simm.s32 $0x9;
	s21 =	sadd.s32 $0x400, s17;
	[dreg:$0x17] =	wrdreg s16  }
0x24: {  	s10 =	sadd.s32 s2, s23;
	s22 =	sadd.s32 $0x200, s18;
	[dreg:$0x1a] =	wrdreg s21  }
0x25: {  	s23 =	sadd.s32 $0x400, s18;
	s29 =	sadd.s32 $0x400, s11;
	[dreg:$0x1b] =	wrdreg s22  }
0x26: {  	s18 =	simm.s32 $0x180;
	s19 =	simm.s32 $0x20;
	[dreg:$0x1c] =	wrdreg s23  }
0x27: {  	s17 =	simm.s32 $0x12180;
	s24 =	simm.s32 $0x1;
	[dreg:$0x12] =	wrdreg s10  }
0x28: {  	s0 =	sadd.s32 $0x3F800, s26;
	s26 =	sadd.s32 $0x800, s10;
	[smem:$0x7FD] =	sst s29  }
0x29: {  	s21 =	simm.s32 $0x2180;
	s23 =	simm.s32 $0x4180;
	s16 =	simm.s32 $0x6180  }
0x2a: {  	s22 =	simm.s32 $0x14180;
	s10 =	simm.s32 $0x0;
	[dreg:$0x15] =	wrdreg s0  }
0x2b: {  	[dreg:$0x1f] =	wrdreg s26;
	s26 =	simm.s32 $0xE180;
	s0 =	simm.s32 $0x7  }
.LBB2_1:
0x2c: {  	[smem:$0x7FC] =	sst s10  }
0x2d: {  	s9 =	rddreg [dreg:$0x7];
	s10 =	simm.s32 $0xA  }
0x2e: {  	[tilespmem:s3], [sflag:$0xA] =	stream.linear.gather [hbm4b:s9+s3], $0x80, $0x38;
	[tilespmem:$0x1E180] =	vst v63  }
0x2f: {  	_ =	swait.ge [sflag:s10], $0x80  }
0x30: {  	[sflag:s10] =	ssyncset.done $0x0  }
0x31: {  	s11 =	simm.s32 $0x80;
	s14 =	rddreg [dreg:$0x19];
	[sflag:s10] =	ssyncadd.s32 $0xFFFFFF80  }
0x32: {  	[tilespmem:s11], [sflag:$0xA] =	stream.linear.gather [hbm4b:s14+s3], $0x80, $0x38;
	[tilespmem:$0x1E180] =	vst v63  }
0x33: {  	_ =	swait.ge [sflag:s10], $0x80  }
0x34: {  	[sflag:s10] =	ssyncset.done $0x0  }
0x35: {  	s14 =	simm.s32 $0x100;
	s29 =	rddreg [dreg:$0x1a];
	[sflag:s10] =	ssyncadd.s32 $0xFFFFFF80  }
0x36: {  	[tilespmem:s14], [sflag:$0xA] =	stream.linear.gather [hbm4b:s29+s3], $0x80, $0x38;
	[tilespmem:$0x1E180] =	vst v63  }
0x37: {  	_ =	swait.ge [sflag:s10], $0x80  }
0x38: {  	[sflag:s10] =	ssyncset.done $0x0  }
0x39: {  	s29 =	rddreg [dreg:$0x8];
	[sflag:s10] =	ssyncadd.s32 $0xFFFFFF80  }
0x3a: {  	[tilespmem:s18], [sflag:$0xA] =	stream.linear.gather [hbm4b:s29+s3], $0x1000, $0x38;
	[tilespmem:$0x1E180] =	vst v63  }
0x3b: {  	_ =	swait.ge [sflag:s10], $0x1000  }
0x3c: {  	[sflag:s10] =	ssyncset.done $0x0  }
0x3d: {  	s29 =	rddreg [dreg:$0x1b];
	[sflag:s10] =	ssyncadd.s32 $0xFFFFF000  }
0x3e: {  	[tilespmem:s21], [sflag:$0xA] =	stream.linear.gather [hbm4b:s29+s3], $0x1000, $0x38;
	[tilespmem:$0x1E180] =	vst v63  }
0x3f: {  	_ =	swait.ge [sflag:s10], $0x1000  }
0x40: {  	[sflag:s10] =	ssyncset.done $0x0  }
0x41: {  	s29 =	rddreg [dreg:$0x1c];
	[sflag:s10] =	ssyncadd.s32 $0xFFFFF000  }
0x42: {  	[tilespmem:s23], [sflag:$0xA] =	stream.linear.gather [hbm4b:s29+s3], $0x1000, $0x38;
	[tilespmem:$0x1E180] =	vst v63  }
0x43: {  	_ =	swait.ge [sflag:s10], $0x1000  }
0x44: {  	[sflag:s10] =	ssyncset.done $0x0  }
0x45: {  	s29 =	simm.s32 $0x1180;
	s9 =	rddreg [dreg:$0x9];
	[sflag:s10] =	ssyncadd.s32 $0xFFFFF000  }
0x46: {  	[tilespmem:s29], [sflag:$0xA] =	stream.linear.gather [hbm4b:s9+s3], $0x1000, $0x38;
	[tilespmem:$0x1E180] =	vst v63  }
0x47: {  	_ =	swait.ge [sflag:s10], $0x1000  }
0x48: {  	[sflag:s10] =	ssyncset.done $0x0  }
0x49: {  	s29 =	simm.s32 $0x3180;
	s9 =	rddreg [dreg:$0x1d];
	[sflag:s10] =	ssyncadd.s32 $0xFFFFF000  }
0x4a: {  	[tilespmem:s29], [sflag:$0xA] =	stream.linear.gather [hbm4b:s9+s3], $0x1000, $0x38;
	[tilespmem:$0x1E180] =	vst v63  }
0x4b: {  	_ =	swait.ge [sflag:s10], $0x1000  }
0x4c: {  	[sflag:s10] =	ssyncset.done $0x0  }
0x4d: {  	s29 =	simm.s32 $0x5180;
	s9 =	rddreg [dreg:$0x1e];
	[sflag:s10] =	ssyncadd.s32 $0xFFFFF000  }
0x4e: {  	[tilespmem:s29], [sflag:$0xA] =	stream.linear.gather [hbm4b:s9+s3], $0x1000, $0x38;
	[tilespmem:$0x1E180] =	vst v63  }
0x4f: {  	_ =	swait.ge [sflag:s10], $0x1000  }
0x50: {  	[sflag:s10] =	ssyncset.done $0x0  }
0x51: {  	[sflag:s10] =	ssyncadd.s32 $0xFFFFF000  }
0x52: {  	[tilespmem:s16], [sflag:$0x1] =	stream.indirect.gather [hbm4b:s5+s19], $0x200, s11, s19, $0xb8;
	[tilespmem:$0x1E180] =	vst v63  }
0x53: {  	_ = 	snop  }
0x54: {  	[tilespmem:s17], [sflag:$0x4] =	stream.indirect.gather [hbm4b:s6+s19], $0x100, s3, s19, $0xb8;
	[tilespmem:$0x1E180] =	vst v63  }
0x55: {  	s29 =	simm.s32 $0x18180  }
0x56: {  	[tilespmem:s29], [sflag:$0x4] =	stream.indirect.gather [hbm4b:s7+s19], $0x100, s14, s19, $0xb8;
	[tilespmem:$0x1E180] =	vst v63  }
0x57: {  	s10 =	simm.s32 $0xA0  }
0x58: {  	[tilespmem:s15], [sflag:$0x2] =	stream.indirect.gather [hbm4b:s5+s19], $0x200, s10, s19, $0xb8;
	[tilespmem:$0x1E180] =	vst v63  }
0x59: {  	_ = 	snop  }
0x5a: {  	[tilespmem:s22], [sflag:$0x5] =	stream.indirect.gather [hbm4b:s6+s19], $0x100, s19, s19, $0xb8;
	[tilespmem:$0x1E180] =	vst v63  }
0x5b: {  	s11 =	simm.s32 $0x120;
	s14 =	simm.s32 $0x1A180  }
0x5c: {  	[tilespmem:s14], [sflag:$0x5] =	stream.indirect.gather [hbm4b:s7+s19], $0x100, s11, s19, $0xb8;
	[tilespmem:$0x1E180] =	vst v63  }
0x5d: {  	_ =	swait.ge [sflag:s24], $0x4000  }
0x5e: {  	[sflag:s24] =	ssyncset.done $0x0  }
0x5f: {  	s29 =	rddreg [dreg:$0xa];
	[sflag:s24] =	ssyncadd.s32 $0xFFFFC000  }
0x60: {  	[hbm4b:s29+s3] =	stream.linear.scatter [tilespmem:s16], [sflag:$0x7], $0x4000, $0x38;
	[tilespmem:$0x1E180] =	vst v63  }
0x61: {  	_ =	swait.ge [sflag:s25], $0x2000  }
0x62: {  	[sflag:s25] =	ssyncset.done $0x0  }
0x63: {  	[sflag:s25] =	ssyncadd.s32 $0xFFFFE000  }
0x64: {  	_ =	swait.ge [sflag:s25], $0x2000  }
0x65: {  	[sflag:s25] =	ssyncset.done $0x0  }
0x66: {  	s9 =	simm.s32 $0x0;
	s10 =	simm.s32 $0x400;
	[sflag:s25] =	ssyncadd.s32 $0xFFFFE000  }
.LBB2_2:
0x67: {  	p0 =	sne.s32 s10, $0x7C00;
	v0 =	vld [tilespmem:s9+$0x18270]  }
0x68: {  	v1 =	vld [tilespmem:s9+$0x18180]  }
0x69: {  	v2 =	vld [tilespmem:s9+$0x18190]  }
0x6a: {  	v3 =	vld [tilespmem:s9+$0x181A0]  }
0x6b: {  	v4 =	vld [tilespmem:s9+$0x181B0]  }
0x6c: {  	[tilespmem:s9+$0x12270] =	vst.add.f32.msk $0xffff, v0  }
0x6d: {  	v0 =	vld [tilespmem:s9+$0x181C0]  }
0x6e: {  	v5 =	vld [tilespmem:s9+$0x181D0]  }
0x6f: {  	v6 =	vld [tilespmem:s9+$0x181E0]  }
0x70: {  	v7 =	vld [tilespmem:s9+$0x181F0]  }
0x71: {  	v8 =	vld [tilespmem:s9+$0x18200]  }
0x72: {  	v9 =	vld [tilespmem:s9+$0x18210]  }
0x73: {  	v10 =	vld [tilespmem:s9+$0x18220]  }
0x74: {  	v11 =	vld [tilespmem:s9+$0x18230]  }
0x75: {  	v12 =	vld [tilespmem:s9+$0x18240]  }
0x76: {  	v13 =	vld [tilespmem:s9+$0x18250]  }
0x77: {  	v14 =	vld [tilespmem:s9+$0x18260]  }
0x78: {  	[tilespmem:s9+$0x12180] =	vst.add.f32.msk $0xffff, v1  }
0x79: {  	[tilespmem:s9+$0x12190] =	vst.add.f32.msk $0xffff, v2  }
0x7a: {  	[tilespmem:s9+$0x121A0] =	vst.add.f32.msk $0xffff, v3  }
0x7b: {  	[tilespmem:s9+$0x121B0] =	vst.add.f32.msk $0xffff, v4  }
0x7c: {  	[tilespmem:s9+$0x121C0] =	vst.add.f32.msk $0xffff, v0  }
0x7d: {  	[tilespmem:s9+$0x121D0] =	vst.add.f32.msk $0xffff, v5  }
0x7e: {  	[tilespmem:s9+$0x121E0] =	vst.add.f32.msk $0xffff, v6  }
0x7f: {  	[tilespmem:s9+$0x121F0] =	vst.add.f32.msk $0xffff, v7  }
0x80: {  	[tilespmem:s9+$0x12200] =	vst.add.f32.msk $0xffff, v8  }
0x81: {  	[tilespmem:s9+$0x12210] =	vst.add.f32.msk $0xffff, v9  }
.Ltmp0:
0x82: {  	[tilespmem:s9+$0x12220] =	vst.add.f32.msk $0xffff, v10;
	(pc) =	sbr.rel @p0 .LBB2_2-.Ltmp0, $4  }
0x83: {  	[tilespmem:s9+$0x12230] =	vst.add.f32.msk $0xffff, v11  }
0x84: {  	[tilespmem:s9+$0x12240] =	vst.add.f32.msk $0xffff, v12  }
0x85: {  	[tilespmem:s9+$0x12250] =	vst.add.f32.msk $0xffff, v13  }
0x86: {  	[tilespmem:s9+$0x12260] =	vst.add.f32.msk $0xffff, v14;
	s9 =	sshra.s32 s10, $0x2;
	s10 =	sadd.s32 $0x400, s10  }
0x87: {  	v0 =	vld [tilespmem:s9+$0x18270]  }
0x88: {  	v1 =	vld [tilespmem:s9+$0x18180]  }
0x89: {  	v2 =	vld [tilespmem:s9+$0x18190]  }
0x8a: {  	v3 =	vld [tilespmem:s9+$0x181A0]  }
0x8b: {  	v4 =	vld [tilespmem:s9+$0x181B0]  }
0x8c: {  	v63 =	vld [tilespmem:s9+$0x181C0]  }
0x8d: {  	v5 =	vld [tilespmem:s9+$0x181D0]  }
0x8e: {  	v6 =	vld [tilespmem:s9+$0x181E0]  }
0x8f: {  	v7 =	vld [tilespmem:s9+$0x181F0]  }
0x90: {  	v8 =	vld [tilespmem:s9+$0x18200]  }
0x91: {  	v9 =	vld [tilespmem:s9+$0x18210]  }
0x92: {  	v10 =	vld [tilespmem:s9+$0x18220]  }
0x93: {  	v11 =	vld [tilespmem:s9+$0x18230]  }
0x94: {  	v12 =	vld [tilespmem:s9+$0x18240]  }
0x95: {  	v13 =	vld [tilespmem:s9+$0x18250]  }
0x96: {  	v14 =	vld [tilespmem:s9+$0x18260]  }
0x97: {  	[tilespmem:s9+$0x12270] =	vst.add.f32.msk $0xffff, v0  }
0x98: {  	[tilespmem:s9+$0x12180] =	vst.add.f32.msk $0xffff, v1  }
0x99: {  	[tilespmem:s9+$0x12190] =	vst.add.f32.msk $0xffff, v2  }
0x9a: {  	[tilespmem:s9+$0x121A0] =	vst.add.f32.msk $0xffff, v3  }
0x9b: {  	[tilespmem:s9+$0x121B0] =	vst.add.f32.msk $0xffff, v4  }
0x9c: {  	[tilespmem:s9+$0x121C0] =	vst.add.f32.msk $0xffff, v63  }
0x9d: {  	[tilespmem:s9+$0x121D0] =	vst.add.f32.msk $0xffff, v5  }
0x9e: {  	[tilespmem:s9+$0x121E0] =	vst.add.f32.msk $0xffff, v6  }
0x9f: {  	[tilespmem:s9+$0x121F0] =	vst.add.f32.msk $0xffff, v7  }
0xa0: {  	[tilespmem:s9+$0x12200] =	vst.add.f32.msk $0xffff, v8  }
0xa1: {  	[tilespmem:s9+$0x12210] =	vst.add.f32.msk $0xffff, v9  }
0xa2: {  	[tilespmem:s9+$0x12220] =	vst.add.f32.msk $0xffff, v10  }
0xa3: {  	[tilespmem:s9+$0x12230] =	vst.add.f32.msk $0xffff, v11  }
0xa4: {  	[tilespmem:s9+$0x12240] =	vst.add.f32.msk $0xffff, v12  }
0xa5: {  	[tilespmem:s9+$0x12250] =	vst.add.f32.msk $0xffff, v13  }
0xa6: {  	s10 =	rddreg [dreg:$0xb];
	[tilespmem:s9+$0x12260] =	vst.add.f32.msk $0xffff, v14;
	s9 =	simm.s32 $0x0  }
0xa7: {  	[hbm4b:s10+s9] =	stream.linear.scatter [tilespmem:s17], [sflag:$0x7], $0x2000, $0x38;
	[tilespmem:$0x1E180] =	vst v63  }
0xa8: {  	s29 =	simm.s32 $0xC0  }
0xa9: {  	[tilespmem:s26], [sflag:$0x3] =	stream.indirect.gather [hbm4b:s5+s19], $0x200, s29, s19, $0xb8;
	[tilespmem:$0x1E180] =	vst v63  }
0xaa: {  	s11 =	simm.s32 $0x40  }
0xab: {  	[tilespmem:s28], [sflag:$0x6] =	stream.indirect.gather [hbm4b:s6+s19], $0x100, s11, s19, $0xb8;
	[tilespmem:$0x1E180] =	vst v63  }
0xac: {  	s14 =	simm.s32 $0x140;
	s11 =	simm.s32 $0x1C180  }
0xad: {  	[tilespmem:s11], [sflag:$0x6] =	stream.indirect.gather [hbm4b:s7+s19], $0x100, s14, s19, $0xb8;
	[tilespmem:$0x1E180] =	vst v63  }
0xae: {  	_ =	swait.ge [sflag:s30], $0x4000  }
0xaf: {  	[sflag:s30] =	ssyncset.done $0x0  }
0xb0: {  	s29 =	rddreg [dreg:$0xc];
	[sflag:s30] =	ssyncadd.s32 $0xFFFFC000  }
0xb1: {  	[hbm4b:s29+s9] =	stream.linear.scatter [tilespmem:s15], [sflag:$0x8], $0x4000, $0x38;
	[tilespmem:$0x1E180] =	vst v63  }
0xb2: {  	_ =	swait.ge [sflag:s31], $0x2000  }
0xb3: {  	[sflag:s31] =	ssyncset.done $0x0  }
0xb4: {  	[sflag:s31] =	ssyncadd.s32 $0xFFFFE000  }
0xb5: {  	_ =	swait.ge [sflag:s31], $0x2000  }
0xb6: {  	[sflag:s31] =	ssyncset.done $0x0  }
0xb7: {  	s10 =	simm.s32 $0x400;
	s9 =	simm.s32 $0x0;
	[sflag:s31] =	ssyncadd.s32 $0xFFFFE000  }
.LBB2_4:
0xb8: {  	p0 =	sne.s32 s10, $0x7C00;
	v0 =	vld [tilespmem:s9+$0x1A270]  }
0xb9: {  	v1 =	vld [tilespmem:s9+$0x1A180]  }
0xba: {  	v2 =	vld [tilespmem:s9+$0x1A190]  }
0xbb: {  	v3 =	vld [tilespmem:s9+$0x1A1A0]  }
0xbc: {  	v4 =	vld [tilespmem:s9+$0x1A1B0]  }
0xbd: {  	[tilespmem:s9+$0x14270] =	vst.add.f32.msk $0xffff, v0  }
0xbe: {  	v0 =	vld [tilespmem:s9+$0x1A1C0]  }
0xbf: {  	v5 =	vld [tilespmem:s9+$0x1A1D0]  }
0xc0: {  	v6 =	vld [tilespmem:s9+$0x1A1E0]  }
0xc1: {  	v7 =	vld [tilespmem:s9+$0x1A1F0]  }
0xc2: {  	v8 =	vld [tilespmem:s9+$0x1A200]  }
0xc3: {  	v9 =	vld [tilespmem:s9+$0x1A210]  }
0xc4: {  	v10 =	vld [tilespmem:s9+$0x1A220]  }
0xc5: {  	v11 =	vld [tilespmem:s9+$0x1A230]  }
0xc6: {  	v12 =	vld [tilespmem:s9+$0x1A240]  }
0xc7: {  	v13 =	vld [tilespmem:s9+$0x1A250]  }
0xc8: {  	v14 =	vld [tilespmem:s9+$0x1A260]  }
0xc9: {  	[tilespmem:s9+$0x14180] =	vst.add.f32.msk $0xffff, v1  }
0xca: {  	[tilespmem:s9+$0x14190] =	vst.add.f32.msk $0xffff, v2  }
0xcb: {  	[tilespmem:s9+$0x141A0] =	vst.add.f32.msk $0xffff, v3  }
0xcc: {  	[tilespmem:s9+$0x141B0] =	vst.add.f32.msk $0xffff, v4  }
0xcd: {  	[tilespmem:s9+$0x141C0] =	vst.add.f32.msk $0xffff, v0  }
0xce: {  	[tilespmem:s9+$0x141D0] =	vst.add.f32.msk $0xffff, v5  }
0xcf: {  	[tilespmem:s9+$0x141E0] =	vst.add.f32.msk $0xffff, v6  }
0xd0: {  	[tilespmem:s9+$0x141F0] =	vst.add.f32.msk $0xffff, v7  }
0xd1: {  	[tilespmem:s9+$0x14200] =	vst.add.f32.msk $0xffff, v8  }
0xd2: {  	[tilespmem:s9+$0x14210] =	vst.add.f32.msk $0xffff, v9  }
.Ltmp1:
0xd3: {  	[tilespmem:s9+$0x14220] =	vst.add.f32.msk $0xffff, v10;
	(pc) =	sbr.rel @p0 .LBB2_4-.Ltmp1, $4  }
0xd4: {  	[tilespmem:s9+$0x14230] =	vst.add.f32.msk $0xffff, v11  }
0xd5: {  	[tilespmem:s9+$0x14240] =	vst.add.f32.msk $0xffff, v12  }
0xd6: {  	[tilespmem:s9+$0x14250] =	vst.add.f32.msk $0xffff, v13  }
0xd7: {  	[tilespmem:s9+$0x14260] =	vst.add.f32.msk $0xffff, v14;
	s9 =	sshra.s32 s10, $0x2;
	s10 =	sadd.s32 $0x400, s10  }
0xd8: {  	v0 =	vld [tilespmem:s9+$0x1A270]  }
0xd9: {  	v1 =	vld [tilespmem:s9+$0x1A180]  }
0xda: {  	v2 =	vld [tilespmem:s9+$0x1A190]  }
0xdb: {  	v3 =	vld [tilespmem:s9+$0x1A1A0]  }
0xdc: {  	v4 =	vld [tilespmem:s9+$0x1A1B0]  }
0xdd: {  	v63 =	vld [tilespmem:s9+$0x1A1C0]  }
0xde: {  	v5 =	vld [tilespmem:s9+$0x1A1D0]  }
0xdf: {  	v6 =	vld [tilespmem:s9+$0x1A1E0]  }
0xe0: {  	v7 =	vld [tilespmem:s9+$0x1A1F0]  }
0xe1: {  	v8 =	vld [tilespmem:s9+$0x1A200]  }
0xe2: {  	v9 =	vld [tilespmem:s9+$0x1A210]  }
0xe3: {  	v10 =	vld [tilespmem:s9+$0x1A220]  }
0xe4: {  	v11 =	vld [tilespmem:s9+$0x1A230]  }
0xe5: {  	v12 =	vld [tilespmem:s9+$0x1A240]  }
0xe6: {  	v13 =	vld [tilespmem:s9+$0x1A250]  }
0xe7: {  	v14 =	vld [tilespmem:s9+$0x1A260]  }
0xe8: {  	[tilespmem:s9+$0x14270] =	vst.add.f32.msk $0xffff, v0  }
0xe9: {  	[tilespmem:s9+$0x14180] =	vst.add.f32.msk $0xffff, v1  }
0xea: {  	[tilespmem:s9+$0x14190] =	vst.add.f32.msk $0xffff, v2  }
0xeb: {  	[tilespmem:s9+$0x141A0] =	vst.add.f32.msk $0xffff, v3  }
0xec: {  	[tilespmem:s9+$0x141B0] =	vst.add.f32.msk $0xffff, v4  }
0xed: {  	[tilespmem:s9+$0x141C0] =	vst.add.f32.msk $0xffff, v63  }
0xee: {  	[tilespmem:s9+$0x141D0] =	vst.add.f32.msk $0xffff, v5  }
0xef: {  	[tilespmem:s9+$0x141E0] =	vst.add.f32.msk $0xffff, v6  }
0xf0: {  	[tilespmem:s9+$0x141F0] =	vst.add.f32.msk $0xffff, v7  }
0xf1: {  	[tilespmem:s9+$0x14200] =	vst.add.f32.msk $0xffff, v8  }
0xf2: {  	[tilespmem:s9+$0x14210] =	vst.add.f32.msk $0xffff, v9  }
0xf3: {  	[tilespmem:s9+$0x14220] =	vst.add.f32.msk $0xffff, v10  }
0xf4: {  	[tilespmem:s9+$0x14230] =	vst.add.f32.msk $0xffff, v11  }
0xf5: {  	[tilespmem:s9+$0x14240] =	vst.add.f32.msk $0xffff, v12  }
0xf6: {  	[tilespmem:s9+$0x14250] =	vst.add.f32.msk $0xffff, v13  }
0xf7: {  	s10 =	rddreg [dreg:$0xd];
	[tilespmem:s9+$0x14260] =	vst.add.f32.msk $0xffff, v14;
	s9 =	simm.s32 $0x0  }
0xf8: {  	[hbm4b:s10+s9] =	stream.linear.scatter [tilespmem:s22], [sflag:$0x8], $0x2000, $0x38;
	[tilespmem:$0x1E180] =	vst v63  }
0xf9: {  	_ =	swait.ge [sflag:s0], $0x4000  }
0xfa: {  	[sflag:s0] =	ssyncset.done $0x0  }
0xfb: {  	[sflag:s0] =	ssyncadd.s32 $0xFFFFC000  }
0xfc: {  	_ =	swait.ge [sflag:s0], $0x2000  }
0xfd: {  	[sflag:s0] =	ssyncset.done $0x0  }
0xfe: {  	s29 =	simm.s32 $0xE0;
	[sflag:s0] =	ssyncadd.s32 $0xFFFFE000  }
0xff: {  	[tilespmem:s16], [sflag:$0x1] =	stream.indirect.gather [hbm4b:s5+s19], $0x200, s29, s19, $0xb8;
	[tilespmem:$0x1E180] =	vst v63  }
0x100: {  	s11 =	simm.s32 $0x60  }
0x101: {  	[tilespmem:s17], [sflag:$0x4] =	stream.indirect.gather [hbm4b:s6+s19], $0x100, s11, s19, $0xb8;
	[tilespmem:$0x1E180] =	vst v63  }
0x102: {  	s14 =	simm.s32 $0x18180;
	s11 =	simm.s32 $0x160  }
0x103: {  	[tilespmem:s14], [sflag:$0x4] =	stream.indirect.gather [hbm4b:s7+s19], $0x100, s11, s19, $0xb8;
	[tilespmem:$0x1E180] =	vst v63  }
0x104: {  	_ =	swait.ge [sflag:s4], $0x4000  }
0x105: {  	[sflag:s4] =	ssyncset.done $0x0  }
0x106: {  	s29 =	rddreg [dreg:$0xe];
	[sflag:s4] =	ssyncadd.s32 $0xFFFFC000  }
0x107: {  	[hbm4b:s29+s9] =	stream.linear.scatter [tilespmem:s26], [sflag:$0x9], $0x4000, $0x38;
	[tilespmem:$0x1E180] =	vst v63  }
0x108: {  	_ =	swait.ge [sflag:s12], $0x2000  }
0x109: {  	[sflag:s12] =	ssyncset.done $0x0  }
0x10a: {  	[sflag:s12] =	ssyncadd.s32 $0xFFFFE000  }
0x10b: {  	_ =	swait.ge [sflag:s12], $0x2000  }
0x10c: {  	[sflag:s12] =	ssyncset.done $0x0  }
0x10d: {  	s10 =	simm.s32 $0x400;
	s9 =	simm.s32 $0x0;
	[sflag:s12] =	ssyncadd.s32 $0xFFFFE000  }
.LBB2_6:
0x10e: {  	p0 =	sne.s32 s10, $0x7C00;
	v0 =	vld [tilespmem:s9+$0x1C270]  }
0x10f: {  	v1 =	vld [tilespmem:s9+$0x1C180]  }
0x110: {  	v2 =	vld [tilespmem:s9+$0x1C190]  }
0x111: {  	v3 =	vld [tilespmem:s9+$0x1C1A0]  }
0x112: {  	v4 =	vld [tilespmem:s9+$0x1C1B0]  }
0x113: {  	[tilespmem:s9+$0x16270] =	vst.add.f32.msk $0xffff, v0  }
0x114: {  	v0 =	vld [tilespmem:s9+$0x1C1C0]  }
0x115: {  	v5 =	vld [tilespmem:s9+$0x1C1D0]  }
0x116: {  	v6 =	vld [tilespmem:s9+$0x1C1E0]  }
0x117: {  	v7 =	vld [tilespmem:s9+$0x1C1F0]  }
0x118: {  	v8 =	vld [tilespmem:s9+$0x1C200]  }
0x119: {  	v9 =	vld [tilespmem:s9+$0x1C210]  }
0x11a: {  	v10 =	vld [tilespmem:s9+$0x1C220]  }
0x11b: {  	v11 =	vld [tilespmem:s9+$0x1C230]  }
0x11c: {  	v12 =	vld [tilespmem:s9+$0x1C240]  }
0x11d: {  	v13 =	vld [tilespmem:s9+$0x1C250]  }
0x11e: {  	v14 =	vld [tilespmem:s9+$0x1C260]  }
0x11f: {  	[tilespmem:s9+$0x16180] =	vst.add.f32.msk $0xffff, v1  }
0x120: {  	[tilespmem:s9+$0x16190] =	vst.add.f32.msk $0xffff, v2  }
0x121: {  	[tilespmem:s9+$0x161A0] =	vst.add.f32.msk $0xffff, v3  }
0x122: {  	[tilespmem:s9+$0x161B0] =	vst.add.f32.msk $0xffff, v4  }
0x123: {  	[tilespmem:s9+$0x161C0] =	vst.add.f32.msk $0xffff, v0  }
0x124: {  	[tilespmem:s9+$0x161D0] =	vst.add.f32.msk $0xffff, v5  }
0x125: {  	[tilespmem:s9+$0x161E0] =	vst.add.f32.msk $0xffff, v6  }
0x126: {  	[tilespmem:s9+$0x161F0] =	vst.add.f32.msk $0xffff, v7  }
0x127: {  	[tilespmem:s9+$0x16200] =	vst.add.f32.msk $0xffff, v8  }
0x128: {  	[tilespmem:s9+$0x16210] =	vst.add.f32.msk $0xffff, v9  }
.Ltmp2:
0x129: {  	[tilespmem:s9+$0x16220] =	vst.add.f32.msk $0xffff, v10;
	(pc) =	sbr.rel @p0 .LBB2_6-.Ltmp2, $4  }
0x12a: {  	[tilespmem:s9+$0x16230] =	vst.add.f32.msk $0xffff, v11  }
0x12b: {  	[tilespmem:s9+$0x16240] =	vst.add.f32.msk $0xffff, v12  }
0x12c: {  	[tilespmem:s9+$0x16250] =	vst.add.f32.msk $0xffff, v13  }
0x12d: {  	[tilespmem:s9+$0x16260] =	vst.add.f32.msk $0xffff, v14;
	s9 =	sshra.s32 s10, $0x2;
	s10 =	sadd.s32 $0x400, s10  }
0x12e: {  	v0 =	vld [tilespmem:s9+$0x1C270]  }
0x12f: {  	v1 =	vld [tilespmem:s9+$0x1C180]  }
0x130: {  	v2 =	vld [tilespmem:s9+$0x1C190]  }
0x131: {  	v3 =	vld [tilespmem:s9+$0x1C1A0]  }
0x132: {  	v4 =	vld [tilespmem:s9+$0x1C1B0]  }
0x133: {  	v63 =	vld [tilespmem:s9+$0x1C1C0]  }
0x134: {  	v5 =	vld [tilespmem:s9+$0x1C1D0]  }
0x135: {  	v6 =	vld [tilespmem:s9+$0x1C1E0]  }
0x136: {  	v7 =	vld [tilespmem:s9+$0x1C1F0]  }
0x137: {  	v8 =	vld [tilespmem:s9+$0x1C200]  }
0x138: {  	v9 =	vld [tilespmem:s9+$0x1C210]  }
0x139: {  	v10 =	vld [tilespmem:s9+$0x1C220]  }
0x13a: {  	v11 =	vld [tilespmem:s9+$0x1C230]  }
0x13b: {  	v12 =	vld [tilespmem:s9+$0x1C240]  }
0x13c: {  	v13 =	vld [tilespmem:s9+$0x1C250]  }
0x13d: {  	v14 =	vld [tilespmem:s9+$0x1C260]  }
0x13e: {  	[tilespmem:s9+$0x16270] =	vst.add.f32.msk $0xffff, v0  }
0x13f: {  	[tilespmem:s9+$0x16180] =	vst.add.f32.msk $0xffff, v1  }
0x140: {  	[tilespmem:s9+$0x16190] =	vst.add.f32.msk $0xffff, v2  }
0x141: {  	[tilespmem:s9+$0x161A0] =	vst.add.f32.msk $0xffff, v3  }
0x142: {  	[tilespmem:s9+$0x161B0] =	vst.add.f32.msk $0xffff, v4  }
0x143: {  	[tilespmem:s9+$0x161C0] =	vst.add.f32.msk $0xffff, v63  }
0x144: {  	[tilespmem:s9+$0x161D0] =	vst.add.f32.msk $0xffff, v5  }
0x145: {  	[tilespmem:s9+$0x161E0] =	vst.add.f32.msk $0xffff, v6  }
0x146: {  	[tilespmem:s9+$0x161F0] =	vst.add.f32.msk $0xffff, v7  }
0x147: {  	[tilespmem:s9+$0x16200] =	vst.add.f32.msk $0xffff, v8  }
0x148: {  	[tilespmem:s9+$0x16210] =	vst.add.f32.msk $0xffff, v9  }
0x149: {  	[tilespmem:s9+$0x16220] =	vst.add.f32.msk $0xffff, v10  }
0x14a: {  	[tilespmem:s9+$0x16230] =	vst.add.f32.msk $0xffff, v11  }
0x14b: {  	[tilespmem:s9+$0x16240] =	vst.add.f32.msk $0xffff, v12  }
0x14c: {  	[tilespmem:s9+$0x16250] =	vst.add.f32.msk $0xffff, v13  }
0x14d: {  	s14 =	simm.s32 $0x0;
	s10 =	rddreg [dreg:$0xf];
	[tilespmem:s9+$0x16260] =	vst.add.f32.msk $0xffff, v14  }
0x14e: {  	[hbm4b:s10+s14] =	stream.linear.scatter [tilespmem:s28], [sflag:$0x9], $0x2000, $0x38;
	[tilespmem:$0x1E180] =	vst v63  }
0x14f: {  	_ =	swait.ge [sflag:s13], $0x4000  }
0x150: {  	[sflag:s13] =	ssyncset.done $0x0  }
0x151: {  	[sflag:s13] =	ssyncadd.s32 $0xFFFFC000  }
0x152: {  	_ =	swait.ge [sflag:s13], $0x2000  }
0x153: {  	[sflag:s13] =	ssyncset.done $0x0  }
0x154: {  	[sflag:s13] =	ssyncadd.s32 $0xFFFFE000  }
0x155: {  	[tilespmem:s15], [sflag:$0x2] =	stream.indirect.gather [hbm4b:s5+s19], $0x200, s21, s19, $0xb8;
	[tilespmem:$0x1E180] =	vst v63  }
0x156: {  	_ = 	snop  }
0x157: {  	[tilespmem:s22], [sflag:$0x5] =	stream.indirect.gather [hbm4b:s6+s19], $0x100, s18, s19, $0xb8;
	[tilespmem:$0x1E180] =	vst v63  }
0x158: {  	s21 =	simm.s32 $0x1A180  }
0x159: {  	[tilespmem:s21], [sflag:$0x5] =	stream.indirect.gather [hbm4b:s7+s19], $0x100, s23, s19, $0xb8;
	[tilespmem:$0x1E180] =	vst v63  }
0x15a: {  	_ =	swait.ge [sflag:s24], $0x4000  }
0x15b: {  	[sflag:s24] =	ssyncset.done $0x0  }
0x15c: {  	s29 =	rddreg [dreg:$0x10];
	[sflag:s24] =	ssyncadd.s32 $0xFFFFC000  }
0x15d: {  	[hbm4b:s29+s14] =	stream.linear.scatter [tilespmem:s16], [sflag:$0x7], $0x4000, $0x38;
	[tilespmem:$0x1E180] =	vst v63  }
0x15e: {  	_ =	swait.ge [sflag:s25], $0x2000  }
0x15f: {  	[sflag:s25] =	ssyncset.done $0x0  }
0x160: {  	[sflag:s25] =	ssyncadd.s32 $0xFFFFE000  }
0x161: {  	_ =	swait.ge [sflag:s25], $0x2000  }
0x162: {  	[sflag:s25] =	ssyncset.done $0x0  }
0x163: {  	s9 =	simm.s32 $0x0;
	s10 =	simm.s32 $0x400;
	[sflag:s25] =	ssyncadd.s32 $0xFFFFE000  }
.LBB2_8:
0x164: {  	p0 =	sne.s32 s10, $0x7C00;
	v0 =	vld [tilespmem:s9+$0x18270]  }
0x165: {  	v1 =	vld [tilespmem:s9+$0x18180]  }
0x166: {  	v2 =	vld [tilespmem:s9+$0x18190]  }
0x167: {  	v3 =	vld [tilespmem:s9+$0x181A0]  }
0x168: {  	v4 =	vld [tilespmem:s9+$0x181B0]  }
0x169: {  	[tilespmem:s9+$0x12270] =	vst.add.f32.msk $0xffff, v0  }
0x16a: {  	v0 =	vld [tilespmem:s9+$0x181C0]  }
0x16b: {  	v5 =	vld [tilespmem:s9+$0x181D0]  }
0x16c: {  	v6 =	vld [tilespmem:s9+$0x181E0]  }
0x16d: {  	v7 =	vld [tilespmem:s9+$0x181F0]  }
0x16e: {  	v8 =	vld [tilespmem:s9+$0x18200]  }
0x16f: {  	v9 =	vld [tilespmem:s9+$0x18210]  }
0x170: {  	v10 =	vld [tilespmem:s9+$0x18220]  }
0x171: {  	v11 =	vld [tilespmem:s9+$0x18230]  }
0x172: {  	v12 =	vld [tilespmem:s9+$0x18240]  }
0x173: {  	v13 =	vld [tilespmem:s9+$0x18250]  }
0x174: {  	v14 =	vld [tilespmem:s9+$0x18260]  }
0x175: {  	[tilespmem:s9+$0x12180] =	vst.add.f32.msk $0xffff, v1  }
0x176: {  	[tilespmem:s9+$0x12190] =	vst.add.f32.msk $0xffff, v2  }
0x177: {  	[tilespmem:s9+$0x121A0] =	vst.add.f32.msk $0xffff, v3  }
0x178: {  	[tilespmem:s9+$0x121B0] =	vst.add.f32.msk $0xffff, v4  }
0x179: {  	[tilespmem:s9+$0x121C0] =	vst.add.f32.msk $0xffff, v0  }
0x17a: {  	[tilespmem:s9+$0x121D0] =	vst.add.f32.msk $0xffff, v5  }
0x17b: {  	[tilespmem:s9+$0x121E0] =	vst.add.f32.msk $0xffff, v6  }
0x17c: {  	[tilespmem:s9+$0x121F0] =	vst.add.f32.msk $0xffff, v7  }
0x17d: {  	[tilespmem:s9+$0x12200] =	vst.add.f32.msk $0xffff, v8  }
0x17e: {  	[tilespmem:s9+$0x12210] =	vst.add.f32.msk $0xffff, v9  }
.Ltmp3:
0x17f: {  	[tilespmem:s9+$0x12220] =	vst.add.f32.msk $0xffff, v10;
	(pc) =	sbr.rel @p0 .LBB2_8-.Ltmp3, $4  }
0x180: {  	[tilespmem:s9+$0x12230] =	vst.add.f32.msk $0xffff, v11  }
0x181: {  	[tilespmem:s9+$0x12240] =	vst.add.f32.msk $0xffff, v12  }
0x182: {  	[tilespmem:s9+$0x12250] =	vst.add.f32.msk $0xffff, v13  }
0x183: {  	[tilespmem:s9+$0x12260] =	vst.add.f32.msk $0xffff, v14;
	s9 =	sshra.s32 s10, $0x2;
	s10 =	sadd.s32 $0x400, s10  }
0x184: {  	v0 =	vld [tilespmem:s9+$0x18270]  }
0x185: {  	v1 =	vld [tilespmem:s9+$0x18180]  }
0x186: {  	v2 =	vld [tilespmem:s9+$0x18190]  }
0x187: {  	v3 =	vld [tilespmem:s9+$0x181A0]  }
0x188: {  	v4 =	vld [tilespmem:s9+$0x181B0]  }
0x189: {  	v63 =	vld [tilespmem:s9+$0x181C0]  }
0x18a: {  	v5 =	vld [tilespmem:s9+$0x181D0]  }
0x18b: {  	v6 =	vld [tilespmem:s9+$0x181E0]  }
0x18c: {  	v7 =	vld [tilespmem:s9+$0x181F0]  }
0x18d: {  	v8 =	vld [tilespmem:s9+$0x18200]  }
0x18e: {  	v9 =	vld [tilespmem:s9+$0x18210]  }
0x18f: {  	v10 =	vld [tilespmem:s9+$0x18220]  }
0x190: {  	v11 =	vld [tilespmem:s9+$0x18230]  }
0x191: {  	v12 =	vld [tilespmem:s9+$0x18240]  }
0x192: {  	v13 =	vld [tilespmem:s9+$0x18250]  }
0x193: {  	v14 =	vld [tilespmem:s9+$0x18260]  }
0x194: {  	[tilespmem:s9+$0x12270] =	vst.add.f32.msk $0xffff, v0  }
0x195: {  	[tilespmem:s9+$0x12180] =	vst.add.f32.msk $0xffff, v1  }
0x196: {  	[tilespmem:s9+$0x12190] =	vst.add.f32.msk $0xffff, v2  }
0x197: {  	[tilespmem:s9+$0x121A0] =	vst.add.f32.msk $0xffff, v3  }
0x198: {  	[tilespmem:s9+$0x121B0] =	vst.add.f32.msk $0xffff, v4  }
0x199: {  	[tilespmem:s9+$0x121C0] =	vst.add.f32.msk $0xffff, v63  }
0x19a: {  	[tilespmem:s9+$0x121D0] =	vst.add.f32.msk $0xffff, v5  }
0x19b: {  	[tilespmem:s9+$0x121E0] =	vst.add.f32.msk $0xffff, v6  }
0x19c: {  	[tilespmem:s9+$0x121F0] =	vst.add.f32.msk $0xffff, v7  }
0x19d: {  	[tilespmem:s9+$0x12200] =	vst.add.f32.msk $0xffff, v8  }
0x19e: {  	[tilespmem:s9+$0x12210] =	vst.add.f32.msk $0xffff, v9  }
0x19f: {  	[tilespmem:s9+$0x12220] =	vst.add.f32.msk $0xffff, v10  }
0x1a0: {  	[tilespmem:s9+$0x12230] =	vst.add.f32.msk $0xffff, v11  }
0x1a1: {  	[tilespmem:s9+$0x12240] =	vst.add.f32.msk $0xffff, v12  }
0x1a2: {  	[tilespmem:s9+$0x12250] =	vst.add.f32.msk $0xffff, v13  }
0x1a3: {  	s14 =	simm.s32 $0x0;
	s10 =	rddreg [dreg:$0x11];
	[tilespmem:s9+$0x12260] =	vst.add.f32.msk $0xffff, v14  }
0x1a4: {  	[hbm4b:s10+s14] =	stream.linear.scatter [tilespmem:s17], [sflag:$0x7], $0x2000, $0x38;
	[tilespmem:$0x1E180] =	vst v63  }
0x1a5: {  	_ =	swait.ge [sflag:s20], $0x4000  }
0x1a6: {  	[sflag:s20] =	ssyncset.done $0x0  }
0x1a7: {  	[sflag:s20] =	ssyncadd.s32 $0xFFFFC000  }
0x1a8: {  	_ =	swait.ge [sflag:s20], $0x2000  }
0x1a9: {  	[sflag:s20] =	ssyncset.done $0x0  }
0x1aa: {  	s18 =	simm.s32 $0x21A0;
	[sflag:s20] =	ssyncadd.s32 $0xFFFFE000  }
0x1ab: {  	[tilespmem:s26], [sflag:$0x3] =	stream.indirect.gather [hbm4b:s5+s19], $0x200, s18, s19, $0xb8;
	[tilespmem:$0x1E180] =	vst v63  }
0x1ac: {  	s21 =	simm.s32 $0x1A0  }
0x1ad: {  	[tilespmem:s28], [sflag:$0x6] =	stream.indirect.gather [hbm4b:s6+s19], $0x100, s21, s19, $0xb8;
	[tilespmem:$0x1E180] =	vst v63  }
0x1ae: {  	s23 =	simm.s32 $0x1C180;
	s11 =	simm.s32 $0x41A0  }
0x1af: {  	[tilespmem:s23], [sflag:$0x6] =	stream.indirect.gather [hbm4b:s7+s19], $0x100, s11, s19, $0xb8;
	[tilespmem:$0x1E180] =	vst v63  }
0x1b0: {  	_ =	swait.ge [sflag:s30], $0x4000  }
0x1b1: {  	[sflag:s30] =	ssyncset.done $0x0  }
0x1b2: {  	s29 =	rddreg [dreg:$0x12];
	[sflag:s30] =	ssyncadd.s32 $0xFFFFC000  }
0x1b3: {  	[hbm4b:s29+s14] =	stream.linear.scatter [tilespmem:s15], [sflag:$0x8], $0x4000, $0x38;
	[tilespmem:$0x1E180] =	vst v63  }
0x1b4: {  	_ =	swait.ge [sflag:s31], $0x2000  }
0x1b5: {  	[sflag:s31] =	ssyncset.done $0x0  }
0x1b6: {  	[sflag:s31] =	ssyncadd.s32 $0xFFFFE000  }
0x1b7: {  	_ =	swait.ge [sflag:s31], $0x2000  }
0x1b8: {  	[sflag:s31] =	ssyncset.done $0x0  }
0x1b9: {  	s9 =	simm.s32 $0x0;
	s10 =	simm.s32 $0x400;
	[sflag:s31] =	ssyncadd.s32 $0xFFFFE000  }
.LBB2_10:
0x1ba: {  	p0 =	sne.s32 s10, $0x7C00;
	v0 =	vld [tilespmem:s9+$0x1A270]  }
0x1bb: {  	v1 =	vld [tilespmem:s9+$0x1A180]  }
0x1bc: {  	v2 =	vld [tilespmem:s9+$0x1A190]  }
0x1bd: {  	v3 =	vld [tilespmem:s9+$0x1A1A0]  }
0x1be: {  	v4 =	vld [tilespmem:s9+$0x1A1B0]  }
0x1bf: {  	[tilespmem:s9+$0x14270] =	vst.add.f32.msk $0xffff, v0  }
0x1c0: {  	v0 =	vld [tilespmem:s9+$0x1A1C0]  }
0x1c1: {  	v5 =	vld [tilespmem:s9+$0x1A1D0]  }
0x1c2: {  	v6 =	vld [tilespmem:s9+$0x1A1E0]  }
0x1c3: {  	v7 =	vld [tilespmem:s9+$0x1A1F0]  }
0x1c4: {  	v8 =	vld [tilespmem:s9+$0x1A200]  }
0x1c5: {  	v9 =	vld [tilespmem:s9+$0x1A210]  }
0x1c6: {  	v10 =	vld [tilespmem:s9+$0x1A220]  }
0x1c7: {  	v11 =	vld [tilespmem:s9+$0x1A230]  }
0x1c8: {  	v12 =	vld [tilespmem:s9+$0x1A240]  }
0x1c9: {  	v13 =	vld [tilespmem:s9+$0x1A250]  }
0x1ca: {  	v14 =	vld [tilespmem:s9+$0x1A260]  }
0x1cb: {  	[tilespmem:s9+$0x14180] =	vst.add.f32.msk $0xffff, v1  }
0x1cc: {  	[tilespmem:s9+$0x14190] =	vst.add.f32.msk $0xffff, v2  }
0x1cd: {  	[tilespmem:s9+$0x141A0] =	vst.add.f32.msk $0xffff, v3  }
0x1ce: {  	[tilespmem:s9+$0x141B0] =	vst.add.f32.msk $0xffff, v4  }
0x1cf: {  	[tilespmem:s9+$0x141C0] =	vst.add.f32.msk $0xffff, v0  }
0x1d0: {  	[tilespmem:s9+$0x141D0] =	vst.add.f32.msk $0xffff, v5  }
0x1d1: {  	[tilespmem:s9+$0x141E0] =	vst.add.f32.msk $0xffff, v6  }
0x1d2: {  	[tilespmem:s9+$0x141F0] =	vst.add.f32.msk $0xffff, v7  }
0x1d3: {  	[tilespmem:s9+$0x14200] =	vst.add.f32.msk $0xffff, v8  }
0x1d4: {  	[tilespmem:s9+$0x14210] =	vst.add.f32.msk $0xffff, v9  }
.Ltmp4:
0x1d5: {  	[tilespmem:s9+$0x14220] =	vst.add.f32.msk $0xffff, v10;
	(pc) =	sbr.rel @p0 .LBB2_10-.Ltmp4, $4  }
0x1d6: {  	[tilespmem:s9+$0x14230] =	vst.add.f32.msk $0xffff, v11  }
0x1d7: {  	[tilespmem:s9+$0x14240] =	vst.add.f32.msk $0xffff, v12  }
0x1d8: {  	[tilespmem:s9+$0x14250] =	vst.add.f32.msk $0xffff, v13  }
0x1d9: {  	[tilespmem:s9+$0x14260] =	vst.add.f32.msk $0xffff, v14;
	s9 =	sshra.s32 s10, $0x2;
	s10 =	sadd.s32 $0x400, s10  }
0x1da: {  	v0 =	vld [tilespmem:s9+$0x1A270]  }
0x1db: {  	v1 =	vld [tilespmem:s9+$0x1A180]  }
0x1dc: {  	v2 =	vld [tilespmem:s9+$0x1A190]  }
0x1dd: {  	v3 =	vld [tilespmem:s9+$0x1A1A0]  }
0x1de: {  	v4 =	vld [tilespmem:s9+$0x1A1B0]  }
0x1df: {  	v63 =	vld [tilespmem:s9+$0x1A1C0]  }
0x1e0: {  	v5 =	vld [tilespmem:s9+$0x1A1D0]  }
0x1e1: {  	v6 =	vld [tilespmem:s9+$0x1A1E0]  }
0x1e2: {  	v7 =	vld [tilespmem:s9+$0x1A1F0]  }
0x1e3: {  	v8 =	vld [tilespmem:s9+$0x1A200]  }
0x1e4: {  	v9 =	vld [tilespmem:s9+$0x1A210]  }
0x1e5: {  	v10 =	vld [tilespmem:s9+$0x1A220]  }
0x1e6: {  	v11 =	vld [tilespmem:s9+$0x1A230]  }
0x1e7: {  	v12 =	vld [tilespmem:s9+$0x1A240]  }
0x1e8: {  	v13 =	vld [tilespmem:s9+$0x1A250]  }
0x1e9: {  	v14 =	vld [tilespmem:s9+$0x1A260]  }
0x1ea: {  	[tilespmem:s9+$0x14270] =	vst.add.f32.msk $0xffff, v0  }
0x1eb: {  	[tilespmem:s9+$0x14180] =	vst.add.f32.msk $0xffff, v1  }
0x1ec: {  	[tilespmem:s9+$0x14190] =	vst.add.f32.msk $0xffff, v2  }
0x1ed: {  	[tilespmem:s9+$0x141A0] =	vst.add.f32.msk $0xffff, v3  }
0x1ee: {  	[tilespmem:s9+$0x141B0] =	vst.add.f32.msk $0xffff, v4  }
0x1ef: {  	[tilespmem:s9+$0x141C0] =	vst.add.f32.msk $0xffff, v63  }
0x1f0: {  	[tilespmem:s9+$0x141D0] =	vst.add.f32.msk $0xffff, v5  }
0x1f1: {  	[tilespmem:s9+$0x141E0] =	vst.add.f32.msk $0xffff, v6  }
0x1f2: {  	[tilespmem:s9+$0x141F0] =	vst.add.f32.msk $0xffff, v7  }
0x1f3: {  	[tilespmem:s9+$0x14200] =	vst.add.f32.msk $0xffff, v8  }
0x1f4: {  	[tilespmem:s9+$0x14210] =	vst.add.f32.msk $0xffff, v9  }
0x1f5: {  	[tilespmem:s9+$0x14220] =	vst.add.f32.msk $0xffff, v10  }
0x1f6: {  	[tilespmem:s9+$0x14230] =	vst.add.f32.msk $0xffff, v11  }
0x1f7: {  	[tilespmem:s9+$0x14240] =	vst.add.f32.msk $0xffff, v12  }
0x1f8: {  	[tilespmem:s9+$0x14250] =	vst.add.f32.msk $0xffff, v13  }
0x1f9: {  	s14 =	simm.s32 $0x0;
	s10 =	rddreg [dreg:$0x13];
	[tilespmem:s9+$0x14260] =	vst.add.f32.msk $0xffff, v14  }
0x1fa: {  	[hbm4b:s10+s14] =	stream.linear.scatter [tilespmem:s22], [sflag:$0x8], $0x2000, $0x38;
	[tilespmem:$0x1E180] =	vst v63  }
0x1fb: {  	_ =	swait.ge [sflag:s0], $0x4000  }
0x1fc: {  	[sflag:s0] =	ssyncset.done $0x0  }
0x1fd: {  	[sflag:s0] =	ssyncadd.s32 $0xFFFFC000  }
0x1fe: {  	_ =	swait.ge [sflag:s0], $0x2000  }
0x1ff: {  	[sflag:s0] =	ssyncset.done $0x0  }
0x200: {  	s18 =	simm.s32 $0x21C0;
	[sflag:s0] =	ssyncadd.s32 $0xFFFFE000  }
0x201: {  	[tilespmem:s16], [sflag:$0x1] =	stream.indirect.gather [hbm4b:s5+s19], $0x200, s18, s19, $0xb8;
	[tilespmem:$0x1E180] =	vst v63  }
0x202: {  	s21 =	simm.s32 $0x1C0  }
0x203: {  	[tilespmem:s17], [sflag:$0x4] =	stream.indirect.gather [hbm4b:s6+s19], $0x100, s21, s19, $0xb8;
	[tilespmem:$0x1E180] =	vst v63  }
0x204: {  	s23 =	simm.s32 $0x18180;
	s11 =	simm.s32 $0x41C0  }
0x205: {  	[tilespmem:s23], [sflag:$0x4] =	stream.indirect.gather [hbm4b:s7+s19], $0x100, s11, s19, $0xb8;
	[tilespmem:$0x1E180] =	vst v63  }
0x206: {  	_ =	swait.ge [sflag:s4], $0x4000  }
0x207: {  	[sflag:s4] =	ssyncset.done $0x0  }
0x208: {  	s29 =	rddreg [dreg:$0x1f];
	[sflag:s4] =	ssyncadd.s32 $0xFFFFC000  }
0x209: {  	[hbm4b:s29+s14] =	stream.linear.scatter [tilespmem:s26], [sflag:$0x9], $0x4000, $0x38;
	[tilespmem:$0x1E180] =	vst v63  }
0x20a: {  	_ =	swait.ge [sflag:s12], $0x2000  }
0x20b: {  	[sflag:s12] =	ssyncset.done $0x0  }
0x20c: {  	[sflag:s12] =	ssyncadd.s32 $0xFFFFE000  }
0x20d: {  	_ =	swait.ge [sflag:s12], $0x2000  }
0x20e: {  	[sflag:s12] =	ssyncset.done $0x0  }
0x20f: {  	s9 =	simm.s32 $0x0;
	s10 =	simm.s32 $0x400;
	[sflag:s12] =	ssyncadd.s32 $0xFFFFE000  }
.LBB2_12:
0x210: {  	p0 =	sne.s32 s10, $0x7C00;
	v0 =	vld [tilespmem:s9+$0x1C270]  }
0x211: {  	v1 =	vld [tilespmem:s9+$0x1C180]  }
0x212: {  	v2 =	vld [tilespmem:s9+$0x1C190]  }
0x213: {  	v3 =	vld [tilespmem:s9+$0x1C1A0]  }
0x214: {  	v4 =	vld [tilespmem:s9+$0x1C1B0]  }
0x215: {  	[tilespmem:s9+$0x16270] =	vst.add.f32.msk $0xffff, v0  }
0x216: {  	v0 =	vld [tilespmem:s9+$0x1C1C0]  }
0x217: {  	v5 =	vld [tilespmem:s9+$0x1C1D0]  }
0x218: {  	v6 =	vld [tilespmem:s9+$0x1C1E0]  }
0x219: {  	v7 =	vld [tilespmem:s9+$0x1C1F0]  }
0x21a: {  	v8 =	vld [tilespmem:s9+$0x1C200]  }
0x21b: {  	v9 =	vld [tilespmem:s9+$0x1C210]  }
0x21c: {  	v10 =	vld [tilespmem:s9+$0x1C220]  }
0x21d: {  	v11 =	vld [tilespmem:s9+$0x1C230]  }
0x21e: {  	v12 =	vld [tilespmem:s9+$0x1C240]  }
0x21f: {  	v13 =	vld [tilespmem:s9+$0x1C250]  }
0x220: {  	v14 =	vld [tilespmem:s9+$0x1C260]  }
0x221: {  	[tilespmem:s9+$0x16180] =	vst.add.f32.msk $0xffff, v1  }
0x222: {  	[tilespmem:s9+$0x16190] =	vst.add.f32.msk $0xffff, v2  }
0x223: {  	[tilespmem:s9+$0x161A0] =	vst.add.f32.msk $0xffff, v3  }
0x224: {  	[tilespmem:s9+$0x161B0] =	vst.add.f32.msk $0xffff, v4  }
0x225: {  	[tilespmem:s9+$0x161C0] =	vst.add.f32.msk $0xffff, v0  }
0x226: {  	[tilespmem:s9+$0x161D0] =	vst.add.f32.msk $0xffff, v5  }
0x227: {  	[tilespmem:s9+$0x161E0] =	vst.add.f32.msk $0xffff, v6  }
0x228: {  	[tilespmem:s9+$0x161F0] =	vst.add.f32.msk $0xffff, v7  }
0x229: {  	[tilespmem:s9+$0x16200] =	vst.add.f32.msk $0xffff, v8  }
0x22a: {  	[tilespmem:s9+$0x16210] =	vst.add.f32.msk $0xffff, v9  }
.Ltmp5:
0x22b: {  	[tilespmem:s9+$0x16220] =	vst.add.f32.msk $0xffff, v10;
	(pc) =	sbr.rel @p0 .LBB2_12-.Ltmp5, $4  }
0x22c: {  	[tilespmem:s9+$0x16230] =	vst.add.f32.msk $0xffff, v11  }
0x22d: {  	[tilespmem:s9+$0x16240] =	vst.add.f32.msk $0xffff, v12  }
0x22e: {  	[tilespmem:s9+$0x16250] =	vst.add.f32.msk $0xffff, v13  }
0x22f: {  	[tilespmem:s9+$0x16260] =	vst.add.f32.msk $0xffff, v14;
	s9 =	sshra.s32 s10, $0x2;
	s10 =	sadd.s32 $0x400, s10  }
0x230: {  	v0 =	vld [tilespmem:s9+$0x1C270]  }
0x231: {  	v1 =	vld [tilespmem:s9+$0x1C180]  }
0x232: {  	v2 =	vld [tilespmem:s9+$0x1C190]  }
0x233: {  	v3 =	vld [tilespmem:s9+$0x1C1A0]  }
0x234: {  	v4 =	vld [tilespmem:s9+$0x1C1B0]  }
0x235: {  	v63 =	vld [tilespmem:s9+$0x1C1C0]  }
0x236: {  	v5 =	vld [tilespmem:s9+$0x1C1D0]  }
0x237: {  	v6 =	vld [tilespmem:s9+$0x1C1E0]  }
0x238: {  	v7 =	vld [tilespmem:s9+$0x1C1F0]  }
0x239: {  	v8 =	vld [tilespmem:s9+$0x1C200]  }
0x23a: {  	v9 =	vld [tilespmem:s9+$0x1C210]  }
0x23b: {  	v10 =	vld [tilespmem:s9+$0x1C220]  }
0x23c: {  	v11 =	vld [tilespmem:s9+$0x1C230]  }
0x23d: {  	v12 =	vld [tilespmem:s9+$0x1C240]  }
0x23e: {  	v13 =	vld [tilespmem:s9+$0x1C250]  }
0x23f: {  	v14 =	vld [tilespmem:s9+$0x1C260]  }
0x240: {  	[tilespmem:s9+$0x16270] =	vst.add.f32.msk $0xffff, v0  }
0x241: {  	[tilespmem:s9+$0x16180] =	vst.add.f32.msk $0xffff, v1  }
0x242: {  	[tilespmem:s9+$0x16190] =	vst.add.f32.msk $0xffff, v2  }
0x243: {  	[tilespmem:s9+$0x161A0] =	vst.add.f32.msk $0xffff, v3  }
0x244: {  	[tilespmem:s9+$0x161B0] =	vst.add.f32.msk $0xffff, v4  }
0x245: {  	[tilespmem:s9+$0x161C0] =	vst.add.f32.msk $0xffff, v63  }
0x246: {  	[tilespmem:s9+$0x161D0] =	vst.add.f32.msk $0xffff, v5  }
0x247: {  	[tilespmem:s9+$0x161E0] =	vst.add.f32.msk $0xffff, v6  }
0x248: {  	[tilespmem:s9+$0x161F0] =	vst.add.f32.msk $0xffff, v7  }
0x249: {  	[tilespmem:s9+$0x16200] =	vst.add.f32.msk $0xffff, v8  }
0x24a: {  	[tilespmem:s9+$0x16210] =	vst.add.f32.msk $0xffff, v9  }
0x24b: {  	[tilespmem:s9+$0x16220] =	vst.add.f32.msk $0xffff, v10  }
0x24c: {  	[tilespmem:s9+$0x16230] =	vst.add.f32.msk $0xffff, v11  }
0x24d: {  	s10 =	sld [smem:$0x7FD];
	[tilespmem:s9+$0x16240] =	vst.add.f32.msk $0xffff, v12  }
0x24e: {  	[tilespmem:s9+$0x16250] =	vst.add.f32.msk $0xffff, v13  }
0x24f: {  	[tilespmem:s9+$0x16260] =	vst.add.f32.msk $0xffff, v14;
	s9 =	simm.s32 $0x0  }
0x250: {  	[hbm4b:s10+s9] =	stream.linear.scatter [tilespmem:s28], [sflag:$0x9], $0x2000, $0x38;
	[tilespmem:$0x1E180] =	vst v63  }
0x251: {  	_ =	swait.ge [sflag:s13], $0x4000  }
0x252: {  	[sflag:s13] =	ssyncset.done $0x0  }
0x253: {  	[sflag:s13] =	ssyncadd.s32 $0xFFFFC000  }
0x254: {  	_ =	swait.ge [sflag:s13], $0x2000  }
0x255: {  	[sflag:s13] =	ssyncset.done $0x0  }
0x256: {  	s21 =	simm.s32 $0x21E0;
	[sflag:s13] =	ssyncadd.s32 $0xFFFFE000  }
0x257: {  	[tilespmem:s15], [sflag:$0x2] =	stream.indirect.gather [hbm4b:s5+s19], $0x200, s21, s19, $0xb8;
	[tilespmem:$0x1E180] =	vst v63  }
0x258: {  	s23 =	simm.s32 $0x1E0  }
0x259: {  	[tilespmem:s22], [sflag:$0x5] =	stream.indirect.gather [hbm4b:s6+s19], $0x100, s23, s19, $0xb8;
	[tilespmem:$0x1E180] =	vst v63  }
0x25a: {  	s29 =	simm.s32 $0x1A180;
	s11 =	simm.s32 $0x41E0;
	s10 =	simm.s32 $0x0  }
0x25b: {  	[tilespmem:s29], [sflag:$0x5] =	stream.indirect.gather [hbm4b:s7+s19], $0x100, s11, s19, $0xb8;
	[tilespmem:$0x1E180] =	vst v63  }
.LBB2_14:
0x25c: {  	s11 =	smul.u32 $0x60, s10;
	_ =	sdelay $0x1  }
0x25d: {  	s14 =	sadd.s32 $0x40, s11  }
0x25e: {  	s18 =	sshrl.u32 s14, $0xC;
	s21 =	sand.u32 $0xFE0, s14  }
0x25f: {  	_ =	swait.ge [sflag:s24], $0x4000;
	s14 =	sadd.s32 s8, s18;
	s18 =	sshll.u32 s21, $0x6  }
0x260: {  	[sflag:s24] =	ssyncset.done $0x0;
	s23 =	sshll.u32 s14, $0x12;
	s18 =	sadd.s32 s2, s18  }
0x261: {  	[sflag:s24] =	ssyncadd.s32 $0xFFFFC000;
	s18 =	sadd.s32 s23, s18  }
0x262: {  	[hbm4b:s18+s9] =	stream.linear.scatter [tilespmem:s16], [sflag:$0x7], $0x4000, $0x38;
	[tilespmem:$0x1E180] =	vst v63  }
0x263: {  	_ =	swait.ge [sflag:s25], $0x2000  }
0x264: {  	[sflag:s25] =	ssyncset.done $0x0  }
0x265: {  	[sflag:s25] =	ssyncadd.s32 $0xFFFFE000  }
0x266: {  	_ =	swait.ge [sflag:s25], $0x2000  }
0x267: {  	[sflag:s25] =	ssyncset.done $0x0  }
0x268: {  	s29 =	simm.s32 $0x0;
	s18 =	simm.s32 $0x400;
	[sflag:s25] =	ssyncadd.s32 $0xFFFFE000  }
.LBB2_15:
0x269: {  	p0 =	sne.s32 s18, $0x7C00;
	v0 =	vld [tilespmem:s29+$0x18270]  }
0x26a: {  	v1 =	vld [tilespmem:s29+$0x18180]  }
0x26b: {  	v2 =	vld [tilespmem:s29+$0x18190]  }
0x26c: {  	v3 =	vld [tilespmem:s29+$0x181A0]  }
0x26d: {  	v4 =	vld [tilespmem:s29+$0x181B0]  }
0x26e: {  	[tilespmem:s29+$0x12270] =	vst.add.f32.msk $0xffff, v0  }
0x26f: {  	v0 =	vld [tilespmem:s29+$0x181C0]  }
0x270: {  	v5 =	vld [tilespmem:s29+$0x181D0]  }
0x271: {  	v6 =	vld [tilespmem:s29+$0x181E0]  }
0x272: {  	v7 =	vld [tilespmem:s29+$0x181F0]  }
0x273: {  	v8 =	vld [tilespmem:s29+$0x18200]  }
0x274: {  	v9 =	vld [tilespmem:s29+$0x18210]  }
0x275: {  	v10 =	vld [tilespmem:s29+$0x18220]  }
0x276: {  	v11 =	vld [tilespmem:s29+$0x18230]  }
0x277: {  	v12 =	vld [tilespmem:s29+$0x18240]  }
0x278: {  	v13 =	vld [tilespmem:s29+$0x18250]  }
0x279: {  	v14 =	vld [tilespmem:s29+$0x18260]  }
0x27a: {  	[tilespmem:s29+$0x12180] =	vst.add.f32.msk $0xffff, v1  }
0x27b: {  	[tilespmem:s29+$0x12190] =	vst.add.f32.msk $0xffff, v2  }
0x27c: {  	[tilespmem:s29+$0x121A0] =	vst.add.f32.msk $0xffff, v3  }
0x27d: {  	[tilespmem:s29+$0x121B0] =	vst.add.f32.msk $0xffff, v4  }
0x27e: {  	[tilespmem:s29+$0x121C0] =	vst.add.f32.msk $0xffff, v0  }
0x27f: {  	[tilespmem:s29+$0x121D0] =	vst.add.f32.msk $0xffff, v5  }
0x280: {  	[tilespmem:s29+$0x121E0] =	vst.add.f32.msk $0xffff, v6  }
0x281: {  	[tilespmem:s29+$0x121F0] =	vst.add.f32.msk $0xffff, v7  }
0x282: {  	[tilespmem:s29+$0x12200] =	vst.add.f32.msk $0xffff, v8  }
0x283: {  	[tilespmem:s29+$0x12210] =	vst.add.f32.msk $0xffff, v9  }
.Ltmp6:
0x284: {  	[tilespmem:s29+$0x12220] =	vst.add.f32.msk $0xffff, v10;
	(pc) =	sbr.rel @p0 .LBB2_15-.Ltmp6, $4  }
0x285: {  	[tilespmem:s29+$0x12230] =	vst.add.f32.msk $0xffff, v11  }
0x286: {  	[tilespmem:s29+$0x12240] =	vst.add.f32.msk $0xffff, v12  }
0x287: {  	[tilespmem:s29+$0x12250] =	vst.add.f32.msk $0xffff, v13  }
0x288: {  	[tilespmem:s29+$0x12260] =	vst.add.f32.msk $0xffff, v14;
	s29 =	sshra.s32 s18, $0x2;
	s18 =	sadd.s32 $0x400, s18  }
0x289: {  	v0 =	vld [tilespmem:s29+$0x18270]  }
0x28a: {  	v1 =	vld [tilespmem:s29+$0x18180]  }
0x28b: {  	v2 =	vld [tilespmem:s29+$0x18190]  }
0x28c: {  	v3 =	vld [tilespmem:s29+$0x181A0]  }
0x28d: {  	v4 =	vld [tilespmem:s29+$0x181B0]  }
0x28e: {  	v63 =	vld [tilespmem:s29+$0x181C0]  }
0x28f: {  	v5 =	vld [tilespmem:s29+$0x181D0]  }
0x290: {  	v6 =	vld [tilespmem:s29+$0x181E0]  }
0x291: {  	v7 =	vld [tilespmem:s29+$0x181F0]  }
0x292: {  	v8 =	vld [tilespmem:s29+$0x18200]  }
0x293: {  	v9 =	vld [tilespmem:s29+$0x18210]  }
0x294: {  	v10 =	vld [tilespmem:s29+$0x18220]  }
0x295: {  	v11 =	vld [tilespmem:s29+$0x18230]  }
0x296: {  	v12 =	vld [tilespmem:s29+$0x18240]  }
0x297: {  	v13 =	vld [tilespmem:s29+$0x18250]  }
0x298: {  	v14 =	vld [tilespmem:s29+$0x18260]  }
0x299: {  	[tilespmem:s29+$0x12270] =	vst.add.f32.msk $0xffff, v0  }
0x29a: {  	[tilespmem:s29+$0x12180] =	vst.add.f32.msk $0xffff, v1  }
0x29b: {  	[tilespmem:s29+$0x12190] =	vst.add.f32.msk $0xffff, v2  }
0x29c: {  	[tilespmem:s29+$0x121A0] =	vst.add.f32.msk $0xffff, v3  }
0x29d: {  	[tilespmem:s29+$0x121B0] =	vst.add.f32.msk $0xffff, v4  }
0x29e: {  	[tilespmem:s29+$0x121C0] =	vst.add.f32.msk $0xffff, v63  }
0x29f: {  	[tilespmem:s29+$0x121D0] =	vst.add.f32.msk $0xffff, v5  }
0x2a0: {  	[tilespmem:s29+$0x121E0] =	vst.add.f32.msk $0xffff, v6  }
0x2a1: {  	[tilespmem:s29+$0x121F0] =	vst.add.f32.msk $0xffff, v7  }
0x2a2: {  	[tilespmem:s29+$0x12200] =	vst.add.f32.msk $0xffff, v8  }
0x2a3: {  	[tilespmem:s29+$0x12210] =	vst.add.f32.msk $0xffff, v9  }
0x2a4: {  	[tilespmem:s29+$0x12220] =	vst.add.f32.msk $0xffff, v10  }
0x2a5: {  	[tilespmem:s29+$0x12230] =	vst.add.f32.msk $0xffff, v11  }
0x2a6: {  	s18 =	sshll.u32 s21, $0x5;
	[tilespmem:s29+$0x12240] =	vst.add.f32.msk $0xffff, v12  }
0x2a7: {  	s14 =	sshll.u32 s14, $0x11;
	s18 =	sadd.s32 s1, s18;
	[tilespmem:s29+$0x12250] =	vst.add.f32.msk $0xffff, v13  }
0x2a8: {  	s14 =	sadd.s32 s14, s18;
	s18 =	simm.s32 $0x0;
	[tilespmem:s29+$0x12260] =	vst.add.f32.msk $0xffff, v14  }
0x2a9: {  	[hbm4b:s14+s18] =	stream.linear.scatter [tilespmem:s17], [sflag:$0x7], $0x2000, $0x38;
	[tilespmem:$0x1E180] =	vst v63  }
0x2aa: {  	_ =	swait.ge [sflag:s20], $0x4000  }
0x2ab: {  	[sflag:s20] =	ssyncset.done $0x0  }
0x2ac: {  	[sflag:s20] =	ssyncadd.s32 $0xFFFFC000  }
0x2ad: {  	_ =	swait.ge [sflag:s20], $0x2000  }
0x2ae: {  	[sflag:s20] =	ssyncset.done $0x0  }
0x2af: {  	s21 =	sadd.s32 $0x2200, s11;
	[sflag:s20] =	ssyncadd.s32 $0xFFFFE000  }
0x2b0: {  	[tilespmem:s26], [sflag:$0x3] =	stream.indirect.gather [hbm4b:s5+s19], $0x200, s21, s19, $0xb8;
	[tilespmem:$0x1E180] =	vst v63  }
0x2b1: {  	s23 =	sadd.s32 $0x200, s11  }
0x2b2: {  	[tilespmem:s28], [sflag:$0x6] =	stream.indirect.gather [hbm4b:s6+s19], $0x100, s23, s19, $0xb8;
	[tilespmem:$0x1E180] =	vst v63  }
0x2b3: {  	s21 =	sadd.s32 $0x4200, s11;
	s23 =	simm.s32 $0x1C180  }
0x2b4: {  	[tilespmem:s23], [sflag:$0x6] =	stream.indirect.gather [hbm4b:s7+s19], $0x100, s21, s19, $0xb8;
	[tilespmem:$0x1E180] =	vst v63  }
0x2b5: {  	s21 =	sadd.s32 $0x60, s11  }
0x2b6: {  	s23 =	sshrl.u32 s21, $0xC;
	s29 =	sand.u32 $0xFE0, s21  }
0x2b7: {  	_ =	swait.ge [sflag:s30], $0x4000;
	s14 =	sadd.s32 s8, s23;
	s21 =	sshll.u32 s29, $0x6  }
0x2b8: {  	[sflag:s30] =	ssyncset.done $0x0;
	s23 =	sshll.u32 s14, $0x12;
	s21 =	sadd.s32 s2, s21  }
0x2b9: {  	[sflag:s30] =	ssyncadd.s32 $0xFFFFC000;
	s21 =	sadd.s32 s23, s21  }
0x2ba: {  	[hbm4b:s21+s18] =	stream.linear.scatter [tilespmem:s15], [sflag:$0x8], $0x4000, $0x38;
	[tilespmem:$0x1E180] =	vst v63  }
0x2bb: {  	_ =	swait.ge [sflag:s31], $0x2000  }
0x2bc: {  	[sflag:s31] =	ssyncset.done $0x0  }
0x2bd: {  	[sflag:s31] =	ssyncadd.s32 $0xFFFFE000  }
0x2be: {  	_ =	swait.ge [sflag:s31], $0x2000  }
0x2bf: {  	s23 =	simm.s32 $0x400;
	[sflag:s31] =	ssyncset.done $0x0  }
0x2c0: {  	s21 =	sadd.s32 $0x80, s11;
	s18 =	simm.s32 $0x0;
	[sflag:s31] =	ssyncadd.s32 $0xFFFFE000  }
.LBB2_17:
0x2c1: {  	p0 =	sne.s32 s23, $0x7C00;
	v0 =	vld [tilespmem:s18+$0x1A270]  }
0x2c2: {  	v1 =	vld [tilespmem:s18+$0x1A180]  }
0x2c3: {  	v2 =	vld [tilespmem:s18+$0x1A190]  }
0x2c4: {  	v3 =	vld [tilespmem:s18+$0x1A1A0]  }
0x2c5: {  	v4 =	vld [tilespmem:s18+$0x1A1B0]  }
0x2c6: {  	[tilespmem:s18+$0x14270] =	vst.add.f32.msk $0xffff, v0  }
0x2c7: {  	v0 =	vld [tilespmem:s18+$0x1A1C0]  }
0x2c8: {  	v5 =	vld [tilespmem:s18+$0x1A1D0]  }
0x2c9: {  	v6 =	vld [tilespmem:s18+$0x1A1E0]  }
0x2ca: {  	v7 =	vld [tilespmem:s18+$0x1A1F0]  }
0x2cb: {  	v8 =	vld [tilespmem:s18+$0x1A200]  }
0x2cc: {  	v9 =	vld [tilespmem:s18+$0x1A210]  }
0x2cd: {  	v10 =	vld [tilespmem:s18+$0x1A220]  }
0x2ce: {  	v11 =	vld [tilespmem:s18+$0x1A230]  }
0x2cf: {  	v12 =	vld [tilespmem:s18+$0x1A240]  }
0x2d0: {  	v13 =	vld [tilespmem:s18+$0x1A250]  }
0x2d1: {  	v14 =	vld [tilespmem:s18+$0x1A260]  }
0x2d2: {  	[tilespmem:s18+$0x14180] =	vst.add.f32.msk $0xffff, v1  }
0x2d3: {  	[tilespmem:s18+$0x14190] =	vst.add.f32.msk $0xffff, v2  }
0x2d4: {  	[tilespmem:s18+$0x141A0] =	vst.add.f32.msk $0xffff, v3  }
0x2d5: {  	[tilespmem:s18+$0x141B0] =	vst.add.f32.msk $0xffff, v4  }
0x2d6: {  	[tilespmem:s18+$0x141C0] =	vst.add.f32.msk $0xffff, v0  }
0x2d7: {  	[tilespmem:s18+$0x141D0] =	vst.add.f32.msk $0xffff, v5  }
0x2d8: {  	[tilespmem:s18+$0x141E0] =	vst.add.f32.msk $0xffff, v6  }
0x2d9: {  	[tilespmem:s18+$0x141F0] =	vst.add.f32.msk $0xffff, v7  }
0x2da: {  	[tilespmem:s18+$0x14200] =	vst.add.f32.msk $0xffff, v8  }
0x2db: {  	[tilespmem:s18+$0x14210] =	vst.add.f32.msk $0xffff, v9  }
.Ltmp7:
0x2dc: {  	[tilespmem:s18+$0x14220] =	vst.add.f32.msk $0xffff, v10;
	(pc) =	sbr.rel @p0 .LBB2_17-.Ltmp7, $4  }
0x2dd: {  	[tilespmem:s18+$0x14230] =	vst.add.f32.msk $0xffff, v11  }
0x2de: {  	[tilespmem:s18+$0x14240] =	vst.add.f32.msk $0xffff, v12  }
0x2df: {  	[tilespmem:s18+$0x14250] =	vst.add.f32.msk $0xffff, v13  }
0x2e0: {  	[tilespmem:s18+$0x14260] =	vst.add.f32.msk $0xffff, v14;
	s18 =	sshra.s32 s23, $0x2;
	s23 =	sadd.s32 $0x400, s23  }
0x2e1: {  	v0 =	vld [tilespmem:s18+$0x1A270]  }
0x2e2: {  	v1 =	vld [tilespmem:s18+$0x1A180]  }
0x2e3: {  	v2 =	vld [tilespmem:s18+$0x1A190]  }
0x2e4: {  	v3 =	vld [tilespmem:s18+$0x1A1A0]  }
0x2e5: {  	v4 =	vld [tilespmem:s18+$0x1A1B0]  }
0x2e6: {  	v63 =	vld [tilespmem:s18+$0x1A1C0]  }
0x2e7: {  	v5 =	vld [tilespmem:s18+$0x1A1D0]  }
0x2e8: {  	v6 =	vld [tilespmem:s18+$0x1A1E0]  }
0x2e9: {  	v7 =	vld [tilespmem:s18+$0x1A1F0]  }
0x2ea: {  	v8 =	vld [tilespmem:s18+$0x1A200]  }
0x2eb: {  	v9 =	vld [tilespmem:s18+$0x1A210]  }
0x2ec: {  	v10 =	vld [tilespmem:s18+$0x1A220]  }
0x2ed: {  	v11 =	vld [tilespmem:s18+$0x1A230]  }
0x2ee: {  	v12 =	vld [tilespmem:s18+$0x1A240]  }
0x2ef: {  	v13 =	vld [tilespmem:s18+$0x1A250]  }
0x2f0: {  	v14 =	vld [tilespmem:s18+$0x1A260]  }
0x2f1: {  	[tilespmem:s18+$0x14270] =	vst.add.f32.msk $0xffff, v0  }
0x2f2: {  	[tilespmem:s18+$0x14180] =	vst.add.f32.msk $0xffff, v1  }
0x2f3: {  	[tilespmem:s18+$0x14190] =	vst.add.f32.msk $0xffff, v2  }
0x2f4: {  	[tilespmem:s18+$0x141A0] =	vst.add.f32.msk $0xffff, v3  }
0x2f5: {  	[tilespmem:s18+$0x141B0] =	vst.add.f32.msk $0xffff, v4  }
0x2f6: {  	[tilespmem:s18+$0x141C0] =	vst.add.f32.msk $0xffff, v63  }
0x2f7: {  	[tilespmem:s18+$0x141D0] =	vst.add.f32.msk $0xffff, v5  }
0x2f8: {  	[tilespmem:s18+$0x141E0] =	vst.add.f32.msk $0xffff, v6  }
0x2f9: {  	[tilespmem:s18+$0x141F0] =	vst.add.f32.msk $0xffff, v7  }
0x2fa: {  	[tilespmem:s18+$0x14200] =	vst.add.f32.msk $0xffff, v8  }
0x2fb: {  	[tilespmem:s18+$0x14210] =	vst.add.f32.msk $0xffff, v9  }
0x2fc: {  	[tilespmem:s18+$0x14220] =	vst.add.f32.msk $0xffff, v10  }
0x2fd: {  	[tilespmem:s18+$0x14230] =	vst.add.f32.msk $0xffff, v11  }
0x2fe: {  	s23 =	sshll.u32 s29, $0x5;
	[tilespmem:s18+$0x14240] =	vst.add.f32.msk $0xffff, v12  }
0x2ff: {  	s14 =	sshll.u32 s14, $0x11;
	s23 =	sadd.s32 s1, s23;
	[tilespmem:s18+$0x14250] =	vst.add.f32.msk $0xffff, v13  }
0x300: {  	s14 =	sadd.s32 s14, s23;
	[tilespmem:s18+$0x14260] =	vst.add.f32.msk $0xffff, v14;
	s18 =	simm.s32 $0x0  }
0x301: {  	[hbm4b:s14+s18] =	stream.linear.scatter [tilespmem:s22], [sflag:$0x8], $0x2000, $0x38;
	[tilespmem:$0x1E180] =	vst v63  }
0x302: {  	_ =	swait.ge [sflag:s0], $0x4000  }
0x303: {  	[sflag:s0] =	ssyncset.done $0x0  }
0x304: {  	[sflag:s0] =	ssyncadd.s32 $0xFFFFC000  }
0x305: {  	_ =	swait.ge [sflag:s0], $0x2000  }
0x306: {  	[sflag:s0] =	ssyncset.done $0x0  }
0x307: {  	s23 =	sadd.s32 $0x2220, s11;
	[sflag:s0] =	ssyncadd.s32 $0xFFFFE000  }
0x308: {  	[tilespmem:s16], [sflag:$0x1] =	stream.indirect.gather [hbm4b:s5+s19], $0x200, s23, s19, $0xb8;
	[tilespmem:$0x1E180] =	vst v63  }
0x309: {  	s29 =	sadd.s32 $0x220, s11  }
0x30a: {  	[tilespmem:s17], [sflag:$0x4] =	stream.indirect.gather [hbm4b:s6+s19], $0x100, s29, s19, $0xb8;
	[tilespmem:$0x1E180] =	vst v63  }
0x30b: {  	s23 =	sadd.s32 $0x4220, s11;
	s29 =	simm.s32 $0x18180  }
0x30c: {  	[tilespmem:s29], [sflag:$0x4] =	stream.indirect.gather [hbm4b:s7+s19], $0x100, s23, s19, $0xb8;
	[tilespmem:$0x1E180] =	vst v63  }
0x30d: {  	s29 =	sshrl.u32 s21, $0xC;
	s21 =	sand.u32 $0xFE0, s21  }
0x30e: {  	s14 =	sadd.s32 s8, s29;
	_ =	swait.ge [sflag:s4], $0x4000;
	s23 =	sshll.u32 s21, $0x6  }
0x30f: {  	[sflag:s4] =	ssyncset.done $0x0;
	s29 =	sshll.u32 s14, $0x12;
	s23 =	sadd.s32 s2, s23  }
0x310: {  	[sflag:s4] =	ssyncadd.s32 $0xFFFFC000;
	s23 =	sadd.s32 s29, s23  }
0x311: {  	[hbm4b:s23+s18] =	stream.linear.scatter [tilespmem:s26], [sflag:$0x9], $0x4000, $0x38;
	[tilespmem:$0x1E180] =	vst v63  }
0x312: {  	_ =	swait.ge [sflag:s12], $0x2000  }
0x313: {  	[sflag:s12] =	ssyncset.done $0x0  }
0x314: {  	[sflag:s12] =	ssyncadd.s32 $0xFFFFE000  }
0x315: {  	_ =	swait.ge [sflag:s12], $0x2000  }
0x316: {  	[sflag:s12] =	ssyncset.done $0x0  }
0x317: {  	s18 =	simm.s32 $0x0;
	s23 =	simm.s32 $0x400;
	[sflag:s12] =	ssyncadd.s32 $0xFFFFE000  }
.LBB2_19:
0x318: {  	p0 =	sne.s32 s23, $0x7C00;
	v0 =	vld [tilespmem:s18+$0x1C270]  }
0x319: {  	v1 =	vld [tilespmem:s18+$0x1C180]  }
0x31a: {  	v2 =	vld [tilespmem:s18+$0x1C190]  }
0x31b: {  	v3 =	vld [tilespmem:s18+$0x1C1A0]  }
0x31c: {  	v4 =	vld [tilespmem:s18+$0x1C1B0]  }
0x31d: {  	[tilespmem:s18+$0x16270] =	vst.add.f32.msk $0xffff, v0  }
0x31e: {  	v0 =	vld [tilespmem:s18+$0x1C1C0]  }
0x31f: {  	v5 =	vld [tilespmem:s18+$0x1C1D0]  }
0x320: {  	v6 =	vld [tilespmem:s18+$0x1C1E0]  }
0x321: {  	v7 =	vld [tilespmem:s18+$0x1C1F0]  }
0x322: {  	v8 =	vld [tilespmem:s18+$0x1C200]  }
0x323: {  	v9 =	vld [tilespmem:s18+$0x1C210]  }
0x324: {  	v10 =	vld [tilespmem:s18+$0x1C220]  }
0x325: {  	v11 =	vld [tilespmem:s18+$0x1C230]  }
0x326: {  	v12 =	vld [tilespmem:s18+$0x1C240]  }
0x327: {  	v13 =	vld [tilespmem:s18+$0x1C250]  }
0x328: {  	v14 =	vld [tilespmem:s18+$0x1C260]  }
0x329: {  	[tilespmem:s18+$0x16180] =	vst.add.f32.msk $0xffff, v1  }
0x32a: {  	[tilespmem:s18+$0x16190] =	vst.add.f32.msk $0xffff, v2  }
0x32b: {  	[tilespmem:s18+$0x161A0] =	vst.add.f32.msk $0xffff, v3  }
0x32c: {  	[tilespmem:s18+$0x161B0] =	vst.add.f32.msk $0xffff, v4  }
0x32d: {  	[tilespmem:s18+$0x161C0] =	vst.add.f32.msk $0xffff, v0  }
0x32e: {  	[tilespmem:s18+$0x161D0] =	vst.add.f32.msk $0xffff, v5  }
0x32f: {  	[tilespmem:s18+$0x161E0] =	vst.add.f32.msk $0xffff, v6  }
0x330: {  	[tilespmem:s18+$0x161F0] =	vst.add.f32.msk $0xffff, v7  }
0x331: {  	[tilespmem:s18+$0x16200] =	vst.add.f32.msk $0xffff, v8  }
0x332: {  	[tilespmem:s18+$0x16210] =	vst.add.f32.msk $0xffff, v9  }
.Ltmp8:
0x333: {  	[tilespmem:s18+$0x16220] =	vst.add.f32.msk $0xffff, v10;
	(pc) =	sbr.rel @p0 .LBB2_19-.Ltmp8, $4  }
0x334: {  	[tilespmem:s18+$0x16230] =	vst.add.f32.msk $0xffff, v11  }
0x335: {  	[tilespmem:s18+$0x16240] =	vst.add.f32.msk $0xffff, v12  }
0x336: {  	[tilespmem:s18+$0x16250] =	vst.add.f32.msk $0xffff, v13  }
0x337: {  	[tilespmem:s18+$0x16260] =	vst.add.f32.msk $0xffff, v14;
	s18 =	sshra.s32 s23, $0x2;
	s23 =	sadd.s32 $0x400, s23  }
0x338: {  	v0 =	vld [tilespmem:s18+$0x1C270]  }
0x339: {  	v1 =	vld [tilespmem:s18+$0x1C180]  }
0x33a: {  	v2 =	vld [tilespmem:s18+$0x1C190]  }
0x33b: {  	v3 =	vld [tilespmem:s18+$0x1C1A0]  }
0x33c: {  	v4 =	vld [tilespmem:s18+$0x1C1B0]  }
0x33d: {  	v63 =	vld [tilespmem:s18+$0x1C1C0]  }
0x33e: {  	v5 =	vld [tilespmem:s18+$0x1C1D0]  }
0x33f: {  	v6 =	vld [tilespmem:s18+$0x1C1E0]  }
0x340: {  	v7 =	vld [tilespmem:s18+$0x1C1F0]  }
0x341: {  	v8 =	vld [tilespmem:s18+$0x1C200]  }
0x342: {  	v9 =	vld [tilespmem:s18+$0x1C210]  }
0x343: {  	v10 =	vld [tilespmem:s18+$0x1C220]  }
0x344: {  	v11 =	vld [tilespmem:s18+$0x1C230]  }
0x345: {  	v12 =	vld [tilespmem:s18+$0x1C240]  }
0x346: {  	v13 =	vld [tilespmem:s18+$0x1C250]  }
0x347: {  	v14 =	vld [tilespmem:s18+$0x1C260]  }
0x348: {  	[tilespmem:s18+$0x16270] =	vst.add.f32.msk $0xffff, v0  }
0x349: {  	[tilespmem:s18+$0x16180] =	vst.add.f32.msk $0xffff, v1  }
0x34a: {  	[tilespmem:s18+$0x16190] =	vst.add.f32.msk $0xffff, v2  }
0x34b: {  	[tilespmem:s18+$0x161A0] =	vst.add.f32.msk $0xffff, v3  }
0x34c: {  	[tilespmem:s18+$0x161B0] =	vst.add.f32.msk $0xffff, v4  }
0x34d: {  	[tilespmem:s18+$0x161C0] =	vst.add.f32.msk $0xffff, v63  }
0x34e: {  	[tilespmem:s18+$0x161D0] =	vst.add.f32.msk $0xffff, v5  }
0x34f: {  	[tilespmem:s18+$0x161E0] =	vst.add.f32.msk $0xffff, v6  }
0x350: {  	[tilespmem:s18+$0x161F0] =	vst.add.f32.msk $0xffff, v7  }
0x351: {  	[tilespmem:s18+$0x16200] =	vst.add.f32.msk $0xffff, v8  }
0x352: {  	[tilespmem:s18+$0x16210] =	vst.add.f32.msk $0xffff, v9  }
0x353: {  	[tilespmem:s18+$0x16220] =	vst.add.f32.msk $0xffff, v10  }
0x354: {  	[tilespmem:s18+$0x16230] =	vst.add.f32.msk $0xffff, v11  }
0x355: {  	s21 =	sshll.u32 s21, $0x5;
	[tilespmem:s18+$0x16240] =	vst.add.f32.msk $0xffff, v12  }
0x356: {  	s14 =	sshll.u32 s14, $0x11;
	s21 =	sadd.s32 s1, s21;
	[tilespmem:s18+$0x16250] =	vst.add.f32.msk $0xffff, v13  }
0x357: {  	s14 =	sadd.s32 s14, s21;
	[tilespmem:s18+$0x16260] =	vst.add.f32.msk $0xffff, v14  }
0x358: {  	[hbm4b:s14+s3] =	stream.linear.scatter [tilespmem:s28], [sflag:$0x9], $0x2000, $0x38;
	[tilespmem:$0x1E180] =	vst v63  }
0x359: {  	_ =	swait.ge [sflag:s13], $0x4000  }
0x35a: {  	[sflag:s13] =	ssyncset.done $0x0  }
0x35b: {  	[sflag:s13] =	ssyncadd.s32 $0xFFFFC000  }
0x35c: {  	_ =	swait.ge [sflag:s13], $0x2000  }
0x35d: {  	s10 =	sadd.s32 $0x1, s10;
	[sflag:s13] =	ssyncset.done $0x0  }
0x35e: {  	p0 =	sne.s32 s10, $0x54;
	s18 =	sadd.s32 $0x2240, s11;
	[sflag:s13] =	ssyncadd.s32 $0xFFFFE000  }
0x35f: {  	[tilespmem:s15], [sflag:$0x2] =	stream.indirect.gather [hbm4b:s5+s19], $0x200, s18, s19, $0xb8;
	[tilespmem:$0x1E180] =	vst v63  }
.Ltmp9:
0x360: {  	_ = 	snop;
	(pc) =	sbr.rel @p0 .LBB2_14-.Ltmp9, $4  }
0x361: {  	s21 =	sadd.s32 $0x240, s11  }
0x362: {  	[tilespmem:s22], [sflag:$0x5] =	stream.indirect.gather [hbm4b:s6+s19], $0x100, s21, s19, $0xb8;
	[tilespmem:$0x1E180] =	vst v63  }
0x363: {  	s23 =	sadd.s32 $0x4240, s11;
	s29 =	simm.s32 $0x1A180  }
0x364: {  	[tilespmem:s29], [sflag:$0x5] =	stream.indirect.gather [hbm4b:s7+s19], $0x100, s23, s19, $0xb8;
	[tilespmem:$0x1E180] =	vst v63  }
0x365: {  	_ =	swait.ge [sflag:s24], $0x4000  }
0x366: {  	[sflag:s24] =	ssyncset.done $0x0  }
0x367: {  	s9 =	simm.s32 $0x0;
	s10 =	rddreg [dreg:$0x14];
	[sflag:s24] =	ssyncadd.s32 $0xFFFFC000  }
0x368: {  	[hbm4b:s10+s9] =	stream.linear.scatter [tilespmem:s16], [sflag:$0x7], $0x4000, $0x38;
	[tilespmem:$0x1E180] =	vst v63  }
0x369: {  	_ =	swait.ge [sflag:s25], $0x2000  }
0x36a: {  	[sflag:s25] =	ssyncset.done $0x0  }
0x36b: {  	[sflag:s25] =	ssyncadd.s32 $0xFFFFE000  }
0x36c: {  	_ =	swait.ge [sflag:s25], $0x2000  }
0x36d: {  	[sflag:s25] =	ssyncset.done $0x0  }
0x36e: {  	s9 =	simm.s32 $0x0;
	s10 =	simm.s32 $0x400;
	[sflag:s25] =	ssyncadd.s32 $0xFFFFE000  }
.LBB2_22:
0x36f: {  	p0 =	sne.s32 s10, $0x7C00;
	v0 =	vld [tilespmem:s9+$0x18270]  }
0x370: {  	v1 =	vld [tilespmem:s9+$0x18180]  }
0x371: {  	v2 =	vld [tilespmem:s9+$0x18190]  }
0x372: {  	v3 =	vld [tilespmem:s9+$0x181A0]  }
0x373: {  	v4 =	vld [tilespmem:s9+$0x181B0]  }
0x374: {  	[tilespmem:s9+$0x12270] =	vst.add.f32.msk $0xffff, v0  }
0x375: {  	v0 =	vld [tilespmem:s9+$0x181C0]  }
0x376: {  	v5 =	vld [tilespmem:s9+$0x181D0]  }
0x377: {  	v6 =	vld [tilespmem:s9+$0x181E0]  }
0x378: {  	v7 =	vld [tilespmem:s9+$0x181F0]  }
0x379: {  	v8 =	vld [tilespmem:s9+$0x18200]  }
0x37a: {  	v9 =	vld [tilespmem:s9+$0x18210]  }
0x37b: {  	v10 =	vld [tilespmem:s9+$0x18220]  }
0x37c: {  	v11 =	vld [tilespmem:s9+$0x18230]  }
0x37d: {  	v12 =	vld [tilespmem:s9+$0x18240]  }
0x37e: {  	v13 =	vld [tilespmem:s9+$0x18250]  }
0x37f: {  	v14 =	vld [tilespmem:s9+$0x18260]  }
0x380: {  	[tilespmem:s9+$0x12180] =	vst.add.f32.msk $0xffff, v1  }
0x381: {  	[tilespmem:s9+$0x12190] =	vst.add.f32.msk $0xffff, v2  }
0x382: {  	[tilespmem:s9+$0x121A0] =	vst.add.f32.msk $0xffff, v3  }
0x383: {  	[tilespmem:s9+$0x121B0] =	vst.add.f32.msk $0xffff, v4  }
0x384: {  	[tilespmem:s9+$0x121C0] =	vst.add.f32.msk $0xffff, v0  }
0x385: {  	[tilespmem:s9+$0x121D0] =	vst.add.f32.msk $0xffff, v5  }
0x386: {  	[tilespmem:s9+$0x121E0] =	vst.add.f32.msk $0xffff, v6  }
0x387: {  	[tilespmem:s9+$0x121F0] =	vst.add.f32.msk $0xffff, v7  }
0x388: {  	[tilespmem:s9+$0x12200] =	vst.add.f32.msk $0xffff, v8  }
0x389: {  	[tilespmem:s9+$0x12210] =	vst.add.f32.msk $0xffff, v9  }
.Ltmp10:
0x38a: {  	[tilespmem:s9+$0x12220] =	vst.add.f32.msk $0xffff, v10;
	(pc) =	sbr.rel @p0 .LBB2_22-.Ltmp10, $4  }
0x38b: {  	[tilespmem:s9+$0x12230] =	vst.add.f32.msk $0xffff, v11  }
0x38c: {  	[tilespmem:s9+$0x12240] =	vst.add.f32.msk $0xffff, v12  }
0x38d: {  	[tilespmem:s9+$0x12250] =	vst.add.f32.msk $0xffff, v13  }
0x38e: {  	[tilespmem:s9+$0x12260] =	vst.add.f32.msk $0xffff, v14;
	s9 =	sshra.s32 s10, $0x2;
	s10 =	sadd.s32 $0x400, s10  }
0x38f: {  	v0 =	vld [tilespmem:s9+$0x18270]  }
0x390: {  	v1 =	vld [tilespmem:s9+$0x18180]  }
0x391: {  	v2 =	vld [tilespmem:s9+$0x18190]  }
0x392: {  	v3 =	vld [tilespmem:s9+$0x181A0]  }
0x393: {  	v4 =	vld [tilespmem:s9+$0x181B0]  }
0x394: {  	v63 =	vld [tilespmem:s9+$0x181C0]  }
0x395: {  	v5 =	vld [tilespmem:s9+$0x181D0]  }
0x396: {  	v6 =	vld [tilespmem:s9+$0x181E0]  }
0x397: {  	v7 =	vld [tilespmem:s9+$0x181F0]  }
0x398: {  	v8 =	vld [tilespmem:s9+$0x18200]  }
0x399: {  	v9 =	vld [tilespmem:s9+$0x18210]  }
0x39a: {  	v10 =	vld [tilespmem:s9+$0x18220]  }
0x39b: {  	v11 =	vld [tilespmem:s9+$0x18230]  }
0x39c: {  	v12 =	vld [tilespmem:s9+$0x18240]  }
0x39d: {  	v13 =	vld [tilespmem:s9+$0x18250]  }
0x39e: {  	v14 =	vld [tilespmem:s9+$0x18260]  }
0x39f: {  	[tilespmem:s9+$0x12270] =	vst.add.f32.msk $0xffff, v0  }
0x3a0: {  	[tilespmem:s9+$0x12180] =	vst.add.f32.msk $0xffff, v1  }
0x3a1: {  	[tilespmem:s9+$0x12190] =	vst.add.f32.msk $0xffff, v2  }
0x3a2: {  	[tilespmem:s9+$0x121A0] =	vst.add.f32.msk $0xffff, v3  }
0x3a3: {  	[tilespmem:s9+$0x121B0] =	vst.add.f32.msk $0xffff, v4  }
0x3a4: {  	[tilespmem:s9+$0x121C0] =	vst.add.f32.msk $0xffff, v63  }
0x3a5: {  	[tilespmem:s9+$0x121D0] =	vst.add.f32.msk $0xffff, v5  }
0x3a6: {  	[tilespmem:s9+$0x121E0] =	vst.add.f32.msk $0xffff, v6  }
0x3a7: {  	[tilespmem:s9+$0x121F0] =	vst.add.f32.msk $0xffff, v7  }
0x3a8: {  	[tilespmem:s9+$0x12200] =	vst.add.f32.msk $0xffff, v8  }
0x3a9: {  	[tilespmem:s9+$0x12210] =	vst.add.f32.msk $0xffff, v9  }
0x3aa: {  	[tilespmem:s9+$0x12220] =	vst.add.f32.msk $0xffff, v10  }
0x3ab: {  	[tilespmem:s9+$0x12230] =	vst.add.f32.msk $0xffff, v11  }
0x3ac: {  	[tilespmem:s9+$0x12240] =	vst.add.f32.msk $0xffff, v12  }
0x3ad: {  	[tilespmem:s9+$0x12250] =	vst.add.f32.msk $0xffff, v13  }
0x3ae: {  	s23 =	simm.s32 $0x0;
	s10 =	rddreg [dreg:$0x16];
	[tilespmem:s9+$0x12260] =	vst.add.f32.msk $0xffff, v14  }
0x3af: {  	[hbm4b:s10+s23] =	stream.linear.scatter [tilespmem:s17], [sflag:$0x7], $0x2000, $0x38;
	[tilespmem:$0x1E180] =	vst v63  }
0x3b0: {  	_ =	swait.ge [sflag:s30], $0x4000  }
0x3b1: {  	[sflag:s30] =	ssyncset.done $0x0  }
0x3b2: {  	s29 =	rddreg [dreg:$0x15];
	[sflag:s30] =	ssyncadd.s32 $0xFFFFC000  }
0x3b3: {  	[hbm4b:s29+s23] =	stream.linear.scatter [tilespmem:s15], [sflag:$0x8], $0x4000, $0x38;
	[tilespmem:$0x1E180] =	vst v63  }
0x3b4: {  	_ =	swait.ge [sflag:s31], $0x2000  }
0x3b5: {  	[sflag:s31] =	ssyncset.done $0x0  }
0x3b6: {  	[sflag:s31] =	ssyncadd.s32 $0xFFFFE000  }
0x3b7: {  	s18 =	simm.s32 $0x180;
	_ =	swait.ge [sflag:s31], $0x2000  }
0x3b8: {  	s21 =	simm.s32 $0x2180;
	s9 =	simm.s32 $0x0;
	[sflag:s31] =	ssyncset.done $0x0  }
0x3b9: {  	s10 =	simm.s32 $0x400;
	s23 =	simm.s32 $0x4180;
	[sflag:s31] =	ssyncadd.s32 $0xFFFFE000  }
.LBB2_24:
0x3ba: {  	p0 =	sne.s32 s10, $0x7C00;
	v0 =	vld [tilespmem:s9+$0x1A270]  }
0x3bb: {  	v1 =	vld [tilespmem:s9+$0x1A180]  }
0x3bc: {  	v2 =	vld [tilespmem:s9+$0x1A190]  }
0x3bd: {  	v3 =	vld [tilespmem:s9+$0x1A1A0]  }
0x3be: {  	v4 =	vld [tilespmem:s9+$0x1A1B0]  }
0x3bf: {  	[tilespmem:s9+$0x14270] =	vst.add.f32.msk $0xffff, v0  }
0x3c0: {  	v0 =	vld [tilespmem:s9+$0x1A1C0]  }
0x3c1: {  	v5 =	vld [tilespmem:s9+$0x1A1D0]  }
0x3c2: {  	v6 =	vld [tilespmem:s9+$0x1A1E0]  }
0x3c3: {  	v7 =	vld [tilespmem:s9+$0x1A1F0]  }
0x3c4: {  	v8 =	vld [tilespmem:s9+$0x1A200]  }
0x3c5: {  	v9 =	vld [tilespmem:s9+$0x1A210]  }
0x3c6: {  	v10 =	vld [tilespmem:s9+$0x1A220]  }
0x3c7: {  	v11 =	vld [tilespmem:s9+$0x1A230]  }
0x3c8: {  	v12 =	vld [tilespmem:s9+$0x1A240]  }
0x3c9: {  	v13 =	vld [tilespmem:s9+$0x1A250]  }
0x3ca: {  	v14 =	vld [tilespmem:s9+$0x1A260]  }
0x3cb: {  	[tilespmem:s9+$0x14180] =	vst.add.f32.msk $0xffff, v1  }
0x3cc: {  	[tilespmem:s9+$0x14190] =	vst.add.f32.msk $0xffff, v2  }
0x3cd: {  	[tilespmem:s9+$0x141A0] =	vst.add.f32.msk $0xffff, v3  }
0x3ce: {  	[tilespmem:s9+$0x141B0] =	vst.add.f32.msk $0xffff, v4  }
0x3cf: {  	[tilespmem:s9+$0x141C0] =	vst.add.f32.msk $0xffff, v0  }
0x3d0: {  	[tilespmem:s9+$0x141D0] =	vst.add.f32.msk $0xffff, v5  }
0x3d1: {  	[tilespmem:s9+$0x141E0] =	vst.add.f32.msk $0xffff, v6  }
0x3d2: {  	[tilespmem:s9+$0x141F0] =	vst.add.f32.msk $0xffff, v7  }
0x3d3: {  	[tilespmem:s9+$0x14200] =	vst.add.f32.msk $0xffff, v8  }
0x3d4: {  	[tilespmem:s9+$0x14210] =	vst.add.f32.msk $0xffff, v9  }
.Ltmp11:
0x3d5: {  	[tilespmem:s9+$0x14220] =	vst.add.f32.msk $0xffff, v10;
	(pc) =	sbr.rel @p0 .LBB2_24-.Ltmp11, $4  }
0x3d6: {  	[tilespmem:s9+$0x14230] =	vst.add.f32.msk $0xffff, v11  }
0x3d7: {  	[tilespmem:s9+$0x14240] =	vst.add.f32.msk $0xffff, v12  }
0x3d8: {  	[tilespmem:s9+$0x14250] =	vst.add.f32.msk $0xffff, v13  }
0x3d9: {  	[tilespmem:s9+$0x14260] =	vst.add.f32.msk $0xffff, v14;
	s9 =	sshra.s32 s10, $0x2;
	s10 =	sadd.s32 $0x400, s10  }
0x3da: {  	v0 =	vld [tilespmem:s9+$0x1A270]  }
0x3db: {  	v1 =	vld [tilespmem:s9+$0x1A180]  }
0x3dc: {  	v2 =	vld [tilespmem:s9+$0x1A190]  }
0x3dd: {  	v3 =	vld [tilespmem:s9+$0x1A1A0]  }
0x3de: {  	v4 =	vld [tilespmem:s9+$0x1A1B0]  }
0x3df: {  	v63 =	vld [tilespmem:s9+$0x1A1C0]  }
0x3e0: {  	v5 =	vld [tilespmem:s9+$0x1A1D0]  }
0x3e1: {  	v6 =	vld [tilespmem:s9+$0x1A1E0]  }
0x3e2: {  	v7 =	vld [tilespmem:s9+$0x1A1F0]  }
0x3e3: {  	v8 =	vld [tilespmem:s9+$0x1A200]  }
0x3e4: {  	v9 =	vld [tilespmem:s9+$0x1A210]  }
0x3e5: {  	v10 =	vld [tilespmem:s9+$0x1A220]  }
0x3e6: {  	v11 =	vld [tilespmem:s9+$0x1A230]  }
0x3e7: {  	v12 =	vld [tilespmem:s9+$0x1A240]  }
0x3e8: {  	v13 =	vld [tilespmem:s9+$0x1A250]  }
0x3e9: {  	v14 =	vld [tilespmem:s9+$0x1A260]  }
0x3ea: {  	[tilespmem:s9+$0x14270] =	vst.add.f32.msk $0xffff, v0  }
0x3eb: {  	[tilespmem:s9+$0x14180] =	vst.add.f32.msk $0xffff, v1  }
0x3ec: {  	[tilespmem:s9+$0x14190] =	vst.add.f32.msk $0xffff, v2  }
0x3ed: {  	[tilespmem:s9+$0x141A0] =	vst.add.f32.msk $0xffff, v3  }
0x3ee: {  	[tilespmem:s9+$0x141B0] =	vst.add.f32.msk $0xffff, v4  }
0x3ef: {  	[tilespmem:s9+$0x141C0] =	vst.add.f32.msk $0xffff, v63  }
0x3f0: {  	[tilespmem:s9+$0x141D0] =	vst.add.f32.msk $0xffff, v5  }
0x3f1: {  	[tilespmem:s9+$0x141E0] =	vst.add.f32.msk $0xffff, v6  }
0x3f2: {  	[tilespmem:s9+$0x141F0] =	vst.add.f32.msk $0xffff, v7  }
0x3f3: {  	[tilespmem:s9+$0x14200] =	vst.add.f32.msk $0xffff, v8  }
0x3f4: {  	[tilespmem:s9+$0x14210] =	vst.add.f32.msk $0xffff, v9  }
0x3f5: {  	[tilespmem:s9+$0x14220] =	vst.add.f32.msk $0xffff, v10  }
0x3f6: {  	[tilespmem:s9+$0x14230] =	vst.add.f32.msk $0xffff, v11  }
0x3f7: {  	[tilespmem:s9+$0x14240] =	vst.add.f32.msk $0xffff, v12  }
0x3f8: {  	[tilespmem:s9+$0x14250] =	vst.add.f32.msk $0xffff, v13  }
0x3f9: {  	s14 =	rddreg [dreg:$0x17];
	[tilespmem:s9+$0x14260] =	vst.add.f32.msk $0xffff, v14  }
0x3fa: {  	[hbm4b:s14+s3] =	stream.linear.scatter [tilespmem:s22], [sflag:$0x8], $0x2000, $0x38;
	[tilespmem:$0x1E180] =	vst v63  }
0x3fb: {  	_ =	swait.ge [sflag:s0], $0x4000  }
0x3fc: {  	[sflag:s0] =	ssyncset.done $0x0  }
0x3fd: {  	[sflag:s0] =	ssyncadd.s32 $0xFFFFC000  }
0x3fe: {  	_ =	swait.ge [sflag:s0], $0x2000  }
0x3ff: {  	[sflag:s0] =	ssyncset.done $0x0  }
0x400: {  	[sflag:s0] =	ssyncadd.s32 $0xFFFFE000  }
0x401: {  	_ =	swait.ge [sflag:s13], $0x4000  }
0x402: {  	[sflag:s13] =	ssyncset.done $0x0  }
0x403: {  	[sflag:s13] =	ssyncadd.s32 $0xFFFFC000  }
0x404: {  	_ =	swait.ge [sflag:s13], $0x2000  }
0x405: {  	[sflag:s13] =	ssyncset.done $0x0  }
0x406: {  	[sflag:s13] =	ssyncadd.s32 $0xFFFFE000  }
0x407: {  	_ =	swait.ge [sflag:s20], $0x4000  }
0x408: {  	[sflag:s20] =	ssyncset.done $0x0  }
0x409: {  	[sflag:s20] =	ssyncadd.s32 $0xFFFFC000  }
0x40a: {  	_ =	swait.ge [sflag:s20], $0x2000  }
0x40b: {  	s10 =	sld [smem:$0x7FC];
	_ =	sdelay $0x2  }
0x40c: {  	s29 =	rddreg [dreg:$0x18];
	s10 =	sadd.s32 $0x1, s10  }
0x40d: {  	p0 =	sne.s32 s10, s29  }
.Ltmp12:
0x40e: {  	_ = 	snop;
	(pc) =	sbr.rel @p0 .LBB2_1-.Ltmp12, $3  }
0x40f: {  	_ =	sdelay $0x1  }
0x410: {  	[sflag:s20] =	ssyncset.done $0x0  }
0x411: {  	[sflag:s20] =	ssyncadd.s32 $0xFFFFE000  }
0x412: {  	_ =	sfence.sel $0x180000  }
0x413: {  	[bflag:$0x0] =	sbarrier.arrive $0xFFFF  }
0x414: {  	_ =	strace $0x90000047  }
0x415: {  	s0 =	stileid.u32;
	[bflag:$0x2] =	sbarrier.arrive $0xFFFF  }
0x416: {  	p0 =	sne.s32 s0, $0x0;
	s0 =	rddreg [dreg:$0x6]  }
0x417: {  	s0 =	sadd.s32 @!p0 $0x100000, s0  }
0x418: {  	[sflag:s0] =	ssyncadd.tile.s32 @!p0 $0x1;
	_ =	shalt  }
.Lfunc_end2:
_tile_overlayer_lowered:
.L_overlay_start_2:
0x419: {  	(tag) =	ssettag $0x2  }
0x41a: {  	s0 =	rddreg [dreg:$0x0];
	s2 =	stileid.u32  }
0x41b: {  	s1 =	rddreg [dreg:$0x1];
	p0 =	sne.s32 s2, $0x0  }
0x41c: {  	s3 =	rddreg [dreg:$0x2];
	[bflag:$0x3] =	sbarrier.arrive $0xFFFF;
	s2 =	simm.s32 @!p0 $0x1C0A  }
0x41d: {  	[timem:s3], [sflag:s2] =	dma.local @!p0 [hbm:s0], s1  }
0x41e: {  	s0 =	simm.s32 @!p0 $0xA  }
0x41f: {  	_ =	swait.ge @!p0 [sflag:s0], s1  }
0x420: {  	s1 =	ssub.s32 @!p0 $0x0, s1;
	[sflag:s0] =	ssyncset.done @!p0 $0x0  }
0x421: {  	[sflag:s0] =	ssyncadd.s32 @!p0 s1  }
0x422: {  	[bflag:$0x3] =	sbarrier.arrive $0xFFFF  }
0x423: {  	_ =	shalt  }

</sc_bundles>
